<compile_context>
chip_gen: v7x
topology: tpu7x:2x2x1
jax: 0.10.2.dev20260603
libtpu: 0.0.44.dev20260713+nightly
codegen_flags: <defaults>
</compile_context>

<pallas_src>
import jax
import jax.numpy as jnp
from jax import lax
from jax.experimental import pallas as pl
from jax.experimental.pallas import tpu as pltpu
from jax.experimental.pallas import tpu_sc as plsc

N_NODES = 10000
D = 128
L = 16
NC, NS = 2, 16
NW = NC * NS
EPT = 10240
E_PAD = NW * EPT
BLK = 128
ROWS_PT = 624
REM_BASE = NS * ROWS_PT
REM = N_NODES - REM_BASE
ZROWS = 16
NBLK = EPT // BLK
SBLK = 16
N_STAGE = NBLK // SBLK


def _sc_body(x_hbm, col_hbm, row_hbm, deg_hbm, out_hbm,
             acc, zbuf, colv, rowv, degv, gbuf0, gbuf1,
             sem_g0, sem_g1, sem_s0, sem_s1):
    cid = lax.axis_index("c")
    sid = lax.axis_index("s")
    wid = cid * NS + sid
    zeros16 = jnp.zeros((L,), jnp.float32)

    def zrow(r, carry):
        for c in range(D // L):
            zbuf[r, pl.ds(c * L, L)] = zeros16
        return carry

    lax.fori_loop(0, ZROWS, zrow, 0)
    base = sid * ROWS_PT
    for k in range(ROWS_PT // ZROWS):
        pltpu.sync_copy(zbuf, acc.at[pl.ds(base + k * ZROWS, ZROWS)])

    @pl.when(sid == 0)
    def _():
        pltpu.sync_copy(zbuf, acc.at[pl.ds(REM_BASE, REM)])

    plsc.subcore_barrier()

    gbufs = (gbuf0, gbuf1)
    gsems = (sem_g0, sem_g1)
    ssems = (sem_s0, sem_s1)

    def gather(b, p):
        pltpu.async_copy(x_hbm.at[colv.at[b]], gbufs[p], gsems[p])

    def wait_gather(p):
        pltpu.make_async_copy(x_hbm.at[colv.at[0]], gbufs[p], gsems[p]).wait()

    def scatter(b, p):
        pltpu.async_copy(gbufs[p], acc.at[rowv.at[b]], ssems[p], add=True)

    def wait_scatter(p):
        pltpu.make_async_copy(gbufs[p], acc.at[rowv.at[0]], ssems[p]).wait()

    def scale(p, b):
        buf = gbufs[p]

        def sgrp(g, c2):
            dv = degv[pl.ds(b * BLK + g * L, L)]
            for k in range(L):
                d = dv.at[jnp.full((L,), k, jnp.int32)].get(
                    mode="promise_in_bounds")
                j = g * L + k
                for c in range(D // L):
                    sl = pl.ds(c * L, L)
                    buf[j, sl] = buf[j, sl] * d
            return c2

        lax.fori_loop(0, BLK // L, sgrp, 0)

    def stage_loop(s, carry):
        blk0 = wid * NBLK + s * SBLK
        pltpu.sync_copy(col_hbm.at[pl.ds(blk0, SBLK)], colv)
        pltpu.sync_copy(row_hbm.at[pl.ds(blk0, SBLK)], rowv)
        pltpu.sync_copy(deg_hbm.at[pl.ds(blk0 * BLK, SBLK * BLK)], degv)
        gather(0, 0)
        gather(1, 1)

        def pipe(i, c2):
            b0 = 2 * i
            b1 = 2 * i + 1
            wait_gather(0)
            scale(0, b0)
            scatter(b0, 0)
            wait_gather(1)
            scale(1, b1)
            scatter(b1, 1)

            @pl.when(i < SBLK // 2 - 1)
            def _():
                wait_scatter(0)
                gather(b0 + 2, 0)
                wait_scatter(1)
                gather(b1 + 2, 1)

            return c2

        lax.fori_loop(0, SBLK // 2, pipe, 0)
        wait_scatter(0)
        wait_scatter(1)
        return carry

    lax.fori_loop(0, N_STAGE, stage_loop, 0)
    plsc.subcore_barrier()

    pltpu.sync_copy(acc.at[pl.ds(base, ROWS_PT)],
                    out_hbm.at[cid, pl.ds(base, ROWS_PT)])

    @pl.when(sid == 0)
    def _():
        pltpu.sync_copy(acc.at[pl.ds(REM_BASE, REM)],
                        out_hbm.at[cid, pl.ds(REM_BASE, REM)])


_sc_agg = pl.kernel(
    _sc_body,
    out_type=jax.ShapeDtypeStruct((NC, N_NODES, D), jnp.float32),
    mesh=plsc.VectorSubcoreMesh(core_axis_name="c", subcore_axis_name="s"),
    scratch_types=[
        pltpu.VMEM_SHARED((N_NODES, D), jnp.float32),
        pltpu.VMEM((ZROWS, D), jnp.float32),
        pltpu.VMEM((SBLK, BLK), jnp.int32),
        pltpu.VMEM((SBLK, BLK), jnp.int32),
        pltpu.VMEM((SBLK * BLK,), jnp.float32),
        pltpu.VMEM((BLK, D), jnp.float32),
        pltpu.VMEM((BLK, D), jnp.float32),
        pltpu.SemaphoreType.DMA,
        pltpu.SemaphoreType.DMA,
        pltpu.SemaphoreType.DMA,
        pltpu.SemaphoreType.DMA,
    ],
)


def _mm_body(p_ref, w_ref, o_ref):
    p = p_ref[0] + p_ref[1]
    o_ref[...] = jnp.dot(p, w_ref[...], preferred_element_type=jnp.float32)


def _matmul(partials, W):
    BM = 2000
    return pl.pallas_call(
        _mm_body,
        grid=(N_NODES // BM,),
        in_specs=[pl.BlockSpec((NC, BM, D), lambda i: (0, i, 0)),
                  pl.BlockSpec((D, D), lambda i: (0, 0))],
        out_specs=pl.BlockSpec((BM, D), lambda i: (i, 0)),
        out_shape=jax.ShapeDtypeStruct((N_NODES, D), jnp.float32),
    )(partials, W)


@jax.jit
def _impl(X, row_index, column_index, degrees, W):
    col = column_index.astype(jnp.int32)
    row = row_index.astype(jnp.int32)
    deg = degrees.astype(jnp.float32)
    pad = E_PAD - col.shape[0]
    spread = jnp.arange(pad, dtype=jnp.int32) % N_NODES
    col = jnp.concatenate([col, spread])
    row = jnp.concatenate([row, spread])
    deg = jnp.concatenate([deg, jnp.zeros((pad,), jnp.float32)])
    col = col.reshape(E_PAD // BLK, BLK)
    row = row.reshape(E_PAD // BLK, BLK)
    partials = _sc_agg(X, col, row, deg)
    return _matmul(partials, W)


def kernel(X, row_index, column_index, degrees, W):
    return _impl(X, row_index, column_index, degrees, W)

# --- scband reference (transcript-rebuilt; emitter-appended) ---
"""Pipeline reference for scband-gcnconv-39041252720968 (READ-ONLY COPY).

The authoritative reference and input builder live on the scoring server;
editing this copy changes nothing except your own understanding.
"""

import jax, jax.numpy as jnp
import numpy as np

N_NODES = 10000
N_EDGES = 320000
D_IN = 128
D_OUT = 128


def setup_inputs(seed: int = 0) -> dict:
    key = jax.random.key(seed)
    k1, k2, k3, k4, k5 = jax.random.split(key, 5)
    X = jax.random.normal(k1, (N_NODES, D_IN), dtype=jnp.float32)
    # CSR-equivalent COO: sorted destination rows (like expanded row_pointers)
    row_index = jnp.sort(jax.random.randint(k2, (N_EDGES,), 0, N_NODES)).astype(jnp.int64)
    column_index = jax.random.randint(k3, (N_EDGES,), 0, N_NODES).astype(jnp.int64)
    # per-edge normalized degree values (as used by FS_SpMM forward_fp16_gnn_acc)
    degrees = jax.random.uniform(k4, (N_EDGES,), dtype=jnp.float32)
    # learned weight, matching GCNConv.reset_parameters uniform(-stdv, stdv)
    stdv = 1.0 / np.sqrt(D_OUT)
    W = jax.random.uniform(k5, (D_IN, D_OUT), dtype=jnp.float32, minval=-stdv, maxval=stdv)
    return {"X": X, "row_index": row_index, "column_index": column_index, "degrees": degrees, "W": W}


def reference(X, row_index, column_index, degrees, W):
    # X_prime = X @ W  (original casts weights/activations to fp16; kept fp32 here for a stable reference)
    X_prime = jnp.dot(X, W)
    # FS_SpMM: out[i] = sum_{e : row[e]==i} degrees[e] * X_prime[col[e]]
    gathered = jnp.take(X_prime, column_index, axis=0) * degrees[:, None]
    out = jax.ops.segment_sum(gathered, row_index, num_segments=N_NODES)
    return out

if __name__ == "__main__":
    import jax
    _d = setup_inputs()
    print(jax.jit(kernel)(*tuple(_d.values())))

</pallas_src>

<mosaic_0001>
#map = affine_map<(d0, d1) -> (0, 0)>
#map1 = affine_map<(d0, d1) -> (0)>
#map2 = affine_map<(d0, d1) -> (0, 0, 0)>
module attributes {stable_mosaic.version = 14 : i64} {
  func.func @_sc_body(%arg0: i32, %arg1: i32, %arg2: memref<10000x128xf32, #tpu.memory_space<hbm>>, %arg3: memref<2560x128xi32, #tpu.memory_space<hbm>>, %arg4: memref<2560x128xi32, #tpu.memory_space<hbm>>, %arg5: memref<327680xf32, #tpu.memory_space<hbm>>, %arg6: memref<2x10000x128xf32, #tpu.memory_space<hbm>>, %arg7: memref<10000x128xf32, #tpu.memory_space<vmem_shared>>, %arg8: memref<16x128xf32, #tpu.memory_space<vmem>>, %arg9: memref<16x128xi32, #tpu.memory_space<vmem>>, %arg10: memref<16x128xi32, #tpu.memory_space<vmem>>, %arg11: memref<2048xf32, #tpu.memory_space<vmem>>, %arg12: memref<128x128xf32, #tpu.memory_space<vmem>>, %arg13: memref<128x128xf32, #tpu.memory_space<vmem>>, %arg14: memref<!tpu.dma_semaphore, #tpu.memory_space<semaphore_mem>>, %arg15: memref<!tpu.dma_semaphore, #tpu.memory_space<semaphore_mem>>, %arg16: memref<!tpu.dma_semaphore, #tpu.memory_space<semaphore_mem>>, %arg17: memref<!tpu.dma_semaphore, #tpu.memory_space<semaphore_mem>>) attributes {dimension_semantics = [#tpu.dimension_semantics<core_parallel>, #tpu.dimension_semantics<subcore_parallel>], iteration_bounds = array<i64: 2, 16>, scalar_prefetch = 0 : i64, scratch_operands = 11 : i64, tpu.core_type = #tpu.core_type<sc_vector_subcore>, window_params = [{transform_indices = #map}, {transform_indices = #map}, {transform_indices = #map}, {transform_indices = #map1}, {transform_indices = #map2}]} {
    %mul3A = arith.constant 16 : i32
    %mul3A_0 = arith.muli %arg0, %mul3A : i32
    %add3A = arith.addi %mul3A_0, %arg1 : i32
    %broadcast_in_dim3A = arith.constant 0.000000e+00 : f32
    %broadcast_in_dim3A_1 = vector.broadcast %broadcast_in_dim3A : f32 to vector<16xf32>
    %scan3A = arith.constant 0 : i32
    %scan3A_2 = arith.constant 0 : i32
    %scan3A_3 = arith.constant 16 : i32
    %scan3A_4 = arith.addi %scan3A_2, %scan3A_3 : i32
    %scan3A_5 = arith.constant 1 : i32
    scf.for %scan3A_101 = %scan3A_2 to %scan3A_4 step %scan3A_5  : i32 {
      %swap3A = arith.index_cast %scan3A_101 : i32 to index
      %swap3A_102 = arith.constant 0 : index
      %swap3A_103 = tpu.vector_load %arg8[%swap3A, %swap3A_102] {strides = array<i32>} : memref<16x128xf32, #tpu.memory_space<vmem>>, vector<1x16xf32>,
      %swap3A_104 = vector.shape_cast %swap3A_103 : vector<1x16xf32> to vector<16xf32>
      %swap3A_105 = vector.shape_cast %broadcast_in_dim3A_1 : vector<16xf32> to vector<1x16xf32>
      tpu.vector_store %arg8[%swap3A, %swap3A_102], %swap3A_105 {strides = array<i32>} : memref<16x128xf32, #tpu.memory_space<vmem>>, vector<1x16xf32>,
      %swap3A_106 = arith.index_cast %scan3A_101 : i32 to index
      %swap3A_107 = arith.constant 16 : index
      %swap3A_108 = tpu.vector_load %arg8[%swap3A_106, %swap3A_107] {strides = array<i32>} : memref<16x128xf32, #tpu.memory_space<vmem>>, vector<1x16xf32>,
      %swap3A_109 = vector.shape_cast %swap3A_108 : vector<1x16xf32> to vector<16xf32>
      %swap3A_110 = vector.shape_cast %broadcast_in_dim3A_1 : vector<16xf32> to vector<1x16xf32>
      tpu.vector_store %arg8[%swap3A_106, %swap3A_107], %swap3A_110 {strides = array<i32>} : memref<16x128xf32, #tpu.memory_space<vmem>>, vector<1x16xf32>,
      %swap3A_111 = arith.index_cast %scan3A_101 : i32 to index
      %swap3A_112 = arith.constant 32 : index
      %swap3A_113 = tpu.vector_load %arg8[%swap3A_111, %swap3A_112] {strides = array<i32>} : memref<16x128xf32, #tpu.memory_space<vmem>>, vector<1x16xf32>,
      %swap3A_114 = vector.shape_cast %swap3A_113 : vector<1x16xf32> to vector<16xf32>
      %swap3A_115 = vector.shape_cast %broadcast_in_dim3A_1 : vector<16xf32> to vector<1x16xf32>
      tpu.vector_store %arg8[%swap3A_111, %swap3A_112], %swap3A_115 {strides = array<i32>} : memref<16x128xf32, #tpu.memory_space<vmem>>, vector<1x16xf32>,
      %swap3A_116 = arith.index_cast %scan3A_101 : i32 to index
      %swap3A_117 = arith.constant 48 : index
      %swap3A_118 = tpu.vector_load %arg8[%swap3A_116, %swap3A_117] {strides = array<i32>} : memref<16x128xf32, #tpu.memory_space<vmem>>, vector<1x16xf32>,
      %swap3A_119 = vector.shape_cast %swap3A_118 : vector<1x16xf32> to vector<16xf32>
      %swap3A_120 = vector.shape_cast %broadcast_in_dim3A_1 : vector<16xf32> to vector<1x16xf32>
      tpu.vector_store %arg8[%swap3A_116, %swap3A_117], %swap3A_120 {strides = array<i32>} : memref<16x128xf32, #tpu.memory_space<vmem>>, vector<1x16xf32>,
      %swap3A_121 = arith.index_cast %scan3A_101 : i32 to index
      %swap3A_122 = arith.constant 64 : index
      %swap3A_123 = tpu.vector_load %arg8[%swap3A_121, %swap3A_122] {strides = array<i32>} : memref<16x128xf32, #tpu.memory_space<vmem>>, vector<1x16xf32>,
      %swap3A_124 = vector.shape_cast %swap3A_123 : vector<1x16xf32> to vector<16xf32>
      %swap3A_125 = vector.shape_cast %broadcast_in_dim3A_1 : vector<16xf32> to vector<1x16xf32>
      tpu.vector_store %arg8[%swap3A_121, %swap3A_122], %swap3A_125 {strides = array<i32>} : memref<16x128xf32, #tpu.memory_space<vmem>>, vector<1x16xf32>,
      %swap3A_126 = arith.index_cast %scan3A_101 : i32 to index
      %swap3A_127 = arith.constant 80 : index
      %swap3A_128 = tpu.vector_load %arg8[%swap3A_126, %swap3A_127] {strides = array<i32>} : memref<16x128xf32, #tpu.memory_space<vmem>>, vector<1x16xf32>,
      %swap3A_129 = vector.shape_cast %swap3A_128 : vector<1x16xf32> to vector<16xf32>
      %swap3A_130 = vector.shape_cast %broadcast_in_dim3A_1 : vector<16xf32> to vector<1x16xf32>
      tpu.vector_store %arg8[%swap3A_126, %swap3A_127], %swap3A_130 {strides = array<i32>} : memref<16x128xf32, #tpu.memory_space<vmem>>, vector<1x16xf32>,
      %swap3A_131 = arith.index_cast %scan3A_101 : i32 to index
      %swap3A_132 = arith.constant 96 : index
      %swap3A_133 = tpu.vector_load %arg8[%swap3A_131, %swap3A_132] {strides = array<i32>} : memref<16x128xf32, #tpu.memory_space<vmem>>, vector<1x16xf32>,
      %swap3A_134 = vector.shape_cast %swap3A_133 : vector<1x16xf32> to vector<16xf32>
      %swap3A_135 = vector.shape_cast %broadcast_in_dim3A_1 : vector<16xf32> to vector<1x16xf32>
      tpu.vector_store %arg8[%swap3A_131, %swap3A_132], %swap3A_135 {strides = array<i32>} : memref<16x128xf32, #tpu.memory_space<vmem>>, vector<1x16xf32>,
      %swap3A_136 = arith.index_cast %scan3A_101 : i32 to index
      %swap3A_137 = arith.constant 112 : index
      %swap3A_138 = tpu.vector_load %arg8[%swap3A_136, %swap3A_137] {strides = array<i32>} : memref<16x128xf32, #tpu.memory_space<vmem>>, vector<1x16xf32>,
      %swap3A_139 = vector.shape_cast %swap3A_138 : vector<1x16xf32> to vector<16xf32>
      %swap3A_140 = vector.shape_cast %broadcast_in_dim3A_1 : vector<16xf32> to vector<1x16xf32>
      tpu.vector_store %arg8[%swap3A_136, %swap3A_137], %swap3A_140 {strides = array<i32>} : memref<16x128xf32, #tpu.memory_space<vmem>>, vector<1x16xf32>,
    }
    %scan3A_6 = arith.constant 16 : i32
    %mul3A_7 = arith.constant 624 : i32
    %mul3A_8 = arith.muli %arg1, %mul3A_7 : i32
    %add3A_9 = arith.constant 0 : i32
    %add3A_10 = arith.addi %mul3A_8, %add3A_9 : i32
    "tpu.region"() ({
      %run_scoped3A = tpu.sem_alloc : memref<!tpu.dma_semaphore, #tpu.memory_space<semaphore_mem>>
      %dma_start3A = arith.constant 0 : i32
      %dma_start3A_101 = tpu.memref_slice %arg7[%add3A_10, %dma_start3A] : memref<10000x128xf32, #tpu.memory_space<vmem_shared>> -> memref<16x128xf32, #tpu.memory_space<vmem_shared>>
      %dma_start3A_102 = arith.constant 0 : i32
      %dma_start3A_103 = tpu.memref_slice %arg7[%add3A_10, %dma_start3A_102] : memref<10000x128xf32, #tpu.memory_space<vmem_shared>> -> memref<16x128xf32, #tpu.memory_space<vmem_shared>>
      tpu.enqueue_dma source(%arg8 : memref<16x128xf32, #tpu.memory_space<vmem>>) target(%dma_start3A_103 : memref<16x128xf32, #tpu.memory_space<vmem_shared>>) target_semaphore(%run_scoped3A : memref<!tpu.dma_semaphore, #tpu.memory_space<semaphore_mem>>)
      %dma_wait3A = arith.constant 0 : i32
      %dma_wait3A_104 = tpu.memref_slice %arg7[%add3A_10, %dma_wait3A] : memref<10000x128xf32, #tpu.memory_space<vmem_shared>> -> memref<16x128xf32, #tpu.memory_space<vmem_shared>>
      %dma_wait3A_105 = arith.constant 0 : i32
      %dma_wait3A_106 = tpu.memref_slice %arg7[%add3A_10, %dma_wait3A_105] : memref<10000x128xf32, #tpu.memory_space<vmem_shared>> -> memref<16x128xf32, #tpu.memory_space<vmem_shared>>
      tpu.wait_dma2 semaphore(%run_scoped3A : memref<!tpu.dma_semaphore, #tpu.memory_space<semaphore_mem>>) src(%arg8 : memref<16x128xf32, #tpu.memory_space<vmem>>) dst(%dma_wait3A_106 : memref<16x128xf32, #tpu.memory_space<vmem_shared>>)
      tpu.yield
    }) : () -> ()
    %add3A_11 = arith.constant 16 : i32
    %add3A_12 = arith.addi %mul3A_8, %add3A_11 : i32
    "tpu.region"() ({
      %run_scoped3A = tpu.sem_alloc : memref<!tpu.dma_semaphore, #tpu.memory_space<semaphore_mem>>
      %dma_start3A = arith.constant 0 : i32
      %dma_start3A_101 = tpu.memref_slice %arg7[%add3A_12, %dma_start3A] : memref<10000x128xf32, #tpu.memory_space<vmem_shared>> -> memref<16x128xf32, #tpu.memory_space<vmem_shared>>
      %dma_start3A_102 = arith.constant 0 : i32
      %dma_start3A_103 = tpu.memref_slice %arg7[%add3A_12, %dma_start3A_102] : memref<10000x128xf32, #tpu.memory_space<vmem_shared>> -> memref<16x128xf32, #tpu.memory_space<vmem_shared>>
      tpu.enqueue_dma source(%arg8 : memref<16x128xf32, #tpu.memory_space<vmem>>) target(%dma_start3A_103 : memref<16x128xf32, #tpu.memory_space<vmem_shared>>) target_semaphore(%run_scoped3A : memref<!tpu.dma_semaphore, #tpu.memory_space<semaphore_mem>>)
      %dma_wait3A = arith.constant 0 : i32
      %dma_wait3A_104 = tpu.memref_slice %arg7[%add3A_12, %dma_wait3A] : memref<10000x128xf32, #tpu.memory_space<vmem_shared>> -> memref<16x128xf32, #tpu.memory_space<vmem_shared>>
      %dma_wait3A_105 = arith.constant 0 : i32
      %dma_wait3A_106 = tpu.memref_slice %arg7[%add3A_12, %dma_wait3A_105] : memref<10000x128xf32, #tpu.memory_space<vmem_shared>> -> memref<16x128xf32, #tpu.memory_space<vmem_shared>>
      tpu.wait_dma2 semaphore(%run_scoped3A : memref<!tpu.dma_semaphore, #tpu.memory_space<semaphore_mem>>) src(%arg8 : memref<16x128xf32, #tpu.memory_space<vmem>>) dst(%dma_wait3A_106 : memref<16x128xf32, #tpu.memory_space<vmem_shared>>)
      tpu.yield
    }) : () -> ()
    %add3A_13 = arith.constant 32 : i32
    %add3A_14 = arith.addi %mul3A_8, %add3A_13 : i32
    "tpu.region"() ({
      %run_scoped3A = tpu.sem_alloc : memref<!tpu.dma_semaphore, #tpu.memory_space<semaphore_mem>>
      %dma_start3A = arith.constant 0 : i32
      %dma_start3A_101 = tpu.memref_slice %arg7[%add3A_14, %dma_start3A] : memref<10000x128xf32, #tpu.memory_space<vmem_shared>> -> memref<16x128xf32, #tpu.memory_space<vmem_shared>>
      %dma_start3A_102 = arith.constant 0 : i32
      %dma_start3A_103 = tpu.memref_slice %arg7[%add3A_14, %dma_start3A_102] : memref<10000x128xf32, #tpu.memory_space<vmem_shared>> -> memref<16x128xf32, #tpu.memory_space<vmem_shared>>
      tpu.enqueue_dma source(%arg8 : memref<16x128xf32, #tpu.memory_space<vmem>>) target(%dma_start3A_103 : memref<16x128xf32, #tpu.memory_space<vmem_shared>>) target_semaphore(%run_scoped3A : memref<!tpu.dma_semaphore, #tpu.memory_space<semaphore_mem>>)
      %dma_wait3A = arith.constant 0 : i32
      %dma_wait3A_104 = tpu.memref_slice %arg7[%add3A_14, %dma_wait3A] : memref<10000x128xf32, #tpu.memory_space<vmem_shared>> -> memref<16x128xf32, #tpu.memory_space<vmem_shared>>
      %dma_wait3A_105 = arith.constant 0 : i32
      %dma_wait3A_106 = tpu.memref_slice %arg7[%add3A_14, %dma_wait3A_105] : memref<10000x128xf32, #tpu.memory_space<vmem_shared>> -> memref<16x128xf32, #tpu.memory_space<vmem_shared>>
      tpu.wait_dma2 semaphore(%run_scoped3A : memref<!tpu.dma_semaphore, #tpu.memory_space<semaphore_mem>>) src(%arg8 : memref<16x128xf32, #tpu.memory_space<vmem>>) dst(%dma_wait3A_106 : memref<16x128xf32, #tpu.memory_space<vmem_shared>>)
      tpu.yield
    }) : () -> ()
    %add3A_15 = arith.constant 48 : i32
    %add3A_16 = arith.addi %mul3A_8, %add3A_15 : i32
    "tpu.region"() ({
      %run_scoped3A = tpu.sem_alloc : memref<!tpu.dma_semaphore, #tpu.memory_space<semaphore_mem>>
      %dma_start3A = arith.constant 0 : i32
      %dma_start3A_101 = tpu.memref_slice %arg7[%add3A_16, %dma_start3A] : memref<10000x128xf32, #tpu.memory_space<vmem_shared>> -> memref<16x128xf32, #tpu.memory_space<vmem_shared>>
      %dma_start3A_102 = arith.constant 0 : i32
      %dma_start3A_103 = tpu.memref_slice %arg7[%add3A_16, %dma_start3A_102] : memref<10000x128xf32, #tpu.memory_space<vmem_shared>> -> memref<16x128xf32, #tpu.memory_space<vmem_shared>>
      tpu.enqueue_dma source(%arg8 : memref<16x128xf32, #tpu.memory_space<vmem>>) target(%dma_start3A_103 : memref<16x128xf32, #tpu.memory_space<vmem_shared>>) target_semaphore(%run_scoped3A : memref<!tpu.dma_semaphore, #tpu.memory_space<semaphore_mem>>)
      %dma_wait3A = arith.constant 0 : i32
      %dma_wait3A_104 = tpu.memref_slice %arg7[%add3A_16, %dma_wait3A] : memref<10000x128xf32, #tpu.memory_space<vmem_shared>> -> memref<16x128xf32, #tpu.memory_space<vmem_shared>>
      %dma_wait3A_105 = arith.constant 0 : i32
      %dma_wait3A_106 = tpu.memref_slice %arg7[%add3A_16, %dma_wait3A_105] : memref<10000x128xf32, #tpu.memory_space<vmem_shared>> -> memref<16x128xf32, #tpu.memory_space<vmem_shared>>
      tpu.wait_dma2 semaphore(%run_scoped3A : memref<!tpu.dma_semaphore, #tpu.memory_space<semaphore_mem>>) src(%arg8 : memref<16x128xf32, #tpu.memory_space<vmem>>) dst(%dma_wait3A_106 : memref<16x128xf32, #tpu.memory_space<vmem_shared>>)
      tpu.yield
    }) : () -> ()
    %add3A_17 = arith.constant 64 : i32
    %add3A_18 = arith.addi %mul3A_8, %add3A_17 : i32
    "tpu.region"() ({
      %run_scoped3A = tpu.sem_alloc : memref<!tpu.dma_semaphore, #tpu.memory_space<semaphore_mem>>
      %dma_start3A = arith.constant 0 : i32
      %dma_start3A_101 = tpu.memref_slice %arg7[%add3A_18, %dma_start3A] : memref<10000x128xf32, #tpu.memory_space<vmem_shared>> -> memref<16x128xf32, #tpu.memory_space<vmem_shared>>
      %dma_start3A_102 = arith.constant 0 : i32
      %dma_start3A_103 = tpu.memref_slice %arg7[%add3A_18, %dma_start3A_102] : memref<10000x128xf32, #tpu.memory_space<vmem_shared>> -> memref<16x128xf32, #tpu.memory_space<vmem_shared>>
      tpu.enqueue_dma source(%arg8 : memref<16x128xf32, #tpu.memory_space<vmem>>) target(%dma_start3A_103 : memref<16x128xf32, #tpu.memory_space<vmem_shared>>) target_semaphore(%run_scoped3A : memref<!tpu.dma_semaphore, #tpu.memory_space<semaphore_mem>>)
      %dma_wait3A = arith.constant 0 : i32
      %dma_wait3A_104 = tpu.memref_slice %arg7[%add3A_18, %dma_wait3A] : memref<10000x128xf32, #tpu.memory_space<vmem_shared>> -> memref<16x128xf32, #tpu.memory_space<vmem_shared>>
      %dma_wait3A_105 = arith.constant 0 : i32
      %dma_wait3A_106 = tpu.memref_slice %arg7[%add3A_18, %dma_wait3A_105] : memref<10000x128xf32, #tpu.memory_space<vmem_shared>> -> memref<16x128xf32, #tpu.memory_space<vmem_shared>>
      tpu.wait_dma2 semaphore(%run_scoped3A : memref<!tpu.dma_semaphore, #tpu.memory_space<semaphore_mem>>) src(%arg8 : memref<16x128xf32, #tpu.memory_space<vmem>>) dst(%dma_wait3A_106 : memref<16x128xf32, #tpu.memory_space<vmem_shared>>)
      tpu.yield
    }) : () -> ()
    %add3A_19 = arith.constant 80 : i32
    %add3A_20 = arith.addi %mul3A_8, %add3A_19 : i32
    "tpu.region"() ({
      %run_scoped3A = tpu.sem_alloc : memref<!tpu.dma_semaphore, #tpu.memory_space<semaphore_mem>>
      %dma_start3A = arith.constant 0 : i32
      %dma_start3A_101 = tpu.memref_slice %arg7[%add3A_20, %dma_start3A] : memref<10000x128xf32, #tpu.memory_space<vmem_shared>> -> memref<16x128xf32, #tpu.memory_space<vmem_shared>>
      %dma_start3A_102 = arith.constant 0 : i32
      %dma_start3A_103 = tpu.memref_slice %arg7[%add3A_20, %dma_start3A_102] : memref<10000x128xf32, #tpu.memory_space<vmem_shared>> -> memref<16x128xf32, #tpu.memory_space<vmem_shared>>
      tpu.enqueue_dma source(%arg8 : memref<16x128xf32, #tpu.memory_space<vmem>>) target(%dma_start3A_103 : memref<16x128xf32, #tpu.memory_space<vmem_shared>>) target_semaphore(%run_scoped3A : memref<!tpu.dma_semaphore, #tpu.memory_space<semaphore_mem>>)
      %dma_wait3A = arith.constant 0 : i32
      %dma_wait3A_104 = tpu.memref_slice %arg7[%add3A_20, %dma_wait3A] : memref<10000x128xf32, #tpu.memory_space<vmem_shared>> -> memref<16x128xf32, #tpu.memory_space<vmem_shared>>
      %dma_wait3A_105 = arith.constant 0 : i32
      %dma_wait3A_106 = tpu.memref_slice %arg7[%add3A_20, %dma_wait3A_105] : memref<10000x128xf32, #tpu.memory_space<vmem_shared>> -> memref<16x128xf32, #tpu.memory_space<vmem_shared>>
      tpu.wait_dma2 semaphore(%run_scoped3A : memref<!tpu.dma_semaphore, #tpu.memory_space<semaphore_mem>>) src(%arg8 : memref<16x128xf32, #tpu.memory_space<vmem>>) dst(%dma_wait3A_106 : memref<16x128xf32, #tpu.memory_space<vmem_shared>>)
      tpu.yield
    }) : () -> ()
    %add3A_21 = arith.constant 96 : i32
    %add3A_22 = arith.addi %mul3A_8, %add3A_21 : i32
    "tpu.region"() ({
      %run_scoped3A = tpu.sem_alloc : memref<!tpu.dma_semaphore, #tpu.memory_space<semaphore_mem>>
      %dma_start3A = arith.constant 0 : i32
      %dma_start3A_101 = tpu.memref_slice %arg7[%add3A_22, %dma_start3A] : memref<10000x128xf32, #tpu.memory_space<vmem_shared>> -> memref<16x128xf32, #tpu.memory_space<vmem_shared>>
      %dma_start3A_102 = arith.constant 0 : i32
      %dma_start3A_103 = tpu.memref_slice %arg7[%add3A_22, %dma_start3A_102] : memref<10000x128xf32, #tpu.memory_space<vmem_shared>> -> memref<16x128xf32, #tpu.memory_space<vmem_shared>>
      tpu.enqueue_dma source(%arg8 : memref<16x128xf32, #tpu.memory_space<vmem>>) target(%dma_start3A_103 : memref<16x128xf32, #tpu.memory_space<vmem_shared>>) target_semaphore(%run_scoped3A : memref<!tpu.dma_semaphore, #tpu.memory_space<semaphore_mem>>)
      %dma_wait3A = arith.constant 0 : i32
      %dma_wait3A_104 = tpu.memref_slice %arg7[%add3A_22, %dma_wait3A] : memref<10000x128xf32, #tpu.memory_space<vmem_shared>> -> memref<16x128xf32, #tpu.memory_space<vmem_shared>>
      %dma_wait3A_105 = arith.constant 0 : i32
      %dma_wait3A_106 = tpu.memref_slice %arg7[%add3A_22, %dma_wait3A_105] : memref<10000x128xf32, #tpu.memory_space<vmem_shared>> -> memref<16x128xf32, #tpu.memory_space<vmem_shared>>
      tpu.wait_dma2 semaphore(%run_scoped3A : memref<!tpu.dma_semaphore, #tpu.memory_space<semaphore_mem>>) src(%arg8 : memref<16x128xf32, #tpu.memory_space<vmem>>) dst(%dma_wait3A_106 : memref<16x128xf32, #tpu.memory_space<vmem_shared>>)
      tpu.yield
    }) : () -> ()
    %add3A_23 = arith.constant 112 : i32
    %add3A_24 = arith.addi %mul3A_8, %add3A_23 : i32
    "tpu.region"() ({
      %run_scoped3A = tpu.sem_alloc : memref<!tpu.dma_semaphore, #tpu.memory_space<semaphore_mem>>
      %dma_start3A = arith.constant 0 : i32
      %dma_start3A_101 = tpu.memref_slice %arg7[%add3A_24, %dma_start3A] : memref<10000x128xf32, #tpu.memory_space<vmem_shared>> -> memref<16x128xf32, #tpu.memory_space<vmem_shared>>
      %dma_start3A_102 = arith.constant 0 : i32
      %dma_start3A_103 = tpu.memref_slice %arg7[%add3A_24, %dma_start3A_102] : memref<10000x128xf32, #tpu.memory_space<vmem_shared>> -> memref<16x128xf32, #tpu.memory_space<vmem_shared>>
      tpu.enqueue_dma source(%arg8 : memref<16x128xf32, #tpu.memory_space<vmem>>) target(%dma_start3A_103 : memref<16x128xf32, #tpu.memory_space<vmem_shared>>) target_semaphore(%run_scoped3A : memref<!tpu.dma_semaphore, #tpu.memory_space<semaphore_mem>>)
      %dma_wait3A = arith.constant 0 : i32
      %dma_wait3A_104 = tpu.memref_slice %arg7[%add3A_24, %dma_wait3A] : memref<10000x128xf32, #tpu.memory_space<vmem_shared>> -> memref<16x128xf32, #tpu.memory_space<vmem_shared>>
      %dma_wait3A_105 = arith.constant 0 : i32
      %dma_wait3A_106 = tpu.memref_slice %arg7[%add3A_24, %dma_wait3A_105] : memref<10000x128xf32, #tpu.memory_space<vmem_shared>> -> memref<16x128xf32, #tpu.memory_space<vmem_shared>>
      tpu.wait_dma2 semaphore(%run_scoped3A : memref<!tpu.dma_semaphore, #tpu.memory_space<semaphore_mem>>) src(%arg8 : memref<16x128xf32, #tpu.memory_space<vmem>>) dst(%dma_wait3A_106 : memref<16x128xf32, #tpu.memory_space<vmem_shared>>)
      tpu.yield
    }) : () -> ()
    %add3A_25 = arith.constant 128 : i32
    %add3A_26 = arith.addi %mul3A_8, %add3A_25 : i32
    "tpu.region"() ({
      %run_scoped3A = tpu.sem_alloc : memref<!tpu.dma_semaphore, #tpu.memory_space<semaphore_mem>>
      %dma_start3A = arith.constant 0 : i32
      %dma_start3A_101 = tpu.memref_slice %arg7[%add3A_26, %dma_start3A] : memref<10000x128xf32, #tpu.memory_space<vmem_shared>> -> memref<16x128xf32, #tpu.memory_space<vmem_shared>>
      %dma_start3A_102 = arith.constant 0 : i32
      %dma_start3A_103 = tpu.memref_slice %arg7[%add3A_26, %dma_start3A_102] : memref<10000x128xf32, #tpu.memory_space<vmem_shared>> -> memref<16x128xf32, #tpu.memory_space<vmem_shared>>
      tpu.enqueue_dma source(%arg8 : memref<16x128xf32, #tpu.memory_space<vmem>>) target(%dma_start3A_103 : memref<16x128xf32, #tpu.memory_space<vmem_shared>>) target_semaphore(%run_scoped3A : memref<!tpu.dma_semaphore, #tpu.memory_space<semaphore_mem>>)
      %dma_wait3A = arith.constant 0 : i32
      %dma_wait3A_104 = tpu.memref_slice %arg7[%add3A_26, %dma_wait3A] : memref<10000x128xf32, #tpu.memory_space<vmem_shared>> -> memref<16x128xf32, #tpu.memory_space<vmem_shared>>
      %dma_wait3A_105 = arith.constant 0 : i32
      %dma_wait3A_106 = tpu.memref_slice %arg7[%add3A_26, %dma_wait3A_105] : memref<10000x128xf32, #tpu.memory_space<vmem_shared>> -> memref<16x128xf32, #tpu.memory_space<vmem_shared>>
      tpu.wait_dma2 semaphore(%run_scoped3A : memref<!tpu.dma_semaphore, #tpu.memory_space<semaphore_mem>>) src(%arg8 : memref<16x128xf32, #tpu.memory_space<vmem>>) dst(%dma_wait3A_106 : memref<16x128xf32, #tpu.memory_space<vmem_shared>>)
      tpu.yield
    }) : () -> ()
    %add3A_27 = arith.constant 144 : i32
    %add3A_28 = arith.addi %mul3A_8, %add3A_27 : i32
    "tpu.region"() ({
      %run_scoped3A = tpu.sem_alloc : memref<!tpu.dma_semaphore, #tpu.memory_space<semaphore_mem>>
      %dma_start3A = arith.constant 0 : i32
      %dma_start3A_101 = tpu.memref_slice %arg7[%add3A_28, %dma_start3A] : memref<10000x128xf32, #tpu.memory_space<vmem_shared>> -> memref<16x128xf32, #tpu.memory_space<vmem_shared>>
      %dma_start3A_102 = arith.constant 0 : i32
      %dma_start3A_103 = tpu.memref_slice %arg7[%add3A_28, %dma_start3A_102] : memref<10000x128xf32, #tpu.memory_space<vmem_shared>> -> memref<16x128xf32, #tpu.memory_space<vmem_shared>>
      tpu.enqueue_dma source(%arg8 : memref<16x128xf32, #tpu.memory_space<vmem>>) target(%dma_start3A_103 : memref<16x128xf32, #tpu.memory_space<vmem_shared>>) target_semaphore(%run_scoped3A : memref<!tpu.dma_semaphore, #tpu.memory_space<semaphore_mem>>)
      %dma_wait3A = arith.constant 0 : i32
      %dma_wait3A_104 = tpu.memref_slice %arg7[%add3A_28, %dma_wait3A] : memref<10000x128xf32, #tpu.memory_space<vmem_shared>> -> memref<16x128xf32, #tpu.memory_space<vmem_shared>>
      %dma_wait3A_105 = arith.constant 0 : i32
      %dma_wait3A_106 = tpu.memref_slice %arg7[%add3A_28, %dma_wait3A_105] : memref<10000x128xf32, #tpu.memory_space<vmem_shared>> -> memref<16x128xf32, #tpu.memory_space<vmem_shared>>
      tpu.wait_dma2 semaphore(%run_scoped3A : memref<!tpu.dma_semaphore, #tpu.memory_space<semaphore_mem>>) src(%arg8 : memref<16x128xf32, #tpu.memory_space<vmem>>) dst(%dma_wait3A_106 : memref<16x128xf32, #tpu.memory_space<vmem_shared>>)
      tpu.yield
    }) : () -> ()
    %add3A_29 = arith.constant 160 : i32
    %add3A_30 = arith.addi %mul3A_8, %add3A_29 : i32
    "tpu.region"() ({
      %run_scoped3A = tpu.sem_alloc : memref<!tpu.dma_semaphore, #tpu.memory_space<semaphore_mem>>
      %dma_start3A = arith.constant 0 : i32
      %dma_start3A_101 = tpu.memref_slice %arg7[%add3A_30, %dma_start3A] : memref<10000x128xf32, #tpu.memory_space<vmem_shared>> -> memref<16x128xf32, #tpu.memory_space<vmem_shared>>
      %dma_start3A_102 = arith.constant 0 : i32
      %dma_start3A_103 = tpu.memref_slice %arg7[%add3A_30, %dma_start3A_102] : memref<10000x128xf32, #tpu.memory_space<vmem_shared>> -> memref<16x128xf32, #tpu.memory_space<vmem_shared>>
      tpu.enqueue_dma source(%arg8 : memref<16x128xf32, #tpu.memory_space<vmem>>) target(%dma_start3A_103 : memref<16x128xf32, #tpu.memory_space<vmem_shared>>) target_semaphore(%run_scoped3A : memref<!tpu.dma_semaphore, #tpu.memory_space<semaphore_mem>>)
      %dma_wait3A = arith.constant 0 : i32
      %dma_wait3A_104 = tpu.memref_slice %arg7[%add3A_30, %dma_wait3A] : memref<10000x128xf32, #tpu.memory_space<vmem_shared>> -> memref<16x128xf32, #tpu.memory_space<vmem_shared>>
      %dma_wait3A_105 = arith.constant 0 : i32
      %dma_wait3A_106 = tpu.memref_slice %arg7[%add3A_30, %dma_wait3A_105] : memref<10000x128xf32, #tpu.memory_space<vmem_shared>> -> memref<16x128xf32, #tpu.memory_space<vmem_shared>>
      tpu.wait_dma2 semaphore(%run_scoped3A : memref<!tpu.dma_semaphore, #tpu.memory_space<semaphore_mem>>) src(%arg8 : memref<16x128xf32, #tpu.memory_space<vmem>>) dst(%dma_wait3A_106 : memref<16x128xf32, #tpu.memory_space<vmem_shared>>)
      tpu.yield
    }) : () -> ()
    %add3A_31 = arith.constant 176 : i32
    %add3A_32 = arith.addi %mul3A_8, %add3A_31 : i32
    "tpu.region"() ({
      %run_scoped3A = tpu.sem_alloc : memref<!tpu.dma_semaphore, #tpu.memory_space<semaphore_mem>>
      %dma_start3A = arith.constant 0 : i32
      %dma_start3A_101 = tpu.memref_slice %arg7[%add3A_32, %dma_start3A] : memref<10000x128xf32, #tpu.memory_space<vmem_shared>> -> memref<16x128xf32, #tpu.memory_space<vmem_shared>>
      %dma_start3A_102 = arith.constant 0 : i32
      %dma_start3A_103 = tpu.memref_slice %arg7[%add3A_32, %dma_start3A_102] : memref<10000x128xf32, #tpu.memory_space<vmem_shared>> -> memref<16x128xf32, #tpu.memory_space<vmem_shared>>
      tpu.enqueue_dma source(%arg8 : memref<16x128xf32, #tpu.memory_space<vmem>>) target(%dma_start3A_103 : memref<16x128xf32, #tpu.memory_space<vmem_shared>>) target_semaphore(%run_scoped3A : memref<!tpu.dma_semaphore, #tpu.memory_space<semaphore_mem>>)
      %dma_wait3A = arith.constant 0 : i32
      %dma_wait3A_104 = tpu.memref_slice %arg7[%add3A_32, %dma_wait3A] : memref<10000x128xf32, #tpu.memory_space<vmem_shared>> -> memref<16x128xf32, #tpu.memory_space<vmem_shared>>
      %dma_wait3A_105 = arith.constant 0 : i32
      %dma_wait3A_106 = tpu.memref_slice %arg7[%add3A_32, %dma_wait3A_105] : memref<10000x128xf32, #tpu.memory_space<vmem_shared>> -> memref<16x128xf32, #tpu.memory_space<vmem_shared>>
      tpu.wait_dma2 semaphore(%run_scoped3A : memref<!tpu.dma_semaphore, #tpu.memory_space<semaphore_mem>>) src(%arg8 : memref<16x128xf32, #tpu.memory_space<vmem>>) dst(%dma_wait3A_106 : memref<16x128xf32, #tpu.memory_space<vmem_shared>>)
      tpu.yield
    }) : () -> ()
    %add3A_33 = arith.constant 192 : i32
    %add3A_34 = arith.addi %mul3A_8, %add3A_33 : i32
    "tpu.region"() ({
      %run_scoped3A = tpu.sem_alloc : memref<!tpu.dma_semaphore, #tpu.memory_space<semaphore_mem>>
      %dma_start3A = arith.constant 0 : i32
      %dma_start3A_101 = tpu.memref_slice %arg7[%add3A_34, %dma_start3A] : memref<10000x128xf32, #tpu.memory_space<vmem_shared>> -> memref<16x128xf32, #tpu.memory_space<vmem_shared>>
      %dma_start3A_102 = arith.constant 0 : i32
      %dma_start3A_103 = tpu.memref_slice %arg7[%add3A_34, %dma_start3A_102] : memref<10000x128xf32, #tpu.memory_space<vmem_shared>> -> memref<16x128xf32, #tpu.memory_space<vmem_shared>>
      tpu.enqueue_dma source(%arg8 : memref<16x128xf32, #tpu.memory_space<vmem>>) target(%dma_start3A_103 : memref<16x128xf32, #tpu.memory_space<vmem_shared>>) target_semaphore(%run_scoped3A : memref<!tpu.dma_semaphore, #tpu.memory_space<semaphore_mem>>)
      %dma_wait3A = arith.constant 0 : i32
      %dma_wait3A_104 = tpu.memref_slice %arg7[%add3A_34, %dma_wait3A] : memref<10000x128xf32, #tpu.memory_space<vmem_shared>> -> memref<16x128xf32, #tpu.memory_space<vmem_shared>>
      %dma_wait3A_105 = arith.constant 0 : i32
      %dma_wait3A_106 = tpu.memref_slice %arg7[%add3A_34, %dma_wait3A_105] : memref<10000x128xf32, #tpu.memory_space<vmem_shared>> -> memref<16x128xf32, #tpu.memory_space<vmem_shared>>
      tpu.wait_dma2 semaphore(%run_scoped3A : memref<!tpu.dma_semaphore, #tpu.memory_space<semaphore_mem>>) src(%arg8 : memref<16x128xf32, #tpu.memory_space<vmem>>) dst(%dma_wait3A_106 : memref<16x128xf32, #tpu.memory_space<vmem_shared>>)
      tpu.yield
    }) : () -> ()
    %add3A_35 = arith.constant 208 : i32
    %add3A_36 = arith.addi %mul3A_8, %add3A_35 : i32
    "tpu.region"() ({
      %run_scoped3A = tpu.sem_alloc : memref<!tpu.dma_semaphore, #tpu.memory_space<semaphore_mem>>
      %dma_start3A = arith.constant 0 : i32
      %dma_start3A_101 = tpu.memref_slice %arg7[%add3A_36, %dma_start3A] : memref<10000x128xf32, #tpu.memory_space<vmem_shared>> -> memref<16x128xf32, #tpu.memory_space<vmem_shared>>
      %dma_start3A_102 = arith.constant 0 : i32
      %dma_start3A_103 = tpu.memref_slice %arg7[%add3A_36, %dma_start3A_102] : memref<10000x128xf32, #tpu.memory_space<vmem_shared>> -> memref<16x128xf32, #tpu.memory_space<vmem_shared>>
      tpu.enqueue_dma source(%arg8 : memref<16x128xf32, #tpu.memory_space<vmem>>) target(%dma_start3A_103 : memref<16x128xf32, #tpu.memory_space<vmem_shared>>) target_semaphore(%run_scoped3A : memref<!tpu.dma_semaphore, #tpu.memory_space<semaphore_mem>>)
      %dma_wait3A = arith.constant 0 : i32
      %dma_wait3A_104 = tpu.memref_slice %arg7[%add3A_36, %dma_wait3A] : memref<10000x128xf32, #tpu.memory_space<vmem_shared>> -> memref<16x128xf32, #tpu.memory_space<vmem_shared>>
      %dma_wait3A_105 = arith.constant 0 : i32
      %dma_wait3A_106 = tpu.memref_slice %arg7[%add3A_36, %dma_wait3A_105] : memref<10000x128xf32, #tpu.memory_space<vmem_shared>> -> memref<16x128xf32, #tpu.memory_space<vmem_shared>>
      tpu.wait_dma2 semaphore(%run_scoped3A : memref<!tpu.dma_semaphore, #tpu.memory_space<semaphore_mem>>) src(%arg8 : memref<16x128xf32, #tpu.memory_space<vmem>>) dst(%dma_wait3A_106 : memref<16x128xf32, #tpu.memory_space<vmem_shared>>)
      tpu.yield
    }) : () -> ()
    %add3A_37 = arith.constant 224 : i32
    %add3A_38 = arith.addi %mul3A_8, %add3A_37 : i32
    "tpu.region"() ({
      %run_scoped3A = tpu.sem_alloc : memref<!tpu.dma_semaphore, #tpu.memory_space<semaphore_mem>>
      %dma_start3A = arith.constant 0 : i32
      %dma_start3A_101 = tpu.memref_slice %arg7[%add3A_38, %dma_start3A] : memref<10000x128xf32, #tpu.memory_space<vmem_shared>> -> memref<16x128xf32, #tpu.memory_space<vmem_shared>>
      %dma_start3A_102 = arith.constant 0 : i32
      %dma_start3A_103 = tpu.memref_slice %arg7[%add3A_38, %dma_start3A_102] : memref<10000x128xf32, #tpu.memory_space<vmem_shared>> -> memref<16x128xf32, #tpu.memory_space<vmem_shared>>
      tpu.enqueue_dma source(%arg8 : memref<16x128xf32, #tpu.memory_space<vmem>>) target(%dma_start3A_103 : memref<16x128xf32, #tpu.memory_space<vmem_shared>>) target_semaphore(%run_scoped3A : memref<!tpu.dma_semaphore, #tpu.memory_space<semaphore_mem>>)
      %dma_wait3A = arith.constant 0 : i32
      %dma_wait3A_104 = tpu.memref_slice %arg7[%add3A_38, %dma_wait3A] : memref<10000x128xf32, #tpu.memory_space<vmem_shared>> -> memref<16x128xf32, #tpu.memory_space<vmem_shared>>
      %dma_wait3A_105 = arith.constant 0 : i32
      %dma_wait3A_106 = tpu.memref_slice %arg7[%add3A_38, %dma_wait3A_105] : memref<10000x128xf32, #tpu.memory_space<vmem_shared>> -> memref<16x128xf32, #tpu.memory_space<vmem_shared>>
      tpu.wait_dma2 semaphore(%run_scoped3A : memref<!tpu.dma_semaphore, #tpu.memory_space<semaphore_mem>>) src(%arg8 : memref<16x128xf32, #tpu.memory_space<vmem>>) dst(%dma_wait3A_106 : memref<16x128xf32, #tpu.memory_space<vmem_shared>>)
      tpu.yield
    }) : () -> ()
    %add3A_39 = arith.constant 240 : i32
    %add3A_40 = arith.addi %mul3A_8, %add3A_39 : i32
    "tpu.region"() ({
      %run_scoped3A = tpu.sem_alloc : memref<!tpu.dma_semaphore, #tpu.memory_space<semaphore_mem>>
      %dma_start3A = arith.constant 0 : i32
      %dma_start3A_101 = tpu.memref_slice %arg7[%add3A_40, %dma_start3A] : memref<10000x128xf32, #tpu.memory_space<vmem_shared>> -> memref<16x128xf32, #tpu.memory_space<vmem_shared>>
      %dma_start3A_102 = arith.constant 0 : i32
      %dma_start3A_103 = tpu.memref_slice %arg7[%add3A_40, %dma_start3A_102] : memref<10000x128xf32, #tpu.memory_space<vmem_shared>> -> memref<16x128xf32, #tpu.memory_space<vmem_shared>>
      tpu.enqueue_dma source(%arg8 : memref<16x128xf32, #tpu.memory_space<vmem>>) target(%dma_start3A_103 : memref<16x128xf32, #tpu.memory_space<vmem_shared>>) target_semaphore(%run_scoped3A : memref<!tpu.dma_semaphore, #tpu.memory_space<semaphore_mem>>)
      %dma_wait3A = arith.constant 0 : i32
      %dma_wait3A_104 = tpu.memref_slice %arg7[%add3A_40, %dma_wait3A] : memref<10000x128xf32, #tpu.memory_space<vmem_shared>> -> memref<16x128xf32, #tpu.memory_space<vmem_shared>>
      %dma_wait3A_105 = arith.constant 0 : i32
      %dma_wait3A_106 = tpu.memref_slice %arg7[%add3A_40, %dma_wait3A_105] : memref<10000x128xf32, #tpu.memory_space<vmem_shared>> -> memref<16x128xf32, #tpu.memory_space<vmem_shared>>
      tpu.wait_dma2 semaphore(%run_scoped3A : memref<!tpu.dma_semaphore, #tpu.memory_space<semaphore_mem>>) src(%arg8 : memref<16x128xf32, #tpu.memory_space<vmem>>) dst(%dma_wait3A_106 : memref<16x128xf32, #tpu.memory_space<vmem_shared>>)
      tpu.yield
    }) : () -> ()
    %add3A_41 = arith.constant 256 : i32
    %add3A_42 = arith.addi %mul3A_8, %add3A_41 : i32
    "tpu.region"() ({
      %run_scoped3A = tpu.sem_alloc : memref<!tpu.dma_semaphore, #tpu.memory_space<semaphore_mem>>
      %dma_start3A = arith.constant 0 : i32
      %dma_start3A_101 = tpu.memref_slice %arg7[%add3A_42, %dma_start3A] : memref<10000x128xf32, #tpu.memory_space<vmem_shared>> -> memref<16x128xf32, #tpu.memory_space<vmem_shared>>
      %dma_start3A_102 = arith.constant 0 : i32
      %dma_start3A_103 = tpu.memref_slice %arg7[%add3A_42, %dma_start3A_102] : memref<10000x128xf32, #tpu.memory_space<vmem_shared>> -> memref<16x128xf32, #tpu.memory_space<vmem_shared>>
      tpu.enqueue_dma source(%arg8 : memref<16x128xf32, #tpu.memory_space<vmem>>) target(%dma_start3A_103 : memref<16x128xf32, #tpu.memory_space<vmem_shared>>) target_semaphore(%run_scoped3A : memref<!tpu.dma_semaphore, #tpu.memory_space<semaphore_mem>>)
      %dma_wait3A = arith.constant 0 : i32
      %dma_wait3A_104 = tpu.memref_slice %arg7[%add3A_42, %dma_wait3A] : memref<10000x128xf32, #tpu.memory_space<vmem_shared>> -> memref<16x128xf32, #tpu.memory_space<vmem_shared>>
      %dma_wait3A_105 = arith.constant 0 : i32
      %dma_wait3A_106 = tpu.memref_slice %arg7[%add3A_42, %dma_wait3A_105] : memref<10000x128xf32, #tpu.memory_space<vmem_shared>> -> memref<16x128xf32, #tpu.memory_space<vmem_shared>>
      tpu.wait_dma2 semaphore(%run_scoped3A : memref<!tpu.dma_semaphore, #tpu.memory_space<semaphore_mem>>) src(%arg8 : memref<16x128xf32, #tpu.memory_space<vmem>>) dst(%dma_wait3A_106 : memref<16x128xf32, #tpu.memory_space<vmem_shared>>)
      tpu.yield
    }) : () -> ()
    %add3A_43 = arith.constant 272 : i32
    %add3A_44 = arith.addi %mul3A_8, %add3A_43 : i32
    "tpu.region"() ({
      %run_scoped3A = tpu.sem_alloc : memref<!tpu.dma_semaphore, #tpu.memory_space<semaphore_mem>>
      %dma_start3A = arith.constant 0 : i32
      %dma_start3A_101 = tpu.memref_slice %arg7[%add3A_44, %dma_start3A] : memref<10000x128xf32, #tpu.memory_space<vmem_shared>> -> memref<16x128xf32, #tpu.memory_space<vmem_shared>>
      %dma_start3A_102 = arith.constant 0 : i32
      %dma_start3A_103 = tpu.memref_slice %arg7[%add3A_44, %dma_start3A_102] : memref<10000x128xf32, #tpu.memory_space<vmem_shared>> -> memref<16x128xf32, #tpu.memory_space<vmem_shared>>
      tpu.enqueue_dma source(%arg8 : memref<16x128xf32, #tpu.memory_space<vmem>>) target(%dma_start3A_103 : memref<16x128xf32, #tpu.memory_space<vmem_shared>>) target_semaphore(%run_scoped3A : memref<!tpu.dma_semaphore, #tpu.memory_space<semaphore_mem>>)
      %dma_wait3A = arith.constant 0 : i32
      %dma_wait3A_104 = tpu.memref_slice %arg7[%add3A_44, %dma_wait3A] : memref<10000x128xf32, #tpu.memory_space<vmem_shared>> -> memref<16x128xf32, #tpu.memory_space<vmem_shared>>
      %dma_wait3A_105 = arith.constant 0 : i32
      %dma_wait3A_106 = tpu.memref_slice %arg7[%add3A_44, %dma_wait3A_105] : memref<10000x128xf32, #tpu.memory_space<vmem_shared>> -> memref<16x128xf32, #tpu.memory_space<vmem_shared>>
      tpu.wait_dma2 semaphore(%run_scoped3A : memref<!tpu.dma_semaphore, #tpu.memory_space<semaphore_mem>>) src(%arg8 : memref<16x128xf32, #tpu.memory_space<vmem>>) dst(%dma_wait3A_106 : memref<16x128xf32, #tpu.memory_space<vmem_shared>>)
      tpu.yield
    }) : () -> ()
    %add3A_45 = arith.constant 288 : i32
    %add3A_46 = arith.addi %mul3A_8, %add3A_45 : i32
    "tpu.region"() ({
      %run_scoped3A = tpu.sem_alloc : memref<!tpu.dma_semaphore, #tpu.memory_space<semaphore_mem>>
      %dma_start3A = arith.constant 0 : i32
      %dma_start3A_101 = tpu.memref_slice %arg7[%add3A_46, %dma_start3A] : memref<10000x128xf32, #tpu.memory_space<vmem_shared>> -> memref<16x128xf32, #tpu.memory_space<vmem_shared>>
      %dma_start3A_102 = arith.constant 0 : i32
      %dma_start3A_103 = tpu.memref_slice %arg7[%add3A_46, %dma_start3A_102] : memref<10000x128xf32, #tpu.memory_space<vmem_shared>> -> memref<16x128xf32, #tpu.memory_space<vmem_shared>>
      tpu.enqueue_dma source(%arg8 : memref<16x128xf32, #tpu.memory_space<vmem>>) target(%dma_start3A_103 : memref<16x128xf32, #tpu.memory_space<vmem_shared>>) target_semaphore(%run_scoped3A : memref<!tpu.dma_semaphore, #tpu.memory_space<semaphore_mem>>)
      %dma_wait3A = arith.constant 0 : i32
      %dma_wait3A_104 = tpu.memref_slice %arg7[%add3A_46, %dma_wait3A] : memref<10000x128xf32, #tpu.memory_space<vmem_shared>> -> memref<16x128xf32, #tpu.memory_space<vmem_shared>>
      %dma_wait3A_105 = arith.constant 0 : i32
      %dma_wait3A_106 = tpu.memref_slice %arg7[%add3A_46, %dma_wait3A_105] : memref<10000x128xf32, #tpu.memory_space<vmem_shared>> -> memref<16x128xf32, #tpu.memory_space<vmem_shared>>
      tpu.wait_dma2 semaphore(%run_scoped3A : memref<!tpu.dma_semaphore, #tpu.memory_space<semaphore_mem>>) src(%arg8 : memref<16x128xf32, #tpu.memory_space<vmem>>) dst(%dma_wait3A_106 : memref<16x128xf32, #tpu.memory_space<vmem_shared>>)
      tpu.yield
    }) : () -> ()
    %add3A_47 = arith.constant 304 : i32
    %add3A_48 = arith.addi %mul3A_8, %add3A_47 : i32
    "tpu.region"() ({
      %run_scoped3A = tpu.sem_alloc : memref<!tpu.dma_semaphore, #tpu.memory_space<semaphore_mem>>
      %dma_start3A = arith.constant 0 : i32
      %dma_start3A_101 = tpu.memref_slice %arg7[%add3A_48, %dma_start3A] : memref<10000x128xf32, #tpu.memory_space<vmem_shared>> -> memref<16x128xf32, #tpu.memory_space<vmem_shared>>
      %dma_start3A_102 = arith.constant 0 : i32
      %dma_start3A_103 = tpu.memref_slice %arg7[%add3A_48, %dma_start3A_102] : memref<10000x128xf32, #tpu.memory_space<vmem_shared>> -> memref<16x128xf32, #tpu.memory_space<vmem_shared>>
      tpu.enqueue_dma source(%arg8 : memref<16x128xf32, #tpu.memory_space<vmem>>) target(%dma_start3A_103 : memref<16x128xf32, #tpu.memory_space<vmem_shared>>) target_semaphore(%run_scoped3A : memref<!tpu.dma_semaphore, #tpu.memory_space<semaphore_mem>>)
      %dma_wait3A = arith.constant 0 : i32
      %dma_wait3A_104 = tpu.memref_slice %arg7[%add3A_48, %dma_wait3A] : memref<10000x128xf32, #tpu.memory_space<vmem_shared>> -> memref<16x128xf32, #tpu.memory_space<vmem_shared>>
      %dma_wait3A_105 = arith.constant 0 : i32
      %dma_wait3A_106 = tpu.memref_slice %arg7[%add3A_48, %dma_wait3A_105] : memref<10000x128xf32, #tpu.memory_space<vmem_shared>> -> memref<16x128xf32, #tpu.memory_space<vmem_shared>>
      tpu.wait_dma2 semaphore(%run_scoped3A : memref<!tpu.dma_semaphore, #tpu.memory_space<semaphore_mem>>) src(%arg8 : memref<16x128xf32, #tpu.memory_space<vmem>>) dst(%dma_wait3A_106 : memref<16x128xf32, #tpu.memory_space<vmem_shared>>)
      tpu.yield
    }) : () -> ()
    %add3A_49 = arith.constant 320 : i32
    %add3A_50 = arith.addi %mul3A_8, %add3A_49 : i32
    "tpu.region"() ({
      %run_scoped3A = tpu.sem_alloc : memref<!tpu.dma_semaphore, #tpu.memory_space<semaphore_mem>>
      %dma_start3A = arith.constant 0 : i32
      %dma_start3A_101 = tpu.memref_slice %arg7[%add3A_50, %dma_start3A] : memref<10000x128xf32, #tpu.memory_space<vmem_shared>> -> memref<16x128xf32, #tpu.memory_space<vmem_shared>>
      %dma_start3A_102 = arith.constant 0 : i32
      %dma_start3A_103 = tpu.memref_slice %arg7[%add3A_50, %dma_start3A_102] : memref<10000x128xf32, #tpu.memory_space<vmem_shared>> -> memref<16x128xf32, #tpu.memory_space<vmem_shared>>
      tpu.enqueue_dma source(%arg8 : memref<16x128xf32, #tpu.memory_space<vmem>>) target(%dma_start3A_103 : memref<16x128xf32, #tpu.memory_space<vmem_shared>>) target_semaphore(%run_scoped3A : memref<!tpu.dma_semaphore, #tpu.memory_space<semaphore_mem>>)
      %dma_wait3A = arith.constant 0 : i32
      %dma_wait3A_104 = tpu.memref_slice %arg7[%add3A_50, %dma_wait3A] : memref<10000x128xf32, #tpu.memory_space<vmem_shared>> -> memref<16x128xf32, #tpu.memory_space<vmem_shared>>
      %dma_wait3A_105 = arith.constant 0 : i32
      %dma_wait3A_106 = tpu.memref_slice %arg7[%add3A_50, %dma_wait3A_105] : memref<10000x128xf32, #tpu.memory_space<vmem_shared>> -> memref<16x128xf32, #tpu.memory_space<vmem_shared>>
      tpu.wait_dma2 semaphore(%run_scoped3A : memref<!tpu.dma_semaphore, #tpu.memory_space<semaphore_mem>>) src(%arg8 : memref<16x128xf32, #tpu.memory_space<vmem>>) dst(%dma_wait3A_106 : memref<16x128xf32, #tpu.memory_space<vmem_shared>>)
      tpu.yield
    }) : () -> ()
    %add3A_51 = arith.constant 336 : i32
    %add3A_52 = arith.addi %mul3A_8, %add3A_51 : i32
    "tpu.region"() ({
      %run_scoped3A = tpu.sem_alloc : memref<!tpu.dma_semaphore, #tpu.memory_space<semaphore_mem>>
      %dma_start3A = arith.constant 0 : i32
      %dma_start3A_101 = tpu.memref_slice %arg7[%add3A_52, %dma_start3A] : memref<10000x128xf32, #tpu.memory_space<vmem_shared>> -> memref<16x128xf32, #tpu.memory_space<vmem_shared>>
      %dma_start3A_102 = arith.constant 0 : i32
      %dma_start3A_103 = tpu.memref_slice %arg7[%add3A_52, %dma_start3A_102] : memref<10000x128xf32, #tpu.memory_space<vmem_shared>> -> memref<16x128xf32, #tpu.memory_space<vmem_shared>>
      tpu.enqueue_dma source(%arg8 : memref<16x128xf32, #tpu.memory_space<vmem>>) target(%dma_start3A_103 : memref<16x128xf32, #tpu.memory_space<vmem_shared>>) target_semaphore(%run_scoped3A : memref<!tpu.dma_semaphore, #tpu.memory_space<semaphore_mem>>)
      %dma_wait3A = arith.constant 0 : i32
      %dma_wait3A_104 = tpu.memref_slice %arg7[%add3A_52, %dma_wait3A] : memref<10000x128xf32, #tpu.memory_space<vmem_shared>> -> memref<16x128xf32, #tpu.memory_space<vmem_shared>>
      %dma_wait3A_105 = arith.constant 0 : i32
      %dma_wait3A_106 = tpu.memref_slice %arg7[%add3A_52, %dma_wait3A_105] : memref<10000x128xf32, #tpu.memory_space<vmem_shared>> -> memref<16x128xf32, #tpu.memory_space<vmem_shared>>
      tpu.wait_dma2 semaphore(%run_scoped3A : memref<!tpu.dma_semaphore, #tpu.memory_space<semaphore_mem>>) src(%arg8 : memref<16x128xf32, #tpu.memory_space<vmem>>) dst(%dma_wait3A_106 : memref<16x128xf32, #tpu.memory_space<vmem_shared>>)
      tpu.yield
    }) : () -> ()
    %add3A_53 = arith.constant 352 : i32
    %add3A_54 = arith.addi %mul3A_8, %add3A_53 : i32
    "tpu.region"() ({
      %run_scoped3A = tpu.sem_alloc : memref<!tpu.dma_semaphore, #tpu.memory_space<semaphore_mem>>
      %dma_start3A = arith.constant 0 : i32
      %dma_start3A_101 = tpu.memref_slice %arg7[%add3A_54, %dma_start3A] : memref<10000x128xf32, #tpu.memory_space<vmem_shared>> -> memref<16x128xf32, #tpu.memory_space<vmem_shared>>
      %dma_start3A_102 = arith.constant 0 : i32
      %dma_start3A_103 = tpu.memref_slice %arg7[%add3A_54, %dma_start3A_102] : memref<10000x128xf32, #tpu.memory_space<vmem_shared>> -> memref<16x128xf32, #tpu.memory_space<vmem_shared>>
      tpu.enqueue_dma source(%arg8 : memref<16x128xf32, #tpu.memory_space<vmem>>) target(%dma_start3A_103 : memref<16x128xf32, #tpu.memory_space<vmem_shared>>) target_semaphore(%run_scoped3A : memref<!tpu.dma_semaphore, #tpu.memory_space<semaphore_mem>>)
      %dma_wait3A = arith.constant 0 : i32
      %dma_wait3A_104 = tpu.memref_slice %arg7[%add3A_54, %dma_wait3A] : memref<10000x128xf32, #tpu.memory_space<vmem_shared>> -> memref<16x128xf32, #tpu.memory_space<vmem_shared>>
      %dma_wait3A_105 = arith.constant 0 : i32
      %dma_wait3A_106 = tpu.memref_slice %arg7[%add3A_54, %dma_wait3A_105] : memref<10000x128xf32, #tpu.memory_space<vmem_shared>> -> memref<16x128xf32, #tpu.memory_space<vmem_shared>>
      tpu.wait_dma2 semaphore(%run_scoped3A : memref<!tpu.dma_semaphore, #tpu.memory_space<semaphore_mem>>) src(%arg8 : memref<16x128xf32, #tpu.memory_space<vmem>>) dst(%dma_wait3A_106 : memref<16x128xf32, #tpu.memory_space<vmem_shared>>)
      tpu.yield
    }) : () -> ()
    %add3A_55 = arith.constant 368 : i32
    %add3A_56 = arith.addi %mul3A_8, %add3A_55 : i32
    "tpu.region"() ({
      %run_scoped3A = tpu.sem_alloc : memref<!tpu.dma_semaphore, #tpu.memory_space<semaphore_mem>>
      %dma_start3A = arith.constant 0 : i32
      %dma_start3A_101 = tpu.memref_slice %arg7[%add3A_56, %dma_start3A] : memref<10000x128xf32, #tpu.memory_space<vmem_shared>> -> memref<16x128xf32, #tpu.memory_space<vmem_shared>>
      %dma_start3A_102 = arith.constant 0 : i32
      %dma_start3A_103 = tpu.memref_slice %arg7[%add3A_56, %dma_start3A_102] : memref<10000x128xf32, #tpu.memory_space<vmem_shared>> -> memref<16x128xf32, #tpu.memory_space<vmem_shared>>
      tpu.enqueue_dma source(%arg8 : memref<16x128xf32, #tpu.memory_space<vmem>>) target(%dma_start3A_103 : memref<16x128xf32, #tpu.memory_space<vmem_shared>>) target_semaphore(%run_scoped3A : memref<!tpu.dma_semaphore, #tpu.memory_space<semaphore_mem>>)
      %dma_wait3A = arith.constant 0 : i32
      %dma_wait3A_104 = tpu.memref_slice %arg7[%add3A_56, %dma_wait3A] : memref<10000x128xf32, #tpu.memory_space<vmem_shared>> -> memref<16x128xf32, #tpu.memory_space<vmem_shared>>
      %dma_wait3A_105 = arith.constant 0 : i32
      %dma_wait3A_106 = tpu.memref_slice %arg7[%add3A_56, %dma_wait3A_105] : memref<10000x128xf32, #tpu.memory_space<vmem_shared>> -> memref<16x128xf32, #tpu.memory_space<vmem_shared>>
      tpu.wait_dma2 semaphore(%run_scoped3A : memref<!tpu.dma_semaphore, #tpu.memory_space<semaphore_mem>>) src(%arg8 : memref<16x128xf32, #tpu.memory_space<vmem>>) dst(%dma_wait3A_106 : memref<16x128xf32, #tpu.memory_space<vmem_shared>>)
      tpu.yield
    }) : () -> ()
    %add3A_57 = arith.constant 384 : i32
    %add3A_58 = arith.addi %mul3A_8, %add3A_57 : i32
    "tpu.region"() ({
      %run_scoped3A = tpu.sem_alloc : memref<!tpu.dma_semaphore, #tpu.memory_space<semaphore_mem>>
      %dma_start3A = arith.constant 0 : i32
      %dma_start3A_101 = tpu.memref_slice %arg7[%add3A_58, %dma_start3A] : memref<10000x128xf32, #tpu.memory_space<vmem_shared>> -> memref<16x128xf32, #tpu.memory_space<vmem_shared>>
      %dma_start3A_102 = arith.constant 0 : i32
      %dma_start3A_103 = tpu.memref_slice %arg7[%add3A_58, %dma_start3A_102] : memref<10000x128xf32, #tpu.memory_space<vmem_shared>> -> memref<16x128xf32, #tpu.memory_space<vmem_shared>>
      tpu.enqueue_dma source(%arg8 : memref<16x128xf32, #tpu.memory_space<vmem>>) target(%dma_start3A_103 : memref<16x128xf32, #tpu.memory_space<vmem_shared>>) target_semaphore(%run_scoped3A : memref<!tpu.dma_semaphore, #tpu.memory_space<semaphore_mem>>)
      %dma_wait3A = arith.constant 0 : i32
      %dma_wait3A_104 = tpu.memref_slice %arg7[%add3A_58, %dma_wait3A] : memref<10000x128xf32, #tpu.memory_space<vmem_shared>> -> memref<16x128xf32, #tpu.memory_space<vmem_shared>>
      %dma_wait3A_105 = arith.constant 0 : i32
      %dma_wait3A_106 = tpu.memref_slice %arg7[%add3A_58, %dma_wait3A_105] : memref<10000x128xf32, #tpu.memory_space<vmem_shared>> -> memref<16x128xf32, #tpu.memory_space<vmem_shared>>
      tpu.wait_dma2 semaphore(%run_scoped3A : memref<!tpu.dma_semaphore, #tpu.memory_space<semaphore_mem>>) src(%arg8 : memref<16x128xf32, #tpu.memory_space<vmem>>) dst(%dma_wait3A_106 : memref<16x128xf32, #tpu.memory_space<vmem_shared>>)
      tpu.yield
    }) : () -> ()
    %add3A_59 = arith.constant 400 : i32
    %add3A_60 = arith.addi %mul3A_8, %add3A_59 : i32
    "tpu.region"() ({
      %run_scoped3A = tpu.sem_alloc : memref<!tpu.dma_semaphore, #tpu.memory_space<semaphore_mem>>
      %dma_start3A = arith.constant 0 : i32
      %dma_start3A_101 = tpu.memref_slice %arg7[%add3A_60, %dma_start3A] : memref<10000x128xf32, #tpu.memory_space<vmem_shared>> -> memref<16x128xf32, #tpu.memory_space<vmem_shared>>
      %dma_start3A_102 = arith.constant 0 : i32
      %dma_start3A_103 = tpu.memref_slice %arg7[%add3A_60, %dma_start3A_102] : memref<10000x128xf32, #tpu.memory_space<vmem_shared>> -> memref<16x128xf32, #tpu.memory_space<vmem_shared>>
      tpu.enqueue_dma source(%arg8 : memref<16x128xf32, #tpu.memory_space<vmem>>) target(%dma_start3A_103 : memref<16x128xf32, #tpu.memory_space<vmem_shared>>) target_semaphore(%run_scoped3A : memref<!tpu.dma_semaphore, #tpu.memory_space<semaphore_mem>>)
      %dma_wait3A = arith.constant 0 : i32
      %dma_wait3A_104 = tpu.memref_slice %arg7[%add3A_60, %dma_wait3A] : memref<10000x128xf32, #tpu.memory_space<vmem_shared>> -> memref<16x128xf32, #tpu.memory_space<vmem_shared>>
      %dma_wait3A_105 = arith.constant 0 : i32
      %dma_wait3A_106 = tpu.memref_slice %arg7[%add3A_60, %dma_wait3A_105] : memref<10000x128xf32, #tpu.memory_space<vmem_shared>> -> memref<16x128xf32, #tpu.memory_space<vmem_shared>>
      tpu.wait_dma2 semaphore(%run_scoped3A : memref<!tpu.dma_semaphore, #tpu.memory_space<semaphore_mem>>) src(%arg8 : memref<16x128xf32, #tpu.memory_space<vmem>>) dst(%dma_wait3A_106 : memref<16x128xf32, #tpu.memory_space<vmem_shared>>)
      tpu.yield
    }) : () -> ()
    %add3A_61 = arith.constant 416 : i32
    %add3A_62 = arith.addi %mul3A_8, %add3A_61 : i32
    "tpu.region"() ({
      %run_scoped3A = tpu.sem_alloc : memref<!tpu.dma_semaphore, #tpu.memory_space<semaphore_mem>>
      %dma_start3A = arith.constant 0 : i32
      %dma_start3A_101 = tpu.memref_slice %arg7[%add3A_62, %dma_start3A] : memref<10000x128xf32, #tpu.memory_space<vmem_shared>> -> memref<16x128xf32, #tpu.memory_space<vmem_shared>>
      %dma_start3A_102 = arith.constant 0 : i32
      %dma_start3A_103 = tpu.memref_slice %arg7[%add3A_62, %dma_start3A_102] : memref<10000x128xf32, #tpu.memory_space<vmem_shared>> -> memref<16x128xf32, #tpu.memory_space<vmem_shared>>
      tpu.enqueue_dma source(%arg8 : memref<16x128xf32, #tpu.memory_space<vmem>>) target(%dma_start3A_103 : memref<16x128xf32, #tpu.memory_space<vmem_shared>>) target_semaphore(%run_scoped3A : memref<!tpu.dma_semaphore, #tpu.memory_space<semaphore_mem>>)
      %dma_wait3A = arith.constant 0 : i32
      %dma_wait3A_104 = tpu.memref_slice %arg7[%add3A_62, %dma_wait3A] : memref<10000x128xf32, #tpu.memory_space<vmem_shared>> -> memref<16x128xf32, #tpu.memory_space<vmem_shared>>
      %dma_wait3A_105 = arith.constant 0 : i32
      %dma_wait3A_106 = tpu.memref_slice %arg7[%add3A_62, %dma_wait3A_105] : memref<10000x128xf32, #tpu.memory_space<vmem_shared>> -> memref<16x128xf32, #tpu.memory_space<vmem_shared>>
      tpu.wait_dma2 semaphore(%run_scoped3A : memref<!tpu.dma_semaphore, #tpu.memory_space<semaphore_mem>>) src(%arg8 : memref<16x128xf32, #tpu.memory_space<vmem>>) dst(%dma_wait3A_106 : memref<16x128xf32, #tpu.memory_space<vmem_shared>>)
      tpu.yield
    }) : () -> ()
    %add3A_63 = arith.constant 432 : i32
    %add3A_64 = arith.addi %mul3A_8, %add3A_63 : i32
    "tpu.region"() ({
      %run_scoped3A = tpu.sem_alloc : memref<!tpu.dma_semaphore, #tpu.memory_space<semaphore_mem>>
      %dma_start3A = arith.constant 0 : i32
      %dma_start3A_101 = tpu.memref_slice %arg7[%add3A_64, %dma_start3A] : memref<10000x128xf32, #tpu.memory_space<vmem_shared>> -> memref<16x128xf32, #tpu.memory_space<vmem_shared>>
      %dma_start3A_102 = arith.constant 0 : i32
      %dma_start3A_103 = tpu.memref_slice %arg7[%add3A_64, %dma_start3A_102] : memref<10000x128xf32, #tpu.memory_space<vmem_shared>> -> memref<16x128xf32, #tpu.memory_space<vmem_shared>>
      tpu.enqueue_dma source(%arg8 : memref<16x128xf32, #tpu.memory_space<vmem>>) target(%dma_start3A_103 : memref<16x128xf32, #tpu.memory_space<vmem_shared>>) target_semaphore(%run_scoped3A : memref<!tpu.dma_semaphore, #tpu.memory_space<semaphore_mem>>)
      %dma_wait3A = arith.constant 0 : i32
      %dma_wait3A_104 = tpu.memref_slice %arg7[%add3A_64, %dma_wait3A] : memref<10000x128xf32, #tpu.memory_space<vmem_shared>> -> memref<16x128xf32, #tpu.memory_space<vmem_shared>>
      %dma_wait3A_105 = arith.constant 0 : i32
      %dma_wait3A_106 = tpu.memref_slice %arg7[%add3A_64, %dma_wait3A_105] : memref<10000x128xf32, #tpu.memory_space<vmem_shared>> -> memref<16x128xf32, #tpu.memory_space<vmem_shared>>
      tpu.wait_dma2 semaphore(%run_scoped3A : memref<!tpu.dma_semaphore, #tpu.memory_space<semaphore_mem>>) src(%arg8 : memref<16x128xf32, #tpu.memory_space<vmem>>) dst(%dma_wait3A_106 : memref<16x128xf32, #tpu.memory_space<vmem_shared>>)
      tpu.yield
    }) : () -> ()
    %add3A_65 = arith.constant 448 : i32
    %add3A_66 = arith.addi %mul3A_8, %add3A_65 : i32
    "tpu.region"() ({
      %run_scoped3A = tpu.sem_alloc : memref<!tpu.dma_semaphore, #tpu.memory_space<semaphore_mem>>
      %dma_start3A = arith.constant 0 : i32
      %dma_start3A_101 = tpu.memref_slice %arg7[%add3A_66, %dma_start3A] : memref<10000x128xf32, #tpu.memory_space<vmem_shared>> -> memref<16x128xf32, #tpu.memory_space<vmem_shared>>
      %dma_start3A_102 = arith.constant 0 : i32
      %dma_start3A_103 = tpu.memref_slice %arg7[%add3A_66, %dma_start3A_102] : memref<10000x128xf32, #tpu.memory_space<vmem_shared>> -> memref<16x128xf32, #tpu.memory_space<vmem_shared>>
      tpu.enqueue_dma source(%arg8 : memref<16x128xf32, #tpu.memory_space<vmem>>) target(%dma_start3A_103 : memref<16x128xf32, #tpu.memory_space<vmem_shared>>) target_semaphore(%run_scoped3A : memref<!tpu.dma_semaphore, #tpu.memory_space<semaphore_mem>>)
      %dma_wait3A = arith.constant 0 : i32
      %dma_wait3A_104 = tpu.memref_slice %arg7[%add3A_66, %dma_wait3A] : memref<10000x128xf32, #tpu.memory_space<vmem_shared>> -> memref<16x128xf32, #tpu.memory_space<vmem_shared>>
      %dma_wait3A_105 = arith.constant 0 : i32
      %dma_wait3A_106 = tpu.memref_slice %arg7[%add3A_66, %dma_wait3A_105] : memref<10000x128xf32, #tpu.memory_space<vmem_shared>> -> memref<16x128xf32, #tpu.memory_space<vmem_shared>>
      tpu.wait_dma2 semaphore(%run_scoped3A : memref<!tpu.dma_semaphore, #tpu.memory_space<semaphore_mem>>) src(%arg8 : memref<16x128xf32, #tpu.memory_space<vmem>>) dst(%dma_wait3A_106 : memref<16x128xf32, #tpu.memory_space<vmem_shared>>)
      tpu.yield
    }) : () -> ()
    %add3A_67 = arith.constant 464 : i32
    %add3A_68 = arith.addi %mul3A_8, %add3A_67 : i32
    "tpu.region"() ({
      %run_scoped3A = tpu.sem_alloc : memref<!tpu.dma_semaphore, #tpu.memory_space<semaphore_mem>>
      %dma_start3A = arith.constant 0 : i32
      %dma_start3A_101 = tpu.memref_slice %arg7[%add3A_68, %dma_start3A] : memref<10000x128xf32, #tpu.memory_space<vmem_shared>> -> memref<16x128xf32, #tpu.memory_space<vmem_shared>>
      %dma_start3A_102 = arith.constant 0 : i32
      %dma_start3A_103 = tpu.memref_slice %arg7[%add3A_68, %dma_start3A_102] : memref<10000x128xf32, #tpu.memory_space<vmem_shared>> -> memref<16x128xf32, #tpu.memory_space<vmem_shared>>
      tpu.enqueue_dma source(%arg8 : memref<16x128xf32, #tpu.memory_space<vmem>>) target(%dma_start3A_103 : memref<16x128xf32, #tpu.memory_space<vmem_shared>>) target_semaphore(%run_scoped3A : memref<!tpu.dma_semaphore, #tpu.memory_space<semaphore_mem>>)
      %dma_wait3A = arith.constant 0 : i32
      %dma_wait3A_104 = tpu.memref_slice %arg7[%add3A_68, %dma_wait3A] : memref<10000x128xf32, #tpu.memory_space<vmem_shared>> -> memref<16x128xf32, #tpu.memory_space<vmem_shared>>
      %dma_wait3A_105 = arith.constant 0 : i32
      %dma_wait3A_106 = tpu.memref_slice %arg7[%add3A_68, %dma_wait3A_105] : memref<10000x128xf32, #tpu.memory_space<vmem_shared>> -> memref<16x128xf32, #tpu.memory_space<vmem_shared>>
      tpu.wait_dma2 semaphore(%run_scoped3A : memref<!tpu.dma_semaphore, #tpu.memory_space<semaphore_mem>>) src(%arg8 : memref<16x128xf32, #tpu.memory_space<vmem>>) dst(%dma_wait3A_106 : memref<16x128xf32, #tpu.memory_space<vmem_shared>>)
      tpu.yield
    }) : () -> ()
    %add3A_69 = arith.constant 480 : i32
    %add3A_70 = arith.addi %mul3A_8, %add3A_69 : i32
    "tpu.region"() ({
      %run_scoped3A = tpu.sem_alloc : memref<!tpu.dma_semaphore, #tpu.memory_space<semaphore_mem>>
      %dma_start3A = arith.constant 0 : i32
      %dma_start3A_101 = tpu.memref_slice %arg7[%add3A_70, %dma_start3A] : memref<10000x128xf32, #tpu.memory_space<vmem_shared>> -> memref<16x128xf32, #tpu.memory_space<vmem_shared>>
      %dma_start3A_102 = arith.constant 0 : i32
      %dma_start3A_103 = tpu.memref_slice %arg7[%add3A_70, %dma_start3A_102] : memref<10000x128xf32, #tpu.memory_space<vmem_shared>> -> memref<16x128xf32, #tpu.memory_space<vmem_shared>>
      tpu.enqueue_dma source(%arg8 : memref<16x128xf32, #tpu.memory_space<vmem>>) target(%dma_start3A_103 : memref<16x128xf32, #tpu.memory_space<vmem_shared>>) target_semaphore(%run_scoped3A : memref<!tpu.dma_semaphore, #tpu.memory_space<semaphore_mem>>)
      %dma_wait3A = arith.constant 0 : i32
      %dma_wait3A_104 = tpu.memref_slice %arg7[%add3A_70, %dma_wait3A] : memref<10000x128xf32, #tpu.memory_space<vmem_shared>> -> memref<16x128xf32, #tpu.memory_space<vmem_shared>>
      %dma_wait3A_105 = arith.constant 0 : i32
      %dma_wait3A_106 = tpu.memref_slice %arg7[%add3A_70, %dma_wait3A_105] : memref<10000x128xf32, #tpu.memory_space<vmem_shared>> -> memref<16x128xf32, #tpu.memory_space<vmem_shared>>
      tpu.wait_dma2 semaphore(%run_scoped3A : memref<!tpu.dma_semaphore, #tpu.memory_space<semaphore_mem>>) src(%arg8 : memref<16x128xf32, #tpu.memory_space<vmem>>) dst(%dma_wait3A_106 : memref<16x128xf32, #tpu.memory_space<vmem_shared>>)
      tpu.yield
    }) : () -> ()
    %add3A_71 = arith.constant 496 : i32
    %add3A_72 = arith.addi %mul3A_8, %add3A_71 : i32
    "tpu.region"() ({
      %run_scoped3A = tpu.sem_alloc : memref<!tpu.dma_semaphore, #tpu.memory_space<semaphore_mem>>
      %dma_start3A = arith.constant 0 : i32
      %dma_start3A_101 = tpu.memref_slice %arg7[%add3A_72, %dma_start3A] : memref<10000x128xf32, #tpu.memory_space<vmem_shared>> -> memref<16x128xf32, #tpu.memory_space<vmem_shared>>
      %dma_start3A_102 = arith.constant 0 : i32
      %dma_start3A_103 = tpu.memref_slice %arg7[%add3A_72, %dma_start3A_102] : memref<10000x128xf32, #tpu.memory_space<vmem_shared>> -> memref<16x128xf32, #tpu.memory_space<vmem_shared>>
      tpu.enqueue_dma source(%arg8 : memref<16x128xf32, #tpu.memory_space<vmem>>) target(%dma_start3A_103 : memref<16x128xf32, #tpu.memory_space<vmem_shared>>) target_semaphore(%run_scoped3A : memref<!tpu.dma_semaphore, #tpu.memory_space<semaphore_mem>>)
      %dma_wait3A = arith.constant 0 : i32
      %dma_wait3A_104 = tpu.memref_slice %arg7[%add3A_72, %dma_wait3A] : memref<10000x128xf32, #tpu.memory_space<vmem_shared>> -> memref<16x128xf32, #tpu.memory_space<vmem_shared>>
      %dma_wait3A_105 = arith.constant 0 : i32
      %dma_wait3A_106 = tpu.memref_slice %arg7[%add3A_72, %dma_wait3A_105] : memref<10000x128xf32, #tpu.memory_space<vmem_shared>> -> memref<16x128xf32, #tpu.memory_space<vmem_shared>>
      tpu.wait_dma2 semaphore(%run_scoped3A : memref<!tpu.dma_semaphore, #tpu.memory_space<semaphore_mem>>) src(%arg8 : memref<16x128xf32, #tpu.memory_space<vmem>>) dst(%dma_wait3A_106 : memref<16x128xf32, #tpu.memory_space<vmem_shared>>)
      tpu.yield
    }) : () -> ()
    %add3A_73 = arith.constant 512 : i32
    %add3A_74 = arith.addi %mul3A_8, %add3A_73 : i32
    "tpu.region"() ({
      %run_scoped3A = tpu.sem_alloc : memref<!tpu.dma_semaphore, #tpu.memory_space<semaphore_mem>>
      %dma_start3A = arith.constant 0 : i32
      %dma_start3A_101 = tpu.memref_slice %arg7[%add3A_74, %dma_start3A] : memref<10000x128xf32, #tpu.memory_space<vmem_shared>> -> memref<16x128xf32, #tpu.memory_space<vmem_shared>>
      %dma_start3A_102 = arith.constant 0 : i32
      %dma_start3A_103 = tpu.memref_slice %arg7[%add3A_74, %dma_start3A_102] : memref<10000x128xf32, #tpu.memory_space<vmem_shared>> -> memref<16x128xf32, #tpu.memory_space<vmem_shared>>
      tpu.enqueue_dma source(%arg8 : memref<16x128xf32, #tpu.memory_space<vmem>>) target(%dma_start3A_103 : memref<16x128xf32, #tpu.memory_space<vmem_shared>>) target_semaphore(%run_scoped3A : memref<!tpu.dma_semaphore, #tpu.memory_space<semaphore_mem>>)
      %dma_wait3A = arith.constant 0 : i32
      %dma_wait3A_104 = tpu.memref_slice %arg7[%add3A_74, %dma_wait3A] : memref<10000x128xf32, #tpu.memory_space<vmem_shared>> -> memref<16x128xf32, #tpu.memory_space<vmem_shared>>
      %dma_wait3A_105 = arith.constant 0 : i32
      %dma_wait3A_106 = tpu.memref_slice %arg7[%add3A_74, %dma_wait3A_105] : memref<10000x128xf32, #tpu.memory_space<vmem_shared>> -> memref<16x128xf32, #tpu.memory_space<vmem_shared>>
      tpu.wait_dma2 semaphore(%run_scoped3A : memref<!tpu.dma_semaphore, #tpu.memory_space<semaphore_mem>>) src(%arg8 : memref<16x128xf32, #tpu.memory_space<vmem>>) dst(%dma_wait3A_106 : memref<16x128xf32, #tpu.memory_space<vmem_shared>>)
      tpu.yield
    }) : () -> ()
    %add3A_75 = arith.constant 528 : i32
    %add3A_76 = arith.addi %mul3A_8, %add3A_75 : i32
    "tpu.region"() ({
      %run_scoped3A = tpu.sem_alloc : memref<!tpu.dma_semaphore, #tpu.memory_space<semaphore_mem>>
      %dma_start3A = arith.constant 0 : i32
      %dma_start3A_101 = tpu.memref_slice %arg7[%add3A_76, %dma_start3A] : memref<10000x128xf32, #tpu.memory_space<vmem_shared>> -> memref<16x128xf32, #tpu.memory_space<vmem_shared>>
      %dma_start3A_102 = arith.constant 0 : i32
      %dma_start3A_103 = tpu.memref_slice %arg7[%add3A_76, %dma_start3A_102] : memref<10000x128xf32, #tpu.memory_space<vmem_shared>> -> memref<16x128xf32, #tpu.memory_space<vmem_shared>>
      tpu.enqueue_dma source(%arg8 : memref<16x128xf32, #tpu.memory_space<vmem>>) target(%dma_start3A_103 : memref<16x128xf32, #tpu.memory_space<vmem_shared>>) target_semaphore(%run_scoped3A : memref<!tpu.dma_semaphore, #tpu.memory_space<semaphore_mem>>)
      %dma_wait3A = arith.constant 0 : i32
      %dma_wait3A_104 = tpu.memref_slice %arg7[%add3A_76, %dma_wait3A] : memref<10000x128xf32, #tpu.memory_space<vmem_shared>> -> memref<16x128xf32, #tpu.memory_space<vmem_shared>>
      %dma_wait3A_105 = arith.constant 0 : i32
      %dma_wait3A_106 = tpu.memref_slice %arg7[%add3A_76, %dma_wait3A_105] : memref<10000x128xf32, #tpu.memory_space<vmem_shared>> -> memref<16x128xf32, #tpu.memory_space<vmem_shared>>
      tpu.wait_dma2 semaphore(%run_scoped3A : memref<!tpu.dma_semaphore, #tpu.memory_space<semaphore_mem>>) src(%arg8 : memref<16x128xf32, #tpu.memory_space<vmem>>) dst(%dma_wait3A_106 : memref<16x128xf32, #tpu.memory_space<vmem_shared>>)
      tpu.yield
    }) : () -> ()
    %add3A_77 = arith.constant 544 : i32
    %add3A_78 = arith.addi %mul3A_8, %add3A_77 : i32
    "tpu.region"() ({
      %run_scoped3A = tpu.sem_alloc : memref<!tpu.dma_semaphore, #tpu.memory_space<semaphore_mem>>
      %dma_start3A = arith.constant 0 : i32
      %dma_start3A_101 = tpu.memref_slice %arg7[%add3A_78, %dma_start3A] : memref<10000x128xf32, #tpu.memory_space<vmem_shared>> -> memref<16x128xf32, #tpu.memory_space<vmem_shared>>
      %dma_start3A_102 = arith.constant 0 : i32
      %dma_start3A_103 = tpu.memref_slice %arg7[%add3A_78, %dma_start3A_102] : memref<10000x128xf32, #tpu.memory_space<vmem_shared>> -> memref<16x128xf32, #tpu.memory_space<vmem_shared>>
      tpu.enqueue_dma source(%arg8 : memref<16x128xf32, #tpu.memory_space<vmem>>) target(%dma_start3A_103 : memref<16x128xf32, #tpu.memory_space<vmem_shared>>) target_semaphore(%run_scoped3A : memref<!tpu.dma_semaphore, #tpu.memory_space<semaphore_mem>>)
      %dma_wait3A = arith.constant 0 : i32
      %dma_wait3A_104 = tpu.memref_slice %arg7[%add3A_78, %dma_wait3A] : memref<10000x128xf32, #tpu.memory_space<vmem_shared>> -> memref<16x128xf32, #tpu.memory_space<vmem_shared>>
      %dma_wait3A_105 = arith.constant 0 : i32
      %dma_wait3A_106 = tpu.memref_slice %arg7[%add3A_78, %dma_wait3A_105] : memref<10000x128xf32, #tpu.memory_space<vmem_shared>> -> memref<16x128xf32, #tpu.memory_space<vmem_shared>>
      tpu.wait_dma2 semaphore(%run_scoped3A : memref<!tpu.dma_semaphore, #tpu.memory_space<semaphore_mem>>) src(%arg8 : memref<16x128xf32, #tpu.memory_space<vmem>>) dst(%dma_wait3A_106 : memref<16x128xf32, #tpu.memory_space<vmem_shared>>)
      tpu.yield
    }) : () -> ()
    %add3A_79 = arith.constant 560 : i32
    %add3A_80 = arith.addi %mul3A_8, %add3A_79 : i32
    "tpu.region"() ({
      %run_scoped3A = tpu.sem_alloc : memref<!tpu.dma_semaphore, #tpu.memory_space<semaphore_mem>>
      %dma_start3A = arith.constant 0 : i32
      %dma_start3A_101 = tpu.memref_slice %arg7[%add3A_80, %dma_start3A] : memref<10000x128xf32, #tpu.memory_space<vmem_shared>> -> memref<16x128xf32, #tpu.memory_space<vmem_shared>>
      %dma_start3A_102 = arith.constant 0 : i32
      %dma_start3A_103 = tpu.memref_slice %arg7[%add3A_80, %dma_start3A_102] : memref<10000x128xf32, #tpu.memory_space<vmem_shared>> -> memref<16x128xf32, #tpu.memory_space<vmem_shared>>
      tpu.enqueue_dma source(%arg8 : memref<16x128xf32, #tpu.memory_space<vmem>>) target(%dma_start3A_103 : memref<16x128xf32, #tpu.memory_space<vmem_shared>>) target_semaphore(%run_scoped3A : memref<!tpu.dma_semaphore, #tpu.memory_space<semaphore_mem>>)
      %dma_wait3A = arith.constant 0 : i32
      %dma_wait3A_104 = tpu.memref_slice %arg7[%add3A_80, %dma_wait3A] : memref<10000x128xf32, #tpu.memory_space<vmem_shared>> -> memref<16x128xf32, #tpu.memory_space<vmem_shared>>
      %dma_wait3A_105 = arith.constant 0 : i32
      %dma_wait3A_106 = tpu.memref_slice %arg7[%add3A_80, %dma_wait3A_105] : memref<10000x128xf32, #tpu.memory_space<vmem_shared>> -> memref<16x128xf32, #tpu.memory_space<vmem_shared>>
      tpu.wait_dma2 semaphore(%run_scoped3A : memref<!tpu.dma_semaphore, #tpu.memory_space<semaphore_mem>>) src(%arg8 : memref<16x128xf32, #tpu.memory_space<vmem>>) dst(%dma_wait3A_106 : memref<16x128xf32, #tpu.memory_space<vmem_shared>>)
      tpu.yield
    }) : () -> ()
    %add3A_81 = arith.constant 576 : i32
    %add3A_82 = arith.addi %mul3A_8, %add3A_81 : i32
    "tpu.region"() ({
      %run_scoped3A = tpu.sem_alloc : memref<!tpu.dma_semaphore, #tpu.memory_space<semaphore_mem>>
      %dma_start3A = arith.constant 0 : i32
      %dma_start3A_101 = tpu.memref_slice %arg7[%add3A_82, %dma_start3A] : memref<10000x128xf32, #tpu.memory_space<vmem_shared>> -> memref<16x128xf32, #tpu.memory_space<vmem_shared>>
      %dma_start3A_102 = arith.constant 0 : i32
      %dma_start3A_103 = tpu.memref_slice %arg7[%add3A_82, %dma_start3A_102] : memref<10000x128xf32, #tpu.memory_space<vmem_shared>> -> memref<16x128xf32, #tpu.memory_space<vmem_shared>>
      tpu.enqueue_dma source(%arg8 : memref<16x128xf32, #tpu.memory_space<vmem>>) target(%dma_start3A_103 : memref<16x128xf32, #tpu.memory_space<vmem_shared>>) target_semaphore(%run_scoped3A : memref<!tpu.dma_semaphore, #tpu.memory_space<semaphore_mem>>)
      %dma_wait3A = arith.constant 0 : i32
      %dma_wait3A_104 = tpu.memref_slice %arg7[%add3A_82, %dma_wait3A] : memref<10000x128xf32, #tpu.memory_space<vmem_shared>> -> memref<16x128xf32, #tpu.memory_space<vmem_shared>>
      %dma_wait3A_105 = arith.constant 0 : i32
      %dma_wait3A_106 = tpu.memref_slice %arg7[%add3A_82, %dma_wait3A_105] : memref<10000x128xf32, #tpu.memory_space<vmem_shared>> -> memref<16x128xf32, #tpu.memory_space<vmem_shared>>
      tpu.wait_dma2 semaphore(%run_scoped3A : memref<!tpu.dma_semaphore, #tpu.memory_space<semaphore_mem>>) src(%arg8 : memref<16x128xf32, #tpu.memory_space<vmem>>) dst(%dma_wait3A_106 : memref<16x128xf32, #tpu.memory_space<vmem_shared>>)
      tpu.yield
    }) : () -> ()
    %add3A_83 = arith.constant 592 : i32
    %add3A_84 = arith.addi %mul3A_8, %add3A_83 : i32
    "tpu.region"() ({
      %run_scoped3A = tpu.sem_alloc : memref<!tpu.dma_semaphore, #tpu.memory_space<semaphore_mem>>
      %dma_start3A = arith.constant 0 : i32
      %dma_start3A_101 = tpu.memref_slice %arg7[%add3A_84, %dma_start3A] : memref<10000x128xf32, #tpu.memory_space<vmem_shared>> -> memref<16x128xf32, #tpu.memory_space<vmem_shared>>
      %dma_start3A_102 = arith.constant 0 : i32
      %dma_start3A_103 = tpu.memref_slice %arg7[%add3A_84, %dma_start3A_102] : memref<10000x128xf32, #tpu.memory_space<vmem_shared>> -> memref<16x128xf32, #tpu.memory_space<vmem_shared>>
      tpu.enqueue_dma source(%arg8 : memref<16x128xf32, #tpu.memory_space<vmem>>) target(%dma_start3A_103 : memref<16x128xf32, #tpu.memory_space<vmem_shared>>) target_semaphore(%run_scoped3A : memref<!tpu.dma_semaphore, #tpu.memory_space<semaphore_mem>>)
      %dma_wait3A = arith.constant 0 : i32
      %dma_wait3A_104 = tpu.memref_slice %arg7[%add3A_84, %dma_wait3A] : memref<10000x128xf32, #tpu.memory_space<vmem_shared>> -> memref<16x128xf32, #tpu.memory_space<vmem_shared>>
      %dma_wait3A_105 = arith.constant 0 : i32
      %dma_wait3A_106 = tpu.memref_slice %arg7[%add3A_84, %dma_wait3A_105] : memref<10000x128xf32, #tpu.memory_space<vmem_shared>> -> memref<16x128xf32, #tpu.memory_space<vmem_shared>>
      tpu.wait_dma2 semaphore(%run_scoped3A : memref<!tpu.dma_semaphore, #tpu.memory_space<semaphore_mem>>) src(%arg8 : memref<16x128xf32, #tpu.memory_space<vmem>>) dst(%dma_wait3A_106 : memref<16x128xf32, #tpu.memory_space<vmem_shared>>)
      tpu.yield
    }) : () -> ()
    %add3A_85 = arith.constant 608 : i32
    %add3A_86 = arith.addi %mul3A_8, %add3A_85 : i32
    "tpu.region"() ({
      %run_scoped3A = tpu.sem_alloc : memref<!tpu.dma_semaphore, #tpu.memory_space<semaphore_mem>>
      %dma_start3A = arith.constant 0 : i32
      %dma_start3A_101 = tpu.memref_slice %arg7[%add3A_86, %dma_start3A] : memref<10000x128xf32, #tpu.memory_space<vmem_shared>> -> memref<16x128xf32, #tpu.memory_space<vmem_shared>>
      %dma_start3A_102 = arith.constant 0 : i32
      %dma_start3A_103 = tpu.memref_slice %arg7[%add3A_86, %dma_start3A_102] : memref<10000x128xf32, #tpu.memory_space<vmem_shared>> -> memref<16x128xf32, #tpu.memory_space<vmem_shared>>
      tpu.enqueue_dma source(%arg8 : memref<16x128xf32, #tpu.memory_space<vmem>>) target(%dma_start3A_103 : memref<16x128xf32, #tpu.memory_space<vmem_shared>>) target_semaphore(%run_scoped3A : memref<!tpu.dma_semaphore, #tpu.memory_space<semaphore_mem>>)
      %dma_wait3A = arith.constant 0 : i32
      %dma_wait3A_104 = tpu.memref_slice %arg7[%add3A_86, %dma_wait3A] : memref<10000x128xf32, #tpu.memory_space<vmem_shared>> -> memref<16x128xf32, #tpu.memory_space<vmem_shared>>
      %dma_wait3A_105 = arith.constant 0 : i32
      %dma_wait3A_106 = tpu.memref_slice %arg7[%add3A_86, %dma_wait3A_105] : memref<10000x128xf32, #tpu.memory_space<vmem_shared>> -> memref<16x128xf32, #tpu.memory_space<vmem_shared>>
      tpu.wait_dma2 semaphore(%run_scoped3A : memref<!tpu.dma_semaphore, #tpu.memory_space<semaphore_mem>>) src(%arg8 : memref<16x128xf32, #tpu.memory_space<vmem>>) dst(%dma_wait3A_106 : memref<16x128xf32, #tpu.memory_space<vmem_shared>>)
      tpu.yield
    }) : () -> ()
    %eq3A = arith.constant 0 : i32
    %eq3A_87 = arith.cmpi eq, %arg1, %eq3A : i32
    %convert_element_type3A = arith.extui %eq3A_87 : i1 to i32
    %cond3A = arith.constant 0 : i32
    %cond3A_88 = arith.cmpi ne, %convert_element_type3A, %cond3A : i32
    scf.if %cond3A_88 {
      "tpu.region"() ({
        %run_scoped3A = tpu.sem_alloc : memref<!tpu.dma_semaphore, #tpu.memory_space<semaphore_mem>>
        %dma_start3A = arith.constant 9984 : i32
        %dma_start3A_101 = arith.constant 0 : i32
        %dma_start3A_102 = tpu.memref_slice %arg7[%dma_start3A, %dma_start3A_101] : memref<10000x128xf32, #tpu.memory_space<vmem_shared>> -> memref<16x128xf32, #tpu.memory_space<vmem_shared>>
        %dma_start3A_103 = arith.constant 9984 : i32
        %dma_start3A_104 = arith.constant 0 : i32
        %dma_start3A_105 = tpu.memref_slice %arg7[%dma_start3A_103, %dma_start3A_104] : memref<10000x128xf32, #tpu.memory_space<vmem_shared>> -> memref<16x128xf32, #tpu.memory_space<vmem_shared>>
        tpu.enqueue_dma source(%arg8 : memref<16x128xf32, #tpu.memory_space<vmem>>) target(%dma_start3A_105 : memref<16x128xf32, #tpu.memory_space<vmem_shared>>) target_semaphore(%run_scoped3A : memref<!tpu.dma_semaphore, #tpu.memory_space<semaphore_mem>>)
        %dma_wait3A = arith.constant 9984 : i32
        %dma_wait3A_106 = arith.constant 0 : i32
        %dma_wait3A_107 = tpu.memref_slice %arg7[%dma_wait3A, %dma_wait3A_106] : memref<10000x128xf32, #tpu.memory_space<vmem_shared>> -> memref<16x128xf32, #tpu.memory_space<vmem_shared>>
        %dma_wait3A_108 = arith.constant 9984 : i32
        %dma_wait3A_109 = arith.constant 0 : i32
        %dma_wait3A_110 = tpu.memref_slice %arg7[%dma_wait3A_108, %dma_wait3A_109] : memref<10000x128xf32, #tpu.memory_space<vmem_shared>> -> memref<16x128xf32, #tpu.memory_space<vmem_shared>>
        tpu.wait_dma2 semaphore(%run_scoped3A : memref<!tpu.dma_semaphore, #tpu.memory_space<semaphore_mem>>) src(%arg8 : memref<16x128xf32, #tpu.memory_space<vmem>>) dst(%dma_wait3A_110 : memref<16x128xf32, #tpu.memory_space<vmem_shared>>)
        tpu.yield
      }) : () -> ()
    } else {
    }
    %barrier3A = arith.constant 0 : index
    tpu.barrier barrier_id(%barrier3A)
    %scan3A_89 = arith.constant 0 : i32
    %scan3A_90 = arith.constant 0 : i32
    %scan3A_91 = arith.constant 5 : i32
    %scan3A_92 = arith.addi %scan3A_90, %scan3A_91 : i32
    %scan3A_93 = arith.constant 1 : i32
    scf.for %scan3A_101 = %scan3A_90 to %scan3A_92 step %scan3A_93  : i32 {
      %mul3A_102 = arith.constant 80 : i32
      %mul3A_103 = arith.muli %add3A, %mul3A_102 : i32
      %mul3A_104 = arith.constant 16 : i32
      %mul3A_105 = arith.muli %scan3A_101, %mul3A_104 : i32
      %add3A_106 = arith.addi %mul3A_103, %mul3A_105 : i32
      "tpu.region"() ({
        %run_scoped3A = tpu.sem_alloc : memref<!tpu.dma_semaphore, #tpu.memory_space<semaphore_mem>>
        %dma_start3A_141 = arith.constant 0 : i32
        %dma_start3A_142 = tpu.memref_slice %arg3[%add3A_106, %dma_start3A_141] : memref<2560x128xi32, #tpu.memory_space<hbm>> -> memref<16x128xi32, #tpu.memory_space<hbm>>
        %dma_start3A_143 = arith.constant 0 : i32
        %dma_start3A_144 = tpu.memref_slice %arg3[%add3A_106, %dma_start3A_143] : memref<2560x128xi32, #tpu.memory_space<hbm>> -> memref<16x128xi32, #tpu.memory_space<hbm>>
        tpu.enqueue_dma source(%dma_start3A_144 : memref<16x128xi32, #tpu.memory_space<hbm>>) target(%arg9 : memref<16x128xi32, #tpu.memory_space<vmem>>) target_semaphore(%run_scoped3A : memref<!tpu.dma_semaphore, #tpu.memory_space<semaphore_mem>>)
        %dma_wait3A_145 = arith.constant 0 : i32
        %dma_wait3A_146 = tpu.memref_slice %arg3[%add3A_106, %dma_wait3A_145] : memref<2560x128xi32, #tpu.memory_space<hbm>> -> memref<16x128xi32, #tpu.memory_space<hbm>>
        %dma_wait3A_147 = arith.constant 0 : i32
        %dma_wait3A_148 = tpu.memref_slice %arg3[%add3A_106, %dma_wait3A_147] : memref<2560x128xi32, #tpu.memory_space<hbm>> -> memref<16x128xi32, #tpu.memory_space<hbm>>
        tpu.wait_dma2 semaphore(%run_scoped3A : memref<!tpu.dma_semaphore, #tpu.memory_space<semaphore_mem>>) src(%dma_wait3A_148 : memref<16x128xi32, #tpu.memory_space<hbm>>) dst(%arg9 : memref<16x128xi32, #tpu.memory_space<vmem>>)
        tpu.yield
      }) : () -> ()
      "tpu.region"() ({
        %run_scoped3A = tpu.sem_alloc : memref<!tpu.dma_semaphore, #tpu.memory_space<semaphore_mem>>
        %dma_start3A_141 = arith.constant 0 : i32
        %dma_start3A_142 = tpu.memref_slice %arg4[%add3A_106, %dma_start3A_141] : memref<2560x128xi32, #tpu.memory_space<hbm>> -> memref<16x128xi32, #tpu.memory_space<hbm>>
        %dma_start3A_143 = arith.constant 0 : i32
        %dma_start3A_144 = tpu.memref_slice %arg4[%add3A_106, %dma_start3A_143] : memref<2560x128xi32, #tpu.memory_space<hbm>> -> memref<16x128xi32, #tpu.memory_space<hbm>>
        tpu.enqueue_dma source(%dma_start3A_144 : memref<16x128xi32, #tpu.memory_space<hbm>>) target(%arg10 : memref<16x128xi32, #tpu.memory_space<vmem>>) target_semaphore(%run_scoped3A : memref<!tpu.dma_semaphore, #tpu.memory_space<semaphore_mem>>)
        %dma_wait3A_145 = arith.constant 0 : i32
        %dma_wait3A_146 = tpu.memref_slice %arg4[%add3A_106, %dma_wait3A_145] : memref<2560x128xi32, #tpu.memory_space<hbm>> -> memref<16x128xi32, #tpu.memory_space<hbm>>
        %dma_wait3A_147 = arith.constant 0 : i32
        %dma_wait3A_148 = tpu.memref_slice %arg4[%add3A_106, %dma_wait3A_147] : memref<2560x128xi32, #tpu.memory_space<hbm>> -> memref<16x128xi32, #tpu.memory_space<hbm>>
        tpu.wait_dma2 semaphore(%run_scoped3A : memref<!tpu.dma_semaphore, #tpu.memory_space<semaphore_mem>>) src(%dma_wait3A_148 : memref<16x128xi32, #tpu.memory_space<hbm>>) dst(%arg10 : memref<16x128xi32, #tpu.memory_space<vmem>>)
        tpu.yield
      }) : () -> ()
      %mul3A_107 = arith.constant 128 : i32
      %mul3A_108 = arith.muli %add3A_106, %mul3A_107 : i32
      "tpu.region"() ({
        %run_scoped3A = tpu.sem_alloc : memref<!tpu.dma_semaphore, #tpu.memory_space<semaphore_mem>>
        %dma_start3A_141 = tpu.memref_slice %arg5[%mul3A_108] : memref<327680xf32, #tpu.memory_space<hbm>> -> memref<2048xf32, #tpu.memory_space<hbm>>
        %dma_start3A_142 = tpu.memref_slice %arg5[%mul3A_108] : memref<327680xf32, #tpu.memory_space<hbm>> -> memref<2048xf32, #tpu.memory_space<hbm>>
        tpu.enqueue_dma source(%dma_start3A_142 : memref<2048xf32, #tpu.memory_space<hbm>>) target(%arg11 : memref<2048xf32, #tpu.memory_space<vmem>>) target_semaphore(%run_scoped3A : memref<!tpu.dma_semaphore, #tpu.memory_space<semaphore_mem>>)
        %dma_wait3A_143 = tpu.memref_slice %arg5[%mul3A_108] : memref<327680xf32, #tpu.memory_space<hbm>> -> memref<2048xf32, #tpu.memory_space<hbm>>
        %dma_wait3A_144 = tpu.memref_slice %arg5[%mul3A_108] : memref<327680xf32, #tpu.memory_space<hbm>> -> memref<2048xf32, #tpu.memory_space<hbm>>
        tpu.wait_dma2 semaphore(%run_scoped3A : memref<!tpu.dma_semaphore, #tpu.memory_space<semaphore_mem>>) src(%dma_wait3A_144 : memref<2048xf32, #tpu.memory_space<hbm>>) dst(%arg11 : memref<2048xf32, #tpu.memory_space<vmem>>)
        tpu.yield
      }) : () -> ()
      %dma_start3A = arith.constant 0 : i32
      %dma_start3A_109 = arith.constant 0 : i32
      %dma_start3A_110 = tpu.memref_slice %arg9[%dma_start3A, %dma_start3A_109] : memref<16x128xi32, #tpu.memory_space<vmem>> -> memref<1x128xi32, #tpu.memory_space<vmem>>
      %dma_start3A_111 = tpu.memref_squeeze %dma_start3A_110 : memref<1x128xi32, #tpu.memory_space<vmem>> -> memref<128xi32, #tpu.memory_space<vmem>>
      %dma_start3A_112 = arith.constant 0 : i32
      %dma_start3A_113 = arith.constant 0 : i32
      %dma_start3A_114 = tpu.memref_slice %arg2[%dma_start3A_112, %dma_start3A_113] : memref<10000x128xf32, #tpu.memory_space<hbm>> -> memref<10000x128xf32, #tpu.memory_space<hbm>>
      tpu.enqueue_indirect_dma source(%dma_start3A_114 : memref<10000x128xf32, #tpu.memory_space<hbm>>) target(%arg12 : memref<128x128xf32, #tpu.memory_space<vmem>>) offsets(%dma_start3A_111 : memref<128xi32, #tpu.memory_space<vmem>>) semaphore(%arg14 : memref<!tpu.dma_semaphore, #tpu.memory_space<semaphore_mem>>)
      %dma_start3A_115 = arith.constant 1 : i32
      %dma_start3A_116 = arith.constant 0 : i32
      %dma_start3A_117 = tpu.memref_slice %arg9[%dma_start3A_115, %dma_start3A_116] : memref<16x128xi32, #tpu.memory_space<vmem>> -> memref<1x128xi32, #tpu.memory_space<vmem>>
      %dma_start3A_118 = tpu.memref_squeeze %dma_start3A_117 : memref<1x128xi32, #tpu.memory_space<vmem>> -> memref<128xi32, #tpu.memory_space<vmem>>
      %dma_start3A_119 = arith.constant 0 : i32
      %dma_start3A_120 = arith.constant 0 : i32
      %dma_start3A_121 = tpu.memref_slice %arg2[%dma_start3A_119, %dma_start3A_120] : memref<10000x128xf32, #tpu.memory_space<hbm>> -> memref<10000x128xf32, #tpu.memory_space<hbm>>
      tpu.enqueue_indirect_dma source(%dma_start3A_121 : memref<10000x128xf32, #tpu.memory_space<hbm>>) target(%arg13 : memref<128x128xf32, #tpu.memory_space<vmem>>) offsets(%dma_start3A_118 : memref<128xi32, #tpu.memory_space<vmem>>) semaphore(%arg15 : memref<!tpu.dma_semaphore, #tpu.memory_space<semaphore_mem>>)
      %scan3A_122 = arith.constant 0 : i32
      %scan3A_123 = arith.constant 0 : i32
      %scan3A_124 = arith.constant 8 : i32
      %scan3A_125 = arith.addi %scan3A_123, %scan3A_124 : i32
      %scan3A_126 = arith.constant 1 : i32
      scf.for %scan3A_141 = %scan3A_123 to %scan3A_125 step %scan3A_126  : i32 {
        %mul3A_142 = arith.constant 2 : i32
        %mul3A_143 = arith.muli %mul3A_142, %scan3A_141 : i32
        %mul3A_144 = arith.constant 2 : i32
        %mul3A_145 = arith.muli %mul3A_144, %scan3A_141 : i32
        %add3A_146 = arith.constant 1 : i32
        %add3A_147 = arith.addi %mul3A_145, %add3A_146 : i32
        %dma_wait3A_148 = arith.constant 0 : i32
        %dma_wait3A_149 = arith.constant 0 : i32
        %dma_wait3A_150 = tpu.memref_slice %arg9[%dma_wait3A_148, %dma_wait3A_149] : memref<16x128xi32, #tpu.memory_space<vmem>> -> memref<1x128xi32, #tpu.memory_space<vmem>>
        %dma_wait3A_151 = tpu.memref_squeeze %dma_wait3A_150 : memref<1x128xi32, #tpu.memory_space<vmem>> -> memref<128xi32, #tpu.memory_space<vmem>>
        %dma_wait3A_152 = arith.constant 0 : i32
        %dma_wait3A_153 = arith.constant 0 : i32
        %dma_wait3A_154 = tpu.memref_slice %arg2[%dma_wait3A_152, %dma_wait3A_153] : memref<10000x128xf32, #tpu.memory_space<hbm>> -> memref<10000x128xf32, #tpu.memory_space<hbm>>
        tpu.wait_indirect_dma semaphore(%arg14 : memref<!tpu.dma_semaphore, #tpu.memory_space<semaphore_mem>>) src(%dma_wait3A_154 : memref<10000x128xf32, #tpu.memory_space<hbm>>) dst(%arg12 : memref<128x128xf32, #tpu.memory_space<vmem>>)
        %scan3A_155 = arith.constant 0 : i32
        %scan3A_156 = arith.constant 0 : i32
        %scan3A_157 = arith.constant 8 : i32
        %scan3A_158 = arith.addi %scan3A_156, %scan3A_157 : i32
        %scan3A_159 = arith.constant 1 : i32
        scf.for %scan3A_190 = %scan3A_156 to %scan3A_158 step %scan3A_159  : i32 {
          %mul3A_191 = arith.constant 128 : i32
          %mul3A_192 = arith.muli %mul3A_143, %mul3A_191 : i32
          %mul3A_193 = arith.constant 16 : i32
          %mul3A_194 = arith.muli %scan3A_190, %mul3A_193 : i32
          %add3A_195 = arith.addi %mul3A_192, %mul3A_194 : i32
          %get3A = arith.index_cast %add3A_195 : i32 to index
          %get3A_196 = tpu.vector_load %arg11[%get3A] {strides = array<i32>} : memref<2048xf32, #tpu.memory_space<vmem>>, vector<16xf32>,
          %get3A_197 = vector.shape_cast %get3A_196 : vector<16xf32> to vector<16xf32>
          %broadcast_in_dim3A_198 = arith.constant 0 : i32
          %broadcast_in_dim3A_199 = vector.broadcast %broadcast_in_dim3A_198 : i32 to vector<16xi32>
          %lt3A_200 = arith.constant 0 : i32
          %lt3A_201 = vector.broadcast %lt3A_200 : i32 to vector<16xi32>
          %lt3A_202 = arith.cmpi slt, %broadcast_in_dim3A_199, %lt3A_201 : vector<16xi32>
          %add3A_203 = arith.constant 16 : i32
          %add3A_204 = vector.broadcast %add3A_203 : i32 to vector<16xi32>
          %add3A_205 = arith.addi %broadcast_in_dim3A_199, %add3A_204 : vector<16xi32>
          %select_n3A = arith.select %lt3A_202, %add3A_205, %broadcast_in_dim3A_199 : vector<16xi1>, vector<16xi32>
          %broadcast_in_dim3A_206 = vector.shape_cast %select_n3A : vector<16xi32> to vector<16x1xi32>
          %gather3A = vector.shape_cast %broadcast_in_dim3A_206 : vector<16x1xi32> to vector<16xi32>
          %gather3A_207 = tpu.dynamic_gather %get3A_197[%gather3A] in [0] : vector<16xf32>, vector<16xi32> -> vector<16xf32>
          %mul3A_208 = arith.constant 16 : i32
          %mul3A_209 = arith.muli %scan3A_190, %mul3A_208 : i32
          %add3A_210 = arith.constant 0 : i32
          %add3A_211 = arith.addi %mul3A_209, %add3A_210 : i32
          %get3A_212 = arith.index_cast %add3A_211 : i32 to index
          %get3A_213 = arith.constant 0 : index
          %get3A_214 = tpu.vector_load %arg12[%get3A_212, %get3A_213] {strides = array<i32>} : memref<128x128xf32, #tpu.memory_space<vmem>>, vector<1x16xf32>,
          %get3A_215 = vector.shape_cast %get3A_214 : vector<1x16xf32> to vector<16xf32>
          %mul3A_216 = arith.mulf %get3A_215, %gather3A_207 : vector<16xf32>
          %swap3A = arith.index_cast %add3A_211 : i32 to index
          %swap3A_217 = arith.constant 0 : index
          %swap3A_218 = tpu.vector_load %arg12[%swap3A, %swap3A_217] {strides = array<i32>} : memref<128x128xf32, #tpu.memory_space<vmem>>, vector<1x16xf32>,
          %swap3A_219 = vector.shape_cast %swap3A_218 : vector<1x16xf32> to vector<16xf32>
          %swap3A_220 = vector.shape_cast %mul3A_216 : vector<16xf32> to vector<1x16xf32>
          tpu.vector_store %arg12[%swap3A, %swap3A_217], %swap3A_220 {strides = array<i32>} : memref<128x128xf32, #tpu.memory_space<vmem>>, vector<1x16xf32>,
          %get3A_221 = arith.index_cast %add3A_211 : i32 to index
          %get3A_222 = arith.constant 16 : index
          %get3A_223 = tpu.vector_load %arg12[%get3A_221, %get3A_222] {strides = array<i32>} : memref<128x128xf32, #tpu.memory_space<vmem>>, vector<1x16xf32>,
          %get3A_224 = vector.shape_cast %get3A_223 : vector<1x16xf32> to vector<16xf32>
          %mul3A_225 = arith.mulf %get3A_224, %gather3A_207 : vector<16xf32>
          %swap3A_226 = arith.index_cast %add3A_211 : i32 to index
          %swap3A_227 = arith.constant 16 : index
          %swap3A_228 = tpu.vector_load %arg12[%swap3A_226, %swap3A_227] {strides = array<i32>} : memref<128x128xf32, #tpu.memory_space<vmem>>, vector<1x16xf32>,
          %swap3A_229 = vector.shape_cast %swap3A_228 : vector<1x16xf32> to vector<16xf32>
          %swap3A_230 = vector.shape_cast %mul3A_225 : vector<16xf32> to vector<1x16xf32>
          tpu.vector_store %arg12[%swap3A_226, %swap3A_227], %swap3A_230 {strides = array<i32>} : memref<128x128xf32, #tpu.memory_space<vmem>>, vector<1x16xf32>,
          %get3A_231 = arith.index_cast %add3A_211 : i32 to index
          %get3A_232 = arith.constant 32 : index
          %get3A_233 = tpu.vector_load %arg12[%get3A_231, %get3A_232] {strides = array<i32>} : memref<128x128xf32, #tpu.memory_space<vmem>>, vector<1x16xf32>,
          %get3A_234 = vector.shape_cast %get3A_233 : vector<1x16xf32> to vector<16xf32>
          %mul3A_235 = arith.mulf %get3A_234, %gather3A_207 : vector<16xf32>
          %swap3A_236 = arith.index_cast %add3A_211 : i32 to index
          %swap3A_237 = arith.constant 32 : index
          %swap3A_238 = tpu.vector_load %arg12[%swap3A_236, %swap3A_237] {strides = array<i32>} : memref<128x128xf32, #tpu.memory_space<vmem>>, vector<1x16xf32>,
          %swap3A_239 = vector.shape_cast %swap3A_238 : vector<1x16xf32> to vector<16xf32>
          %swap3A_240 = vector.shape_cast %mul3A_235 : vector<16xf32> to vector<1x16xf32>
          tpu.vector_store %arg12[%swap3A_236, %swap3A_237], %swap3A_240 {strides = array<i32>} : memref<128x128xf32, #tpu.memory_space<vmem>>, vector<1x16xf32>,
          %get3A_241 = arith.index_cast %add3A_211 : i32 to index
          %get3A_242 = arith.constant 48 : index
          %get3A_243 = tpu.vector_load %arg12[%get3A_241, %get3A_242] {strides = array<i32>} : memref<128x128xf32, #tpu.memory_space<vmem>>, vector<1x16xf32>,
          %get3A_244 = vector.shape_cast %get3A_243 : vector<1x16xf32> to vector<16xf32>
          %mul3A_245 = arith.mulf %get3A_244, %gather3A_207 : vector<16xf32>
          %swap3A_246 = arith.index_cast %add3A_211 : i32 to index
          %swap3A_247 = arith.constant 48 : index
          %swap3A_248 = tpu.vector_load %arg12[%swap3A_246, %swap3A_247] {strides = array<i32>} : memref<128x128xf32, #tpu.memory_space<vmem>>, vector<1x16xf32>,
          %swap3A_249 = vector.shape_cast %swap3A_248 : vector<1x16xf32> to vector<16xf32>
          %swap3A_250 = vector.shape_cast %mul3A_245 : vector<16xf32> to vector<1x16xf32>
          tpu.vector_store %arg12[%swap3A_246, %swap3A_247], %swap3A_250 {strides = array<i32>} : memref<128x128xf32, #tpu.memory_space<vmem>>, vector<1x16xf32>,
          %get3A_251 = arith.index_cast %add3A_211 : i32 to index
          %get3A_252 = arith.constant 64 : index
          %get3A_253 = tpu.vector_load %arg12[%get3A_251, %get3A_252] {strides = array<i32>} : memref<128x128xf32, #tpu.memory_space<vmem>>, vector<1x16xf32>,
          %get3A_254 = vector.shape_cast %get3A_253 : vector<1x16xf32> to vector<16xf32>
          %mul3A_255 = arith.mulf %get3A_254, %gather3A_207 : vector<16xf32>
          %swap3A_256 = arith.index_cast %add3A_211 : i32 to index
          %swap3A_257 = arith.constant 64 : index
          %swap3A_258 = tpu.vector_load %arg12[%swap3A_256, %swap3A_257] {strides = array<i32>} : memref<128x128xf32, #tpu.memory_space<vmem>>, vector<1x16xf32>,
          %swap3A_259 = vector.shape_cast %swap3A_258 : vector<1x16xf32> to vector<16xf32>
          %swap3A_260 = vector.shape_cast %mul3A_255 : vector<16xf32> to vector<1x16xf32>
          tpu.vector_store %arg12[%swap3A_256, %swap3A_257], %swap3A_260 {strides = array<i32>} : memref<128x128xf32, #tpu.memory_space<vmem>>, vector<1x16xf32>,
          %get3A_261 = arith.index_cast %add3A_211 : i32 to index
          %get3A_262 = arith.constant 80 : index
          %get3A_263 = tpu.vector_load %arg12[%get3A_261, %get3A_262] {strides = array<i32>} : memref<128x128xf32, #tpu.memory_space<vmem>>, vector<1x16xf32>,
          %get3A_264 = vector.shape_cast %get3A_263 : vector<1x16xf32> to vector<16xf32>
          %mul3A_265 = arith.mulf %get3A_264, %gather3A_207 : vector<16xf32>
          %swap3A_266 = arith.index_cast %add3A_211 : i32 to index
          %swap3A_267 = arith.constant 80 : index
          %swap3A_268 = tpu.vector_load %arg12[%swap3A_266, %swap3A_267] {strides = array<i32>} : memref<128x128xf32, #tpu.memory_space<vmem>>, vector<1x16xf32>,
          %swap3A_269 = vector.shape_cast %swap3A_268 : vector<1x16xf32> to vector<16xf32>
          %swap3A_270 = vector.shape_cast %mul3A_265 : vector<16xf32> to vector<1x16xf32>
          tpu.vector_store %arg12[%swap3A_266, %swap3A_267], %swap3A_270 {strides = array<i32>} : memref<128x128xf32, #tpu.memory_space<vmem>>, vector<1x16xf32>,
          %get3A_271 = arith.index_cast %add3A_211 : i32 to index
          %get3A_272 = arith.constant 96 : index
          %get3A_273 = tpu.vector_load %arg12[%get3A_271, %get3A_272] {strides = array<i32>} : memref<128x128xf32, #tpu.memory_space<vmem>>, vector<1x16xf32>,
          %get3A_274 = vector.shape_cast %get3A_273 : vector<1x16xf32> to vector<16xf32>
          %mul3A_275 = arith.mulf %get3A_274, %gather3A_207 : vector<16xf32>
          %swap3A_276 = arith.index_cast %add3A_211 : i32 to index
          %swap3A_277 = arith.constant 96 : index
          %swap3A_278 = tpu.vector_load %arg12[%swap3A_276, %swap3A_277] {strides = array<i32>} : memref<128x128xf32, #tpu.memory_space<vmem>>, vector<1x16xf32>,
          %swap3A_279 = vector.shape_cast %swap3A_278 : vector<1x16xf32> to vector<16xf32>
          %swap3A_280 = vector.shape_cast %mul3A_275 : vector<16xf32> to vector<1x16xf32>
          tpu.vector_store %arg12[%swap3A_276, %swap3A_277], %swap3A_280 {strides = array<i32>} : memref<128x128xf32, #tpu.memory_space<vmem>>, vector<1x16xf32>,
          %get3A_281 = arith.index_cast %add3A_211 : i32 to index
          %get3A_282 = arith.constant 112 : index
          %get3A_283 = tpu.vector_load %arg12[%get3A_281, %get3A_282] {strides = array<i32>} : memref<128x128xf32, #tpu.memory_space<vmem>>, vector<1x16xf32>,
          %get3A_284 = vector.shape_cast %get3A_283 : vector<1x16xf32> to vector<16xf32>
          %mul3A_285 = arith.mulf %get3A_284, %gather3A_207 : vector<16xf32>
          %swap3A_286 = arith.index_cast %add3A_211 : i32 to index
          %swap3A_287 = arith.constant 112 : index
          %swap3A_288 = tpu.vector_load %arg12[%swap3A_286, %swap3A_287] {strides = array<i32>} : memref<128x128xf32, #tpu.memory_space<vmem>>, vector<1x16xf32>,
          %swap3A_289 = vector.shape_cast %swap3A_288 : vector<1x16xf32> to vector<16xf32>
          %swap3A_290 = vector.shape_cast %mul3A_285 : vector<16xf32> to vector<1x16xf32>
          tpu.vector_store %arg12[%swap3A_286, %swap3A_287], %swap3A_290 {strides = array<i32>} : memref<128x128xf32, #tpu.memory_space<vmem>>, vector<1x16xf32>,
          %broadcast_in_dim3A_291 = arith.constant 1 : i32
          %broadcast_in_dim3A_292 = vector.broadcast %broadcast_in_dim3A_291 : i32 to vector<16xi32>
          %lt3A_293 = arith.constant 0 : i32
          %lt3A_294 = vector.broadcast %lt3A_293 : i32 to vector<16xi32>
          %lt3A_295 = arith.cmpi slt, %broadcast_in_dim3A_292, %lt3A_294 : vector<16xi32>
          %add3A_296 = arith.constant 16 : i32
          %add3A_297 = vector.broadcast %add3A_296 : i32 to vector<16xi32>
          %add3A_298 = arith.addi %broadcast_in_dim3A_292, %add3A_297 : vector<16xi32>
          %select_n3A_299 = arith.select %lt3A_295, %add3A_298, %broadcast_in_dim3A_292 : vector<16xi1>, vector<16xi32>
          %broadcast_in_dim3A_300 = vector.shape_cast %select_n3A_299 : vector<16xi32> to vector<16x1xi32>
          %gather3A_301 = vector.shape_cast %broadcast_in_dim3A_300 : vector<16x1xi32> to vector<16xi32>
          %gather3A_302 = tpu.dynamic_gather %get3A_197[%gather3A_301] in [0] : vector<16xf32>, vector<16xi32> -> vector<16xf32>
          %mul3A_303 = arith.constant 16 : i32
          %mul3A_304 = arith.muli %scan3A_190, %mul3A_303 : i32
          %add3A_305 = arith.constant 1 : i32
          %add3A_306 = arith.addi %mul3A_304, %add3A_305 : i32
          %get3A_307 = arith.index_cast %add3A_306 : i32 to index
          %get3A_308 = arith.constant 0 : index
          %get3A_309 = tpu.vector_load %arg12[%get3A_307, %get3A_308] {strides = array<i32>} : memref<128x128xf32, #tpu.memory_space<vmem>>, vector<1x16xf32>,
          %get3A_310 = vector.shape_cast %get3A_309 : vector<1x16xf32> to vector<16xf32>
          %mul3A_311 = arith.mulf %get3A_310, %gather3A_302 : vector<16xf32>
          %swap3A_312 = arith.index_cast %add3A_306 : i32 to index
          %swap3A_313 = arith.constant 0 : index
          %swap3A_314 = tpu.vector_load %arg12[%swap3A_312, %swap3A_313] {strides = array<i32>} : memref<128x128xf32, #tpu.memory_space<vmem>>, vector<1x16xf32>,
          %swap3A_315 = vector.shape_cast %swap3A_314 : vector<1x16xf32> to vector<16xf32>
          %swap3A_316 = vector.shape_cast %mul3A_311 : vector<16xf32> to vector<1x16xf32>
          tpu.vector_store %arg12[%swap3A_312, %swap3A_313], %swap3A_316 {strides = array<i32>} : memref<128x128xf32, #tpu.memory_space<vmem>>, vector<1x16xf32>,
          %get3A_317 = arith.index_cast %add3A_306 : i32 to index
          %get3A_318 = arith.constant 16 : index
          %get3A_319 = tpu.vector_load %arg12[%get3A_317, %get3A_318] {strides = array<i32>} : memref<128x128xf32, #tpu.memory_space<vmem>>, vector<1x16xf32>,
          %get3A_320 = vector.shape_cast %get3A_319 : vector<1x16xf32> to vector<16xf32>
          %mul3A_321 = arith.mulf %get3A_320, %gather3A_302 : vector<16xf32>
          %swap3A_322 = arith.index_cast %add3A_306 : i32 to index
          %swap3A_323 = arith.constant 16 : index
          %swap3A_324 = tpu.vector_load %arg12[%swap3A_322, %swap3A_323] {strides = array<i32>} : memref<128x128xf32, #tpu.memory_space<vmem>>, vector<1x16xf32>,
          %swap3A_325 = vector.shape_cast %swap3A_324 : vector<1x16xf32> to vector<16xf32>
          %swap3A_326 = vector.shape_cast %mul3A_321 : vector<16xf32> to vector<1x16xf32>
          tpu.vector_store %arg12[%swap3A_322, %swap3A_323], %swap3A_326 {strides = array<i32>} : memref<128x128xf32, #tpu.memory_space<vmem>>, vector<1x16xf32>,
          %get3A_327 = arith.index_cast %add3A_306 : i32 to index
          %get3A_328 = arith.constant 32 : index
          %get3A_329 = tpu.vector_load %arg12[%get3A_327, %get3A_328] {strides = array<i32>} : memref<128x128xf32, #tpu.memory_space<vmem>>, vector<1x16xf32>,
          %get3A_330 = vector.shape_cast %get3A_329 : vector<1x16xf32> to vector<16xf32>
          %mul3A_331 = arith.mulf %get3A_330, %gather3A_302 : vector<16xf32>
          %swap3A_332 = arith.index_cast %add3A_306 : i32 to index
          %swap3A_333 = arith.constant 32 : index
          %swap3A_334 = tpu.vector_load %arg12[%swap3A_332, %swap3A_333] {strides = array<i32>} : memref<128x128xf32, #tpu.memory_space<vmem>>, vector<1x16xf32>,
          %swap3A_335 = vector.shape_cast %swap3A_334 : vector<1x16xf32> to vector<16xf32>
          %swap3A_336 = vector.shape_cast %mul3A_331 : vector<16xf32> to vector<1x16xf32>
          tpu.vector_store %arg12[%swap3A_332, %swap3A_333], %swap3A_336 {strides = array<i32>} : memref<128x128xf32, #tpu.memory_space<vmem>>, vector<1x16xf32>,
          %get3A_337 = arith.index_cast %add3A_306 : i32 to index
          %get3A_338 = arith.constant 48 : index
          %get3A_339 = tpu.vector_load %arg12[%get3A_337, %get3A_338] {strides = array<i32>} : memref<128x128xf32, #tpu.memory_space<vmem>>, vector<1x16xf32>,
          %get3A_340 = vector.shape_cast %get3A_339 : vector<1x16xf32> to vector<16xf32>
          %mul3A_341 = arith.mulf %get3A_340, %gather3A_302 : vector<16xf32>
          %swap3A_342 = arith.index_cast %add3A_306 : i32 to index
          %swap3A_343 = arith.constant 48 : index
          %swap3A_344 = tpu.vector_load %arg12[%swap3A_342, %swap3A_343] {strides = array<i32>} : memref<128x128xf32, #tpu.memory_space<vmem>>, vector<1x16xf32>,
          %swap3A_345 = vector.shape_cast %swap3A_344 : vector<1x16xf32> to vector<16xf32>
          %swap3A_346 = vector.shape_cast %mul3A_341 : vector<16xf32> to vector<1x16xf32>
          tpu.vector_store %arg12[%swap3A_342, %swap3A_343], %swap3A_346 {strides = array<i32>} : memref<128x128xf32, #tpu.memory_space<vmem>>, vector<1x16xf32>,
          %get3A_347 = arith.index_cast %add3A_306 : i32 to index
          %get3A_348 = arith.constant 64 : index
          %get3A_349 = tpu.vector_load %arg12[%get3A_347, %get3A_348] {strides = array<i32>} : memref<128x128xf32, #tpu.memory_space<vmem>>, vector<1x16xf32>,
          %get3A_350 = vector.shape_cast %get3A_349 : vector<1x16xf32> to vector<16xf32>
          %mul3A_351 = arith.mulf %get3A_350, %gather3A_302 : vector<16xf32>
          %swap3A_352 = arith.index_cast %add3A_306 : i32 to index
          %swap3A_353 = arith.constant 64 : index
          %swap3A_354 = tpu.vector_load %arg12[%swap3A_352, %swap3A_353] {strides = array<i32>} : memref<128x128xf32, #tpu.memory_space<vmem>>, vector<1x16xf32>,
          %swap3A_355 = vector.shape_cast %swap3A_354 : vector<1x16xf32> to vector<16xf32>
          %swap3A_356 = vector.shape_cast %mul3A_351 : vector<16xf32> to vector<1x16xf32>
          tpu.vector_store %arg12[%swap3A_352, %swap3A_353], %swap3A_356 {strides = array<i32>} : memref<128x128xf32, #tpu.memory_space<vmem>>, vector<1x16xf32>,
          %get3A_357 = arith.index_cast %add3A_306 : i32 to index
          %get3A_358 = arith.constant 80 : index
          %get3A_359 = tpu.vector_load %arg12[%get3A_357, %get3A_358] {strides = array<i32>} : memref<128x128xf32, #tpu.memory_space<vmem>>, vector<1x16xf32>,
          %get3A_360 = vector.shape_cast %get3A_359 : vector<1x16xf32> to vector<16xf32>
          %mul3A_361 = arith.mulf %get3A_360, %gather3A_302 : vector<16xf32>
          %swap3A_362 = arith.index_cast %add3A_306 : i32 to index
          %swap3A_363 = arith.constant 80 : index
          %swap3A_364 = tpu.vector_load %arg12[%swap3A_362, %swap3A_363] {strides = array<i32>} : memref<128x128xf32, #tpu.memory_space<vmem>>, vector<1x16xf32>,
          %swap3A_365 = vector.shape_cast %swap3A_364 : vector<1x16xf32> to vector<16xf32>
          %swap3A_366 = vector.shape_cast %mul3A_361 : vector<16xf32> to vector<1x16xf32>
          tpu.vector_store %arg12[%swap3A_362, %swap3A_363], %swap3A_366 {strides = array<i32>} : memref<128x128xf32, #tpu.memory_space<vmem>>, vector<1x16xf32>,
          %get3A_367 = arith.index_cast %add3A_306 : i32 to index
          %get3A_368 = arith.constant 96 : index
          %get3A_369 = tpu.vector_load %arg12[%get3A_367, %get3A_368] {strides = array<i32>} : memref<128x128xf32, #tpu.memory_space<vmem>>, vector<1x16xf32>,
          %get3A_370 = vector.shape_cast %get3A_369 : vector<1x16xf32> to vector<16xf32>
          %mul3A_371 = arith.mulf %get3A_370, %gather3A_302 : vector<16xf32>
          %swap3A_372 = arith.index_cast %add3A_306 : i32 to index
          %swap3A_373 = arith.constant 96 : index
          %swap3A_374 = tpu.vector_load %arg12[%swap3A_372, %swap3A_373] {strides = array<i32>} : memref<128x128xf32, #tpu.memory_space<vmem>>, vector<1x16xf32>,
          %swap3A_375 = vector.shape_cast %swap3A_374 : vector<1x16xf32> to vector<16xf32>
          %swap3A_376 = vector.shape_cast %mul3A_371 : vector<16xf32> to vector<1x16xf32>
          tpu.vector_store %arg12[%swap3A_372, %swap3A_373], %swap3A_376 {strides = array<i32>} : memref<128x128xf32, #tpu.memory_space<vmem>>, vector<1x16xf32>,
          %get3A_377 = arith.index_cast %add3A_306 : i32 to index
          %get3A_378 = arith.constant 112 : index
          %get3A_379 = tpu.vector_load %arg12[%get3A_377, %get3A_378] {strides = array<i32>} : memref<128x128xf32, #tpu.memory_space<vmem>>, vector<1x16xf32>,
          %get3A_380 = vector.shape_cast %get3A_379 : vector<1x16xf32> to vector<16xf32>
          %mul3A_381 = arith.mulf %get3A_380, %gather3A_302 : vector<16xf32>
          %swap3A_382 = arith.index_cast %add3A_306 : i32 to index
          %swap3A_383 = arith.constant 112 : index
          %swap3A_384 = tpu.vector_load %arg12[%swap3A_382, %swap3A_383] {strides = array<i32>} : memref<128x128xf32, #tpu.memory_space<vmem>>, vector<1x16xf32>,
          %swap3A_385 = vector.shape_cast %swap3A_384 : vector<1x16xf32> to vector<16xf32>
          %swap3A_386 = vector.shape_cast %mul3A_381 : vector<16xf32> to vector<1x16xf32>
          tpu.vector_store %arg12[%swap3A_382, %swap3A_383], %swap3A_386 {strides = array<i32>} : memref<128x128xf32, #tpu.memory_space<vmem>>, vector<1x16xf32>,
          %broadcast_in_dim3A_387 = arith.constant 2 : i32
          %broadcast_in_dim3A_388 = vector.broadcast %broadcast_in_dim3A_387 : i32 to vector<16xi32>
          %lt3A_389 = arith.constant 0 : i32
          %lt3A_390 = vector.broadcast %lt3A_389 : i32 to vector<16xi32>
          %lt3A_391 = arith.cmpi slt, %broadcast_in_dim3A_388, %lt3A_390 : vector<16xi32>
          %add3A_392 = arith.constant 16 : i32
          %add3A_393 = vector.broadcast %add3A_392 : i32 to vector<16xi32>
          %add3A_394 = arith.addi %broadcast_in_dim3A_388, %add3A_393 : vector<16xi32>
          %select_n3A_395 = arith.select %lt3A_391, %add3A_394, %broadcast_in_dim3A_388 : vector<16xi1>, vector<16xi32>
          %broadcast_in_dim3A_396 = vector.shape_cast %select_n3A_395 : vector<16xi32> to vector<16x1xi32>
          %gather3A_397 = vector.shape_cast %broadcast_in_dim3A_396 : vector<16x1xi32> to vector<16xi32>
          %gather3A_398 = tpu.dynamic_gather %get3A_197[%gather3A_397] in [0] : vector<16xf32>, vector<16xi32> -> vector<16xf32>
          %mul3A_399 = arith.constant 16 : i32
          %mul3A_400 = arith.muli %scan3A_190, %mul3A_399 : i32
          %add3A_401 = arith.constant 2 : i32
          %add3A_402 = arith.addi %mul3A_400, %add3A_401 : i32
          %get3A_403 = arith.index_cast %add3A_402 : i32 to index
          %get3A_404 = arith.constant 0 : index
          %get3A_405 = tpu.vector_load %arg12[%get3A_403, %get3A_404] {strides = array<i32>} : memref<128x128xf32, #tpu.memory_space<vmem>>, vector<1x16xf32>,
          %get3A_406 = vector.shape_cast %get3A_405 : vector<1x16xf32> to vector<16xf32>
          %mul3A_407 = arith.mulf %get3A_406, %gather3A_398 : vector<16xf32>
          %swap3A_408 = arith.index_cast %add3A_402 : i32 to index
          %swap3A_409 = arith.constant 0 : index
          %swap3A_410 = tpu.vector_load %arg12[%swap3A_408, %swap3A_409] {strides = array<i32>} : memref<128x128xf32, #tpu.memory_space<vmem>>, vector<1x16xf32>,
          %swap3A_411 = vector.shape_cast %swap3A_410 : vector<1x16xf32> to vector<16xf32>
          %swap3A_412 = vector.shape_cast %mul3A_407 : vector<16xf32> to vector<1x16xf32>
          tpu.vector_store %arg12[%swap3A_408, %swap3A_409], %swap3A_412 {strides = array<i32>} : memref<128x128xf32, #tpu.memory_space<vmem>>, vector<1x16xf32>,
          %get3A_413 = arith.index_cast %add3A_402 : i32 to index
          %get3A_414 = arith.constant 16 : index
          %get3A_415 = tpu.vector_load %arg12[%get3A_413, %get3A_414] {strides = array<i32>} : memref<128x128xf32, #tpu.memory_space<vmem>>, vector<1x16xf32>,
          %get3A_416 = vector.shape_cast %get3A_415 : vector<1x16xf32> to vector<16xf32>
          %mul3A_417 = arith.mulf %get3A_416, %gather3A_398 : vector<16xf32>
          %swap3A_418 = arith.index_cast %add3A_402 : i32 to index
          %swap3A_419 = arith.constant 16 : index
          %swap3A_420 = tpu.vector_load %arg12[%swap3A_418, %swap3A_419] {strides = array<i32>} : memref<128x128xf32, #tpu.memory_space<vmem>>, vector<1x16xf32>,
          %swap3A_421 = vector.shape_cast %swap3A_420 : vector<1x16xf32> to vector<16xf32>
          %swap3A_422 = vector.shape_cast %mul3A_417 : vector<16xf32> to vector<1x16xf32>
          tpu.vector_store %arg12[%swap3A_418, %swap3A_419], %swap3A_422 {strides = array<i32>} : memref<128x128xf32, #tpu.memory_space<vmem>>, vector<1x16xf32>,
          %get3A_423 = arith.index_cast %add3A_402 : i32 to index
          %get3A_424 = arith.constant 32 : index
          %get3A_425 = tpu.vector_load %arg12[%get3A_423, %get3A_424] {strides = array<i32>} : memref<128x128xf32, #tpu.memory_space<vmem>>, vector<1x16xf32>,
          %get3A_426 = vector.shape_cast %get3A_425 : vector<1x16xf32> to vector<16xf32>
          %mul3A_427 = arith.mulf %get3A_426, %gather3A_398 : vector<16xf32>
          %swap3A_428 = arith.index_cast %add3A_402 : i32 to index
          %swap3A_429 = arith.constant 32 : index
          %swap3A_430 = tpu.vector_load %arg12[%swap3A_428, %swap3A_429] {strides = array<i32>} : memref<128x128xf32, #tpu.memory_space<vmem>>, vector<1x16xf32>,
          %swap3A_431 = vector.shape_cast %swap3A_430 : vector<1x16xf32> to vector<16xf32>
          %swap3A_432 = vector.shape_cast %mul3A_427 : vector<16xf32> to vector<1x16xf32>
          tpu.vector_store %arg12[%swap3A_428, %swap3A_429], %swap3A_432 {strides = array<i32>} : memref<128x128xf32, #tpu.memory_space<vmem>>, vector<1x16xf32>,
          %get3A_433 = arith.index_cast %add3A_402 : i32 to index
          %get3A_434 = arith.constant 48 : index
          %get3A_435 = tpu.vector_load %arg12[%get3A_433, %get3A_434] {strides = array<i32>} : memref<128x128xf32, #tpu.memory_space<vmem>>, vector<1x16xf32>,
          %get3A_436 = vector.shape_cast %get3A_435 : vector<1x16xf32> to vector<16xf32>
          %mul3A_437 = arith.mulf %get3A_436, %gather3A_398 : vector<16xf32>
          %swap3A_438 = arith.index_cast %add3A_402 : i32 to index
          %swap3A_439 = arith.constant 48 : index
          %swap3A_440 = tpu.vector_load %arg12[%swap3A_438, %swap3A_439] {strides = array<i32>} : memref<128x128xf32, #tpu.memory_space<vmem>>, vector<1x16xf32>,
          %swap3A_441 = vector.shape_cast %swap3A_440 : vector<1x16xf32> to vector<16xf32>
          %swap3A_442 = vector.shape_cast %mul3A_437 : vector<16xf32> to vector<1x16xf32>
          tpu.vector_store %arg12[%swap3A_438, %swap3A_439], %swap3A_442 {strides = array<i32>} : memref<128x128xf32, #tpu.memory_space<vmem>>, vector<1x16xf32>,
          %get3A_443 = arith.index_cast %add3A_402 : i32 to index
          %get3A_444 = arith.constant 64 : index
          %get3A_445 = tpu.vector_load %arg12[%get3A_443, %get3A_444] {strides = array<i32>} : memref<128x128xf32, #tpu.memory_space<vmem>>, vector<1x16xf32>,
          %get3A_446 = vector.shape_cast %get3A_445 : vector<1x16xf32> to vector<16xf32>
          %mul3A_447 = arith.mulf %get3A_446, %gather3A_398 : vector<16xf32>
          %swap3A_448 = arith.index_cast %add3A_402 : i32 to index
          %swap3A_449 = arith.constant 64 : index
          %swap3A_450 = tpu.vector_load %arg12[%swap3A_448, %swap3A_449] {strides = array<i32>} : memref<128x128xf32, #tpu.memory_space<vmem>>, vector<1x16xf32>,
          %swap3A_451 = vector.shape_cast %swap3A_450 : vector<1x16xf32> to vector<16xf32>
          %swap3A_452 = vector.shape_cast %mul3A_447 : vector<16xf32> to vector<1x16xf32>
          tpu.vector_store %arg12[%swap3A_448, %swap3A_449], %swap3A_452 {strides = array<i32>} : memref<128x128xf32, #tpu.memory_space<vmem>>, vector<1x16xf32>,
          %get3A_453 = arith.index_cast %add3A_402 : i32 to index
          %get3A_454 = arith.constant 80 : index
          %get3A_455 = tpu.vector_load %arg12[%get3A_453, %get3A_454] {strides = array<i32>} : memref<128x128xf32, #tpu.memory_space<vmem>>, vector<1x16xf32>,
          %get3A_456 = vector.shape_cast %get3A_455 : vector<1x16xf32> to vector<16xf32>
          %mul3A_457 = arith.mulf %get3A_456, %gather3A_398 : vector<16xf32>
          %swap3A_458 = arith.index_cast %add3A_402 : i32 to index
          %swap3A_459 = arith.constant 80 : index
          %swap3A_460 = tpu.vector_load %arg12[%swap3A_458, %swap3A_459] {strides = array<i32>} : memref<128x128xf32, #tpu.memory_space<vmem>>, vector<1x16xf32>,
          %swap3A_461 = vector.shape_cast %swap3A_460 : vector<1x16xf32> to vector<16xf32>
          %swap3A_462 = vector.shape_cast %mul3A_457 : vector<16xf32> to vector<1x16xf32>
          tpu.vector_store %arg12[%swap3A_458, %swap3A_459], %swap3A_462 {strides = array<i32>} : memref<128x128xf32, #tpu.memory_space<vmem>>, vector<1x16xf32>,
          %get3A_463 = arith.index_cast %add3A_402 : i32 to index
          %get3A_464 = arith.constant 96 : index
          %get3A_465 = tpu.vector_load %arg12[%get3A_463, %get3A_464] {strides = array<i32>} : memref<128x128xf32, #tpu.memory_space<vmem>>, vector<1x16xf32>,
          %get3A_466 = vector.shape_cast %get3A_465 : vector<1x16xf32> to vector<16xf32>
          %mul3A_467 = arith.mulf %get3A_466, %gather3A_398 : vector<16xf32>
          %swap3A_468 = arith.index_cast %add3A_402 : i32 to index
          %swap3A_469 = arith.constant 96 : index
          %swap3A_470 = tpu.vector_load %arg12[%swap3A_468, %swap3A_469] {strides = array<i32>} : memref<128x128xf32, #tpu.memory_space<vmem>>, vector<1x16xf32>,
          %swap3A_471 = vector.shape_cast %swap3A_470 : vector<1x16xf32> to vector<16xf32>
          %swap3A_472 = vector.shape_cast %mul3A_467 : vector<16xf32> to vector<1x16xf32>
          tpu.vector_store %arg12[%swap3A_468, %swap3A_469], %swap3A_472 {strides = array<i32>} : memref<128x128xf32, #tpu.memory_space<vmem>>, vector<1x16xf32>,
          %get3A_473 = arith.index_cast %add3A_402 : i32 to index
          %get3A_474 = arith.constant 112 : index
          %get3A_475 = tpu.vector_load %arg12[%get3A_473, %get3A_474] {strides = array<i32>} : memref<128x128xf32, #tpu.memory_space<vmem>>, vector<1x16xf32>,
          %get3A_476 = vector.shape_cast %get3A_475 : vector<1x16xf32> to vector<16xf32>
          %mul3A_477 = arith.mulf %get3A_476, %gather3A_398 : vector<16xf32>
          %swap3A_478 = arith.index_cast %add3A_402 : i32 to index
          %swap3A_479 = arith.constant 112 : index
          %swap3A_480 = tpu.vector_load %arg12[%swap3A_478, %swap3A_479] {strides = array<i32>} : memref<128x128xf32, #tpu.memory_space<vmem>>, vector<1x16xf32>,
          %swap3A_481 = vector.shape_cast %swap3A_480 : vector<1x16xf32> to vector<16xf32>
          %swap3A_482 = vector.shape_cast %mul3A_477 : vector<16xf32> to vector<1x16xf32>
          tpu.vector_store %arg12[%swap3A_478, %swap3A_479], %swap3A_482 {strides = array<i32>} : memref<128x128xf32, #tpu.memory_space<vmem>>, vector<1x16xf32>,
          %broadcast_in_dim3A_483 = arith.constant 3 : i32
          %broadcast_in_dim3A_484 = vector.broadcast %broadcast_in_dim3A_483 : i32 to vector<16xi32>
          %lt3A_485 = arith.constant 0 : i32
          %lt3A_486 = vector.broadcast %lt3A_485 : i32 to vector<16xi32>
          %lt3A_487 = arith.cmpi slt, %broadcast_in_dim3A_484, %lt3A_486 : vector<16xi32>
          %add3A_488 = arith.constant 16 : i32
          %add3A_489 = vector.broadcast %add3A_488 : i32 to vector<16xi32>
          %add3A_490 = arith.addi %broadcast_in_dim3A_484, %add3A_489 : vector<16xi32>
          %select_n3A_491 = arith.select %lt3A_487, %add3A_490, %broadcast_in_dim3A_484 : vector<16xi1>, vector<16xi32>
          %broadcast_in_dim3A_492 = vector.shape_cast %select_n3A_491 : vector<16xi32> to vector<16x1xi32>
          %gather3A_493 = vector.shape_cast %broadcast_in_dim3A_492 : vector<16x1xi32> to vector<16xi32>
          %gather3A_494 = tpu.dynamic_gather %get3A_197[%gather3A_493] in [0] : vector<16xf32>, vector<16xi32> -> vector<16xf32>
          %mul3A_495 = arith.constant 16 : i32
          %mul3A_496 = arith.muli %scan3A_190, %mul3A_495 : i32
          %add3A_497 = arith.constant 3 : i32
          %add3A_498 = arith.addi %mul3A_496, %add3A_497 : i32
          %get3A_499 = arith.index_cast %add3A_498 : i32 to index
          %get3A_500 = arith.constant 0 : index
          %get3A_501 = tpu.vector_load %arg12[%get3A_499, %get3A_500] {strides = array<i32>} : memref<128x128xf32, #tpu.memory_space<vmem>>, vector<1x16xf32>,
          %get3A_502 = vector.shape_cast %get3A_501 : vector<1x16xf32> to vector<16xf32>
          %mul3A_503 = arith.mulf %get3A_502, %gather3A_494 : vector<16xf32>
          %swap3A_504 = arith.index_cast %add3A_498 : i32 to index
          %swap3A_505 = arith.constant 0 : index
          %swap3A_506 = tpu.vector_load %arg12[%swap3A_504, %swap3A_505] {strides = array<i32>} : memref<128x128xf32, #tpu.memory_space<vmem>>, vector<1x16xf32>,
          %swap3A_507 = vector.shape_cast %swap3A_506 : vector<1x16xf32> to vector<16xf32>
          %swap3A_508 = vector.shape_cast %mul3A_503 : vector<16xf32> to vector<1x16xf32>
          tpu.vector_store %arg12[%swap3A_504, %swap3A_505], %swap3A_508 {strides = array<i32>} : memref<128x128xf32, #tpu.memory_space<vmem>>, vector<1x16xf32>,
          %get3A_509 = arith.index_cast %add3A_498 : i32 to index
          %get3A_510 = arith.constant 16 : index
          %get3A_511 = tpu.vector_load %arg12[%get3A_509, %get3A_510] {strides = array<i32>} : memref<128x128xf32, #tpu.memory_space<vmem>>, vector<1x16xf32>,
          %get3A_512 = vector.shape_cast %get3A_511 : vector<1x16xf32> to vector<16xf32>
          %mul3A_513 = arith.mulf %get3A_512, %gather3A_494 : vector<16xf32>
          %swap3A_514 = arith.index_cast %add3A_498 : i32 to index
          %swap3A_515 = arith.constant 16 : index
          %swap3A_516 = tpu.vector_load %arg12[%swap3A_514, %swap3A_515] {strides = array<i32>} : memref<128x128xf32, #tpu.memory_space<vmem>>, vector<1x16xf32>,
          %swap3A_517 = vector.shape_cast %swap3A_516 : vector<1x16xf32> to vector<16xf32>
          %swap3A_518 = vector.shape_cast %mul3A_513 : vector<16xf32> to vector<1x16xf32>
          tpu.vector_store %arg12[%swap3A_514, %swap3A_515], %swap3A_518 {strides = array<i32>} : memref<128x128xf32, #tpu.memory_space<vmem>>, vector<1x16xf32>,
          %get3A_519 = arith.index_cast %add3A_498 : i32 to index
          %get3A_520 = arith.constant 32 : index
          %get3A_521 = tpu.vector_load %arg12[%get3A_519, %get3A_520] {strides = array<i32>} : memref<128x128xf32, #tpu.memory_space<vmem>>, vector<1x16xf32>,
          %get3A_522 = vector.shape_cast %get3A_521 : vector<1x16xf32> to vector<16xf32>
          %mul3A_523 = arith.mulf %get3A_522, %gather3A_494 : vector<16xf32>
          %swap3A_524 = arith.index_cast %add3A_498 : i32 to index
          %swap3A_525 = arith.constant 32 : index
          %swap3A_526 = tpu.vector_load %arg12[%swap3A_524, %swap3A_525] {strides = array<i32>} : memref<128x128xf32, #tpu.memory_space<vmem>>, vector<1x16xf32>,
          %swap3A_527 = vector.shape_cast %swap3A_526 : vector<1x16xf32> to vector<16xf32>
          %swap3A_528 = vector.shape_cast %mul3A_523 : vector<16xf32> to vector<1x16xf32>
          tpu.vector_store %arg12[%swap3A_524, %swap3A_525], %swap3A_528 {strides = array<i32>} : memref<128x128xf32, #tpu.memory_space<vmem>>, vector<1x16xf32>,
          %get3A_529 = arith.index_cast %add3A_498 : i32 to index
          %get3A_530 = arith.constant 48 : index
          %get3A_531 = tpu.vector_load %arg12[%get3A_529, %get3A_530] {strides = array<i32>} : memref<128x128xf32, #tpu.memory_space<vmem>>, vector<1x16xf32>,
          %get3A_532 = vector.shape_cast %get3A_531 : vector<1x16xf32> to vector<16xf32>
          %mul3A_533 = arith.mulf %get3A_532, %gather3A_494 : vector<16xf32>
          %swap3A_534 = arith.index_cast %add3A_498 : i32 to index
          %swap3A_535 = arith.constant 48 : index
          %swap3A_536 = tpu.vector_load %arg12[%swap3A_534, %swap3A_535] {strides = array<i32>} : memref<128x128xf32, #tpu.memory_space<vmem>>, vector<1x16xf32>,
          %swap3A_537 = vector.shape_cast %swap3A_536 : vector<1x16xf32> to vector<16xf32>
          %swap3A_538 = vector.shape_cast %mul3A_533 : vector<16xf32> to vector<1x16xf32>
          tpu.vector_store %arg12[%swap3A_534, %swap3A_535], %swap3A_538 {strides = array<i32>} : memref<128x128xf32, #tpu.memory_space<vmem>>, vector<1x16xf32>,
          %get3A_539 = arith.index_cast %add3A_498 : i32 to index
          %get3A_540 = arith.constant 64 : index
          %get3A_541 = tpu.vector_load %arg12[%get3A_539, %get3A_540] {strides = array<i32>} : memref<128x128xf32, #tpu.memory_space<vmem>>, vector<1x16xf32>,
          %get3A_542 = vector.shape_cast %get3A_541 : vector<1x16xf32> to vector<16xf32>
          %mul3A_543 = arith.mulf %get3A_542, %gather3A_494 : vector<16xf32>
          %swap3A_544 = arith.index_cast %add3A_498 : i32 to index
          %swap3A_545 = arith.constant 64 : index
          %swap3A_546 = tpu.vector_load %arg12[%swap3A_544, %swap3A_545] {strides = array<i32>} : memref<128x128xf32, #tpu.memory_space<vmem>>, vector<1x16xf32>,
          %swap3A_547 = vector.shape_cast %swap3A_546 : vector<1x16xf32> to vector<16xf32>
          %swap3A_548 = vector.shape_cast %mul3A_543 : vector<16xf32> to vector<1x16xf32>
          tpu.vector_store %arg12[%swap3A_544, %swap3A_545], %swap3A_548 {strides = array<i32>} : memref<128x128xf32, #tpu.memory_space<vmem>>, vector<1x16xf32>,
          %get3A_549 = arith.index_cast %add3A_498 : i32 to index
          %get3A_550 = arith.constant 80 : index
          %get3A_551 = tpu.vector_load %arg12[%get3A_549, %get3A_550] {strides = array<i32>} : memref<128x128xf32, #tpu.memory_space<vmem>>, vector<1x16xf32>,
          %get3A_552 = vector.shape_cast %get3A_551 : vector<1x16xf32> to vector<16xf32>
          %mul3A_553 = arith.mulf %get3A_552, %gather3A_494 : vector<16xf32>
          %swap3A_554 = arith.index_cast %add3A_498 : i32 to index
          %swap3A_555 = arith.constant 80 : index
          %swap3A_556 = tpu.vector_load %arg12[%swap3A_554, %swap3A_555] {strides = array<i32>} : memref<128x128xf32, #tpu.memory_space<vmem>>, vector<1x16xf32>,
          %swap3A_557 = vector.shape_cast %swap3A_556 : vector<1x16xf32> to vector<16xf32>
          %swap3A_558 = vector.shape_cast %mul3A_553 : vector<16xf32> to vector<1x16xf32>
          tpu.vector_store %arg12[%swap3A_554, %swap3A_555], %swap3A_558 {strides = array<i32>} : memref<128x128xf32, #tpu.memory_space<vmem>>, vector<1x16xf32>,
          %get3A_559 = arith.index_cast %add3A_498 : i32 to index
          %get3A_560 = arith.constant 96 : index
          %get3A_561 = tpu.vector_load %arg12[%get3A_559, %get3A_560] {strides = array<i32>} : memref<128x128xf32, #tpu.memory_space<vmem>>, vector<1x16xf32>,
          %get3A_562 = vector.shape_cast %get3A_561 : vector<1x16xf32> to vector<16xf32>
          %mul3A_563 = arith.mulf %get3A_562, %gather3A_494 : vector<16xf32>
          %swap3A_564 = arith.index_cast %add3A_498 : i32 to index
          %swap3A_565 = arith.constant 96 : index
          %swap3A_566 = tpu.vector_load %arg12[%swap3A_564, %swap3A_565] {strides = array<i32>} : memref<128x128xf32, #tpu.memory_space<vmem>>, vector<1x16xf32>,
          %swap3A_567 = vector.shape_cast %swap3A_566 : vector<1x16xf32> to vector<16xf32>
          %swap3A_568 = vector.shape_cast %mul3A_563 : vector<16xf32> to vector<1x16xf32>
          tpu.vector_store %arg12[%swap3A_564, %swap3A_565], %swap3A_568 {strides = array<i32>} : memref<128x128xf32, #tpu.memory_space<vmem>>, vector<1x16xf32>,
          %get3A_569 = arith.index_cast %add3A_498 : i32 to index
          %get3A_570 = arith.constant 112 : index
          %get3A_571 = tpu.vector_load %arg12[%get3A_569, %get3A_570] {strides = array<i32>} : memref<128x128xf32, #tpu.memory_space<vmem>>, vector<1x16xf32>,
          %get3A_572 = vector.shape_cast %get3A_571 : vector<1x16xf32> to vector<16xf32>
          %mul3A_573 = arith.mulf %get3A_572, %gather3A_494 : vector<16xf32>
          %swap3A_574 = arith.index_cast %add3A_498 : i32 to index
          %swap3A_575 = arith.constant 112 : index
          %swap3A_576 = tpu.vector_load %arg12[%swap3A_574, %swap3A_575] {strides = array<i32>} : memref<128x128xf32, #tpu.memory_space<vmem>>, vector<1x16xf32>,
          %swap3A_577 = vector.shape_cast %swap3A_576 : vector<1x16xf32> to vector<16xf32>
          %swap3A_578 = vector.shape_cast %mul3A_573 : vector<16xf32> to vector<1x16xf32>
          tpu.vector_store %arg12[%swap3A_574, %swap3A_575], %swap3A_578 {strides = array<i32>} : memref<128x128xf32, #tpu.memory_space<vmem>>, vector<1x16xf32>,
          %broadcast_in_dim3A_579 = arith.constant 4 : i32
          %broadcast_in_dim3A_580 = vector.broadcast %broadcast_in_dim3A_579 : i32 to vector<16xi32>
          %lt3A_581 = arith.constant 0 : i32
          %lt3A_582 = vector.broadcast %lt3A_581 : i32 to vector<16xi32>
          %lt3A_583 = arith.cmpi slt, %broadcast_in_dim3A_580, %lt3A_582 : vector<16xi32>
          %add3A_584 = arith.constant 16 : i32
          %add3A_585 = vector.broadcast %add3A_584 : i32 to vector<16xi32>
          %add3A_586 = arith.addi %broadcast_in_dim3A_580, %add3A_585 : vector<16xi32>
          %select_n3A_587 = arith.select %lt3A_583, %add3A_586, %broadcast_in_dim3A_580 : vector<16xi1>, vector<16xi32>
          %broadcast_in_dim3A_588 = vector.shape_cast %select_n3A_587 : vector<16xi32> to vector<16x1xi32>
          %gather3A_589 = vector.shape_cast %broadcast_in_dim3A_588 : vector<16x1xi32> to vector<16xi32>
          %gather3A_590 = tpu.dynamic_gather %get3A_197[%gather3A_589] in [0] : vector<16xf32>, vector<16xi32> -> vector<16xf32>
          %mul3A_591 = arith.constant 16 : i32
          %mul3A_592 = arith.muli %scan3A_190, %mul3A_591 : i32
          %add3A_593 = arith.constant 4 : i32
          %add3A_594 = arith.addi %mul3A_592, %add3A_593 : i32
          %get3A_595 = arith.index_cast %add3A_594 : i32 to index
          %get3A_596 = arith.constant 0 : index
          %get3A_597 = tpu.vector_load %arg12[%get3A_595, %get3A_596] {strides = array<i32>} : memref<128x128xf32, #tpu.memory_space<vmem>>, vector<1x16xf32>,
          %get3A_598 = vector.shape_cast %get3A_597 : vector<1x16xf32> to vector<16xf32>
          %mul3A_599 = arith.mulf %get3A_598, %gather3A_590 : vector<16xf32>
          %swap3A_600 = arith.index_cast %add3A_594 : i32 to index
          %swap3A_601 = arith.constant 0 : index
          %swap3A_602 = tpu.vector_load %arg12[%swap3A_600, %swap3A_601] {strides = array<i32>} : memref<128x128xf32, #tpu.memory_space<vmem>>, vector<1x16xf32>,
          %swap3A_603 = vector.shape_cast %swap3A_602 : vector<1x16xf32> to vector<16xf32>
          %swap3A_604 = vector.shape_cast %mul3A_599 : vector<16xf32> to vector<1x16xf32>
          tpu.vector_store %arg12[%swap3A_600, %swap3A_601], %swap3A_604 {strides = array<i32>} : memref<128x128xf32, #tpu.memory_space<vmem>>, vector<1x16xf32>,
          %get3A_605 = arith.index_cast %add3A_594 : i32 to index
          %get3A_606 = arith.constant 16 : index
          %get3A_607 = tpu.vector_load %arg12[%get3A_605, %get3A_606] {strides = array<i32>} : memref<128x128xf32, #tpu.memory_space<vmem>>, vector<1x16xf32>,
          %get3A_608 = vector.shape_cast %get3A_607 : vector<1x16xf32> to vector<16xf32>
          %mul3A_609 = arith.mulf %get3A_608, %gather3A_590 : vector<16xf32>
          %swap3A_610 = arith.index_cast %add3A_594 : i32 to index
          %swap3A_611 = arith.constant 16 : index
          %swap3A_612 = tpu.vector_load %arg12[%swap3A_610, %swap3A_611] {strides = array<i32>} : memref<128x128xf32, #tpu.memory_space<vmem>>, vector<1x16xf32>,
          %swap3A_613 = vector.shape_cast %swap3A_612 : vector<1x16xf32> to vector<16xf32>
          %swap3A_614 = vector.shape_cast %mul3A_609 : vector<16xf32> to vector<1x16xf32>
          tpu.vector_store %arg12[%swap3A_610, %swap3A_611], %swap3A_614 {strides = array<i32>} : memref<128x128xf32, #tpu.memory_space<vmem>>, vector<1x16xf32>,
          %get3A_615 = arith.index_cast %add3A_594 : i32 to index
          %get3A_616 = arith.constant 32 : index
          %get3A_617 = tpu.vector_load %arg12[%get3A_615, %get3A_616] {strides = array<i32>} : memref<128x128xf32, #tpu.memory_space<vmem>>, vector<1x16xf32>,
          %get3A_618 = vector.shape_cast %get3A_617 : vector<1x16xf32> to vector<16xf32>
          %mul3A_619 = arith.mulf %get3A_618, %gather3A_590 : vector<16xf32>
          %swap3A_620 = arith.index_cast %add3A_594 : i32 to index
          %swap3A_621 = arith.constant 32 : index
          %swap3A_622 = tpu.vector_load %arg12[%swap3A_620, %swap3A_621] {strides = array<i32>} : memref<128x128xf32, #tpu.memory_space<vmem>>, vector<1x16xf32>,
          %swap3A_623 = vector.shape_cast %swap3A_622 : vector<1x16xf32> to vector<16xf32>
          %swap3A_624 = vector.shape_cast %mul3A_619 : vector<16xf32> to vector<1x16xf32>
          tpu.vector_store %arg12[%swap3A_620, %swap3A_621], %swap3A_624 {strides = array<i32>} : memref<128x128xf32, #tpu.memory_space<vmem>>, vector<1x16xf32>,
          %get3A_625 = arith.index_cast %add3A_594 : i32 to index
          %get3A_626 = arith.constant 48 : index
          %get3A_627 = tpu.vector_load %arg12[%get3A_625, %get3A_626] {strides = array<i32>} : memref<128x128xf32, #tpu.memory_space<vmem>>, vector<1x16xf32>,
          %get3A_628 = vector.shape_cast %get3A_627 : vector<1x16xf32> to vector<16xf32>
          %mul3A_629 = arith.mulf %get3A_628, %gather3A_590 : vector<16xf32>
          %swap3A_630 = arith.index_cast %add3A_594 : i32 to index
          %swap3A_631 = arith.constant 48 : index
          %swap3A_632 = tpu.vector_load %arg12[%swap3A_630, %swap3A_631] {strides = array<i32>} : memref<128x128xf32, #tpu.memory_space<vmem>>, vector<1x16xf32>,
          %swap3A_633 = vector.shape_cast %swap3A_632 : vector<1x16xf32> to vector<16xf32>
          %swap3A_634 = vector.shape_cast %mul3A_629 : vector<16xf32> to vector<1x16xf32>
          tpu.vector_store %arg12[%swap3A_630, %swap3A_631], %swap3A_634 {strides = array<i32>} : memref<128x128xf32, #tpu.memory_space<vmem>>, vector<1x16xf32>,
          %get3A_635 = arith.index_cast %add3A_594 : i32 to index
          %get3A_636 = arith.constant 64 : index
          %get3A_637 = tpu.vector_load %arg12[%get3A_635, %get3A_636] {strides = array<i32>} : memref<128x128xf32, #tpu.memory_space<vmem>>, vector<1x16xf32>,
          %get3A_638 = vector.shape_cast %get3A_637 : vector<1x16xf32> to vector<16xf32>
          %mul3A_639 = arith.mulf %get3A_638, %gather3A_590 : vector<16xf32>
          %swap3A_640 = arith.index_cast %add3A_594 : i32 to index
          %swap3A_641 = arith.constant 64 : index
          %swap3A_642 = tpu.vector_load %arg12[%swap3A_640, %swap3A_641] {strides = array<i32>} : memref<128x128xf32, #tpu.memory_space<vmem>>, vector<1x16xf32>,
          %swap3A_643 = vector.shape_cast %swap3A_642 : vector<1x16xf32> to vector<16xf32>
          %swap3A_644 = vector.shape_cast %mul3A_639 : vector<16xf32> to vector<1x16xf32>
          tpu.vector_store %arg12[%swap3A_640, %swap3A_641], %swap3A_644 {strides = array<i32>} : memref<128x128xf32, #tpu.memory_space<vmem>>, vector<1x16xf32>,
          %get3A_645 = arith.index_cast %add3A_594 : i32 to index
          %get3A_646 = arith.constant 80 : index
          %get3A_647 = tpu.vector_load %arg12[%get3A_645, %get3A_646] {strides = array<i32>} : memref<128x128xf32, #tpu.memory_space<vmem>>, vector<1x16xf32>,
          %get3A_648 = vector.shape_cast %get3A_647 : vector<1x16xf32> to vector<16xf32>
          %mul3A_649 = arith.mulf %get3A_648, %gather3A_590 : vector<16xf32>
          %swap3A_650 = arith.index_cast %add3A_594 : i32 to index
          %swap3A_651 = arith.constant 80 : index
          %swap3A_652 = tpu.vector_load %arg12[%swap3A_650, %swap3A_651] {strides = array<i32>} : memref<128x128xf32, #tpu.memory_space<vmem>>, vector<1x16xf32>,
          %swap3A_653 = vector.shape_cast %swap3A_652 : vector<1x16xf32> to vector<16xf32>
          %swap3A_654 = vector.shape_cast %mul3A_649 : vector<16xf32> to vector<1x16xf32>
          tpu.vector_store %arg12[%swap3A_650, %swap3A_651], %swap3A_654 {strides = array<i32>} : memref<128x128xf32, #tpu.memory_space<vmem>>, vector<1x16xf32>,
          %get3A_655 = arith.index_cast %add3A_594 : i32 to index
          %get3A_656 = arith.constant 96 : index
          %get3A_657 = tpu.vector_load %arg12[%get3A_655, %get3A_656] {strides = array<i32>} : memref<128x128xf32, #tpu.memory_space<vmem>>, vector<1x16xf32>,
          %get3A_658 = vector.shape_cast %get3A_657 : vector<1x16xf32> to vector<16xf32>
          %mul3A_659 = arith.mulf %get3A_658, %gather3A_590 : vector<16xf32>
          %swap3A_660 = arith.index_cast %add3A_594 : i32 to index
          %swap3A_661 = arith.constant 96 : index
          %swap3A_662 = tpu.vector_load %arg12[%swap3A_660, %swap3A_661] {strides = array<i32>} : memref<128x128xf32, #tpu.memory_space<vmem>>, vector<1x16xf32>,
          %swap3A_663 = vector.shape_cast %swap3A_662 : vector<1x16xf32> to vector<16xf32>
          %swap3A_664 = vector.shape_cast %mul3A_659 : vector<16xf32> to vector<1x16xf32>
          tpu.vector_store %arg12[%swap3A_660, %swap3A_661], %swap3A_664 {strides = array<i32>} : memref<128x128xf32, #tpu.memory_space<vmem>>, vector<1x16xf32>,
          %get3A_665 = arith.index_cast %add3A_594 : i32 to index
          %get3A_666 = arith.constant 112 : index
          %get3A_667 = tpu.vector_load %arg12[%get3A_665, %get3A_666] {strides = array<i32>} : memref<128x128xf32, #tpu.memory_space<vmem>>, vector<1x16xf32>,
          %get3A_668 = vector.shape_cast %get3A_667 : vector<1x16xf32> to vector<16xf32>
          %mul3A_669 = arith.mulf %get3A_668, %gather3A_590 : vector<16xf32>
          %swap3A_670 = arith.index_cast %add3A_594 : i32 to index
          %swap3A_671 = arith.constant 112 : index
          %swap3A_672 = tpu.vector_load %arg12[%swap3A_670, %swap3A_671] {strides = array<i32>} : memref<128x128xf32, #tpu.memory_space<vmem>>, vector<1x16xf32>,
          %swap3A_673 = vector.shape_cast %swap3A_672 : vector<1x16xf32> to vector<16xf32>
          %swap3A_674 = vector.shape_cast %mul3A_669 : vector<16xf32> to vector<1x16xf32>
          tpu.vector_store %arg12[%swap3A_670, %swap3A_671], %swap3A_674 {strides = array<i32>} : memref<128x128xf32, #tpu.memory_space<vmem>>, vector<1x16xf32>,
          %broadcast_in_dim3A_675 = arith.constant 5 : i32
          %broadcast_in_dim3A_676 = vector.broadcast %broadcast_in_dim3A_675 : i32 to vector<16xi32>
          %lt3A_677 = arith.constant 0 : i32
          %lt3A_678 = vector.broadcast %lt3A_677 : i32 to vector<16xi32>
          %lt3A_679 = arith.cmpi slt, %broadcast_in_dim3A_676, %lt3A_678 : vector<16xi32>
          %add3A_680 = arith.constant 16 : i32
          %add3A_681 = vector.broadcast %add3A_680 : i32 to vector<16xi32>
          %add3A_682 = arith.addi %broadcast_in_dim3A_676, %add3A_681 : vector<16xi32>
          %select_n3A_683 = arith.select %lt3A_679, %add3A_682, %broadcast_in_dim3A_676 : vector<16xi1>, vector<16xi32>
          %broadcast_in_dim3A_684 = vector.shape_cast %select_n3A_683 : vector<16xi32> to vector<16x1xi32>
          %gather3A_685 = vector.shape_cast %broadcast_in_dim3A_684 : vector<16x1xi32> to vector<16xi32>
          %gather3A_686 = tpu.dynamic_gather %get3A_197[%gather3A_685] in [0] : vector<16xf32>, vector<16xi32> -> vector<16xf32>
          %mul3A_687 = arith.constant 16 : i32
          %mul3A_688 = arith.muli %scan3A_190, %mul3A_687 : i32
          %add3A_689 = arith.constant 5 : i32
          %add3A_690 = arith.addi %mul3A_688, %add3A_689 : i32
          %get3A_691 = arith.index_cast %add3A_690 : i32 to index
          %get3A_692 = arith.constant 0 : index
          %get3A_693 = tpu.vector_load %arg12[%get3A_691, %get3A_692] {strides = array<i32>} : memref<128x128xf32, #tpu.memory_space<vmem>>, vector<1x16xf32>,
          %get3A_694 = vector.shape_cast %get3A_693 : vector<1x16xf32> to vector<16xf32>
          %mul3A_695 = arith.mulf %get3A_694, %gather3A_686 : vector<16xf32>
          %swap3A_696 = arith.index_cast %add3A_690 : i32 to index
          %swap3A_697 = arith.constant 0 : index
          %swap3A_698 = tpu.vector_load %arg12[%swap3A_696, %swap3A_697] {strides = array<i32>} : memref<128x128xf32, #tpu.memory_space<vmem>>, vector<1x16xf32>,
          %swap3A_699 = vector.shape_cast %swap3A_698 : vector<1x16xf32> to vector<16xf32>
          %swap3A_700 = vector.shape_cast %mul3A_695 : vector<16xf32> to vector<1x16xf32>
          tpu.vector_store %arg12[%swap3A_696, %swap3A_697], %swap3A_700 {strides = array<i32>} : memref<128x128xf32, #tpu.memory_space<vmem>>, vector<1x16xf32>,
          %get3A_701 = arith.index_cast %add3A_690 : i32 to index
          %get3A_702 = arith.constant 16 : index
          %get3A_703 = tpu.vector_load %arg12[%get3A_701, %get3A_702] {strides = array<i32>} : memref<128x128xf32, #tpu.memory_space<vmem>>, vector<1x16xf32>,
          %get3A_704 = vector.shape_cast %get3A_703 : vector<1x16xf32> to vector<16xf32>
          %mul3A_705 = arith.mulf %get3A_704, %gather3A_686 : vector<16xf32>
          %swap3A_706 = arith.index_cast %add3A_690 : i32 to index
          %swap3A_707 = arith.constant 16 : index
          %swap3A_708 = tpu.vector_load %arg12[%swap3A_706, %swap3A_707] {strides = array<i32>} : memref<128x128xf32, #tpu.memory_space<vmem>>, vector<1x16xf32>,
          %swap3A_709 = vector.shape_cast %swap3A_708 : vector<1x16xf32> to vector<16xf32>
          %swap3A_710 = vector.shape_cast %mul3A_705 : vector<16xf32> to vector<1x16xf32>
          tpu.vector_store %arg12[%swap3A_706, %swap3A_707], %swap3A_710 {strides = array<i32>} : memref<128x128xf32, #tpu.memory_space<vmem>>, vector<1x16xf32>,
          %get3A_711 = arith.index_cast %add3A_690 : i32 to index
          %get3A_712 = arith.constant 32 : index
          %get3A_713 = tpu.vector_load %arg12[%get3A_711, %get3A_712] {strides = array<i32>} : memref<128x128xf32, #tpu.memory_space<vmem>>, vector<1x16xf32>,
          %get3A_714 = vector.shape_cast %get3A_713 : vector<1x16xf32> to vector<16xf32>
          %mul3A_715 = arith.mulf %get3A_714, %gather3A_686 : vector<16xf32>
          %swap3A_716 = arith.index_cast %add3A_690 : i32 to index
          %swap3A_717 = arith.constant 32 : index
          %swap3A_718 = tpu.vector_load %arg12[%swap3A_716, %swap3A_717] {strides = array<i32>} : memref<128x128xf32, #tpu.memory_space<vmem>>, vector<1x16xf32>,
          %swap3A_719 = vector.shape_cast %swap3A_718 : vector<1x16xf32> to vector<16xf32>
          %swap3A_720 = vector.shape_cast %mul3A_715 : vector<16xf32> to vector<1x16xf32>
          tpu.vector_store %arg12[%swap3A_716, %swap3A_717], %swap3A_720 {strides = array<i32>} : memref<128x128xf32, #tpu.memory_space<vmem>>, vector<1x16xf32>,
          %get3A_721 = arith.index_cast %add3A_690 : i32 to index
          %get3A_722 = arith.constant 48 : index
          %get3A_723 = tpu.vector_load %arg12[%get3A_721, %get3A_722] {strides = array<i32>} : memref<128x128xf32, #tpu.memory_space<vmem>>, vector<1x16xf32>,
          %get3A_724 = vector.shape_cast %get3A_723 : vector<1x16xf32> to vector<16xf32>
          %mul3A_725 = arith.mulf %get3A_724, %gather3A_686 : vector<16xf32>
          %swap3A_726 = arith.index_cast %add3A_690 : i32 to index
          %swap3A_727 = arith.constant 48 : index
          %swap3A_728 = tpu.vector_load %arg12[%swap3A_726, %swap3A_727] {strides = array<i32>} : memref<128x128xf32, #tpu.memory_space<vmem>>, vector<1x16xf32>,
          %swap3A_729 = vector.shape_cast %swap3A_728 : vector<1x16xf32> to vector<16xf32>
          %swap3A_730 = vector.shape_cast %mul3A_725 : vector<16xf32> to vector<1x16xf32>
          tpu.vector_store %arg12[%swap3A_726, %swap3A_727], %swap3A_730 {strides = array<i32>} : memref<128x128xf32, #tpu.memory_space<vmem>>, vector<1x16xf32>,
          %get3A_731 = arith.index_cast %add3A_690 : i32 to index
          %get3A_732 = arith.constant 64 : index
          %get3A_733 = tpu.vector_load %arg12[%get3A_731, %get3A_732] {strides = array<i32>} : memref<128x128xf32, #tpu.memory_space<vmem>>, vector<1x16xf32>,
          %get3A_734 = vector.shape_cast %get3A_733 : vector<1x16xf32> to vector<16xf32>
          %mul3A_735 = arith.mulf %get3A_734, %gather3A_686 : vector<16xf32>
          %swap3A_736 = arith.index_cast %add3A_690 : i32 to index
          %swap3A_737 = arith.constant 64 : index
          %swap3A_738 = tpu.vector_load %arg12[%swap3A_736, %swap3A_737] {strides = array<i32>} : memref<128x128xf32, #tpu.memory_space<vmem>>, vector<1x16xf32>,
          %swap3A_739 = vector.shape_cast %swap3A_738 : vector<1x16xf32> to vector<16xf32>
          %swap3A_740 = vector.shape_cast %mul3A_735 : vector<16xf32> to vector<1x16xf32>
          tpu.vector_store %arg12[%swap3A_736, %swap3A_737], %swap3A_740 {strides = array<i32>} : memref<128x128xf32, #tpu.memory_space<vmem>>, vector<1x16xf32>,
          %get3A_741 = arith.index_cast %add3A_690 : i32 to index
          %get3A_742 = arith.constant 80 : index
          %get3A_743 = tpu.vector_load %arg12[%get3A_741, %get3A_742] {strides = array<i32>} : memref<128x128xf32, #tpu.memory_space<vmem>>, vector<1x16xf32>,
          %get3A_744 = vector.shape_cast %get3A_743 : vector<1x16xf32> to vector<16xf32>
          %mul3A_745 = arith.mulf %get3A_744, %gather3A_686 : vector<16xf32>
          %swap3A_746 = arith.index_cast %add3A_690 : i32 to index
          %swap3A_747 = arith.constant 80 : index
          %swap3A_748 = tpu.vector_load %arg12[%swap3A_746, %swap3A_747] {strides = array<i32>} : memref<128x128xf32, #tpu.memory_space<vmem>>, vector<1x16xf32>,
          %swap3A_749 = vector.shape_cast %swap3A_748 : vector<1x16xf32> to vector<16xf32>
          %swap3A_750 = vector.shape_cast %mul3A_745 : vector<16xf32> to vector<1x16xf32>
          tpu.vector_store %arg12[%swap3A_746, %swap3A_747], %swap3A_750 {strides = array<i32>} : memref<128x128xf32, #tpu.memory_space<vmem>>, vector<1x16xf32>,
          %get3A_751 = arith.index_cast %add3A_690 : i32 to index
          %get3A_752 = arith.constant 96 : index
          %get3A_753 = tpu.vector_load %arg12[%get3A_751, %get3A_752] {strides = array<i32>} : memref<128x128xf32, #tpu.memory_space<vmem>>, vector<1x16xf32>,
          %get3A_754 = vector.shape_cast %get3A_753 : vector<1x16xf32> to vector<16xf32>
          %mul3A_755 = arith.mulf %get3A_754, %gather3A_686 : vector<16xf32>
          %swap3A_756 = arith.index_cast %add3A_690 : i32 to index
          %swap3A_757 = arith.constant 96 : index
          %swap3A_758 = tpu.vector_load %arg12[%swap3A_756, %swap3A_757] {strides = array<i32>} : memref<128x128xf32, #tpu.memory_space<vmem>>, vector<1x16xf32>,
          %swap3A_759 = vector.shape_cast %swap3A_758 : vector<1x16xf32> to vector<16xf32>
          %swap3A_760 = vector.shape_cast %mul3A_755 : vector<16xf32> to vector<1x16xf32>
          tpu.vector_store %arg12[%swap3A_756, %swap3A_757], %swap3A_760 {strides = array<i32>} : memref<128x128xf32, #tpu.memory_space<vmem>>, vector<1x16xf32>,
          %get3A_761 = arith.index_cast %add3A_690 : i32 to index
          %get3A_762 = arith.constant 112 : index
          %get3A_763 = tpu.vector_load %arg12[%get3A_761, %get3A_762] {strides = array<i32>} : memref<128x128xf32, #tpu.memory_space<vmem>>, vector<1x16xf32>,
          %get3A_764 = vector.shape_cast %get3A_763 : vector<1x16xf32> to vector<16xf32>
          %mul3A_765 = arith.mulf %get3A_764, %gather3A_686 : vector<16xf32>
          %swap3A_766 = arith.index_cast %add3A_690 : i32 to index
          %swap3A_767 = arith.constant 112 : index
          %swap3A_768 = tpu.vector_load %arg12[%swap3A_766, %swap3A_767] {strides = array<i32>} : memref<128x128xf32, #tpu.memory_space<vmem>>, vector<1x16xf32>,
          %swap3A_769 = vector.shape_cast %swap3A_768 : vector<1x16xf32> to vector<16xf32>
          %swap3A_770 = vector.shape_cast %mul3A_765 : vector<16xf32> to vector<1x16xf32>
          tpu.vector_store %arg12[%swap3A_766, %swap3A_767], %swap3A_770 {strides = array<i32>} : memref<128x128xf32, #tpu.memory_space<vmem>>, vector<1x16xf32>,
          %broadcast_in_dim3A_771 = arith.constant 6 : i32
          %broadcast_in_dim3A_772 = vector.broadcast %broadcast_in_dim3A_771 : i32 to vector<16xi32>
          %lt3A_773 = arith.constant 0 : i32
          %lt3A_774 = vector.broadcast %lt3A_773 : i32 to vector<16xi32>
          %lt3A_775 = arith.cmpi slt, %broadcast_in_dim3A_772, %lt3A_774 : vector<16xi32>
          %add3A_776 = arith.constant 16 : i32
          %add3A_777 = vector.broadcast %add3A_776 : i32 to vector<16xi32>
          %add3A_778 = arith.addi %broadcast_in_dim3A_772, %add3A_777 : vector<16xi32>
          %select_n3A_779 = arith.select %lt3A_775, %add3A_778, %broadcast_in_dim3A_772 : vector<16xi1>, vector<16xi32>
          %broadcast_in_dim3A_780 = vector.shape_cast %select_n3A_779 : vector<16xi32> to vector<16x1xi32>
          %gather3A_781 = vector.shape_cast %broadcast_in_dim3A_780 : vector<16x1xi32> to vector<16xi32>
          %gather3A_782 = tpu.dynamic_gather %get3A_197[%gather3A_781] in [0] : vector<16xf32>, vector<16xi32> -> vector<16xf32>
          %mul3A_783 = arith.constant 16 : i32
          %mul3A_784 = arith.muli %scan3A_190, %mul3A_783 : i32
          %add3A_785 = arith.constant 6 : i32
          %add3A_786 = arith.addi %mul3A_784, %add3A_785 : i32
          %get3A_787 = arith.index_cast %add3A_786 : i32 to index
          %get3A_788 = arith.constant 0 : index
          %get3A_789 = tpu.vector_load %arg12[%get3A_787, %get3A_788] {strides = array<i32>} : memref<128x128xf32, #tpu.memory_space<vmem>>, vector<1x16xf32>,
          %get3A_790 = vector.shape_cast %get3A_789 : vector<1x16xf32> to vector<16xf32>
          %mul3A_791 = arith.mulf %get3A_790, %gather3A_782 : vector<16xf32>
          %swap3A_792 = arith.index_cast %add3A_786 : i32 to index
          %swap3A_793 = arith.constant 0 : index
          %swap3A_794 = tpu.vector_load %arg12[%swap3A_792, %swap3A_793] {strides = array<i32>} : memref<128x128xf32, #tpu.memory_space<vmem>>, vector<1x16xf32>,
          %swap3A_795 = vector.shape_cast %swap3A_794 : vector<1x16xf32> to vector<16xf32>
          %swap3A_796 = vector.shape_cast %mul3A_791 : vector<16xf32> to vector<1x16xf32>
          tpu.vector_store %arg12[%swap3A_792, %swap3A_793], %swap3A_796 {strides = array<i32>} : memref<128x128xf32, #tpu.memory_space<vmem>>, vector<1x16xf32>,
          %get3A_797 = arith.index_cast %add3A_786 : i32 to index
          %get3A_798 = arith.constant 16 : index
          %get3A_799 = tpu.vector_load %arg12[%get3A_797, %get3A_798] {strides = array<i32>} : memref<128x128xf32, #tpu.memory_space<vmem>>, vector<1x16xf32>,
          %get3A_800 = vector.shape_cast %get3A_799 : vector<1x16xf32> to vector<16xf32>
          %mul3A_801 = arith.mulf %get3A_800, %gather3A_782 : vector<16xf32>
          %swap3A_802 = arith.index_cast %add3A_786 : i32 to index
          %swap3A_803 = arith.constant 16 : index
          %swap3A_804 = tpu.vector_load %arg12[%swap3A_802, %swap3A_803] {strides = array<i32>} : memref<128x128xf32, #tpu.memory_space<vmem>>, vector<1x16xf32>,
          %swap3A_805 = vector.shape_cast %swap3A_804 : vector<1x16xf32> to vector<16xf32>
          %swap3A_806 = vector.shape_cast %mul3A_801 : vector<16xf32> to vector<1x16xf32>
          tpu.vector_store %arg12[%swap3A_802, %swap3A_803], %swap3A_806 {strides = array<i32>} : memref<128x128xf32, #tpu.memory_space<vmem>>, vector<1x16xf32>,
          %get3A_807 = arith.index_cast %add3A_786 : i32 to index
          %get3A_808 = arith.constant 32 : index
          %get3A_809 = tpu.vector_load %arg12[%get3A_807, %get3A_808] {strides = array<i32>} : memref<128x128xf32, #tpu.memory_space<vmem>>, vector<1x16xf32>,
          %get3A_810 = vector.shape_cast %get3A_809 : vector<1x16xf32> to vector<16xf32>
          %mul3A_811 = arith.mulf %get3A_810, %gather3A_782 : vector<16xf32>
          %swap3A_812 = arith.index_cast %add3A_786 : i32 to index
          %swap3A_813 = arith.constant 32 : index
          %swap3A_814 = tpu.vector_load %arg12[%swap3A_812, %swap3A_813] {strides = array<i32>} : memref<128x128xf32, #tpu.memory_space<vmem>>, vector<1x16xf32>,
          %swap3A_815 = vector.shape_cast %swap3A_814 : vector<1x16xf32> to vector<16xf32>
          %swap3A_816 = vector.shape_cast %mul3A_811 : vector<16xf32> to vector<1x16xf32>
          tpu.vector_store %arg12[%swap3A_812, %swap3A_813], %swap3A_816 {strides = array<i32>} : memref<128x128xf32, #tpu.memory_space<vmem>>, vector<1x16xf32>,
          %get3A_817 = arith.index_cast %add3A_786 : i32 to index
          %get3A_818 = arith.constant 48 : index
          %get3A_819 = tpu.vector_load %arg12[%get3A_817, %get3A_818] {strides = array<i32>} : memref<128x128xf32, #tpu.memory_space<vmem>>, vector<1x16xf32>,
          %get3A_820 = vector.shape_cast %get3A_819 : vector<1x16xf32> to vector<16xf32>
          %mul3A_821 = arith.mulf %get3A_820, %gather3A_782 : vector<16xf32>
          %swap3A_822 = arith.index_cast %add3A_786 : i32 to index
          %swap3A_823 = arith.constant 48 : index
          %swap3A_824 = tpu.vector_load %arg12[%swap3A_822, %swap3A_823] {strides = array<i32>} : memref<128x128xf32, #tpu.memory_space<vmem>>, vector<1x16xf32>,
          %swap3A_825 = vector.shape_cast %swap3A_824 : vector<1x16xf32> to vector<16xf32>
          %swap3A_826 = vector.shape_cast %mul3A_821 : vector<16xf32> to vector<1x16xf32>
          tpu.vector_store %arg12[%swap3A_822, %swap3A_823], %swap3A_826 {strides = array<i32>} : memref<128x128xf32, #tpu.memory_space<vmem>>, vector<1x16xf32>,
          %get3A_827 = arith.index_cast %add3A_786 : i32 to index
          %get3A_828 = arith.constant 64 : index
          %get3A_829 = tpu.vector_load %arg12[%get3A_827, %get3A_828] {strides = array<i32>} : memref<128x128xf32, #tpu.memory_space<vmem>>, vector<1x16xf32>,
          %get3A_830 = vector.shape_cast %get3A_829 : vector<1x16xf32> to vector<16xf32>
          %mul3A_831 = arith.mulf %get3A_830, %gather3A_782 : vector<16xf32>
          %swap3A_832 = arith.index_cast %add3A_786 : i32 to index
          %swap3A_833 = arith.constant 64 : index
          %swap3A_834 = tpu.vector_load %arg12[%swap3A_832, %swap3A_833] {strides = array<i32>} : memref<128x128xf32, #tpu.memory_space<vmem>>, vector<1x16xf32>,
          %swap3A_835 = vector.shape_cast %swap3A_834 : vector<1x16xf32> to vector<16xf32>
          %swap3A_836 = vector.shape_cast %mul3A_831 : vector<16xf32> to vector<1x16xf32>
          tpu.vector_store %arg12[%swap3A_832, %swap3A_833], %swap3A_836 {strides = array<i32>} : memref<128x128xf32, #tpu.memory_space<vmem>>, vector<1x16xf32>,
          %get3A_837 = arith.index_cast %add3A_786 : i32 to index
          %get3A_838 = arith.constant 80 : index
          %get3A_839 = tpu.vector_load %arg12[%get3A_837, %get3A_838] {strides = array<i32>} : memref<128x128xf32, #tpu.memory_space<vmem>>, vector<1x16xf32>,
          %get3A_840 = vector.shape_cast %get3A_839 : vector<1x16xf32> to vector<16xf32>
          %mul3A_841 = arith.mulf %get3A_840, %gather3A_782 : vector<16xf32>
          %swap3A_842 = arith.index_cast %add3A_786 : i32 to index
          %swap3A_843 = arith.constant 80 : index
          %swap3A_844 = tpu.vector_load %arg12[%swap3A_842, %swap3A_843] {strides = array<i32>} : memref<128x128xf32, #tpu.memory_space<vmem>>, vector<1x16xf32>,
          %swap3A_845 = vector.shape_cast %swap3A_844 : vector<1x16xf32> to vector<16xf32>
          %swap3A_846 = vector.shape_cast %mul3A_841 : vector<16xf32> to vector<1x16xf32>
          tpu.vector_store %arg12[%swap3A_842, %swap3A_843], %swap3A_846 {strides = array<i32>} : memref<128x128xf32, #tpu.memory_space<vmem>>, vector<1x16xf32>,
          %get3A_847 = arith.index_cast %add3A_786 : i32 to index
          %get3A_848 = arith.constant 96 : index
          %get3A_849 = tpu.vector_load %arg12[%get3A_847, %get3A_848] {strides = array<i32>} : memref<128x128xf32, #tpu.memory_space<vmem>>, vector<1x16xf32>,
          %get3A_850 = vector.shape_cast %get3A_849 : vector<1x16xf32> to vector<16xf32>
          %mul3A_851 = arith.mulf %get3A_850, %gather3A_782 : vector<16xf32>
          %swap3A_852 = arith.index_cast %add3A_786 : i32 to index
          %swap3A_853 = arith.constant 96 : index
          %swap3A_854 = tpu.vector_load %arg12[%swap3A_852, %swap3A_853] {strides = array<i32>} : memref<128x128xf32, #tpu.memory_space<vmem>>, vector<1x16xf32>,
          %swap3A_855 = vector.shape_cast %swap3A_854 : vector<1x16xf32> to vector<16xf32>
          %swap3A_856 = vector.shape_cast %mul3A_851 : vector<16xf32> to vector<1x16xf32>
          tpu.vector_store %arg12[%swap3A_852, %swap3A_853], %swap3A_856 {strides = array<i32>} : memref<128x128xf32, #tpu.memory_space<vmem>>, vector<1x16xf32>,
          %get3A_857 = arith.index_cast %add3A_786 : i32 to index
          %get3A_858 = arith.constant 112 : index
          %get3A_859 = tpu.vector_load %arg12[%get3A_857, %get3A_858] {strides = array<i32>} : memref<128x128xf32, #tpu.memory_space<vmem>>, vector<1x16xf32>,
          %get3A_860 = vector.shape_cast %get3A_859 : vector<1x16xf32> to vector<16xf32>
          %mul3A_861 = arith.mulf %get3A_860, %gather3A_782 : vector<16xf32>
          %swap3A_862 = arith.index_cast %add3A_786 : i32 to index
          %swap3A_863 = arith.constant 112 : index
          %swap3A_864 = tpu.vector_load %arg12[%swap3A_862, %swap3A_863] {strides = array<i32>} : memref<128x128xf32, #tpu.memory_space<vmem>>, vector<1x16xf32>,
          %swap3A_865 = vector.shape_cast %swap3A_864 : vector<1x16xf32> to vector<16xf32>
          %swap3A_866 = vector.shape_cast %mul3A_861 : vector<16xf32> to vector<1x16xf32>
          tpu.vector_store %arg12[%swap3A_862, %swap3A_863], %swap3A_866 {strides = array<i32>} : memref<128x128xf32, #tpu.memory_space<vmem>>, vector<1x16xf32>,
          %broadcast_in_dim3A_867 = arith.constant 7 : i32
          %broadcast_in_dim3A_868 = vector.broadcast %broadcast_in_dim3A_867 : i32 to vector<16xi32>
          %lt3A_869 = arith.constant 0 : i32
          %lt3A_870 = vector.broadcast %lt3A_869 : i32 to vector<16xi32>
          %lt3A_871 = arith.cmpi slt, %broadcast_in_dim3A_868, %lt3A_870 : vector<16xi32>
          %add3A_872 = arith.constant 16 : i32
          %add3A_873 = vector.broadcast %add3A_872 : i32 to vector<16xi32>
          %add3A_874 = arith.addi %broadcast_in_dim3A_868, %add3A_873 : vector<16xi32>
          %select_n3A_875 = arith.select %lt3A_871, %add3A_874, %broadcast_in_dim3A_868 : vector<16xi1>, vector<16xi32>
          %broadcast_in_dim3A_876 = vector.shape_cast %select_n3A_875 : vector<16xi32> to vector<16x1xi32>
          %gather3A_877 = vector.shape_cast %broadcast_in_dim3A_876 : vector<16x1xi32> to vector<16xi32>
          %gather3A_878 = tpu.dynamic_gather %get3A_197[%gather3A_877] in [0] : vector<16xf32>, vector<16xi32> -> vector<16xf32>
          %mul3A_879 = arith.constant 16 : i32
          %mul3A_880 = arith.muli %scan3A_190, %mul3A_879 : i32
          %add3A_881 = arith.constant 7 : i32
          %add3A_882 = arith.addi %mul3A_880, %add3A_881 : i32
          %get3A_883 = arith.index_cast %add3A_882 : i32 to index
          %get3A_884 = arith.constant 0 : index
          %get3A_885 = tpu.vector_load %arg12[%get3A_883, %get3A_884] {strides = array<i32>} : memref<128x128xf32, #tpu.memory_space<vmem>>, vector<1x16xf32>,
          %get3A_886 = vector.shape_cast %get3A_885 : vector<1x16xf32> to vector<16xf32>
          %mul3A_887 = arith.mulf %get3A_886, %gather3A_878 : vector<16xf32>
          %swap3A_888 = arith.index_cast %add3A_882 : i32 to index
          %swap3A_889 = arith.constant 0 : index
          %swap3A_890 = tpu.vector_load %arg12[%swap3A_888, %swap3A_889] {strides = array<i32>} : memref<128x128xf32, #tpu.memory_space<vmem>>, vector<1x16xf32>,
          %swap3A_891 = vector.shape_cast %swap3A_890 : vector<1x16xf32> to vector<16xf32>
          %swap3A_892 = vector.shape_cast %mul3A_887 : vector<16xf32> to vector<1x16xf32>
          tpu.vector_store %arg12[%swap3A_888, %swap3A_889], %swap3A_892 {strides = array<i32>} : memref<128x128xf32, #tpu.memory_space<vmem>>, vector<1x16xf32>,
          %get3A_893 = arith.index_cast %add3A_882 : i32 to index
          %get3A_894 = arith.constant 16 : index
          %get3A_895 = tpu.vector_load %arg12[%get3A_893, %get3A_894] {strides = array<i32>} : memref<128x128xf32, #tpu.memory_space<vmem>>, vector<1x16xf32>,
          %get3A_896 = vector.shape_cast %get3A_895 : vector<1x16xf32> to vector<16xf32>
          %mul3A_897 = arith.mulf %get3A_896, %gather3A_878 : vector<16xf32>
          %swap3A_898 = arith.index_cast %add3A_882 : i32 to index
          %swap3A_899 = arith.constant 16 : index
          %swap3A_900 = tpu.vector_load %arg12[%swap3A_898, %swap3A_899] {strides = array<i32>} : memref<128x128xf32, #tpu.memory_space<vmem>>, vector<1x16xf32>,
          %swap3A_901 = vector.shape_cast %swap3A_900 : vector<1x16xf32> to vector<16xf32>
          %swap3A_902 = vector.shape_cast %mul3A_897 : vector<16xf32> to vector<1x16xf32>
          tpu.vector_store %arg12[%swap3A_898, %swap3A_899], %swap3A_902 {strides = array<i32>} : memref<128x128xf32, #tpu.memory_space<vmem>>, vector<1x16xf32>,
          %get3A_903 = arith.index_cast %add3A_882 : i32 to index
          %get3A_904 = arith.constant 32 : index
          %get3A_905 = tpu.vector_load %arg12[%get3A_903, %get3A_904] {strides = array<i32>} : memref<128x128xf32, #tpu.memory_space<vmem>>, vector<1x16xf32>,
          %get3A_906 = vector.shape_cast %get3A_905 : vector<1x16xf32> to vector<16xf32>
          %mul3A_907 = arith.mulf %get3A_906, %gather3A_878 : vector<16xf32>
          %swap3A_908 = arith.index_cast %add3A_882 : i32 to index
          %swap3A_909 = arith.constant 32 : index
          %swap3A_910 = tpu.vector_load %arg12[%swap3A_908, %swap3A_909] {strides = array<i32>} : memref<128x128xf32, #tpu.memory_space<vmem>>, vector<1x16xf32>,
          %swap3A_911 = vector.shape_cast %swap3A_910 : vector<1x16xf32> to vector<16xf32>
          %swap3A_912 = vector.shape_cast %mul3A_907 : vector<16xf32> to vector<1x16xf32>
          tpu.vector_store %arg12[%swap3A_908, %swap3A_909], %swap3A_912 {strides = array<i32>} : memref<128x128xf32, #tpu.memory_space<vmem>>, vector<1x16xf32>,
          %get3A_913 = arith.index_cast %add3A_882 : i32 to index
          %get3A_914 = arith.constant 48 : index
          %get3A_915 = tpu.vector_load %arg12[%get3A_913, %get3A_914] {strides = array<i32>} : memref<128x128xf32, #tpu.memory_space<vmem>>, vector<1x16xf32>,
          %get3A_916 = vector.shape_cast %get3A_915 : vector<1x16xf32> to vector<16xf32>
          %mul3A_917 = arith.mulf %get3A_916, %gather3A_878 : vector<16xf32>
          %swap3A_918 = arith.index_cast %add3A_882 : i32 to index
          %swap3A_919 = arith.constant 48 : index
          %swap3A_920 = tpu.vector_load %arg12[%swap3A_918, %swap3A_919] {strides = array<i32>} : memref<128x128xf32, #tpu.memory_space<vmem>>, vector<1x16xf32>,
          %swap3A_921 = vector.shape_cast %swap3A_920 : vector<1x16xf32> to vector<16xf32>
          %swap3A_922 = vector.shape_cast %mul3A_917 : vector<16xf32> to vector<1x16xf32>
          tpu.vector_store %arg12[%swap3A_918, %swap3A_919], %swap3A_922 {strides = array<i32>} : memref<128x128xf32, #tpu.memory_space<vmem>>, vector<1x16xf32>,
          %get3A_923 = arith.index_cast %add3A_882 : i32 to index
          %get3A_924 = arith.constant 64 : index
          %get3A_925 = tpu.vector_load %arg12[%get3A_923, %get3A_924] {strides = array<i32>} : memref<128x128xf32, #tpu.memory_space<vmem>>, vector<1x16xf32>,
          %get3A_926 = vector.shape_cast %get3A_925 : vector<1x16xf32> to vector<16xf32>
          %mul3A_927 = arith.mulf %get3A_926, %gather3A_878 : vector<16xf32>
          %swap3A_928 = arith.index_cast %add3A_882 : i32 to index
          %swap3A_929 = arith.constant 64 : index
          %swap3A_930 = tpu.vector_load %arg12[%swap3A_928, %swap3A_929] {strides = array<i32>} : memref<128x128xf32, #tpu.memory_space<vmem>>, vector<1x16xf32>,
          %swap3A_931 = vector.shape_cast %swap3A_930 : vector<1x16xf32> to vector<16xf32>
          %swap3A_932 = vector.shape_cast %mul3A_927 : vector<16xf32> to vector<1x16xf32>
          tpu.vector_store %arg12[%swap3A_928, %swap3A_929], %swap3A_932 {strides = array<i32>} : memref<128x128xf32, #tpu.memory_space<vmem>>, vector<1x16xf32>,
          %get3A_933 = arith.index_cast %add3A_882 : i32 to index
          %get3A_934 = arith.constant 80 : index
          %get3A_935 = tpu.vector_load %arg12[%get3A_933, %get3A_934] {strides = array<i32>} : memref<128x128xf32, #tpu.memory_space<vmem>>, vector<1x16xf32>,
          %get3A_936 = vector.shape_cast %get3A_935 : vector<1x16xf32> to vector<16xf32>
          %mul3A_937 = arith.mulf %get3A_936, %gather3A_878 : vector<16xf32>
          %swap3A_938 = arith.index_cast %add3A_882 : i32 to index
          %swap3A_939 = arith.constant 80 : index
          %swap3A_940 = tpu.vector_load %arg12[%swap3A_938, %swap3A_939] {strides = array<i32>} : memref<128x128xf32, #tpu.memory_space<vmem>>, vector<1x16xf32>,
          %swap3A_941 = vector.shape_cast %swap3A_940 : vector<1x16xf32> to vector<16xf32>
          %swap3A_942 = vector.shape_cast %mul3A_937 : vector<16xf32> to vector<1x16xf32>
          tpu.vector_store %arg12[%swap3A_938, %swap3A_939], %swap3A_942 {strides = array<i32>} : memref<128x128xf32, #tpu.memory_space<vmem>>, vector<1x16xf32>,
          %get3A_943 = arith.index_cast %add3A_882 : i32 to index
          %get3A_944 = arith.constant 96 : index
          %get3A_945 = tpu.vector_load %arg12[%get3A_943, %get3A_944] {strides = array<i32>} : memref<128x128xf32, #tpu.memory_space<vmem>>, vector<1x16xf32>,
          %get3A_946 = vector.shape_cast %get3A_945 : vector<1x16xf32> to vector<16xf32>
          %mul3A_947 = arith.mulf %get3A_946, %gather3A_878 : vector<16xf32>
          %swap3A_948 = arith.index_cast %add3A_882 : i32 to index
          %swap3A_949 = arith.constant 96 : index
          %swap3A_950 = tpu.vector_load %arg12[%swap3A_948, %swap3A_949] {strides = array<i32>} : memref<128x128xf32, #tpu.memory_space<vmem>>, vector<1x16xf32>,
          %swap3A_951 = vector.shape_cast %swap3A_950 : vector<1x16xf32> to vector<16xf32>
          %swap3A_952 = vector.shape_cast %mul3A_947 : vector<16xf32> to vector<1x16xf32>
          tpu.vector_store %arg12[%swap3A_948, %swap3A_949], %swap3A_952 {strides = array<i32>} : memref<128x128xf32, #tpu.memory_space<vmem>>, vector<1x16xf32>,
          %get3A_953 = arith.index_cast %add3A_882 : i32 to index
          %get3A_954 = arith.constant 112 : index
          %get3A_955 = tpu.vector_load %arg12[%get3A_953, %get3A_954] {strides = array<i32>} : memref<128x128xf32, #tpu.memory_space<vmem>>, vector<1x16xf32>,
          %get3A_956 = vector.shape_cast %get3A_955 : vector<1x16xf32> to vector<16xf32>
          %mul3A_957 = arith.mulf %get3A_956, %gather3A_878 : vector<16xf32>
          %swap3A_958 = arith.index_cast %add3A_882 : i32 to index
          %swap3A_959 = arith.constant 112 : index
          %swap3A_960 = tpu.vector_load %arg12[%swap3A_958, %swap3A_959] {strides = array<i32>} : memref<128x128xf32, #tpu.memory_space<vmem>>, vector<1x16xf32>,
          %swap3A_961 = vector.shape_cast %swap3A_960 : vector<1x16xf32> to vector<16xf32>
          %swap3A_962 = vector.shape_cast %mul3A_957 : vector<16xf32> to vector<1x16xf32>
          tpu.vector_store %arg12[%swap3A_958, %swap3A_959], %swap3A_962 {strides = array<i32>} : memref<128x128xf32, #tpu.memory_space<vmem>>, vector<1x16xf32>,
          %broadcast_in_dim3A_963 = arith.constant 8 : i32
          %broadcast_in_dim3A_964 = vector.broadcast %broadcast_in_dim3A_963 : i32 to vector<16xi32>
          %lt3A_965 = arith.constant 0 : i32
          %lt3A_966 = vector.broadcast %lt3A_965 : i32 to vector<16xi32>
          %lt3A_967 = arith.cmpi slt, %broadcast_in_dim3A_964, %lt3A_966 : vector<16xi32>
          %add3A_968 = arith.constant 16 : i32
          %add3A_969 = vector.broadcast %add3A_968 : i32 to vector<16xi32>
          %add3A_970 = arith.addi %broadcast_in_dim3A_964, %add3A_969 : vector<16xi32>
          %select_n3A_971 = arith.select %lt3A_967, %add3A_970, %broadcast_in_dim3A_964 : vector<16xi1>, vector<16xi32>
          %broadcast_in_dim3A_972 = vector.shape_cast %select_n3A_971 : vector<16xi32> to vector<16x1xi32>
          %gather3A_973 = vector.shape_cast %broadcast_in_dim3A_972 : vector<16x1xi32> to vector<16xi32>
          %gather3A_974 = tpu.dynamic_gather %get3A_197[%gather3A_973] in [0] : vector<16xf32>, vector<16xi32> -> vector<16xf32>
          %mul3A_975 = arith.constant 16 : i32
          %mul3A_976 = arith.muli %scan3A_190, %mul3A_975 : i32
          %add3A_977 = arith.constant 8 : i32
          %add3A_978 = arith.addi %mul3A_976, %add3A_977 : i32
          %get3A_979 = arith.index_cast %add3A_978 : i32 to index
          %get3A_980 = arith.constant 0 : index
          %get3A_981 = tpu.vector_load %arg12[%get3A_979, %get3A_980] {strides = array<i32>} : memref<128x128xf32, #tpu.memory_space<vmem>>, vector<1x16xf32>,
          %get3A_982 = vector.shape_cast %get3A_981 : vector<1x16xf32> to vector<16xf32>
          %mul3A_983 = arith.mulf %get3A_982, %gather3A_974 : vector<16xf32>
          %swap3A_984 = arith.index_cast %add3A_978 : i32 to index
          %swap3A_985 = arith.constant 0 : index
          %swap3A_986 = tpu.vector_load %arg12[%swap3A_984, %swap3A_985] {strides = array<i32>} : memref<128x128xf32, #tpu.memory_space<vmem>>, vector<1x16xf32>,
          %swap3A_987 = vector.shape_cast %swap3A_986 : vector<1x16xf32> to vector<16xf32>
          %swap3A_988 = vector.shape_cast %mul3A_983 : vector<16xf32> to vector<1x16xf32>
          tpu.vector_store %arg12[%swap3A_984, %swap3A_985], %swap3A_988 {strides = array<i32>} : memref<128x128xf32, #tpu.memory_space<vmem>>, vector<1x16xf32>,
          %get3A_989 = arith.index_cast %add3A_978 : i32 to index
          %get3A_990 = arith.constant 16 : index
          %get3A_991 = tpu.vector_load %arg12[%get3A_989, %get3A_990] {strides = array<i32>} : memref<128x128xf32, #tpu.memory_space<vmem>>, vector<1x16xf32>,
          %get3A_992 = vector.shape_cast %get3A_991 : vector<1x16xf32> to vector<16xf32>
          %mul3A_993 = arith.mulf %get3A_992, %gather3A_974 : vector<16xf32>
          %swap3A_994 = arith.index_cast %add3A_978 : i32 to index
          %swap3A_995 = arith.constant 16 : index
          %swap3A_996 = tpu.vector_load %arg12[%swap3A_994, %swap3A_995] {strides = array<i32>} : memref<128x128xf32, #tpu.memory_space<vmem>>, vector<1x16xf32>,
          %swap3A_997 = vector.shape_cast %swap3A_996 : vector<1x16xf32> to vector<16xf32>
          %swap3A_998 = vector.shape_cast %mul3A_993 : vector<16xf32> to vector<1x16xf32>
          tpu.vector_store %arg12[%swap3A_994, %swap3A_995], %swap3A_998 {strides = array<i32>} : memref<128x128xf32, #tpu.memory_space<vmem>>, vector<1x16xf32>,
          %get3A_999 = arith.index_cast %add3A_978 : i32 to index
          %get3A_1000 = arith.constant 32 : index
          %get3A_1001 = tpu.vector_load %arg12[%get3A_999, %get3A_1000] {strides = array<i32>} : memref<128x128xf32, #tpu.memory_space<vmem>>, vector<1x16xf32>,
          %get3A_1002 = vector.shape_cast %get3A_1001 : vector<1x16xf32> to vector<16xf32>
          %mul3A_1003 = arith.mulf %get3A_1002, %gather3A_974 : vector<16xf32>
          %swap3A_1004 = arith.index_cast %add3A_978 : i32 to index
          %swap3A_1005 = arith.constant 32 : index
          %swap3A_1006 = tpu.vector_load %arg12[%swap3A_1004, %swap3A_1005] {strides = array<i32>} : memref<128x128xf32, #tpu.memory_space<vmem>>, vector<1x16xf32>,
          %swap3A_1007 = vector.shape_cast %swap3A_1006 : vector<1x16xf32> to vector<16xf32>
          %swap3A_1008 = vector.shape_cast %mul3A_1003 : vector<16xf32> to vector<1x16xf32>
          tpu.vector_store %arg12[%swap3A_1004, %swap3A_1005], %swap3A_1008 {strides = array<i32>} : memref<128x128xf32, #tpu.memory_space<vmem>>, vector<1x16xf32>,
          %get3A_1009 = arith.index_cast %add3A_978 : i32 to index
          %get3A_1010 = arith.constant 48 : index
          %get3A_1011 = tpu.vector_load %arg12[%get3A_1009, %get3A_1010] {strides = array<i32>} : memref<128x128xf32, #tpu.memory_space<vmem>>, vector<1x16xf32>,
          %get3A_1012 = vector.shape_cast %get3A_1011 : vector<1x16xf32> to vector<16xf32>
          %mul3A_1013 = arith.mulf %get3A_1012, %gather3A_974 : vector<16xf32>
          %swap3A_1014 = arith.index_cast %add3A_978 : i32 to index
          %swap3A_1015 = arith.constant 48 : index
          %swap3A_1016 = tpu.vector_load %arg12[%swap3A_1014, %swap3A_1015] {strides = array<i32>} : memref<128x128xf32, #tpu.memory_space<vmem>>, vector<1x16xf32>,
          %swap3A_1017 = vector.shape_cast %swap3A_1016 : vector<1x16xf32> to vector<16xf32>
          %swap3A_1018 = vector.shape_cast %mul3A_1013 : vector<16xf32> to vector<1x16xf32>
          tpu.vector_store %arg12[%swap3A_1014, %swap3A_1015], %swap3A_1018 {strides = array<i32>} : memref<128x128xf32, #tpu.memory_space<vmem>>, vector<1x16xf32>,
          %get3A_1019 = arith.index_cast %add3A_978 : i32 to index
          %get3A_1020 = arith.constant 64 : index
          %get3A_1021 = tpu.vector_load %arg12[%get3A_1019, %get3A_1020] {strides = array<i32>} : memref<128x128xf32, #tpu.memory_space<vmem>>, vector<1x16xf32>,
          %get3A_1022 = vector.shape_cast %get3A_1021 : vector<1x16xf32> to vector<16xf32>
          %mul3A_1023 = arith.mulf %get3A_1022, %gather3A_974 : vector<16xf32>
          %swap3A_1024 = arith.index_cast %add3A_978 : i32 to index
          %swap3A_1025 = arith.constant 64 : index
          %swap3A_1026 = tpu.vector_load %arg12[%swap3A_1024, %swap3A_1025] {strides = array<i32>} : memref<128x128xf32, #tpu.memory_space<vmem>>, vector<1x16xf32>,
          %swap3A_1027 = vector.shape_cast %swap3A_1026 : vector<1x16xf32> to vector<16xf32>
          %swap3A_1028 = vector.shape_cast %mul3A_1023 : vector<16xf32> to vector<1x16xf32>
          tpu.vector_store %arg12[%swap3A_1024, %swap3A_1025], %swap3A_1028 {strides = array<i32>} : memref<128x128xf32, #tpu.memory_space<vmem>>, vector<1x16xf32>,
          %get3A_1029 = arith.index_cast %add3A_978 : i32 to index
          %get3A_1030 = arith.constant 80 : index
          %get3A_1031 = tpu.vector_load %arg12[%get3A_1029, %get3A_1030] {strides = array<i32>} : memref<128x128xf32, #tpu.memory_space<vmem>>, vector<1x16xf32>,
          %get3A_1032 = vector.shape_cast %get3A_1031 : vector<1x16xf32> to vector<16xf32>
          %mul3A_1033 = arith.mulf %get3A_1032, %gather3A_974 : vector<16xf32>
          %swap3A_1034 = arith.index_cast %add3A_978 : i32 to index
          %swap3A_1035 = arith.constant 80 : index
          %swap3A_1036 = tpu.vector_load %arg12[%swap3A_1034, %swap3A_1035] {strides = array<i32>} : memref<128x128xf32, #tpu.memory_space<vmem>>, vector<1x16xf32>,
          %swap3A_1037 = vector.shape_cast %swap3A_1036 : vector<1x16xf32> to vector<16xf32>
          %swap3A_1038 = vector.shape_cast %mul3A_1033 : vector<16xf32> to vector<1x16xf32>
          tpu.vector_store %arg12[%swap3A_1034, %swap3A_1035], %swap3A_1038 {strides = array<i32>} : memref<128x128xf32, #tpu.memory_space<vmem>>, vector<1x16xf32>,
          %get3A_1039 = arith.index_cast %add3A_978 : i32 to index
          %get3A_1040 = arith.constant 96 : index
          %get3A_1041 = tpu.vector_load %arg12[%get3A_1039, %get3A_1040] {strides = array<i32>} : memref<128x128xf32, #tpu.memory_space<vmem>>, vector<1x16xf32>,
          %get3A_1042 = vector.shape_cast %get3A_1041 : vector<1x16xf32> to vector<16xf32>
          %mul3A_1043 = arith.mulf %get3A_1042, %gather3A_974 : vector<16xf32>
          %swap3A_1044 = arith.index_cast %add3A_978 : i32 to index
          %swap3A_1045 = arith.constant 96 : index
          %swap3A_1046 = tpu.vector_load %arg12[%swap3A_1044, %swap3A_1045] {strides = array<i32>} : memref<128x128xf32, #tpu.memory_space<vmem>>, vector<1x16xf32>,
          %swap3A_1047 = vector.shape_cast %swap3A_1046 : vector<1x16xf32> to vector<16xf32>
          %swap3A_1048 = vector.shape_cast %mul3A_1043 : vector<16xf32> to vector<1x16xf32>
          tpu.vector_store %arg12[%swap3A_1044, %swap3A_1045], %swap3A_1048 {strides = array<i32>} : memref<128x128xf32, #tpu.memory_space<vmem>>, vector<1x16xf32>,
          %get3A_1049 = arith.index_cast %add3A_978 : i32 to index
          %get3A_1050 = arith.constant 112 : index
          %get3A_1051 = tpu.vector_load %arg12[%get3A_1049, %get3A_1050] {strides = array<i32>} : memref<128x128xf32, #tpu.memory_space<vmem>>, vector<1x16xf32>,
          %get3A_1052 = vector.shape_cast %get3A_1051 : vector<1x16xf32> to vector<16xf32>
          %mul3A_1053 = arith.mulf %get3A_1052, %gather3A_974 : vector<16xf32>
          %swap3A_1054 = arith.index_cast %add3A_978 : i32 to index
          %swap3A_1055 = arith.constant 112 : index
          %swap3A_1056 = tpu.vector_load %arg12[%swap3A_1054, %swap3A_1055] {strides = array<i32>} : memref<128x128xf32, #tpu.memory_space<vmem>>, vector<1x16xf32>,
          %swap3A_1057 = vector.shape_cast %swap3A_1056 : vector<1x16xf32> to vector<16xf32>
          %swap3A_1058 = vector.shape_cast %mul3A_1053 : vector<16xf32> to vector<1x16xf32>
          tpu.vector_store %arg12[%swap3A_1054, %swap3A_1055], %swap3A_1058 {strides = array<i32>} : memref<128x128xf32, #tpu.memory_space<vmem>>, vector<1x16xf32>,
          %broadcast_in_dim3A_1059 = arith.constant 9 : i32
          %broadcast_in_dim3A_1060 = vector.broadcast %broadcast_in_dim3A_1059 : i32 to vector<16xi32>
          %lt3A_1061 = arith.constant 0 : i32
          %lt3A_1062 = vector.broadcast %lt3A_1061 : i32 to vector<16xi32>
          %lt3A_1063 = arith.cmpi slt, %broadcast_in_dim3A_1060, %lt3A_1062 : vector<16xi32>
          %add3A_1064 = arith.constant 16 : i32
          %add3A_1065 = vector.broadcast %add3A_1064 : i32 to vector<16xi32>
          %add3A_1066 = arith.addi %broadcast_in_dim3A_1060, %add3A_1065 : vector<16xi32>
          %select_n3A_1067 = arith.select %lt3A_1063, %add3A_1066, %broadcast_in_dim3A_1060 : vector<16xi1>, vector<16xi32>
          %broadcast_in_dim3A_1068 = vector.shape_cast %select_n3A_1067 : vector<16xi32> to vector<16x1xi32>
          %gather3A_1069 = vector.shape_cast %broadcast_in_dim3A_1068 : vector<16x1xi32> to vector<16xi32>
          %gather3A_1070 = tpu.dynamic_gather %get3A_197[%gather3A_1069] in [0] : vector<16xf32>, vector<16xi32> -> vector<16xf32>
          %mul3A_1071 = arith.constant 16 : i32
          %mul3A_1072 = arith.muli %scan3A_190, %mul3A_1071 : i32
          %add3A_1073 = arith.constant 9 : i32
          %add3A_1074 = arith.addi %mul3A_1072, %add3A_1073 : i32
          %get3A_1075 = arith.index_cast %add3A_1074 : i32 to index
          %get3A_1076 = arith.constant 0 : index
          %get3A_1077 = tpu.vector_load %arg12[%get3A_1075, %get3A_1076] {strides = array<i32>} : memref<128x128xf32, #tpu.memory_space<vmem>>, vector<1x16xf32>,
          %get3A_1078 = vector.shape_cast %get3A_1077 : vector<1x16xf32> to vector<16xf32>
          %mul3A_1079 = arith.mulf %get3A_1078, %gather3A_1070 : vector<16xf32>
          %swap3A_1080 = arith.index_cast %add3A_1074 : i32 to index
          %swap3A_1081 = arith.constant 0 : index
          %swap3A_1082 = tpu.vector_load %arg12[%swap3A_1080, %swap3A_1081] {strides = array<i32>} : memref<128x128xf32, #tpu.memory_space<vmem>>, vector<1x16xf32>,
          %swap3A_1083 = vector.shape_cast %swap3A_1082 : vector<1x16xf32> to vector<16xf32>
          %swap3A_1084 = vector.shape_cast %mul3A_1079 : vector<16xf32> to vector<1x16xf32>
          tpu.vector_store %arg12[%swap3A_1080, %swap3A_1081], %swap3A_1084 {strides = array<i32>} : memref<128x128xf32, #tpu.memory_space<vmem>>, vector<1x16xf32>,
          %get3A_1085 = arith.index_cast %add3A_1074 : i32 to index
          %get3A_1086 = arith.constant 16 : index
          %get3A_1087 = tpu.vector_load %arg12[%get3A_1085, %get3A_1086] {strides = array<i32>} : memref<128x128xf32, #tpu.memory_space<vmem>>, vector<1x16xf32>,
          %get3A_1088 = vector.shape_cast %get3A_1087 : vector<1x16xf32> to vector<16xf32>
          %mul3A_1089 = arith.mulf %get3A_1088, %gather3A_1070 : vector<16xf32>
          %swap3A_1090 = arith.index_cast %add3A_1074 : i32 to index
          %swap3A_1091 = arith.constant 16 : index
          %swap3A_1092 = tpu.vector_load %arg12[%swap3A_1090, %swap3A_1091] {strides = array<i32>} : memref<128x128xf32, #tpu.memory_space<vmem>>, vector<1x16xf32>,
          %swap3A_1093 = vector.shape_cast %swap3A_1092 : vector<1x16xf32> to vector<16xf32>
          %swap3A_1094 = vector.shape_cast %mul3A_1089 : vector<16xf32> to vector<1x16xf32>
          tpu.vector_store %arg12[%swap3A_1090, %swap3A_1091], %swap3A_1094 {strides = array<i32>} : memref<128x128xf32, #tpu.memory_space<vmem>>, vector<1x16xf32>,
          %get3A_1095 = arith.index_cast %add3A_1074 : i32 to index
          %get3A_1096 = arith.constant 32 : index
          %get3A_1097 = tpu.vector_load %arg12[%get3A_1095, %get3A_1096] {strides = array<i32>} : memref<128x128xf32, #tpu.memory_space<vmem>>, vector<1x16xf32>,
          %get3A_1098 = vector.shape_cast %get3A_1097 : vector<1x16xf32> to vector<16xf32>
          %mul3A_1099 = arith.mulf %get3A_1098, %gather3A_1070 : vector<16xf32>
          %swap3A_1100 = arith.index_cast %add3A_1074 : i32 to index
          %swap3A_1101 = arith.constant 32 : index
          %swap3A_1102 = tpu.vector_load %arg12[%swap3A_1100, %swap3A_1101] {strides = array<i32>} : memref<128x128xf32, #tpu.memory_space<vmem>>, vector<1x16xf32>,
          %swap3A_1103 = vector.shape_cast %swap3A_1102 : vector<1x16xf32> to vector<16xf32>
          %swap3A_1104 = vector.shape_cast %mul3A_1099 : vector<16xf32> to vector<1x16xf32>
          tpu.vector_store %arg12[%swap3A_1100, %swap3A_1101], %swap3A_1104 {strides = array<i32>} : memref<128x128xf32, #tpu.memory_space<vmem>>, vector<1x16xf32>,
          %get3A_1105 = arith.index_cast %add3A_1074 : i32 to index
          %get3A_1106 = arith.constant 48 : index
          %get3A_1107 = tpu.vector_load %arg12[%get3A_1105, %get3A_1106] {strides = array<i32>} : memref<128x128xf32, #tpu.memory_space<vmem>>, vector<1x16xf32>,
          %get3A_1108 = vector.shape_cast %get3A_1107 : vector<1x16xf32> to vector<16xf32>
          %mul3A_1109 = arith.mulf %get3A_1108, %gather3A_1070 : vector<16xf32>
          %swap3A_1110 = arith.index_cast %add3A_1074 : i32 to index
          %swap3A_1111 = arith.constant 48 : index
          %swap3A_1112 = tpu.vector_load %arg12[%swap3A_1110, %swap3A_1111] {strides = array<i32>} : memref<128x128xf32, #tpu.memory_space<vmem>>, vector<1x16xf32>,
          %swap3A_1113 = vector.shape_cast %swap3A_1112 : vector<1x16xf32> to vector<16xf32>
          %swap3A_1114 = vector.shape_cast %mul3A_1109 : vector<16xf32> to vector<1x16xf32>
          tpu.vector_store %arg12[%swap3A_1110, %swap3A_1111], %swap3A_1114 {strides = array<i32>} : memref<128x128xf32, #tpu.memory_space<vmem>>, vector<1x16xf32>,
          %get3A_1115 = arith.index_cast %add3A_1074 : i32 to index
          %get3A_1116 = arith.constant 64 : index
          %get3A_1117 = tpu.vector_load %arg12[%get3A_1115, %get3A_1116] {strides = array<i32>} : memref<128x128xf32, #tpu.memory_space<vmem>>, vector<1x16xf32>,
          %get3A_1118 = vector.shape_cast %get3A_1117 : vector<1x16xf32> to vector<16xf32>
          %mul3A_1119 = arith.mulf %get3A_1118, %gather3A_1070 : vector<16xf32>
          %swap3A_1120 = arith.index_cast %add3A_1074 : i32 to index
          %swap3A_1121 = arith.constant 64 : index
          %swap3A_1122 = tpu.vector_load %arg12[%swap3A_1120, %swap3A_1121] {strides = array<i32>} : memref<128x128xf32, #tpu.memory_space<vmem>>, vector<1x16xf32>,
          %swap3A_1123 = vector.shape_cast %swap3A_1122 : vector<1x16xf32> to vector<16xf32>
          %swap3A_1124 = vector.shape_cast %mul3A_1119 : vector<16xf32> to vector<1x16xf32>
          tpu.vector_store %arg12[%swap3A_1120, %swap3A_1121], %swap3A_1124 {strides = array<i32>} : memref<128x128xf32, #tpu.memory_space<vmem>>, vector<1x16xf32>,
          %get3A_1125 = arith.index_cast %add3A_1074 : i32 to index
          %get3A_1126 = arith.constant 80 : index
          %get3A_1127 = tpu.vector_load %arg12[%get3A_1125, %get3A_1126] {strides = array<i32>} : memref<128x128xf32, #tpu.memory_space<vmem>>, vector<1x16xf32>,
          %get3A_1128 = vector.shape_cast %get3A_1127 : vector<1x16xf32> to vector<16xf32>
          %mul3A_1129 = arith.mulf %get3A_1128, %gather3A_1070 : vector<16xf32>
          %swap3A_1130 = arith.index_cast %add3A_1074 : i32 to index
          %swap3A_1131 = arith.constant 80 : index
          %swap3A_1132 = tpu.vector_load %arg12[%swap3A_1130, %swap3A_1131] {strides = array<i32>} : memref<128x128xf32, #tpu.memory_space<vmem>>, vector<1x16xf32>,
          %swap3A_1133 = vector.shape_cast %swap3A_1132 : vector<1x16xf32> to vector<16xf32>
          %swap3A_1134 = vector.shape_cast %mul3A_1129 : vector<16xf32> to vector<1x16xf32>
          tpu.vector_store %arg12[%swap3A_1130, %swap3A_1131], %swap3A_1134 {strides = array<i32>} : memref<128x128xf32, #tpu.memory_space<vmem>>, vector<1x16xf32>,
          %get3A_1135 = arith.index_cast %add3A_1074 : i32 to index
          %get3A_1136 = arith.constant 96 : index
          %get3A_1137 = tpu.vector_load %arg12[%get3A_1135, %get3A_1136] {strides = array<i32>} : memref<128x128xf32, #tpu.memory_space<vmem>>, vector<1x16xf32>,
          %get3A_1138 = vector.shape_cast %get3A_1137 : vector<1x16xf32> to vector<16xf32>
          %mul3A_1139 = arith.mulf %get3A_1138, %gather3A_1070 : vector<16xf32>
          %swap3A_1140 = arith.index_cast %add3A_1074 : i32 to index
          %swap3A_1141 = arith.constant 96 : index
          %swap3A_1142 = tpu.vector_load %arg12[%swap3A_1140, %swap3A_1141] {strides = array<i32>} : memref<128x128xf32, #tpu.memory_space<vmem>>, vector<1x16xf32>,
          %swap3A_1143 = vector.shape_cast %swap3A_1142 : vector<1x16xf32> to vector<16xf32>
          %swap3A_1144 = vector.shape_cast %mul3A_1139 : vector<16xf32> to vector<1x16xf32>
          tpu.vector_store %arg12[%swap3A_1140, %swap3A_1141], %swap3A_1144 {strides = array<i32>} : memref<128x128xf32, #tpu.memory_space<vmem>>, vector<1x16xf32>,
          %get3A_1145 = arith.index_cast %add3A_1074 : i32 to index
          %get3A_1146 = arith.constant 112 : index
          %get3A_1147 = tpu.vector_load %arg12[%get3A_1145, %get3A_1146] {strides = array<i32>} : memref<128x128xf32, #tpu.memory_space<vmem>>, vector<1x16xf32>,
          %get3A_1148 = vector.shape_cast %get3A_1147 : vector<1x16xf32> to vector<16xf32>
          %mul3A_1149 = arith.mulf %get3A_1148, %gather3A_1070 : vector<16xf32>
          %swap3A_1150 = arith.index_cast %add3A_1074 : i32 to index
          %swap3A_1151 = arith.constant 112 : index
          %swap3A_1152 = tpu.vector_load %arg12[%swap3A_1150, %swap3A_1151] {strides = array<i32>} : memref<128x128xf32, #tpu.memory_space<vmem>>, vector<1x16xf32>,
          %swap3A_1153 = vector.shape_cast %swap3A_1152 : vector<1x16xf32> to vector<16xf32>
          %swap3A_1154 = vector.shape_cast %mul3A_1149 : vector<16xf32> to vector<1x16xf32>
          tpu.vector_store %arg12[%swap3A_1150, %swap3A_1151], %swap3A_1154 {strides = array<i32>} : memref<128x128xf32, #tpu.memory_space<vmem>>, vector<1x16xf32>,
          %broadcast_in_dim3A_1155 = arith.constant 10 : i32
          %broadcast_in_dim3A_1156 = vector.broadcast %broadcast_in_dim3A_1155 : i32 to vector<16xi32>
          %lt3A_1157 = arith.constant 0 : i32
          %lt3A_1158 = vector.broadcast %lt3A_1157 : i32 to vector<16xi32>
          %lt3A_1159 = arith.cmpi slt, %broadcast_in_dim3A_1156, %lt3A_1158 : vector<16xi32>
          %add3A_1160 = arith.constant 16 : i32
          %add3A_1161 = vector.broadcast %add3A_1160 : i32 to vector<16xi32>
          %add3A_1162 = arith.addi %broadcast_in_dim3A_1156, %add3A_1161 : vector<16xi32>
          %select_n3A_1163 = arith.select %lt3A_1159, %add3A_1162, %broadcast_in_dim3A_1156 : vector<16xi1>, vector<16xi32>
          %broadcast_in_dim3A_1164 = vector.shape_cast %select_n3A_1163 : vector<16xi32> to vector<16x1xi32>
          %gather3A_1165 = vector.shape_cast %broadcast_in_dim3A_1164 : vector<16x1xi32> to vector<16xi32>
          %gather3A_1166 = tpu.dynamic_gather %get3A_197[%gather3A_1165] in [0] : vector<16xf32>, vector<16xi32> -> vector<16xf32>
          %mul3A_1167 = arith.constant 16 : i32
          %mul3A_1168 = arith.muli %scan3A_190, %mul3A_1167 : i32
          %add3A_1169 = arith.constant 10 : i32
          %add3A_1170 = arith.addi %mul3A_1168, %add3A_1169 : i32
          %get3A_1171 = arith.index_cast %add3A_1170 : i32 to index
          %get3A_1172 = arith.constant 0 : index
          %get3A_1173 = tpu.vector_load %arg12[%get3A_1171, %get3A_1172] {strides = array<i32>} : memref<128x128xf32, #tpu.memory_space<vmem>>, vector<1x16xf32>,
          %get3A_1174 = vector.shape_cast %get3A_1173 : vector<1x16xf32> to vector<16xf32>
          %mul3A_1175 = arith.mulf %get3A_1174, %gather3A_1166 : vector<16xf32>
          %swap3A_1176 = arith.index_cast %add3A_1170 : i32 to index
          %swap3A_1177 = arith.constant 0 : index
          %swap3A_1178 = tpu.vector_load %arg12[%swap3A_1176, %swap3A_1177] {strides = array<i32>} : memref<128x128xf32, #tpu.memory_space<vmem>>, vector<1x16xf32>,
          %swap3A_1179 = vector.shape_cast %swap3A_1178 : vector<1x16xf32> to vector<16xf32>
          %swap3A_1180 = vector.shape_cast %mul3A_1175 : vector<16xf32> to vector<1x16xf32>
          tpu.vector_store %arg12[%swap3A_1176, %swap3A_1177], %swap3A_1180 {strides = array<i32>} : memref<128x128xf32, #tpu.memory_space<vmem>>, vector<1x16xf32>,
          %get3A_1181 = arith.index_cast %add3A_1170 : i32 to index
          %get3A_1182 = arith.constant 16 : index
          %get3A_1183 = tpu.vector_load %arg12[%get3A_1181, %get3A_1182] {strides = array<i32>} : memref<128x128xf32, #tpu.memory_space<vmem>>, vector<1x16xf32>,
          %get3A_1184 = vector.shape_cast %get3A_1183 : vector<1x16xf32> to vector<16xf32>
          %mul3A_1185 = arith.mulf %get3A_1184, %gather3A_1166 : vector<16xf32>
          %swap3A_1186 = arith.index_cast %add3A_1170 : i32 to index
          %swap3A_1187 = arith.constant 16 : index
          %swap3A_1188 = tpu.vector_load %arg12[%swap3A_1186, %swap3A_1187] {strides = array<i32>} : memref<128x128xf32, #tpu.memory_space<vmem>>, vector<1x16xf32>,
          %swap3A_1189 = vector.shape_cast %swap3A_1188 : vector<1x16xf32> to vector<16xf32>
          %swap3A_1190 = vector.shape_cast %mul3A_1185 : vector<16xf32> to vector<1x16xf32>
          tpu.vector_store %arg12[%swap3A_1186, %swap3A_1187], %swap3A_1190 {strides = array<i32>} : memref<128x128xf32, #tpu.memory_space<vmem>>, vector<1x16xf32>,
          %get3A_1191 = arith.index_cast %add3A_1170 : i32 to index
          %get3A_1192 = arith.constant 32 : index
          %get3A_1193 = tpu.vector_load %arg12[%get3A_1191, %get3A_1192] {strides = array<i32>} : memref<128x128xf32, #tpu.memory_space<vmem>>, vector<1x16xf32>,
          %get3A_1194 = vector.shape_cast %get3A_1193 : vector<1x16xf32> to vector<16xf32>
          %mul3A_1195 = arith.mulf %get3A_1194, %gather3A_1166 : vector<16xf32>
          %swap3A_1196 = arith.index_cast %add3A_1170 : i32 to index
          %swap3A_1197 = arith.constant 32 : index
          %swap3A_1198 = tpu.vector_load %arg12[%swap3A_1196, %swap3A_1197] {strides = array<i32>} : memref<128x128xf32, #tpu.memory_space<vmem>>, vector<1x16xf32>,
          %swap3A_1199 = vector.shape_cast %swap3A_1198 : vector<1x16xf32> to vector<16xf32>
          %swap3A_1200 = vector.shape_cast %mul3A_1195 : vector<16xf32> to vector<1x16xf32>
          tpu.vector_store %arg12[%swap3A_1196, %swap3A_1197], %swap3A_1200 {strides = array<i32>} : memref<128x128xf32, #tpu.memory_space<vmem>>, vector<1x16xf32>,
          %get3A_1201 = arith.index_cast %add3A_1170 : i32 to index
          %get3A_1202 = arith.constant 48 : index
          %get3A_1203 = tpu.vector_load %arg12[%get3A_1201, %get3A_1202] {strides = array<i32>} : memref<128x128xf32, #tpu.memory_space<vmem>>, vector<1x16xf32>,
          %get3A_1204 = vector.shape_cast %get3A_1203 : vector<1x16xf32> to vector<16xf32>
          %mul3A_1205 = arith.mulf %get3A_1204, %gather3A_1166 : vector<16xf32>
          %swap3A_1206 = arith.index_cast %add3A_1170 : i32 to index
          %swap3A_1207 = arith.constant 48 : index
          %swap3A_1208 = tpu.vector_load %arg12[%swap3A_1206, %swap3A_1207] {strides = array<i32>} : memref<128x128xf32, #tpu.memory_space<vmem>>, vector<1x16xf32>,
          %swap3A_1209 = vector.shape_cast %swap3A_1208 : vector<1x16xf32> to vector<16xf32>
          %swap3A_1210 = vector.shape_cast %mul3A_1205 : vector<16xf32> to vector<1x16xf32>
          tpu.vector_store %arg12[%swap3A_1206, %swap3A_1207], %swap3A_1210 {strides = array<i32>} : memref<128x128xf32, #tpu.memory_space<vmem>>, vector<1x16xf32>,
          %get3A_1211 = arith.index_cast %add3A_1170 : i32 to index
          %get3A_1212 = arith.constant 64 : index
          %get3A_1213 = tpu.vector_load %arg12[%get3A_1211, %get3A_1212] {strides = array<i32>} : memref<128x128xf32, #tpu.memory_space<vmem>>, vector<1x16xf32>,
          %get3A_1214 = vector.shape_cast %get3A_1213 : vector<1x16xf32> to vector<16xf32>
          %mul3A_1215 = arith.mulf %get3A_1214, %gather3A_1166 : vector<16xf32>
          %swap3A_1216 = arith.index_cast %add3A_1170 : i32 to index
          %swap3A_1217 = arith.constant 64 : index
          %swap3A_1218 = tpu.vector_load %arg12[%swap3A_1216, %swap3A_1217] {strides = array<i32>} : memref<128x128xf32, #tpu.memory_space<vmem>>, vector<1x16xf32>,
          %swap3A_1219 = vector.shape_cast %swap3A_1218 : vector<1x16xf32> to vector<16xf32>
          %swap3A_1220 = vector.shape_cast %mul3A_1215 : vector<16xf32> to vector<1x16xf32>
          tpu.vector_store %arg12[%swap3A_1216, %swap3A_1217], %swap3A_1220 {strides = array<i32>} : memref<128x128xf32, #tpu.memory_space<vmem>>, vector<1x16xf32>,
          %get3A_1221 = arith.index_cast %add3A_1170 : i32 to index
          %get3A_1222 = arith.constant 80 : index
          %get3A_1223 = tpu.vector_load %arg12[%get3A_1221, %get3A_1222] {strides = array<i32>} : memref<128x128xf32, #tpu.memory_space<vmem>>, vector<1x16xf32>,
          %get3A_1224 = vector.shape_cast %get3A_1223 : vector<1x16xf32> to vector<16xf32>
          %mul3A_1225 = arith.mulf %get3A_1224, %gather3A_1166 : vector<16xf32>
          %swap3A_1226 = arith.index_cast %add3A_1170 : i32 to index
          %swap3A_1227 = arith.constant 80 : index
          %swap3A_1228 = tpu.vector_load %arg12[%swap3A_1226, %swap3A_1227] {strides = array<i32>} : memref<128x128xf32, #tpu.memory_space<vmem>>, vector<1x16xf32>,
          %swap3A_1229 = vector.shape_cast %swap3A_1228 : vector<1x16xf32> to vector<16xf32>
          %swap3A_1230 = vector.shape_cast %mul3A_1225 : vector<16xf32> to vector<1x16xf32>
          tpu.vector_store %arg12[%swap3A_1226, %swap3A_1227], %swap3A_1230 {strides = array<i32>} : memref<128x128xf32, #tpu.memory_space<vmem>>, vector<1x16xf32>,
          %get3A_1231 = arith.index_cast %add3A_1170 : i32 to index
          %get3A_1232 = arith.constant 96 : index
          %get3A_1233 = tpu.vector_load %arg12[%get3A_1231, %get3A_1232] {strides = array<i32>} : memref<128x128xf32, #tpu.memory_space<vmem>>, vector<1x16xf32>,
          %get3A_1234 = vector.shape_cast %get3A_1233 : vector<1x16xf32> to vector<16xf32>
          %mul3A_1235 = arith.mulf %get3A_1234, %gather3A_1166 : vector<16xf32>
          %swap3A_1236 = arith.index_cast %add3A_1170 : i32 to index
          %swap3A_1237 = arith.constant 96 : index
          %swap3A_1238 = tpu.vector_load %arg12[%swap3A_1236, %swap3A_1237] {strides = array<i32>} : memref<128x128xf32, #tpu.memory_space<vmem>>, vector<1x16xf32>,
          %swap3A_1239 = vector.shape_cast %swap3A_1238 : vector<1x16xf32> to vector<16xf32>
          %swap3A_1240 = vector.shape_cast %mul3A_1235 : vector<16xf32> to vector<1x16xf32>
          tpu.vector_store %arg12[%swap3A_1236, %swap3A_1237], %swap3A_1240 {strides = array<i32>} : memref<128x128xf32, #tpu.memory_space<vmem>>, vector<1x16xf32>,
          %get3A_1241 = arith.index_cast %add3A_1170 : i32 to index
          %get3A_1242 = arith.constant 112 : index
          %get3A_1243 = tpu.vector_load %arg12[%get3A_1241, %get3A_1242] {strides = array<i32>} : memref<128x128xf32, #tpu.memory_space<vmem>>, vector<1x16xf32>,
          %get3A_1244 = vector.shape_cast %get3A_1243 : vector<1x16xf32> to vector<16xf32>
          %mul3A_1245 = arith.mulf %get3A_1244, %gather3A_1166 : vector<16xf32>
          %swap3A_1246 = arith.index_cast %add3A_1170 : i32 to index
          %swap3A_1247 = arith.constant 112 : index
          %swap3A_1248 = tpu.vector_load %arg12[%swap3A_1246, %swap3A_1247] {strides = array<i32>} : memref<128x128xf32, #tpu.memory_space<vmem>>, vector<1x16xf32>,
          %swap3A_1249 = vector.shape_cast %swap3A_1248 : vector<1x16xf32> to vector<16xf32>
          %swap3A_1250 = vector.shape_cast %mul3A_1245 : vector<16xf32> to vector<1x16xf32>
          tpu.vector_store %arg12[%swap3A_1246, %swap3A_1247], %swap3A_1250 {strides = array<i32>} : memref<128x128xf32, #tpu.memory_space<vmem>>, vector<1x16xf32>,
          %broadcast_in_dim3A_1251 = arith.constant 11 : i32
          %broadcast_in_dim3A_1252 = vector.broadcast %broadcast_in_dim3A_1251 : i32 to vector<16xi32>
          %lt3A_1253 = arith.constant 0 : i32
          %lt3A_1254 = vector.broadcast %lt3A_1253 : i32 to vector<16xi32>
          %lt3A_1255 = arith.cmpi slt, %broadcast_in_dim3A_1252, %lt3A_1254 : vector<16xi32>
          %add3A_1256 = arith.constant 16 : i32
          %add3A_1257 = vector.broadcast %add3A_1256 : i32 to vector<16xi32>
          %add3A_1258 = arith.addi %broadcast_in_dim3A_1252, %add3A_1257 : vector<16xi32>
          %select_n3A_1259 = arith.select %lt3A_1255, %add3A_1258, %broadcast_in_dim3A_1252 : vector<16xi1>, vector<16xi32>
          %broadcast_in_dim3A_1260 = vector.shape_cast %select_n3A_1259 : vector<16xi32> to vector<16x1xi32>
          %gather3A_1261 = vector.shape_cast %broadcast_in_dim3A_1260 : vector<16x1xi32> to vector<16xi32>
          %gather3A_1262 = tpu.dynamic_gather %get3A_197[%gather3A_1261] in [0] : vector<16xf32>, vector<16xi32> -> vector<16xf32>
          %mul3A_1263 = arith.constant 16 : i32
          %mul3A_1264 = arith.muli %scan3A_190, %mul3A_1263 : i32
          %add3A_1265 = arith.constant 11 : i32
          %add3A_1266 = arith.addi %mul3A_1264, %add3A_1265 : i32
          %get3A_1267 = arith.index_cast %add3A_1266 : i32 to index
          %get3A_1268 = arith.constant 0 : index
          %get3A_1269 = tpu.vector_load %arg12[%get3A_1267, %get3A_1268] {strides = array<i32>} : memref<128x128xf32, #tpu.memory_space<vmem>>, vector<1x16xf32>,
          %get3A_1270 = vector.shape_cast %get3A_1269 : vector<1x16xf32> to vector<16xf32>
          %mul3A_1271 = arith.mulf %get3A_1270, %gather3A_1262 : vector<16xf32>
          %swap3A_1272 = arith.index_cast %add3A_1266 : i32 to index
          %swap3A_1273 = arith.constant 0 : index
          %swap3A_1274 = tpu.vector_load %arg12[%swap3A_1272, %swap3A_1273] {strides = array<i32>} : memref<128x128xf32, #tpu.memory_space<vmem>>, vector<1x16xf32>,
          %swap3A_1275 = vector.shape_cast %swap3A_1274 : vector<1x16xf32> to vector<16xf32>
          %swap3A_1276 = vector.shape_cast %mul3A_1271 : vector<16xf32> to vector<1x16xf32>
          tpu.vector_store %arg12[%swap3A_1272, %swap3A_1273], %swap3A_1276 {strides = array<i32>} : memref<128x128xf32, #tpu.memory_space<vmem>>, vector<1x16xf32>,
          %get3A_1277 = arith.index_cast %add3A_1266 : i32 to index
          %get3A_1278 = arith.constant 16 : index
          %get3A_1279 = tpu.vector_load %arg12[%get3A_1277, %get3A_1278] {strides = array<i32>} : memref<128x128xf32, #tpu.memory_space<vmem>>, vector<1x16xf32>,
          %get3A_1280 = vector.shape_cast %get3A_1279 : vector<1x16xf32> to vector<16xf32>
          %mul3A_1281 = arith.mulf %get3A_1280, %gather3A_1262 : vector<16xf32>
          %swap3A_1282 = arith.index_cast %add3A_1266 : i32 to index
          %swap3A_1283 = arith.constant 16 : index
          %swap3A_1284 = tpu.vector_load %arg12[%swap3A_1282, %swap3A_1283] {strides = array<i32>} : memref<128x128xf32, #tpu.memory_space<vmem>>, vector<1x16xf32>,
          %swap3A_1285 = vector.shape_cast %swap3A_1284 : vector<1x16xf32> to vector<16xf32>
          %swap3A_1286 = vector.shape_cast %mul3A_1281 : vector<16xf32> to vector<1x16xf32>
          tpu.vector_store %arg12[%swap3A_1282, %swap3A_1283], %swap3A_1286 {strides = array<i32>} : memref<128x128xf32, #tpu.memory_space<vmem>>, vector<1x16xf32>,
          %get3A_1287 = arith.index_cast %add3A_1266 : i32 to index
          %get3A_1288 = arith.constant 32 : index
          %get3A_1289 = tpu.vector_load %arg12[%get3A_1287, %get3A_1288] {strides = array<i32>} : memref<128x128xf32, #tpu.memory_space<vmem>>, vector<1x16xf32>,
          %get3A_1290 = vector.shape_cast %get3A_1289 : vector<1x16xf32> to vector<16xf32>
          %mul3A_1291 = arith.mulf %get3A_1290, %gather3A_1262 : vector<16xf32>
          %swap3A_1292 = arith.index_cast %add3A_1266 : i32 to index
          %swap3A_1293 = arith.constant 32 : index
          %swap3A_1294 = tpu.vector_load %arg12[%swap3A_1292, %swap3A_1293] {strides = array<i32>} : memref<128x128xf32, #tpu.memory_space<vmem>>, vector<1x16xf32>,
          %swap3A_1295 = vector.shape_cast %swap3A_1294 : vector<1x16xf32> to vector<16xf32>
          %swap3A_1296 = vector.shape_cast %mul3A_1291 : vector<16xf32> to vector<1x16xf32>
          tpu.vector_store %arg12[%swap3A_1292, %swap3A_1293], %swap3A_1296 {strides = array<i32>} : memref<128x128xf32, #tpu.memory_space<vmem>>, vector<1x16xf32>,
          %get3A_1297 = arith.index_cast %add3A_1266 : i32 to index
          %get3A_1298 = arith.constant 48 : index
          %get3A_1299 = tpu.vector_load %arg12[%get3A_1297, %get3A_1298] {strides = array<i32>} : memref<128x128xf32, #tpu.memory_space<vmem>>, vector<1x16xf32>,
          %get3A_1300 = vector.shape_cast %get3A_1299 : vector<1x16xf32> to vector<16xf32>
          %mul3A_1301 = arith.mulf %get3A_1300, %gather3A_1262 : vector<16xf32>
          %swap3A_1302 = arith.index_cast %add3A_1266 : i32 to index
          %swap3A_1303 = arith.constant 48 : index
          %swap3A_1304 = tpu.vector_load %arg12[%swap3A_1302, %swap3A_1303] {strides = array<i32>} : memref<128x128xf32, #tpu.memory_space<vmem>>, vector<1x16xf32>,
          %swap3A_1305 = vector.shape_cast %swap3A_1304 : vector<1x16xf32> to vector<16xf32>
          %swap3A_1306 = vector.shape_cast %mul3A_1301 : vector<16xf32> to vector<1x16xf32>
          tpu.vector_store %arg12[%swap3A_1302, %swap3A_1303], %swap3A_1306 {strides = array<i32>} : memref<128x128xf32, #tpu.memory_space<vmem>>, vector<1x16xf32>,
          %get3A_1307 = arith.index_cast %add3A_1266 : i32 to index
          %get3A_1308 = arith.constant 64 : index
          %get3A_1309 = tpu.vector_load %arg12[%get3A_1307, %get3A_1308] {strides = array<i32>} : memref<128x128xf32, #tpu.memory_space<vmem>>, vector<1x16xf32>,
          %get3A_1310 = vector.shape_cast %get3A_1309 : vector<1x16xf32> to vector<16xf32>
          %mul3A_1311 = arith.mulf %get3A_1310, %gather3A_1262 : vector<16xf32>
          %swap3A_1312 = arith.index_cast %add3A_1266 : i32 to index
          %swap3A_1313 = arith.constant 64 : index
          %swap3A_1314 = tpu.vector_load %arg12[%swap3A_1312, %swap3A_1313] {strides = array<i32>} : memref<128x128xf32, #tpu.memory_space<vmem>>, vector<1x16xf32>,
          %swap3A_1315 = vector.shape_cast %swap3A_1314 : vector<1x16xf32> to vector<16xf32>
          %swap3A_1316 = vector.shape_cast %mul3A_1311 : vector<16xf32> to vector<1x16xf32>
          tpu.vector_store %arg12[%swap3A_1312, %swap3A_1313], %swap3A_1316 {strides = array<i32>} : memref<128x128xf32, #tpu.memory_space<vmem>>, vector<1x16xf32>,
          %get3A_1317 = arith.index_cast %add3A_1266 : i32 to index
          %get3A_1318 = arith.constant 80 : index
          %get3A_1319 = tpu.vector_load %arg12[%get3A_1317, %get3A_1318] {strides = array<i32>} : memref<128x128xf32, #tpu.memory_space<vmem>>, vector<1x16xf32>,
          %get3A_1320 = vector.shape_cast %get3A_1319 : vector<1x16xf32> to vector<16xf32>
          %mul3A_1321 = arith.mulf %get3A_1320, %gather3A_1262 : vector<16xf32>
          %swap3A_1322 = arith.index_cast %add3A_1266 : i32 to index
          %swap3A_1323 = arith.constant 80 : index
          %swap3A_1324 = tpu.vector_load %arg12[%swap3A_1322, %swap3A_1323] {strides = array<i32>} : memref<128x128xf32, #tpu.memory_space<vmem>>, vector<1x16xf32>,
          %swap3A_1325 = vector.shape_cast %swap3A_1324 : vector<1x16xf32> to vector<16xf32>
          %swap3A_1326 = vector.shape_cast %mul3A_1321 : vector<16xf32> to vector<1x16xf32>
          tpu.vector_store %arg12[%swap3A_1322, %swap3A_1323], %swap3A_1326 {strides = array<i32>} : memref<128x128xf32, #tpu.memory_space<vmem>>, vector<1x16xf32>,
          %get3A_1327 = arith.index_cast %add3A_1266 : i32 to index
          %get3A_1328 = arith.constant 96 : index
          %get3A_1329 = tpu.vector_load %arg12[%get3A_1327, %get3A_1328] {strides = array<i32>} : memref<128x128xf32, #tpu.memory_space<vmem>>, vector<1x16xf32>,
          %get3A_1330 = vector.shape_cast %get3A_1329 : vector<1x16xf32> to vector<16xf32>
          %mul3A_1331 = arith.mulf %get3A_1330, %gather3A_1262 : vector<16xf32>
          %swap3A_1332 = arith.index_cast %add3A_1266 : i32 to index
          %swap3A_1333 = arith.constant 96 : index
          %swap3A_1334 = tpu.vector_load %arg12[%swap3A_1332, %swap3A_1333] {strides = array<i32>} : memref<128x128xf32, #tpu.memory_space<vmem>>, vector<1x16xf32>,
          %swap3A_1335 = vector.shape_cast %swap3A_1334 : vector<1x16xf32> to vector<16xf32>
          %swap3A_1336 = vector.shape_cast %mul3A_1331 : vector<16xf32> to vector<1x16xf32>
          tpu.vector_store %arg12[%swap3A_1332, %swap3A_1333], %swap3A_1336 {strides = array<i32>} : memref<128x128xf32, #tpu.memory_space<vmem>>, vector<1x16xf32>,
          %get3A_1337 = arith.index_cast %add3A_1266 : i32 to index
          %get3A_1338 = arith.constant 112 : index
          %get3A_1339 = tpu.vector_load %arg12[%get3A_1337, %get3A_1338] {strides = array<i32>} : memref<128x128xf32, #tpu.memory_space<vmem>>, vector<1x16xf32>,
          %get3A_1340 = vector.shape_cast %get3A_1339 : vector<1x16xf32> to vector<16xf32>
          %mul3A_1341 = arith.mulf %get3A_1340, %gather3A_1262 : vector<16xf32>
          %swap3A_1342 = arith.index_cast %add3A_1266 : i32 to index
          %swap3A_1343 = arith.constant 112 : index
          %swap3A_1344 = tpu.vector_load %arg12[%swap3A_1342, %swap3A_1343] {strides = array<i32>} : memref<128x128xf32, #tpu.memory_space<vmem>>, vector<1x16xf32>,
          %swap3A_1345 = vector.shape_cast %swap3A_1344 : vector<1x16xf32> to vector<16xf32>
          %swap3A_1346 = vector.shape_cast %mul3A_1341 : vector<16xf32> to vector<1x16xf32>
          tpu.vector_store %arg12[%swap3A_1342, %swap3A_1343], %swap3A_1346 {strides = array<i32>} : memref<128x128xf32, #tpu.memory_space<vmem>>, vector<1x16xf32>,
          %broadcast_in_dim3A_1347 = arith.constant 12 : i32
          %broadcast_in_dim3A_1348 = vector.broadcast %broadcast_in_dim3A_1347 : i32 to vector<16xi32>
          %lt3A_1349 = arith.constant 0 : i32
          %lt3A_1350 = vector.broadcast %lt3A_1349 : i32 to vector<16xi32>
          %lt3A_1351 = arith.cmpi slt, %broadcast_in_dim3A_1348, %lt3A_1350 : vector<16xi32>
          %add3A_1352 = arith.constant 16 : i32
          %add3A_1353 = vector.broadcast %add3A_1352 : i32 to vector<16xi32>
          %add3A_1354 = arith.addi %broadcast_in_dim3A_1348, %add3A_1353 : vector<16xi32>
          %select_n3A_1355 = arith.select %lt3A_1351, %add3A_1354, %broadcast_in_dim3A_1348 : vector<16xi1>, vector<16xi32>
          %broadcast_in_dim3A_1356 = vector.shape_cast %select_n3A_1355 : vector<16xi32> to vector<16x1xi32>
          %gather3A_1357 = vector.shape_cast %broadcast_in_dim3A_1356 : vector<16x1xi32> to vector<16xi32>
          %gather3A_1358 = tpu.dynamic_gather %get3A_197[%gather3A_1357] in [0] : vector<16xf32>, vector<16xi32> -> vector<16xf32>
          %mul3A_1359 = arith.constant 16 : i32
          %mul3A_1360 = arith.muli %scan3A_190, %mul3A_1359 : i32
          %add3A_1361 = arith.constant 12 : i32
          %add3A_1362 = arith.addi %mul3A_1360, %add3A_1361 : i32
          %get3A_1363 = arith.index_cast %add3A_1362 : i32 to index
          %get3A_1364 = arith.constant 0 : index
          %get3A_1365 = tpu.vector_load %arg12[%get3A_1363, %get3A_1364] {strides = array<i32>} : memref<128x128xf32, #tpu.memory_space<vmem>>, vector<1x16xf32>,
          %get3A_1366 = vector.shape_cast %get3A_1365 : vector<1x16xf32> to vector<16xf32>
          %mul3A_1367 = arith.mulf %get3A_1366, %gather3A_1358 : vector<16xf32>
          %swap3A_1368 = arith.index_cast %add3A_1362 : i32 to index
          %swap3A_1369 = arith.constant 0 : index
          %swap3A_1370 = tpu.vector_load %arg12[%swap3A_1368, %swap3A_1369] {strides = array<i32>} : memref<128x128xf32, #tpu.memory_space<vmem>>, vector<1x16xf32>,
          %swap3A_1371 = vector.shape_cast %swap3A_1370 : vector<1x16xf32> to vector<16xf32>
          %swap3A_1372 = vector.shape_cast %mul3A_1367 : vector<16xf32> to vector<1x16xf32>
          tpu.vector_store %arg12[%swap3A_1368, %swap3A_1369], %swap3A_1372 {strides = array<i32>} : memref<128x128xf32, #tpu.memory_space<vmem>>, vector<1x16xf32>,
          %get3A_1373 = arith.index_cast %add3A_1362 : i32 to index
          %get3A_1374 = arith.constant 16 : index
          %get3A_1375 = tpu.vector_load %arg12[%get3A_1373, %get3A_1374] {strides = array<i32>} : memref<128x128xf32, #tpu.memory_space<vmem>>, vector<1x16xf32>,
          %get3A_1376 = vector.shape_cast %get3A_1375 : vector<1x16xf32> to vector<16xf32>
          %mul3A_1377 = arith.mulf %get3A_1376, %gather3A_1358 : vector<16xf32>
          %swap3A_1378 = arith.index_cast %add3A_1362 : i32 to index
          %swap3A_1379 = arith.constant 16 : index
          %swap3A_1380 = tpu.vector_load %arg12[%swap3A_1378, %swap3A_1379] {strides = array<i32>} : memref<128x128xf32, #tpu.memory_space<vmem>>, vector<1x16xf32>,
          %swap3A_1381 = vector.shape_cast %swap3A_1380 : vector<1x16xf32> to vector<16xf32>
          %swap3A_1382 = vector.shape_cast %mul3A_1377 : vector<16xf32> to vector<1x16xf32>
          tpu.vector_store %arg12[%swap3A_1378, %swap3A_1379], %swap3A_1382 {strides = array<i32>} : memref<128x128xf32, #tpu.memory_space<vmem>>, vector<1x16xf32>,
          %get3A_1383 = arith.index_cast %add3A_1362 : i32 to index
          %get3A_1384 = arith.constant 32 : index
          %get3A_1385 = tpu.vector_load %arg12[%get3A_1383, %get3A_1384] {strides = array<i32>} : memref<128x128xf32, #tpu.memory_space<vmem>>, vector<1x16xf32>,
          %get3A_1386 = vector.shape_cast %get3A_1385 : vector<1x16xf32> to vector<16xf32>
          %mul3A_1387 = arith.mulf %get3A_1386, %gather3A_1358 : vector<16xf32>
          %swap3A_1388 = arith.index_cast %add3A_1362 : i32 to index
          %swap3A_1389 = arith.constant 32 : index
          %swap3A_1390 = tpu.vector_load %arg12[%swap3A_1388, %swap3A_1389] {strides = array<i32>} : memref<128x128xf32, #tpu.memory_space<vmem>>, vector<1x16xf32>,
          %swap3A_1391 = vector.shape_cast %swap3A_1390 : vector<1x16xf32> to vector<16xf32>
          %swap3A_1392 = vector.shape_cast %mul3A_1387 : vector<16xf32> to vector<1x16xf32>
          tpu.vector_store %arg12[%swap3A_1388, %swap3A_1389], %swap3A_1392 {strides = array<i32>} : memref<128x128xf32, #tpu.memory_space<vmem>>, vector<1x16xf32>,
          %get3A_1393 = arith.index_cast %add3A_1362 : i32 to index
          %get3A_1394 = arith.constant 48 : index
          %get3A_1395 = tpu.vector_load %arg12[%get3A_1393, %get3A_1394] {strides = array<i32>} : memref<128x128xf32, #tpu.memory_space<vmem>>, vector<1x16xf32>,
          %get3A_1396 = vector.shape_cast %get3A_1395 : vector<1x16xf32> to vector<16xf32>
          %mul3A_1397 = arith.mulf %get3A_1396, %gather3A_1358 : vector<16xf32>
          %swap3A_1398 = arith.index_cast %add3A_1362 : i32 to index
          %swap3A_1399 = arith.constant 48 : index
          %swap3A_1400 = tpu.vector_load %arg12[%swap3A_1398, %swap3A_1399] {strides = array<i32>} : memref<128x128xf32, #tpu.memory_space<vmem>>, vector<1x16xf32>,
          %swap3A_1401 = vector.shape_cast %swap3A_1400 : vector<1x16xf32> to vector<16xf32>
          %swap3A_1402 = vector.shape_cast %mul3A_1397 : vector<16xf32> to vector<1x16xf32>
          tpu.vector_store %arg12[%swap3A_1398, %swap3A_1399], %swap3A_1402 {strides = array<i32>} : memref<128x128xf32, #tpu.memory_space<vmem>>, vector<1x16xf32>,
          %get3A_1403 = arith.index_cast %add3A_1362 : i32 to index
          %get3A_1404 = arith.constant 64 : index
          %get3A_1405 = tpu.vector_load %arg12[%get3A_1403, %get3A_1404] {strides = array<i32>} : memref<128x128xf32, #tpu.memory_space<vmem>>, vector<1x16xf32>,
          %get3A_1406 = vector.shape_cast %get3A_1405 : vector<1x16xf32> to vector<16xf32>
          %mul3A_1407 = arith.mulf %get3A_1406, %gather3A_1358 : vector<16xf32>
          %swap3A_1408 = arith.index_cast %add3A_1362 : i32 to index
          %swap3A_1409 = arith.constant 64 : index
          %swap3A_1410 = tpu.vector_load %arg12[%swap3A_1408, %swap3A_1409] {strides = array<i32>} : memref<128x128xf32, #tpu.memory_space<vmem>>, vector<1x16xf32>,
          %swap3A_1411 = vector.shape_cast %swap3A_1410 : vector<1x16xf32> to vector<16xf32>
          %swap3A_1412 = vector.shape_cast %mul3A_1407 : vector<16xf32> to vector<1x16xf32>
          tpu.vector_store %arg12[%swap3A_1408, %swap3A_1409], %swap3A_1412 {strides = array<i32>} : memref<128x128xf32, #tpu.memory_space<vmem>>, vector<1x16xf32>,
          %get3A_1413 = arith.index_cast %add3A_1362 : i32 to index
          %get3A_1414 = arith.constant 80 : index
          %get3A_1415 = tpu.vector_load %arg12[%get3A_1413, %get3A_1414] {strides = array<i32>} : memref<128x128xf32, #tpu.memory_space<vmem>>, vector<1x16xf32>,
          %get3A_1416 = vector.shape_cast %get3A_1415 : vector<1x16xf32> to vector<16xf32>
          %mul3A_1417 = arith.mulf %get3A_1416, %gather3A_1358 : vector<16xf32>
          %swap3A_1418 = arith.index_cast %add3A_1362 : i32 to index
          %swap3A_1419 = arith.constant 80 : index
          %swap3A_1420 = tpu.vector_load %arg12[%swap3A_1418, %swap3A_1419] {strides = array<i32>} : memref<128x128xf32, #tpu.memory_space<vmem>>, vector<1x16xf32>,
          %swap3A_1421 = vector.shape_cast %swap3A_1420 : vector<1x16xf32> to vector<16xf32>
          %swap3A_1422 = vector.shape_cast %mul3A_1417 : vector<16xf32> to vector<1x16xf32>
          tpu.vector_store %arg12[%swap3A_1418, %swap3A_1419], %swap3A_1422 {strides = array<i32>} : memref<128x128xf32, #tpu.memory_space<vmem>>, vector<1x16xf32>,
          %get3A_1423 = arith.index_cast %add3A_1362 : i32 to index
          %get3A_1424 = arith.constant 96 : index
          %get3A_1425 = tpu.vector_load %arg12[%get3A_1423, %get3A_1424] {strides = array<i32>} : memref<128x128xf32, #tpu.memory_space<vmem>>, vector<1x16xf32>,
          %get3A_1426 = vector.shape_cast %get3A_1425 : vector<1x16xf32> to vector<16xf32>
          %mul3A_1427 = arith.mulf %get3A_1426, %gather3A_1358 : vector<16xf32>
          %swap3A_1428 = arith.index_cast %add3A_1362 : i32 to index
          %swap3A_1429 = arith.constant 96 : index
          %swap3A_1430 = tpu.vector_load %arg12[%swap3A_1428, %swap3A_1429] {strides = array<i32>} : memref<128x128xf32, #tpu.memory_space<vmem>>, vector<1x16xf32>,
          %swap3A_1431 = vector.shape_cast %swap3A_1430 : vector<1x16xf32> to vector<16xf32>
          %swap3A_1432 = vector.shape_cast %mul3A_1427 : vector<16xf32> to vector<1x16xf32>
          tpu.vector_store %arg12[%swap3A_1428, %swap3A_1429], %swap3A_1432 {strides = array<i32>} : memref<128x128xf32, #tpu.memory_space<vmem>>, vector<1x16xf32>,
          %get3A_1433 = arith.index_cast %add3A_1362 : i32 to index
          %get3A_1434 = arith.constant 112 : index
          %get3A_1435 = tpu.vector_load %arg12[%get3A_1433, %get3A_1434] {strides = array<i32>} : memref<128x128xf32, #tpu.memory_space<vmem>>, vector<1x16xf32>,
          %get3A_1436 = vector.shape_cast %get3A_1435 : vector<1x16xf32> to vector<16xf32>
          %mul3A_1437 = arith.mulf %get3A_1436, %gather3A_1358 : vector<16xf32>
          %swap3A_1438 = arith.index_cast %add3A_1362 : i32 to index
          %swap3A_1439 = arith.constant 112 : index
          %swap3A_1440 = tpu.vector_load %arg12[%swap3A_1438, %swap3A_1439] {strides = array<i32>} : memref<128x128xf32, #tpu.memory_space<vmem>>, vector<1x16xf32>,
          %swap3A_1441 = vector.shape_cast %swap3A_1440 : vector<1x16xf32> to vector<16xf32>
          %swap3A_1442 = vector.shape_cast %mul3A_1437 : vector<16xf32> to vector<1x16xf32>
          tpu.vector_store %arg12[%swap3A_1438, %swap3A_1439], %swap3A_1442 {strides = array<i32>} : memref<128x128xf32, #tpu.memory_space<vmem>>, vector<1x16xf32>,
          %broadcast_in_dim3A_1443 = arith.constant 13 : i32
          %broadcast_in_dim3A_1444 = vector.broadcast %broadcast_in_dim3A_1443 : i32 to vector<16xi32>
          %lt3A_1445 = arith.constant 0 : i32
          %lt3A_1446 = vector.broadcast %lt3A_1445 : i32 to vector<16xi32>
          %lt3A_1447 = arith.cmpi slt, %broadcast_in_dim3A_1444, %lt3A_1446 : vector<16xi32>
          %add3A_1448 = arith.constant 16 : i32
          %add3A_1449 = vector.broadcast %add3A_1448 : i32 to vector<16xi32>
          %add3A_1450 = arith.addi %broadcast_in_dim3A_1444, %add3A_1449 : vector<16xi32>
          %select_n3A_1451 = arith.select %lt3A_1447, %add3A_1450, %broadcast_in_dim3A_1444 : vector<16xi1>, vector<16xi32>
          %broadcast_in_dim3A_1452 = vector.shape_cast %select_n3A_1451 : vector<16xi32> to vector<16x1xi32>
          %gather3A_1453 = vector.shape_cast %broadcast_in_dim3A_1452 : vector<16x1xi32> to vector<16xi32>
          %gather3A_1454 = tpu.dynamic_gather %get3A_197[%gather3A_1453] in [0] : vector<16xf32>, vector<16xi32> -> vector<16xf32>
          %mul3A_1455 = arith.constant 16 : i32
          %mul3A_1456 = arith.muli %scan3A_190, %mul3A_1455 : i32
          %add3A_1457 = arith.constant 13 : i32
          %add3A_1458 = arith.addi %mul3A_1456, %add3A_1457 : i32
          %get3A_1459 = arith.index_cast %add3A_1458 : i32 to index
          %get3A_1460 = arith.constant 0 : index
          %get3A_1461 = tpu.vector_load %arg12[%get3A_1459, %get3A_1460] {strides = array<i32>} : memref<128x128xf32, #tpu.memory_space<vmem>>, vector<1x16xf32>,
          %get3A_1462 = vector.shape_cast %get3A_1461 : vector<1x16xf32> to vector<16xf32>
          %mul3A_1463 = arith.mulf %get3A_1462, %gather3A_1454 : vector<16xf32>
          %swap3A_1464 = arith.index_cast %add3A_1458 : i32 to index
          %swap3A_1465 = arith.constant 0 : index
          %swap3A_1466 = tpu.vector_load %arg12[%swap3A_1464, %swap3A_1465] {strides = array<i32>} : memref<128x128xf32, #tpu.memory_space<vmem>>, vector<1x16xf32>,
          %swap3A_1467 = vector.shape_cast %swap3A_1466 : vector<1x16xf32> to vector<16xf32>
          %swap3A_1468 = vector.shape_cast %mul3A_1463 : vector<16xf32> to vector<1x16xf32>
          tpu.vector_store %arg12[%swap3A_1464, %swap3A_1465], %swap3A_1468 {strides = array<i32>} : memref<128x128xf32, #tpu.memory_space<vmem>>, vector<1x16xf32>,
          %get3A_1469 = arith.index_cast %add3A_1458 : i32 to index
          %get3A_1470 = arith.constant 16 : index
          %get3A_1471 = tpu.vector_load %arg12[%get3A_1469, %get3A_1470] {strides = array<i32>} : memref<128x128xf32, #tpu.memory_space<vmem>>, vector<1x16xf32>,
          %get3A_1472 = vector.shape_cast %get3A_1471 : vector<1x16xf32> to vector<16xf32>
          %mul3A_1473 = arith.mulf %get3A_1472, %gather3A_1454 : vector<16xf32>
          %swap3A_1474 = arith.index_cast %add3A_1458 : i32 to index
          %swap3A_1475 = arith.constant 16 : index
          %swap3A_1476 = tpu.vector_load %arg12[%swap3A_1474, %swap3A_1475] {strides = array<i32>} : memref<128x128xf32, #tpu.memory_space<vmem>>, vector<1x16xf32>,
          %swap3A_1477 = vector.shape_cast %swap3A_1476 : vector<1x16xf32> to vector<16xf32>
          %swap3A_1478 = vector.shape_cast %mul3A_1473 : vector<16xf32> to vector<1x16xf32>
          tpu.vector_store %arg12[%swap3A_1474, %swap3A_1475], %swap3A_1478 {strides = array<i32>} : memref<128x128xf32, #tpu.memory_space<vmem>>, vector<1x16xf32>,
          %get3A_1479 = arith.index_cast %add3A_1458 : i32 to index
          %get3A_1480 = arith.constant 32 : index
          %get3A_1481 = tpu.vector_load %arg12[%get3A_1479, %get3A_1480] {strides = array<i32>} : memref<128x128xf32, #tpu.memory_space<vmem>>, vector<1x16xf32>,
          %get3A_1482 = vector.shape_cast %get3A_1481 : vector<1x16xf32> to vector<16xf32>
          %mul3A_1483 = arith.mulf %get3A_1482, %gather3A_1454 : vector<16xf32>
          %swap3A_1484 = arith.index_cast %add3A_1458 : i32 to index
          %swap3A_1485 = arith.constant 32 : index
          %swap3A_1486 = tpu.vector_load %arg12[%swap3A_1484, %swap3A_1485] {strides = array<i32>} : memref<128x128xf32, #tpu.memory_space<vmem>>, vector<1x16xf32>,
          %swap3A_1487 = vector.shape_cast %swap3A_1486 : vector<1x16xf32> to vector<16xf32>
          %swap3A_1488 = vector.shape_cast %mul3A_1483 : vector<16xf32> to vector<1x16xf32>
          tpu.vector_store %arg12[%swap3A_1484, %swap3A_1485], %swap3A_1488 {strides = array<i32>} : memref<128x128xf32, #tpu.memory_space<vmem>>, vector<1x16xf32>,
          %get3A_1489 = arith.index_cast %add3A_1458 : i32 to index
          %get3A_1490 = arith.constant 48 : index
          %get3A_1491 = tpu.vector_load %arg12[%get3A_1489, %get3A_1490] {strides = array<i32>} : memref<128x128xf32, #tpu.memory_space<vmem>>, vector<1x16xf32>,
          %get3A_1492 = vector.shape_cast %get3A_1491 : vector<1x16xf32> to vector<16xf32>
          %mul3A_1493 = arith.mulf %get3A_1492, %gather3A_1454 : vector<16xf32>
          %swap3A_1494 = arith.index_cast %add3A_1458 : i32 to index
          %swap3A_1495 = arith.constant 48 : index
          %swap3A_1496 = tpu.vector_load %arg12[%swap3A_1494, %swap3A_1495] {strides = array<i32>} : memref<128x128xf32, #tpu.memory_space<vmem>>, vector<1x16xf32>,
          %swap3A_1497 = vector.shape_cast %swap3A_1496 : vector<1x16xf32> to vector<16xf32>
          %swap3A_1498 = vector.shape_cast %mul3A_1493 : vector<16xf32> to vector<1x16xf32>
          tpu.vector_store %arg12[%swap3A_1494, %swap3A_1495], %swap3A_1498 {strides = array<i32>} : memref<128x128xf32, #tpu.memory_space<vmem>>, vector<1x16xf32>,
          %get3A_1499 = arith.index_cast %add3A_1458 : i32 to index
          %get3A_1500 = arith.constant 64 : index
          %get3A_1501 = tpu.vector_load %arg12[%get3A_1499, %get3A_1500] {strides = array<i32>} : memref<128x128xf32, #tpu.memory_space<vmem>>, vector<1x16xf32>,
          %get3A_1502 = vector.shape_cast %get3A_1501 : vector<1x16xf32> to vector<16xf32>
          %mul3A_1503 = arith.mulf %get3A_1502, %gather3A_1454 : vector<16xf32>
          %swap3A_1504 = arith.index_cast %add3A_1458 : i32 to index
          %swap3A_1505 = arith.constant 64 : index
          %swap3A_1506 = tpu.vector_load %arg12[%swap3A_1504, %swap3A_1505] {strides = array<i32>} : memref<128x128xf32, #tpu.memory_space<vmem>>, vector<1x16xf32>,
          %swap3A_1507 = vector.shape_cast %swap3A_1506 : vector<1x16xf32> to vector<16xf32>
          %swap3A_1508 = vector.shape_cast %mul3A_1503 : vector<16xf32> to vector<1x16xf32>
          tpu.vector_store %arg12[%swap3A_1504, %swap3A_1505], %swap3A_1508 {strides = array<i32>} : memref<128x128xf32, #tpu.memory_space<vmem>>, vector<1x16xf32>,
          %get3A_1509 = arith.index_cast %add3A_1458 : i32 to index
          %get3A_1510 = arith.constant 80 : index
          %get3A_1511 = tpu.vector_load %arg12[%get3A_1509, %get3A_1510] {strides = array<i32>} : memref<128x128xf32, #tpu.memory_space<vmem>>, vector<1x16xf32>,
          %get3A_1512 = vector.shape_cast %get3A_1511 : vector<1x16xf32> to vector<16xf32>
          %mul3A_1513 = arith.mulf %get3A_1512, %gather3A_1454 : vector<16xf32>
          %swap3A_1514 = arith.index_cast %add3A_1458 : i32 to index
          %swap3A_1515 = arith.constant 80 : index
          %swap3A_1516 = tpu.vector_load %arg12[%swap3A_1514, %swap3A_1515] {strides = array<i32>} : memref<128x128xf32, #tpu.memory_space<vmem>>, vector<1x16xf32>,
          %swap3A_1517 = vector.shape_cast %swap3A_1516 : vector<1x16xf32> to vector<16xf32>
          %swap3A_1518 = vector.shape_cast %mul3A_1513 : vector<16xf32> to vector<1x16xf32>
          tpu.vector_store %arg12[%swap3A_1514, %swap3A_1515], %swap3A_1518 {strides = array<i32>} : memref<128x128xf32, #tpu.memory_space<vmem>>, vector<1x16xf32>,
          %get3A_1519 = arith.index_cast %add3A_1458 : i32 to index
          %get3A_1520 = arith.constant 96 : index
          %get3A_1521 = tpu.vector_load %arg12[%get3A_1519, %get3A_1520] {strides = array<i32>} : memref<128x128xf32, #tpu.memory_space<vmem>>, vector<1x16xf32>,
          %get3A_1522 = vector.shape_cast %get3A_1521 : vector<1x16xf32> to vector<16xf32>
          %mul3A_1523 = arith.mulf %get3A_1522, %gather3A_1454 : vector<16xf32>
          %swap3A_1524 = arith.index_cast %add3A_1458 : i32 to index
          %swap3A_1525 = arith.constant 96 : index
          %swap3A_1526 = tpu.vector_load %arg12[%swap3A_1524, %swap3A_1525] {strides = array<i32>} : memref<128x128xf32, #tpu.memory_space<vmem>>, vector<1x16xf32>,
          %swap3A_1527 = vector.shape_cast %swap3A_1526 : vector<1x16xf32> to vector<16xf32>
          %swap3A_1528 = vector.shape_cast %mul3A_1523 : vector<16xf32> to vector<1x16xf32>
          tpu.vector_store %arg12[%swap3A_1524, %swap3A_1525], %swap3A_1528 {strides = array<i32>} : memref<128x128xf32, #tpu.memory_space<vmem>>, vector<1x16xf32>,
          %get3A_1529 = arith.index_cast %add3A_1458 : i32 to index
          %get3A_1530 = arith.constant 112 : index
          %get3A_1531 = tpu.vector_load %arg12[%get3A_1529, %get3A_1530] {strides = array<i32>} : memref<128x128xf32, #tpu.memory_space<vmem>>, vector<1x16xf32>,
          %get3A_1532 = vector.shape_cast %get3A_1531 : vector<1x16xf32> to vector<16xf32>
          %mul3A_1533 = arith.mulf %get3A_1532, %gather3A_1454 : vector<16xf32>
          %swap3A_1534 = arith.index_cast %add3A_1458 : i32 to index
          %swap3A_1535 = arith.constant 112 : index
          %swap3A_1536 = tpu.vector_load %arg12[%swap3A_1534, %swap3A_1535] {strides = array<i32>} : memref<128x128xf32, #tpu.memory_space<vmem>>, vector<1x16xf32>,
          %swap3A_1537 = vector.shape_cast %swap3A_1536 : vector<1x16xf32> to vector<16xf32>
          %swap3A_1538 = vector.shape_cast %mul3A_1533 : vector<16xf32> to vector<1x16xf32>
          tpu.vector_store %arg12[%swap3A_1534, %swap3A_1535], %swap3A_1538 {strides = array<i32>} : memref<128x128xf32, #tpu.memory_space<vmem>>, vector<1x16xf32>,
          %broadcast_in_dim3A_1539 = arith.constant 14 : i32
          %broadcast_in_dim3A_1540 = vector.broadcast %broadcast_in_dim3A_1539 : i32 to vector<16xi32>
          %lt3A_1541 = arith.constant 0 : i32
          %lt3A_1542 = vector.broadcast %lt3A_1541 : i32 to vector<16xi32>
          %lt3A_1543 = arith.cmpi slt, %broadcast_in_dim3A_1540, %lt3A_1542 : vector<16xi32>
          %add3A_1544 = arith.constant 16 : i32
          %add3A_1545 = vector.broadcast %add3A_1544 : i32 to vector<16xi32>
          %add3A_1546 = arith.addi %broadcast_in_dim3A_1540, %add3A_1545 : vector<16xi32>
          %select_n3A_1547 = arith.select %lt3A_1543, %add3A_1546, %broadcast_in_dim3A_1540 : vector<16xi1>, vector<16xi32>
          %broadcast_in_dim3A_1548 = vector.shape_cast %select_n3A_1547 : vector<16xi32> to vector<16x1xi32>
          %gather3A_1549 = vector.shape_cast %broadcast_in_dim3A_1548 : vector<16x1xi32> to vector<16xi32>
          %gather3A_1550 = tpu.dynamic_gather %get3A_197[%gather3A_1549] in [0] : vector<16xf32>, vector<16xi32> -> vector<16xf32>
          %mul3A_1551 = arith.constant 16 : i32
          %mul3A_1552 = arith.muli %scan3A_190, %mul3A_1551 : i32
          %add3A_1553 = arith.constant 14 : i32
          %add3A_1554 = arith.addi %mul3A_1552, %add3A_1553 : i32
          %get3A_1555 = arith.index_cast %add3A_1554 : i32 to index
          %get3A_1556 = arith.constant 0 : index
          %get3A_1557 = tpu.vector_load %arg12[%get3A_1555, %get3A_1556] {strides = array<i32>} : memref<128x128xf32, #tpu.memory_space<vmem>>, vector<1x16xf32>,
          %get3A_1558 = vector.shape_cast %get3A_1557 : vector<1x16xf32> to vector<16xf32>
          %mul3A_1559 = arith.mulf %get3A_1558, %gather3A_1550 : vector<16xf32>
          %swap3A_1560 = arith.index_cast %add3A_1554 : i32 to index
          %swap3A_1561 = arith.constant 0 : index
          %swap3A_1562 = tpu.vector_load %arg12[%swap3A_1560, %swap3A_1561] {strides = array<i32>} : memref<128x128xf32, #tpu.memory_space<vmem>>, vector<1x16xf32>,
          %swap3A_1563 = vector.shape_cast %swap3A_1562 : vector<1x16xf32> to vector<16xf32>
          %swap3A_1564 = vector.shape_cast %mul3A_1559 : vector<16xf32> to vector<1x16xf32>
          tpu.vector_store %arg12[%swap3A_1560, %swap3A_1561], %swap3A_1564 {strides = array<i32>} : memref<128x128xf32, #tpu.memory_space<vmem>>, vector<1x16xf32>,
          %get3A_1565 = arith.index_cast %add3A_1554 : i32 to index
          %get3A_1566 = arith.constant 16 : index
          %get3A_1567 = tpu.vector_load %arg12[%get3A_1565, %get3A_1566] {strides = array<i32>} : memref<128x128xf32, #tpu.memory_space<vmem>>, vector<1x16xf32>,
          %get3A_1568 = vector.shape_cast %get3A_1567 : vector<1x16xf32> to vector<16xf32>
          %mul3A_1569 = arith.mulf %get3A_1568, %gather3A_1550 : vector<16xf32>
          %swap3A_1570 = arith.index_cast %add3A_1554 : i32 to index
          %swap3A_1571 = arith.constant 16 : index
          %swap3A_1572 = tpu.vector_load %arg12[%swap3A_1570, %swap3A_1571] {strides = array<i32>} : memref<128x128xf32, #tpu.memory_space<vmem>>, vector<1x16xf32>,
          %swap3A_1573 = vector.shape_cast %swap3A_1572 : vector<1x16xf32> to vector<16xf32>
          %swap3A_1574 = vector.shape_cast %mul3A_1569 : vector<16xf32> to vector<1x16xf32>
          tpu.vector_store %arg12[%swap3A_1570, %swap3A_1571], %swap3A_1574 {strides = array<i32>} : memref<128x128xf32, #tpu.memory_space<vmem>>, vector<1x16xf32>,
          %get3A_1575 = arith.index_cast %add3A_1554 : i32 to index
          %get3A_1576 = arith.constant 32 : index
          %get3A_1577 = tpu.vector_load %arg12[%get3A_1575, %get3A_1576] {strides = array<i32>} : memref<128x128xf32, #tpu.memory_space<vmem>>, vector<1x16xf32>,
          %get3A_1578 = vector.shape_cast %get3A_1577 : vector<1x16xf32> to vector<16xf32>
          %mul3A_1579 = arith.mulf %get3A_1578, %gather3A_1550 : vector<16xf32>
          %swap3A_1580 = arith.index_cast %add3A_1554 : i32 to index
          %swap3A_1581 = arith.constant 32 : index
          %swap3A_1582 = tpu.vector_load %arg12[%swap3A_1580, %swap3A_1581] {strides = array<i32>} : memref<128x128xf32, #tpu.memory_space<vmem>>, vector<1x16xf32>,
          %swap3A_1583 = vector.shape_cast %swap3A_1582 : vector<1x16xf32> to vector<16xf32>
          %swap3A_1584 = vector.shape_cast %mul3A_1579 : vector<16xf32> to vector<1x16xf32>
          tpu.vector_store %arg12[%swap3A_1580, %swap3A_1581], %swap3A_1584 {strides = array<i32>} : memref<128x128xf32, #tpu.memory_space<vmem>>, vector<1x16xf32>,
          %get3A_1585 = arith.index_cast %add3A_1554 : i32 to index
          %get3A_1586 = arith.constant 48 : index
          %get3A_1587 = tpu.vector_load %arg12[%get3A_1585, %get3A_1586] {strides = array<i32>} : memref<128x128xf32, #tpu.memory_space<vmem>>, vector<1x16xf32>,
          %get3A_1588 = vector.shape_cast %get3A_1587 : vector<1x16xf32> to vector<16xf32>
          %mul3A_1589 = arith.mulf %get3A_1588, %gather3A_1550 : vector<16xf32>
          %swap3A_1590 = arith.index_cast %add3A_1554 : i32 to index
          %swap3A_1591 = arith.constant 48 : index
          %swap3A_1592 = tpu.vector_load %arg12[%swap3A_1590, %swap3A_1591] {strides = array<i32>} : memref<128x128xf32, #tpu.memory_space<vmem>>, vector<1x16xf32>,
          %swap3A_1593 = vector.shape_cast %swap3A_1592 : vector<1x16xf32> to vector<16xf32>
          %swap3A_1594 = vector.shape_cast %mul3A_1589 : vector<16xf32> to vector<1x16xf32>
          tpu.vector_store %arg12[%swap3A_1590, %swap3A_1591], %swap3A_1594 {strides = array<i32>} : memref<128x128xf32, #tpu.memory_space<vmem>>, vector<1x16xf32>,
          %get3A_1595 = arith.index_cast %add3A_1554 : i32 to index
          %get3A_1596 = arith.constant 64 : index
          %get3A_1597 = tpu.vector_load %arg12[%get3A_1595, %get3A_1596] {strides = array<i32>} : memref<128x128xf32, #tpu.memory_space<vmem>>, vector<1x16xf32>,
          %get3A_1598 = vector.shape_cast %get3A_1597 : vector<1x16xf32> to vector<16xf32>
          %mul3A_1599 = arith.mulf %get3A_1598, %gather3A_1550 : vector<16xf32>
          %swap3A_1600 = arith.index_cast %add3A_1554 : i32 to index
          %swap3A_1601 = arith.constant 64 : index
          %swap3A_1602 = tpu.vector_load %arg12[%swap3A_1600, %swap3A_1601] {strides = array<i32>} : memref<128x128xf32, #tpu.memory_space<vmem>>, vector<1x16xf32>,
          %swap3A_1603 = vector.shape_cast %swap3A_1602 : vector<1x16xf32> to vector<16xf32>
          %swap3A_1604 = vector.shape_cast %mul3A_1599 : vector<16xf32> to vector<1x16xf32>
          tpu.vector_store %arg12[%swap3A_1600, %swap3A_1601], %swap3A_1604 {strides = array<i32>} : memref<128x128xf32, #tpu.memory_space<vmem>>, vector<1x16xf32>,
          %get3A_1605 = arith.index_cast %add3A_1554 : i32 to index
          %get3A_1606 = arith.constant 80 : index
          %get3A_1607 = tpu.vector_load %arg12[%get3A_1605, %get3A_1606] {strides = array<i32>} : memref<128x128xf32, #tpu.memory_space<vmem>>, vector<1x16xf32>,
          %get3A_1608 = vector.shape_cast %get3A_1607 : vector<1x16xf32> to vector<16xf32>
          %mul3A_1609 = arith.mulf %get3A_1608, %gather3A_1550 : vector<16xf32>
          %swap3A_1610 = arith.index_cast %add3A_1554 : i32 to index
          %swap3A_1611 = arith.constant 80 : index
          %swap3A_1612 = tpu.vector_load %arg12[%swap3A_1610, %swap3A_1611] {strides = array<i32>} : memref<128x128xf32, #tpu.memory_space<vmem>>, vector<1x16xf32>,
          %swap3A_1613 = vector.shape_cast %swap3A_1612 : vector<1x16xf32> to vector<16xf32>
          %swap3A_1614 = vector.shape_cast %mul3A_1609 : vector<16xf32> to vector<1x16xf32>
          tpu.vector_store %arg12[%swap3A_1610, %swap3A_1611], %swap3A_1614 {strides = array<i32>} : memref<128x128xf32, #tpu.memory_space<vmem>>, vector<1x16xf32>,
          %get3A_1615 = arith.index_cast %add3A_1554 : i32 to index
          %get3A_1616 = arith.constant 96 : index
          %get3A_1617 = tpu.vector_load %arg12[%get3A_1615, %get3A_1616] {strides = array<i32>} : memref<128x128xf32, #tpu.memory_space<vmem>>, vector<1x16xf32>,
          %get3A_1618 = vector.shape_cast %get3A_1617 : vector<1x16xf32> to vector<16xf32>
          %mul3A_1619 = arith.mulf %get3A_1618, %gather3A_1550 : vector<16xf32>
          %swap3A_1620 = arith.index_cast %add3A_1554 : i32 to index
          %swap3A_1621 = arith.constant 96 : index
          %swap3A_1622 = tpu.vector_load %arg12[%swap3A_1620, %swap3A_1621] {strides = array<i32>} : memref<128x128xf32, #tpu.memory_space<vmem>>, vector<1x16xf32>,
          %swap3A_1623 = vector.shape_cast %swap3A_1622 : vector<1x16xf32> to vector<16xf32>
          %swap3A_1624 = vector.shape_cast %mul3A_1619 : vector<16xf32> to vector<1x16xf32>
          tpu.vector_store %arg12[%swap3A_1620, %swap3A_1621], %swap3A_1624 {strides = array<i32>} : memref<128x128xf32, #tpu.memory_space<vmem>>, vector<1x16xf32>,
          %get3A_1625 = arith.index_cast %add3A_1554 : i32 to index
          %get3A_1626 = arith.constant 112 : index
          %get3A_1627 = tpu.vector_load %arg12[%get3A_1625, %get3A_1626] {strides = array<i32>} : memref<128x128xf32, #tpu.memory_space<vmem>>, vector<1x16xf32>,
          %get3A_1628 = vector.shape_cast %get3A_1627 : vector<1x16xf32> to vector<16xf32>
          %mul3A_1629 = arith.mulf %get3A_1628, %gather3A_1550 : vector<16xf32>
          %swap3A_1630 = arith.index_cast %add3A_1554 : i32 to index
          %swap3A_1631 = arith.constant 112 : index
          %swap3A_1632 = tpu.vector_load %arg12[%swap3A_1630, %swap3A_1631] {strides = array<i32>} : memref<128x128xf32, #tpu.memory_space<vmem>>, vector<1x16xf32>,
          %swap3A_1633 = vector.shape_cast %swap3A_1632 : vector<1x16xf32> to vector<16xf32>
          %swap3A_1634 = vector.shape_cast %mul3A_1629 : vector<16xf32> to vector<1x16xf32>
          tpu.vector_store %arg12[%swap3A_1630, %swap3A_1631], %swap3A_1634 {strides = array<i32>} : memref<128x128xf32, #tpu.memory_space<vmem>>, vector<1x16xf32>,
          %broadcast_in_dim3A_1635 = arith.constant 15 : i32
          %broadcast_in_dim3A_1636 = vector.broadcast %broadcast_in_dim3A_1635 : i32 to vector<16xi32>
          %lt3A_1637 = arith.constant 0 : i32
          %lt3A_1638 = vector.broadcast %lt3A_1637 : i32 to vector<16xi32>
          %lt3A_1639 = arith.cmpi slt, %broadcast_in_dim3A_1636, %lt3A_1638 : vector<16xi32>
          %add3A_1640 = arith.constant 16 : i32
          %add3A_1641 = vector.broadcast %add3A_1640 : i32 to vector<16xi32>
          %add3A_1642 = arith.addi %broadcast_in_dim3A_1636, %add3A_1641 : vector<16xi32>
          %select_n3A_1643 = arith.select %lt3A_1639, %add3A_1642, %broadcast_in_dim3A_1636 : vector<16xi1>, vector<16xi32>
          %broadcast_in_dim3A_1644 = vector.shape_cast %select_n3A_1643 : vector<16xi32> to vector<16x1xi32>
          %gather3A_1645 = vector.shape_cast %broadcast_in_dim3A_1644 : vector<16x1xi32> to vector<16xi32>
          %gather3A_1646 = tpu.dynamic_gather %get3A_197[%gather3A_1645] in [0] : vector<16xf32>, vector<16xi32> -> vector<16xf32>
          %mul3A_1647 = arith.constant 16 : i32
          %mul3A_1648 = arith.muli %scan3A_190, %mul3A_1647 : i32
          %add3A_1649 = arith.constant 15 : i32
          %add3A_1650 = arith.addi %mul3A_1648, %add3A_1649 : i32
          %get3A_1651 = arith.index_cast %add3A_1650 : i32 to index
          %get3A_1652 = arith.constant 0 : index
          %get3A_1653 = tpu.vector_load %arg12[%get3A_1651, %get3A_1652] {strides = array<i32>} : memref<128x128xf32, #tpu.memory_space<vmem>>, vector<1x16xf32>,
          %get3A_1654 = vector.shape_cast %get3A_1653 : vector<1x16xf32> to vector<16xf32>
          %mul3A_1655 = arith.mulf %get3A_1654, %gather3A_1646 : vector<16xf32>
          %swap3A_1656 = arith.index_cast %add3A_1650 : i32 to index
          %swap3A_1657 = arith.constant 0 : index
          %swap3A_1658 = tpu.vector_load %arg12[%swap3A_1656, %swap3A_1657] {strides = array<i32>} : memref<128x128xf32, #tpu.memory_space<vmem>>, vector<1x16xf32>,
          %swap3A_1659 = vector.shape_cast %swap3A_1658 : vector<1x16xf32> to vector<16xf32>
          %swap3A_1660 = vector.shape_cast %mul3A_1655 : vector<16xf32> to vector<1x16xf32>
          tpu.vector_store %arg12[%swap3A_1656, %swap3A_1657], %swap3A_1660 {strides = array<i32>} : memref<128x128xf32, #tpu.memory_space<vmem>>, vector<1x16xf32>,
          %get3A_1661 = arith.index_cast %add3A_1650 : i32 to index
          %get3A_1662 = arith.constant 16 : index
          %get3A_1663 = tpu.vector_load %arg12[%get3A_1661, %get3A_1662] {strides = array<i32>} : memref<128x128xf32, #tpu.memory_space<vmem>>, vector<1x16xf32>,
          %get3A_1664 = vector.shape_cast %get3A_1663 : vector<1x16xf32> to vector<16xf32>
          %mul3A_1665 = arith.mulf %get3A_1664, %gather3A_1646 : vector<16xf32>
          %swap3A_1666 = arith.index_cast %add3A_1650 : i32 to index
          %swap3A_1667 = arith.constant 16 : index
          %swap3A_1668 = tpu.vector_load %arg12[%swap3A_1666, %swap3A_1667] {strides = array<i32>} : memref<128x128xf32, #tpu.memory_space<vmem>>, vector<1x16xf32>,
          %swap3A_1669 = vector.shape_cast %swap3A_1668 : vector<1x16xf32> to vector<16xf32>
          %swap3A_1670 = vector.shape_cast %mul3A_1665 : vector<16xf32> to vector<1x16xf32>
          tpu.vector_store %arg12[%swap3A_1666, %swap3A_1667], %swap3A_1670 {strides = array<i32>} : memref<128x128xf32, #tpu.memory_space<vmem>>, vector<1x16xf32>,
          %get3A_1671 = arith.index_cast %add3A_1650 : i32 to index
          %get3A_1672 = arith.constant 32 : index
          %get3A_1673 = tpu.vector_load %arg12[%get3A_1671, %get3A_1672] {strides = array<i32>} : memref<128x128xf32, #tpu.memory_space<vmem>>, vector<1x16xf32>,
          %get3A_1674 = vector.shape_cast %get3A_1673 : vector<1x16xf32> to vector<16xf32>
          %mul3A_1675 = arith.mulf %get3A_1674, %gather3A_1646 : vector<16xf32>
          %swap3A_1676 = arith.index_cast %add3A_1650 : i32 to index
          %swap3A_1677 = arith.constant 32 : index
          %swap3A_1678 = tpu.vector_load %arg12[%swap3A_1676, %swap3A_1677] {strides = array<i32>} : memref<128x128xf32, #tpu.memory_space<vmem>>, vector<1x16xf32>,
          %swap3A_1679 = vector.shape_cast %swap3A_1678 : vector<1x16xf32> to vector<16xf32>
          %swap3A_1680 = vector.shape_cast %mul3A_1675 : vector<16xf32> to vector<1x16xf32>
          tpu.vector_store %arg12[%swap3A_1676, %swap3A_1677], %swap3A_1680 {strides = array<i32>} : memref<128x128xf32, #tpu.memory_space<vmem>>, vector<1x16xf32>,
          %get3A_1681 = arith.index_cast %add3A_1650 : i32 to index
          %get3A_1682 = arith.constant 48 : index
          %get3A_1683 = tpu.vector_load %arg12[%get3A_1681, %get3A_1682] {strides = array<i32>} : memref<128x128xf32, #tpu.memory_space<vmem>>, vector<1x16xf32>,
          %get3A_1684 = vector.shape_cast %get3A_1683 : vector<1x16xf32> to vector<16xf32>
          %mul3A_1685 = arith.mulf %get3A_1684, %gather3A_1646 : vector<16xf32>
          %swap3A_1686 = arith.index_cast %add3A_1650 : i32 to index
          %swap3A_1687 = arith.constant 48 : index
          %swap3A_1688 = tpu.vector_load %arg12[%swap3A_1686, %swap3A_1687] {strides = array<i32>} : memref<128x128xf32, #tpu.memory_space<vmem>>, vector<1x16xf32>,
          %swap3A_1689 = vector.shape_cast %swap3A_1688 : vector<1x16xf32> to vector<16xf32>
          %swap3A_1690 = vector.shape_cast %mul3A_1685 : vector<16xf32> to vector<1x16xf32>
          tpu.vector_store %arg12[%swap3A_1686, %swap3A_1687], %swap3A_1690 {strides = array<i32>} : memref<128x128xf32, #tpu.memory_space<vmem>>, vector<1x16xf32>,
          %get3A_1691 = arith.index_cast %add3A_1650 : i32 to index
          %get3A_1692 = arith.constant 64 : index
          %get3A_1693 = tpu.vector_load %arg12[%get3A_1691, %get3A_1692] {strides = array<i32>} : memref<128x128xf32, #tpu.memory_space<vmem>>, vector<1x16xf32>,
          %get3A_1694 = vector.shape_cast %get3A_1693 : vector<1x16xf32> to vector<16xf32>
          %mul3A_1695 = arith.mulf %get3A_1694, %gather3A_1646 : vector<16xf32>
          %swap3A_1696 = arith.index_cast %add3A_1650 : i32 to index
          %swap3A_1697 = arith.constant 64 : index
          %swap3A_1698 = tpu.vector_load %arg12[%swap3A_1696, %swap3A_1697] {strides = array<i32>} : memref<128x128xf32, #tpu.memory_space<vmem>>, vector<1x16xf32>,
          %swap3A_1699 = vector.shape_cast %swap3A_1698 : vector<1x16xf32> to vector<16xf32>
          %swap3A_1700 = vector.shape_cast %mul3A_1695 : vector<16xf32> to vector<1x16xf32>
          tpu.vector_store %arg12[%swap3A_1696, %swap3A_1697], %swap3A_1700 {strides = array<i32>} : memref<128x128xf32, #tpu.memory_space<vmem>>, vector<1x16xf32>,
          %get3A_1701 = arith.index_cast %add3A_1650 : i32 to index
          %get3A_1702 = arith.constant 80 : index
          %get3A_1703 = tpu.vector_load %arg12[%get3A_1701, %get3A_1702] {strides = array<i32>} : memref<128x128xf32, #tpu.memory_space<vmem>>, vector<1x16xf32>,
          %get3A_1704 = vector.shape_cast %get3A_1703 : vector<1x16xf32> to vector<16xf32>
          %mul3A_1705 = arith.mulf %get3A_1704, %gather3A_1646 : vector<16xf32>
          %swap3A_1706 = arith.index_cast %add3A_1650 : i32 to index
          %swap3A_1707 = arith.constant 80 : index
          %swap3A_1708 = tpu.vector_load %arg12[%swap3A_1706, %swap3A_1707] {strides = array<i32>} : memref<128x128xf32, #tpu.memory_space<vmem>>, vector<1x16xf32>,
          %swap3A_1709 = vector.shape_cast %swap3A_1708 : vector<1x16xf32> to vector<16xf32>
          %swap3A_1710 = vector.shape_cast %mul3A_1705 : vector<16xf32> to vector<1x16xf32>
          tpu.vector_store %arg12[%swap3A_1706, %swap3A_1707], %swap3A_1710 {strides = array<i32>} : memref<128x128xf32, #tpu.memory_space<vmem>>, vector<1x16xf32>,
          %get3A_1711 = arith.index_cast %add3A_1650 : i32 to index
          %get3A_1712 = arith.constant 96 : index
          %get3A_1713 = tpu.vector_load %arg12[%get3A_1711, %get3A_1712] {strides = array<i32>} : memref<128x128xf32, #tpu.memory_space<vmem>>, vector<1x16xf32>,
          %get3A_1714 = vector.shape_cast %get3A_1713 : vector<1x16xf32> to vector<16xf32>
          %mul3A_1715 = arith.mulf %get3A_1714, %gather3A_1646 : vector<16xf32>
          %swap3A_1716 = arith.index_cast %add3A_1650 : i32 to index
          %swap3A_1717 = arith.constant 96 : index
          %swap3A_1718 = tpu.vector_load %arg12[%swap3A_1716, %swap3A_1717] {strides = array<i32>} : memref<128x128xf32, #tpu.memory_space<vmem>>, vector<1x16xf32>,
          %swap3A_1719 = vector.shape_cast %swap3A_1718 : vector<1x16xf32> to vector<16xf32>
          %swap3A_1720 = vector.shape_cast %mul3A_1715 : vector<16xf32> to vector<1x16xf32>
          tpu.vector_store %arg12[%swap3A_1716, %swap3A_1717], %swap3A_1720 {strides = array<i32>} : memref<128x128xf32, #tpu.memory_space<vmem>>, vector<1x16xf32>,
          %get3A_1721 = arith.index_cast %add3A_1650 : i32 to index
          %get3A_1722 = arith.constant 112 : index
          %get3A_1723 = tpu.vector_load %arg12[%get3A_1721, %get3A_1722] {strides = array<i32>} : memref<128x128xf32, #tpu.memory_space<vmem>>, vector<1x16xf32>,
          %get3A_1724 = vector.shape_cast %get3A_1723 : vector<1x16xf32> to vector<16xf32>
          %mul3A_1725 = arith.mulf %get3A_1724, %gather3A_1646 : vector<16xf32>
          %swap3A_1726 = arith.index_cast %add3A_1650 : i32 to index
          %swap3A_1727 = arith.constant 112 : index
          %swap3A_1728 = tpu.vector_load %arg12[%swap3A_1726, %swap3A_1727] {strides = array<i32>} : memref<128x128xf32, #tpu.memory_space<vmem>>, vector<1x16xf32>,
          %swap3A_1729 = vector.shape_cast %swap3A_1728 : vector<1x16xf32> to vector<16xf32>
          %swap3A_1730 = vector.shape_cast %mul3A_1725 : vector<16xf32> to vector<1x16xf32>
          tpu.vector_store %arg12[%swap3A_1726, %swap3A_1727], %swap3A_1730 {strides = array<i32>} : memref<128x128xf32, #tpu.memory_space<vmem>>, vector<1x16xf32>,
        }
        %scan3A_160 = arith.constant 8 : i32
        %dma_start3A_161 = arith.constant 0 : i32
        %dma_start3A_162 = tpu.memref_slice %arg10[%mul3A_143, %dma_start3A_161] : memref<16x128xi32, #tpu.memory_space<vmem>> -> memref<1x128xi32, #tpu.memory_space<vmem>>
        %dma_start3A_163 = tpu.memref_squeeze %dma_start3A_162 : memref<1x128xi32, #tpu.memory_space<vmem>> -> memref<128xi32, #tpu.memory_space<vmem>>
        %dma_start3A_164 = arith.constant 0 : i32
        %dma_start3A_165 = arith.constant 0 : i32
        %dma_start3A_166 = tpu.memref_slice %arg7[%dma_start3A_164, %dma_start3A_165] : memref<10000x128xf32, #tpu.memory_space<vmem_shared>> -> memref<10000x128xf32, #tpu.memory_space<vmem_shared>>
        tpu.enqueue_indirect_dma source(%arg12 : memref<128x128xf32, #tpu.memory_space<vmem>>) target(%dma_start3A_166 : memref<10000x128xf32, #tpu.memory_space<vmem_shared>>) offsets(%dma_start3A_163 : memref<128xi32, #tpu.memory_space<vmem>>) semaphore(%arg16 : memref<!tpu.dma_semaphore, #tpu.memory_space<semaphore_mem>>) {add = true}
        %dma_wait3A_167 = arith.constant 0 : i32
        %dma_wait3A_168 = arith.constant 0 : i32
        %dma_wait3A_169 = tpu.memref_slice %arg9[%dma_wait3A_167, %dma_wait3A_168] : memref<16x128xi32, #tpu.memory_space<vmem>> -> memref<1x128xi32, #tpu.memory_space<vmem>>
        %dma_wait3A_170 = tpu.memref_squeeze %dma_wait3A_169 : memref<1x128xi32, #tpu.memory_space<vmem>> -> memref<128xi32, #tpu.memory_space<vmem>>
        %dma_wait3A_171 = arith.constant 0 : i32
        %dma_wait3A_172 = arith.constant 0 : i32
        %dma_wait3A_173 = tpu.memref_slice %arg2[%dma_wait3A_171, %dma_wait3A_172] : memref<10000x128xf32, #tpu.memory_space<hbm>> -> memref<10000x128xf32, #tpu.memory_space<hbm>>
        tpu.wait_indirect_dma semaphore(%arg15 : memref<!tpu.dma_semaphore, #tpu.memory_space<semaphore_mem>>) src(%dma_wait3A_173 : memref<10000x128xf32, #tpu.memory_space<hbm>>) dst(%arg13 : memref<128x128xf32, #tpu.memory_space<vmem>>)
        %scan3A_174 = arith.constant 0 : i32
        %scan3A_175 = arith.constant 0 : i32
        %scan3A_176 = arith.constant 8 : i32
        %scan3A_177 = arith.addi %scan3A_175, %scan3A_176 : i32
        %scan3A_178 = arith.constant 1 : i32
        scf.for %scan3A_190 = %scan3A_175 to %scan3A_177 step %scan3A_178  : i32 {
          %mul3A_191 = arith.constant 128 : i32
          %mul3A_192 = arith.muli %add3A_147, %mul3A_191 : i32
          %mul3A_193 = arith.constant 16 : i32
          %mul3A_194 = arith.muli %scan3A_190, %mul3A_193 : i32
          %add3A_195 = arith.addi %mul3A_192, %mul3A_194 : i32
          %get3A = arith.index_cast %add3A_195 : i32 to index
          %get3A_196 = tpu.vector_load %arg11[%get3A] {strides = array<i32>} : memref<2048xf32, #tpu.memory_space<vmem>>, vector<16xf32>,
          %get3A_197 = vector.shape_cast %get3A_196 : vector<16xf32> to vector<16xf32>
          %broadcast_in_dim3A_198 = arith.constant 0 : i32
          %broadcast_in_dim3A_199 = vector.broadcast %broadcast_in_dim3A_198 : i32 to vector<16xi32>
          %lt3A_200 = arith.constant 0 : i32
          %lt3A_201 = vector.broadcast %lt3A_200 : i32 to vector<16xi32>
          %lt3A_202 = arith.cmpi slt, %broadcast_in_dim3A_199, %lt3A_201 : vector<16xi32>
          %add3A_203 = arith.constant 16 : i32
          %add3A_204 = vector.broadcast %add3A_203 : i32 to vector<16xi32>
          %add3A_205 = arith.addi %broadcast_in_dim3A_199, %add3A_204 : vector<16xi32>
          %select_n3A = arith.select %lt3A_202, %add3A_205, %broadcast_in_dim3A_199 : vector<16xi1>, vector<16xi32>
          %broadcast_in_dim3A_206 = vector.shape_cast %select_n3A : vector<16xi32> to vector<16x1xi32>
          %gather3A = vector.shape_cast %broadcast_in_dim3A_206 : vector<16x1xi32> to vector<16xi32>
          %gather3A_207 = tpu.dynamic_gather %get3A_197[%gather3A] in [0] : vector<16xf32>, vector<16xi32> -> vector<16xf32>
          %mul3A_208 = arith.constant 16 : i32
          %mul3A_209 = arith.muli %scan3A_190, %mul3A_208 : i32
          %add3A_210 = arith.constant 0 : i32
          %add3A_211 = arith.addi %mul3A_209, %add3A_210 : i32
          %get3A_212 = arith.index_cast %add3A_211 : i32 to index
          %get3A_213 = arith.constant 0 : index
          %get3A_214 = tpu.vector_load %arg13[%get3A_212, %get3A_213] {strides = array<i32>} : memref<128x128xf32, #tpu.memory_space<vmem>>, vector<1x16xf32>,
          %get3A_215 = vector.shape_cast %get3A_214 : vector<1x16xf32> to vector<16xf32>
          %mul3A_216 = arith.mulf %get3A_215, %gather3A_207 : vector<16xf32>
          %swap3A = arith.index_cast %add3A_211 : i32 to index
          %swap3A_217 = arith.constant 0 : index
          %swap3A_218 = tpu.vector_load %arg13[%swap3A, %swap3A_217] {strides = array<i32>} : memref<128x128xf32, #tpu.memory_space<vmem>>, vector<1x16xf32>,
          %swap3A_219 = vector.shape_cast %swap3A_218 : vector<1x16xf32> to vector<16xf32>
          %swap3A_220 = vector.shape_cast %mul3A_216 : vector<16xf32> to vector<1x16xf32>
          tpu.vector_store %arg13[%swap3A, %swap3A_217], %swap3A_220 {strides = array<i32>} : memref<128x128xf32, #tpu.memory_space<vmem>>, vector<1x16xf32>,
          %get3A_221 = arith.index_cast %add3A_211 : i32 to index
          %get3A_222 = arith.constant 16 : index
          %get3A_223 = tpu.vector_load %arg13[%get3A_221, %get3A_222] {strides = array<i32>} : memref<128x128xf32, #tpu.memory_space<vmem>>, vector<1x16xf32>,
          %get3A_224 = vector.shape_cast %get3A_223 : vector<1x16xf32> to vector<16xf32>
          %mul3A_225 = arith.mulf %get3A_224, %gather3A_207 : vector<16xf32>
          %swap3A_226 = arith.index_cast %add3A_211 : i32 to index
          %swap3A_227 = arith.constant 16 : index
          %swap3A_228 = tpu.vector_load %arg13[%swap3A_226, %swap3A_227] {strides = array<i32>} : memref<128x128xf32, #tpu.memory_space<vmem>>, vector<1x16xf32>,
          %swap3A_229 = vector.shape_cast %swap3A_228 : vector<1x16xf32> to vector<16xf32>
          %swap3A_230 = vector.shape_cast %mul3A_225 : vector<16xf32> to vector<1x16xf32>
          tpu.vector_store %arg13[%swap3A_226, %swap3A_227], %swap3A_230 {strides = array<i32>} : memref<128x128xf32, #tpu.memory_space<vmem>>, vector<1x16xf32>,
          %get3A_231 = arith.index_cast %add3A_211 : i32 to index
          %get3A_232 = arith.constant 32 : index
          %get3A_233 = tpu.vector_load %arg13[%get3A_231, %get3A_232] {strides = array<i32>} : memref<128x128xf32, #tpu.memory_space<vmem>>, vector<1x16xf32>,
          %get3A_234 = vector.shape_cast %get3A_233 : vector<1x16xf32> to vector<16xf32>
          %mul3A_235 = arith.mulf %get3A_234, %gather3A_207 : vector<16xf32>
          %swap3A_236 = arith.index_cast %add3A_211 : i32 to index
          %swap3A_237 = arith.constant 32 : index
          %swap3A_238 = tpu.vector_load %arg13[%swap3A_236, %swap3A_237] {strides = array<i32>} : memref<128x128xf32, #tpu.memory_space<vmem>>, vector<1x16xf32>,
          %swap3A_239 = vector.shape_cast %swap3A_238 : vector<1x16xf32> to vector<16xf32>
          %swap3A_240 = vector.shape_cast %mul3A_235 : vector<16xf32> to vector<1x16xf32>
          tpu.vector_store %arg13[%swap3A_236, %swap3A_237], %swap3A_240 {strides = array<i32>} : memref<128x128xf32, #tpu.memory_space<vmem>>, vector<1x16xf32>,
          %get3A_241 = arith.index_cast %add3A_211 : i32 to index
          %get3A_242 = arith.constant 48 : index
          %get3A_243 = tpu.vector_load %arg13[%get3A_241, %get3A_242] {strides = array<i32>} : memref<128x128xf32, #tpu.memory_space<vmem>>, vector<1x16xf32>,
          %get3A_244 = vector.shape_cast %get3A_243 : vector<1x16xf32> to vector<16xf32>
          %mul3A_245 = arith.mulf %get3A_244, %gather3A_207 : vector<16xf32>
          %swap3A_246 = arith.index_cast %add3A_211 : i32 to index
          %swap3A_247 = arith.constant 48 : index
          %swap3A_248 = tpu.vector_load %arg13[%swap3A_246, %swap3A_247] {strides = array<i32>} : memref<128x128xf32, #tpu.memory_space<vmem>>, vector<1x16xf32>,
          %swap3A_249 = vector.shape_cast %swap3A_248 : vector<1x16xf32> to vector<16xf32>
          %swap3A_250 = vector.shape_cast %mul3A_245 : vector<16xf32> to vector<1x16xf32>
          tpu.vector_store %arg13[%swap3A_246, %swap3A_247], %swap3A_250 {strides = array<i32>} : memref<128x128xf32, #tpu.memory_space<vmem>>, vector<1x16xf32>,
          %get3A_251 = arith.index_cast %add3A_211 : i32 to index
          %get3A_252 = arith.constant 64 : index
          %get3A_253 = tpu.vector_load %arg13[%get3A_251, %get3A_252] {strides = array<i32>} : memref<128x128xf32, #tpu.memory_space<vmem>>, vector<1x16xf32>,
          %get3A_254 = vector.shape_cast %get3A_253 : vector<1x16xf32> to vector<16xf32>
          %mul3A_255 = arith.mulf %get3A_254, %gather3A_207 : vector<16xf32>
          %swap3A_256 = arith.index_cast %add3A_211 : i32 to index
          %swap3A_257 = arith.constant 64 : index
          %swap3A_258 = tpu.vector_load %arg13[%swap3A_256, %swap3A_257] {strides = array<i32>} : memref<128x128xf32, #tpu.memory_space<vmem>>, vector<1x16xf32>,
          %swap3A_259 = vector.shape_cast %swap3A_258 : vector<1x16xf32> to vector<16xf32>
          %swap3A_260 = vector.shape_cast %mul3A_255 : vector<16xf32> to vector<1x16xf32>
          tpu.vector_store %arg13[%swap3A_256, %swap3A_257], %swap3A_260 {strides = array<i32>} : memref<128x128xf32, #tpu.memory_space<vmem>>, vector<1x16xf32>,
          %get3A_261 = arith.index_cast %add3A_211 : i32 to index
          %get3A_262 = arith.constant 80 : index
          %get3A_263 = tpu.vector_load %arg13[%get3A_261, %get3A_262] {strides = array<i32>} : memref<128x128xf32, #tpu.memory_space<vmem>>, vector<1x16xf32>,
          %get3A_264 = vector.shape_cast %get3A_263 : vector<1x16xf32> to vector<16xf32>
          %mul3A_265 = arith.mulf %get3A_264, %gather3A_207 : vector<16xf32>
          %swap3A_266 = arith.index_cast %add3A_211 : i32 to index
          %swap3A_267 = arith.constant 80 : index
          %swap3A_268 = tpu.vector_load %arg13[%swap3A_266, %swap3A_267] {strides = array<i32>} : memref<128x128xf32, #tpu.memory_space<vmem>>, vector<1x16xf32>,
          %swap3A_269 = vector.shape_cast %swap3A_268 : vector<1x16xf32> to vector<16xf32>
          %swap3A_270 = vector.shape_cast %mul3A_265 : vector<16xf32> to vector<1x16xf32>
          tpu.vector_store %arg13[%swap3A_266, %swap3A_267], %swap3A_270 {strides = array<i32>} : memref<128x128xf32, #tpu.memory_space<vmem>>, vector<1x16xf32>,
          %get3A_271 = arith.index_cast %add3A_211 : i32 to index
          %get3A_272 = arith.constant 96 : index
          %get3A_273 = tpu.vector_load %arg13[%get3A_271, %get3A_272] {strides = array<i32>} : memref<128x128xf32, #tpu.memory_space<vmem>>, vector<1x16xf32>,
          %get3A_274 = vector.shape_cast %get3A_273 : vector<1x16xf32> to vector<16xf32>
          %mul3A_275 = arith.mulf %get3A_274, %gather3A_207 : vector<16xf32>
          %swap3A_276 = arith.index_cast %add3A_211 : i32 to index
          %swap3A_277 = arith.constant 96 : index
          %swap3A_278 = tpu.vector_load %arg13[%swap3A_276, %swap3A_277] {strides = array<i32>} : memref<128x128xf32, #tpu.memory_space<vmem>>, vector<1x16xf32>,
          %swap3A_279 = vector.shape_cast %swap3A_278 : vector<1x16xf32> to vector<16xf32>
          %swap3A_280 = vector.shape_cast %mul3A_275 : vector<16xf32> to vector<1x16xf32>
          tpu.vector_store %arg13[%swap3A_276, %swap3A_277], %swap3A_280 {strides = array<i32>} : memref<128x128xf32, #tpu.memory_space<vmem>>, vector<1x16xf32>,
          %get3A_281 = arith.index_cast %add3A_211 : i32 to index
          %get3A_282 = arith.constant 112 : index
          %get3A_283 = tpu.vector_load %arg13[%get3A_281, %get3A_282] {strides = array<i32>} : memref<128x128xf32, #tpu.memory_space<vmem>>, vector<1x16xf32>,
          %get3A_284 = vector.shape_cast %get3A_283 : vector<1x16xf32> to vector<16xf32>
          %mul3A_285 = arith.mulf %get3A_284, %gather3A_207 : vector<16xf32>
          %swap3A_286 = arith.index_cast %add3A_211 : i32 to index
          %swap3A_287 = arith.constant 112 : index
          %swap3A_288 = tpu.vector_load %arg13[%swap3A_286, %swap3A_287] {strides = array<i32>} : memref<128x128xf32, #tpu.memory_space<vmem>>, vector<1x16xf32>,
          %swap3A_289 = vector.shape_cast %swap3A_288 : vector<1x16xf32> to vector<16xf32>
          %swap3A_290 = vector.shape_cast %mul3A_285 : vector<16xf32> to vector<1x16xf32>
          tpu.vector_store %arg13[%swap3A_286, %swap3A_287], %swap3A_290 {strides = array<i32>} : memref<128x128xf32, #tpu.memory_space<vmem>>, vector<1x16xf32>,
          %broadcast_in_dim3A_291 = arith.constant 1 : i32
          %broadcast_in_dim3A_292 = vector.broadcast %broadcast_in_dim3A_291 : i32 to vector<16xi32>
          %lt3A_293 = arith.constant 0 : i32
          %lt3A_294 = vector.broadcast %lt3A_293 : i32 to vector<16xi32>
          %lt3A_295 = arith.cmpi slt, %broadcast_in_dim3A_292, %lt3A_294 : vector<16xi32>
          %add3A_296 = arith.constant 16 : i32
          %add3A_297 = vector.broadcast %add3A_296 : i32 to vector<16xi32>
          %add3A_298 = arith.addi %broadcast_in_dim3A_292, %add3A_297 : vector<16xi32>
          %select_n3A_299 = arith.select %lt3A_295, %add3A_298, %broadcast_in_dim3A_292 : vector<16xi1>, vector<16xi32>
          %broadcast_in_dim3A_300 = vector.shape_cast %select_n3A_299 : vector<16xi32> to vector<16x1xi32>
          %gather3A_301 = vector.shape_cast %broadcast_in_dim3A_300 : vector<16x1xi32> to vector<16xi32>
          %gather3A_302 = tpu.dynamic_gather %get3A_197[%gather3A_301] in [0] : vector<16xf32>, vector<16xi32> -> vector<16xf32>
          %mul3A_303 = arith.constant 16 : i32
          %mul3A_304 = arith.muli %scan3A_190, %mul3A_303 : i32
          %add3A_305 = arith.constant 1 : i32
          %add3A_306 = arith.addi %mul3A_304, %add3A_305 : i32
          %get3A_307 = arith.index_cast %add3A_306 : i32 to index
          %get3A_308 = arith.constant 0 : index
          %get3A_309 = tpu.vector_load %arg13[%get3A_307, %get3A_308] {strides = array<i32>} : memref<128x128xf32, #tpu.memory_space<vmem>>, vector<1x16xf32>,
          %get3A_310 = vector.shape_cast %get3A_309 : vector<1x16xf32> to vector<16xf32>
          %mul3A_311 = arith.mulf %get3A_310, %gather3A_302 : vector<16xf32>
          %swap3A_312 = arith.index_cast %add3A_306 : i32 to index
          %swap3A_313 = arith.constant 0 : index
          %swap3A_314 = tpu.vector_load %arg13[%swap3A_312, %swap3A_313] {strides = array<i32>} : memref<128x128xf32, #tpu.memory_space<vmem>>, vector<1x16xf32>,
          %swap3A_315 = vector.shape_cast %swap3A_314 : vector<1x16xf32> to vector<16xf32>
          %swap3A_316 = vector.shape_cast %mul3A_311 : vector<16xf32> to vector<1x16xf32>
          tpu.vector_store %arg13[%swap3A_312, %swap3A_313], %swap3A_316 {strides = array<i32>} : memref<128x128xf32, #tpu.memory_space<vmem>>, vector<1x16xf32>,
          %get3A_317 = arith.index_cast %add3A_306 : i32 to index
          %get3A_318 = arith.constant 16 : index
          %get3A_319 = tpu.vector_load %arg13[%get3A_317, %get3A_318] {strides = array<i32>} : memref<128x128xf32, #tpu.memory_space<vmem>>, vector<1x16xf32>,
          %get3A_320 = vector.shape_cast %get3A_319 : vector<1x16xf32> to vector<16xf32>
          %mul3A_321 = arith.mulf %get3A_320, %gather3A_302 : vector<16xf32>
          %swap3A_322 = arith.index_cast %add3A_306 : i32 to index
          %swap3A_323 = arith.constant 16 : index
          %swap3A_324 = tpu.vector_load %arg13[%swap3A_322, %swap3A_323] {strides = array<i32>} : memref<128x128xf32, #tpu.memory_space<vmem>>, vector<1x16xf32>,
          %swap3A_325 = vector.shape_cast %swap3A_324 : vector<1x16xf32> to vector<16xf32>
          %swap3A_326 = vector.shape_cast %mul3A_321 : vector<16xf32> to vector<1x16xf32>
          tpu.vector_store %arg13[%swap3A_322, %swap3A_323], %swap3A_326 {strides = array<i32>} : memref<128x128xf32, #tpu.memory_space<vmem>>, vector<1x16xf32>,
          %get3A_327 = arith.index_cast %add3A_306 : i32 to index
          %get3A_328 = arith.constant 32 : index
          %get3A_329 = tpu.vector_load %arg13[%get3A_327, %get3A_328] {strides = array<i32>} : memref<128x128xf32, #tpu.memory_space<vmem>>, vector<1x16xf32>,
          %get3A_330 = vector.shape_cast %get3A_329 : vector<1x16xf32> to vector<16xf32>
          %mul3A_331 = arith.mulf %get3A_330, %gather3A_302 : vector<16xf32>
          %swap3A_332 = arith.index_cast %add3A_306 : i32 to index
          %swap3A_333 = arith.constant 32 : index
          %swap3A_334 = tpu.vector_load %arg13[%swap3A_332, %swap3A_333] {strides = array<i32>} : memref<128x128xf32, #tpu.memory_space<vmem>>, vector<1x16xf32>,
          %swap3A_335 = vector.shape_cast %swap3A_334 : vector<1x16xf32> to vector<16xf32>
          %swap3A_336 = vector.shape_cast %mul3A_331 : vector<16xf32> to vector<1x16xf32>
          tpu.vector_store %arg13[%swap3A_332, %swap3A_333], %swap3A_336 {strides = array<i32>} : memref<128x128xf32, #tpu.memory_space<vmem>>, vector<1x16xf32>,
          %get3A_337 = arith.index_cast %add3A_306 : i32 to index
          %get3A_338 = arith.constant 48 : index
          %get3A_339 = tpu.vector_load %arg13[%get3A_337, %get3A_338] {strides = array<i32>} : memref<128x128xf32, #tpu.memory_space<vmem>>, vector<1x16xf32>,
          %get3A_340 = vector.shape_cast %get3A_339 : vector<1x16xf32> to vector<16xf32>
          %mul3A_341 = arith.mulf %get3A_340, %gather3A_302 : vector<16xf32>
          %swap3A_342 = arith.index_cast %add3A_306 : i32 to index
          %swap3A_343 = arith.constant 48 : index
          %swap3A_344 = tpu.vector_load %arg13[%swap3A_342, %swap3A_343] {strides = array<i32>} : memref<128x128xf32, #tpu.memory_space<vmem>>, vector<1x16xf32>,
          %swap3A_345 = vector.shape_cast %swap3A_344 : vector<1x16xf32> to vector<16xf32>
          %swap3A_346 = vector.shape_cast %mul3A_341 : vector<16xf32> to vector<1x16xf32>
          tpu.vector_store %arg13[%swap3A_342, %swap3A_343], %swap3A_346 {strides = array<i32>} : memref<128x128xf32, #tpu.memory_space<vmem>>, vector<1x16xf32>,
          %get3A_347 = arith.index_cast %add3A_306 : i32 to index
          %get3A_348 = arith.constant 64 : index
          %get3A_349 = tpu.vector_load %arg13[%get3A_347, %get3A_348] {strides = array<i32>} : memref<128x128xf32, #tpu.memory_space<vmem>>, vector<1x16xf32>,
          %get3A_350 = vector.shape_cast %get3A_349 : vector<1x16xf32> to vector<16xf32>
          %mul3A_351 = arith.mulf %get3A_350, %gather3A_302 : vector<16xf32>
          %swap3A_352 = arith.index_cast %add3A_306 : i32 to index
          %swap3A_353 = arith.constant 64 : index
          %swap3A_354 = tpu.vector_load %arg13[%swap3A_352, %swap3A_353] {strides = array<i32>} : memref<128x128xf32, #tpu.memory_space<vmem>>, vector<1x16xf32>,
          %swap3A_355 = vector.shape_cast %swap3A_354 : vector<1x16xf32> to vector<16xf32>
          %swap3A_356 = vector.shape_cast %mul3A_351 : vector<16xf32> to vector<1x16xf32>
          tpu.vector_store %arg13[%swap3A_352, %swap3A_353], %swap3A_356 {strides = array<i32>} : memref<128x128xf32, #tpu.memory_space<vmem>>, vector<1x16xf32>,
          %get3A_357 = arith.index_cast %add3A_306 : i32 to index
          %get3A_358 = arith.constant 80 : index
          %get3A_359 = tpu.vector_load %arg13[%get3A_357, %get3A_358] {strides = array<i32>} : memref<128x128xf32, #tpu.memory_space<vmem>>, vector<1x16xf32>,
          %get3A_360 = vector.shape_cast %get3A_359 : vector<1x16xf32> to vector<16xf32>
          %mul3A_361 = arith.mulf %get3A_360, %gather3A_302 : vector<16xf32>
          %swap3A_362 = arith.index_cast %add3A_306 : i32 to index
          %swap3A_363 = arith.constant 80 : index
          %swap3A_364 = tpu.vector_load %arg13[%swap3A_362, %swap3A_363] {strides = array<i32>} : memref<128x128xf32, #tpu.memory_space<vmem>>, vector<1x16xf32>,
          %swap3A_365 = vector.shape_cast %swap3A_364 : vector<1x16xf32> to vector<16xf32>
          %swap3A_366 = vector.shape_cast %mul3A_361 : vector<16xf32> to vector<1x16xf32>
          tpu.vector_store %arg13[%swap3A_362, %swap3A_363], %swap3A_366 {strides = array<i32>} : memref<128x128xf32, #tpu.memory_space<vmem>>, vector<1x16xf32>,
          %get3A_367 = arith.index_cast %add3A_306 : i32 to index
          %get3A_368 = arith.constant 96 : index
          %get3A_369 = tpu.vector_load %arg13[%get3A_367, %get3A_368] {strides = array<i32>} : memref<128x128xf32, #tpu.memory_space<vmem>>, vector<1x16xf32>,
          %get3A_370 = vector.shape_cast %get3A_369 : vector<1x16xf32> to vector<16xf32>
          %mul3A_371 = arith.mulf %get3A_370, %gather3A_302 : vector<16xf32>
          %swap3A_372 = arith.index_cast %add3A_306 : i32 to index
          %swap3A_373 = arith.constant 96 : index
          %swap3A_374 = tpu.vector_load %arg13[%swap3A_372, %swap3A_373] {strides = array<i32>} : memref<128x128xf32, #tpu.memory_space<vmem>>, vector<1x16xf32>,
          %swap3A_375 = vector.shape_cast %swap3A_374 : vector<1x16xf32> to vector<16xf32>
          %swap3A_376 = vector.shape_cast %mul3A_371 : vector<16xf32> to vector<1x16xf32>
          tpu.vector_store %arg13[%swap3A_372, %swap3A_373], %swap3A_376 {strides = array<i32>} : memref<128x128xf32, #tpu.memory_space<vmem>>, vector<1x16xf32>,
          %get3A_377 = arith.index_cast %add3A_306 : i32 to index
          %get3A_378 = arith.constant 112 : index
          %get3A_379 = tpu.vector_load %arg13[%get3A_377, %get3A_378] {strides = array<i32>} : memref<128x128xf32, #tpu.memory_space<vmem>>, vector<1x16xf32>,
          %get3A_380 = vector.shape_cast %get3A_379 : vector<1x16xf32> to vector<16xf32>
          %mul3A_381 = arith.mulf %get3A_380, %gather3A_302 : vector<16xf32>
          %swap3A_382 = arith.index_cast %add3A_306 : i32 to index
          %swap3A_383 = arith.constant 112 : index
          %swap3A_384 = tpu.vector_load %arg13[%swap3A_382, %swap3A_383] {strides = array<i32>} : memref<128x128xf32, #tpu.memory_space<vmem>>, vector<1x16xf32>,
          %swap3A_385 = vector.shape_cast %swap3A_384 : vector<1x16xf32> to vector<16xf32>
          %swap3A_386 = vector.shape_cast %mul3A_381 : vector<16xf32> to vector<1x16xf32>
          tpu.vector_store %arg13[%swap3A_382, %swap3A_383], %swap3A_386 {strides = array<i32>} : memref<128x128xf32, #tpu.memory_space<vmem>>, vector<1x16xf32>,
          %broadcast_in_dim3A_387 = arith.constant 2 : i32
          %broadcast_in_dim3A_388 = vector.broadcast %broadcast_in_dim3A_387 : i32 to vector<16xi32>
          %lt3A_389 = arith.constant 0 : i32
          %lt3A_390 = vector.broadcast %lt3A_389 : i32 to vector<16xi32>
          %lt3A_391 = arith.cmpi slt, %broadcast_in_dim3A_388, %lt3A_390 : vector<16xi32>
          %add3A_392 = arith.constant 16 : i32
          %add3A_393 = vector.broadcast %add3A_392 : i32 to vector<16xi32>
          %add3A_394 = arith.addi %broadcast_in_dim3A_388, %add3A_393 : vector<16xi32>
          %select_n3A_395 = arith.select %lt3A_391, %add3A_394, %broadcast_in_dim3A_388 : vector<16xi1>, vector<16xi32>
          %broadcast_in_dim3A_396 = vector.shape_cast %select_n3A_395 : vector<16xi32> to vector<16x1xi32>
          %gather3A_397 = vector.shape_cast %broadcast_in_dim3A_396 : vector<16x1xi32> to vector<16xi32>
          %gather3A_398 = tpu.dynamic_gather %get3A_197[%gather3A_397] in [0] : vector<16xf32>, vector<16xi32> -> vector<16xf32>
          %mul3A_399 = arith.constant 16 : i32
          %mul3A_400 = arith.muli %scan3A_190, %mul3A_399 : i32
          %add3A_401 = arith.constant 2 : i32
          %add3A_402 = arith.addi %mul3A_400, %add3A_401 : i32
          %get3A_403 = arith.index_cast %add3A_402 : i32 to index
          %get3A_404 = arith.constant 0 : index
          %get3A_405 = tpu.vector_load %arg13[%get3A_403, %get3A_404] {strides = array<i32>} : memref<128x128xf32, #tpu.memory_space<vmem>>, vector<1x16xf32>,
          %get3A_406 = vector.shape_cast %get3A_405 : vector<1x16xf32> to vector<16xf32>
          %mul3A_407 = arith.mulf %get3A_406, %gather3A_398 : vector<16xf32>
          %swap3A_408 = arith.index_cast %add3A_402 : i32 to index
          %swap3A_409 = arith.constant 0 : index
          %swap3A_410 = tpu.vector_load %arg13[%swap3A_408, %swap3A_409] {strides = array<i32>} : memref<128x128xf32, #tpu.memory_space<vmem>>, vector<1x16xf32>,
          %swap3A_411 = vector.shape_cast %swap3A_410 : vector<1x16xf32> to vector<16xf32>
          %swap3A_412 = vector.shape_cast %mul3A_407 : vector<16xf32> to vector<1x16xf32>
          tpu.vector_store %arg13[%swap3A_408, %swap3A_409], %swap3A_412 {strides = array<i32>} : memref<128x128xf32, #tpu.memory_space<vmem>>, vector<1x16xf32>,
          %get3A_413 = arith.index_cast %add3A_402 : i32 to index
          %get3A_414 = arith.constant 16 : index
          %get3A_415 = tpu.vector_load %arg13[%get3A_413, %get3A_414] {strides = array<i32>} : memref<128x128xf32, #tpu.memory_space<vmem>>, vector<1x16xf32>,
          %get3A_416 = vector.shape_cast %get3A_415 : vector<1x16xf32> to vector<16xf32>
          %mul3A_417 = arith.mulf %get3A_416, %gather3A_398 : vector<16xf32>
          %swap3A_418 = arith.index_cast %add3A_402 : i32 to index
          %swap3A_419 = arith.constant 16 : index
          %swap3A_420 = tpu.vector_load %arg13[%swap3A_418, %swap3A_419] {strides = array<i32>} : memref<128x128xf32, #tpu.memory_space<vmem>>, vector<1x16xf32>,
          %swap3A_421 = vector.shape_cast %swap3A_420 : vector<1x16xf32> to vector<16xf32>
          %swap3A_422 = vector.shape_cast %mul3A_417 : vector<16xf32> to vector<1x16xf32>
          tpu.vector_store %arg13[%swap3A_418, %swap3A_419], %swap3A_422 {strides = array<i32>} : memref<128x128xf32, #tpu.memory_space<vmem>>, vector<1x16xf32>,
          %get3A_423 = arith.index_cast %add3A_402 : i32 to index
          %get3A_424 = arith.constant 32 : index
          %get3A_425 = tpu.vector_load %arg13[%get3A_423, %get3A_424] {strides = array<i32>} : memref<128x128xf32, #tpu.memory_space<vmem>>, vector<1x16xf32>,
          %get3A_426 = vector.shape_cast %get3A_425 : vector<1x16xf32> to vector<16xf32>
          %mul3A_427 = arith.mulf %get3A_426, %gather3A_398 : vector<16xf32>
          %swap3A_428 = arith.index_cast %add3A_402 : i32 to index
          %swap3A_429 = arith.constant 32 : index
          %swap3A_430 = tpu.vector_load %arg13[%swap3A_428, %swap3A_429] {strides = array<i32>} : memref<128x128xf32, #tpu.memory_space<vmem>>, vector<1x16xf32>,
          %swap3A_431 = vector.shape_cast %swap3A_430 : vector<1x16xf32> to vector<16xf32>
          %swap3A_432 = vector.shape_cast %mul3A_427 : vector<16xf32> to vector<1x16xf32>
          tpu.vector_store %arg13[%swap3A_428, %swap3A_429], %swap3A_432 {strides = array<i32>} : memref<128x128xf32, #tpu.memory_space<vmem>>, vector<1x16xf32>,
          %get3A_433 = arith.index_cast %add3A_402 : i32 to index
          %get3A_434 = arith.constant 48 : index
          %get3A_435 = tpu.vector_load %arg13[%get3A_433, %get3A_434] {strides = array<i32>} : memref<128x128xf32, #tpu.memory_space<vmem>>, vector<1x16xf32>,
          %get3A_436 = vector.shape_cast %get3A_435 : vector<1x16xf32> to vector<16xf32>
          %mul3A_437 = arith.mulf %get3A_436, %gather3A_398 : vector<16xf32>
          %swap3A_438 = arith.index_cast %add3A_402 : i32 to index
          %swap3A_439 = arith.constant 48 : index
          %swap3A_440 = tpu.vector_load %arg13[%swap3A_438, %swap3A_439] {strides = array<i32>} : memref<128x128xf32, #tpu.memory_space<vmem>>, vector<1x16xf32>,
          %swap3A_441 = vector.shape_cast %swap3A_440 : vector<1x16xf32> to vector<16xf32>
          %swap3A_442 = vector.shape_cast %mul3A_437 : vector<16xf32> to vector<1x16xf32>
          tpu.vector_store %arg13[%swap3A_438, %swap3A_439], %swap3A_442 {strides = array<i32>} : memref<128x128xf32, #tpu.memory_space<vmem>>, vector<1x16xf32>,
          %get3A_443 = arith.index_cast %add3A_402 : i32 to index
          %get3A_444 = arith.constant 64 : index
          %get3A_445 = tpu.vector_load %arg13[%get3A_443, %get3A_444] {strides = array<i32>} : memref<128x128xf32, #tpu.memory_space<vmem>>, vector<1x16xf32>,
          %get3A_446 = vector.shape_cast %get3A_445 : vector<1x16xf32> to vector<16xf32>
          %mul3A_447 = arith.mulf %get3A_446, %gather3A_398 : vector<16xf32>
          %swap3A_448 = arith.index_cast %add3A_402 : i32 to index
          %swap3A_449 = arith.constant 64 : index
          %swap3A_450 = tpu.vector_load %arg13[%swap3A_448, %swap3A_449] {strides = array<i32>} : memref<128x128xf32, #tpu.memory_space<vmem>>, vector<1x16xf32>,
          %swap3A_451 = vector.shape_cast %swap3A_450 : vector<1x16xf32> to vector<16xf32>
          %swap3A_452 = vector.shape_cast %mul3A_447 : vector<16xf32> to vector<1x16xf32>
          tpu.vector_store %arg13[%swap3A_448, %swap3A_449], %swap3A_452 {strides = array<i32>} : memref<128x128xf32, #tpu.memory_space<vmem>>, vector<1x16xf32>,
          %get3A_453 = arith.index_cast %add3A_402 : i32 to index
          %get3A_454 = arith.constant 80 : index
          %get3A_455 = tpu.vector_load %arg13[%get3A_453, %get3A_454] {strides = array<i32>} : memref<128x128xf32, #tpu.memory_space<vmem>>, vector<1x16xf32>,
          %get3A_456 = vector.shape_cast %get3A_455 : vector<1x16xf32> to vector<16xf32>
          %mul3A_457 = arith.mulf %get3A_456, %gather3A_398 : vector<16xf32>
          %swap3A_458 = arith.index_cast %add3A_402 : i32 to index
          %swap3A_459 = arith.constant 80 : index
          %swap3A_460 = tpu.vector_load %arg13[%swap3A_458, %swap3A_459] {strides = array<i32>} : memref<128x128xf32, #tpu.memory_space<vmem>>, vector<1x16xf32>,
          %swap3A_461 = vector.shape_cast %swap3A_460 : vector<1x16xf32> to vector<16xf32>
          %swap3A_462 = vector.shape_cast %mul3A_457 : vector<16xf32> to vector<1x16xf32>
          tpu.vector_store %arg13[%swap3A_458, %swap3A_459], %swap3A_462 {strides = array<i32>} : memref<128x128xf32, #tpu.memory_space<vmem>>, vector<1x16xf32>,
          %get3A_463 = arith.index_cast %add3A_402 : i32 to index
          %get3A_464 = arith.constant 96 : index
          %get3A_465 = tpu.vector_load %arg13[%get3A_463, %get3A_464] {strides = array<i32>} : memref<128x128xf32, #tpu.memory_space<vmem>>, vector<1x16xf32>,
          %get3A_466 = vector.shape_cast %get3A_465 : vector<1x16xf32> to vector<16xf32>
          %mul3A_467 = arith.mulf %get3A_466, %gather3A_398 : vector<16xf32>
          %swap3A_468 = arith.index_cast %add3A_402 : i32 to index
          %swap3A_469 = arith.constant 96 : index
          %swap3A_470 = tpu.vector_load %arg13[%swap3A_468, %swap3A_469] {strides = array<i32>} : memref<128x128xf32, #tpu.memory_space<vmem>>, vector<1x16xf32>,
          %swap3A_471 = vector.shape_cast %swap3A_470 : vector<1x16xf32> to vector<16xf32>
          %swap3A_472 = vector.shape_cast %mul3A_467 : vector<16xf32> to vector<1x16xf32>
          tpu.vector_store %arg13[%swap3A_468, %swap3A_469], %swap3A_472 {strides = array<i32>} : memref<128x128xf32, #tpu.memory_space<vmem>>, vector<1x16xf32>,
          %get3A_473 = arith.index_cast %add3A_402 : i32 to index
          %get3A_474 = arith.constant 112 : index
          %get3A_475 = tpu.vector_load %arg13[%get3A_473, %get3A_474] {strides = array<i32>} : memref<128x128xf32, #tpu.memory_space<vmem>>, vector<1x16xf32>,
          %get3A_476 = vector.shape_cast %get3A_475 : vector<1x16xf32> to vector<16xf32>
          %mul3A_477 = arith.mulf %get3A_476, %gather3A_398 : vector<16xf32>
          %swap3A_478 = arith.index_cast %add3A_402 : i32 to index
          %swap3A_479 = arith.constant 112 : index
          %swap3A_480 = tpu.vector_load %arg13[%swap3A_478, %swap3A_479] {strides = array<i32>} : memref<128x128xf32, #tpu.memory_space<vmem>>, vector<1x16xf32>,
          %swap3A_481 = vector.shape_cast %swap3A_480 : vector<1x16xf32> to vector<16xf32>
          %swap3A_482 = vector.shape_cast %mul3A_477 : vector<16xf32> to vector<1x16xf32>
          tpu.vector_store %arg13[%swap3A_478, %swap3A_479], %swap3A_482 {strides = array<i32>} : memref<128x128xf32, #tpu.memory_space<vmem>>, vector<1x16xf32>,
          %broadcast_in_dim3A_483 = arith.constant 3 : i32
          %broadcast_in_dim3A_484 = vector.broadcast %broadcast_in_dim3A_483 : i32 to vector<16xi32>
          %lt3A_485 = arith.constant 0 : i32
          %lt3A_486 = vector.broadcast %lt3A_485 : i32 to vector<16xi32>
          %lt3A_487 = arith.cmpi slt, %broadcast_in_dim3A_484, %lt3A_486 : vector<16xi32>
          %add3A_488 = arith.constant 16 : i32
          %add3A_489 = vector.broadcast %add3A_488 : i32 to vector<16xi32>
          %add3A_490 = arith.addi %broadcast_in_dim3A_484, %add3A_489 : vector<16xi32>
          %select_n3A_491 = arith.select %lt3A_487, %add3A_490, %broadcast_in_dim3A_484 : vector<16xi1>, vector<16xi32>
          %broadcast_in_dim3A_492 = vector.shape_cast %select_n3A_491 : vector<16xi32> to vector<16x1xi32>
          %gather3A_493 = vector.shape_cast %broadcast_in_dim3A_492 : vector<16x1xi32> to vector<16xi32>
          %gather3A_494 = tpu.dynamic_gather %get3A_197[%gather3A_493] in [0] : vector<16xf32>, vector<16xi32> -> vector<16xf32>
          %mul3A_495 = arith.constant 16 : i32
          %mul3A_496 = arith.muli %scan3A_190, %mul3A_495 : i32
          %add3A_497 = arith.constant 3 : i32
          %add3A_498 = arith.addi %mul3A_496, %add3A_497 : i32
          %get3A_499 = arith.index_cast %add3A_498 : i32 to index
          %get3A_500 = arith.constant 0 : index
          %get3A_501 = tpu.vector_load %arg13[%get3A_499, %get3A_500] {strides = array<i32>} : memref<128x128xf32, #tpu.memory_space<vmem>>, vector<1x16xf32>,
          %get3A_502 = vector.shape_cast %get3A_501 : vector<1x16xf32> to vector<16xf32>
          %mul3A_503 = arith.mulf %get3A_502, %gather3A_494 : vector<16xf32>
          %swap3A_504 = arith.index_cast %add3A_498 : i32 to index
          %swap3A_505 = arith.constant 0 : index
          %swap3A_506 = tpu.vector_load %arg13[%swap3A_504, %swap3A_505] {strides = array<i32>} : memref<128x128xf32, #tpu.memory_space<vmem>>, vector<1x16xf32>,
          %swap3A_507 = vector.shape_cast %swap3A_506 : vector<1x16xf32> to vector<16xf32>
          %swap3A_508 = vector.shape_cast %mul3A_503 : vector<16xf32> to vector<1x16xf32>
          tpu.vector_store %arg13[%swap3A_504, %swap3A_505], %swap3A_508 {strides = array<i32>} : memref<128x128xf32, #tpu.memory_space<vmem>>, vector<1x16xf32>,
          %get3A_509 = arith.index_cast %add3A_498 : i32 to index
          %get3A_510 = arith.constant 16 : index
          %get3A_511 = tpu.vector_load %arg13[%get3A_509, %get3A_510] {strides = array<i32>} : memref<128x128xf32, #tpu.memory_space<vmem>>, vector<1x16xf32>,
          %get3A_512 = vector.shape_cast %get3A_511 : vector<1x16xf32> to vector<16xf32>
          %mul3A_513 = arith.mulf %get3A_512, %gather3A_494 : vector<16xf32>
          %swap3A_514 = arith.index_cast %add3A_498 : i32 to index
          %swap3A_515 = arith.constant 16 : index
          %swap3A_516 = tpu.vector_load %arg13[%swap3A_514, %swap3A_515] {strides = array<i32>} : memref<128x128xf32, #tpu.memory_space<vmem>>, vector<1x16xf32>,
          %swap3A_517 = vector.shape_cast %swap3A_516 : vector<1x16xf32> to vector<16xf32>
          %swap3A_518 = vector.shape_cast %mul3A_513 : vector<16xf32> to vector<1x16xf32>
          tpu.vector_store %arg13[%swap3A_514, %swap3A_515], %swap3A_518 {strides = array<i32>} : memref<128x128xf32, #tpu.memory_space<vmem>>, vector<1x16xf32>,
          %get3A_519 = arith.index_cast %add3A_498 : i32 to index
          %get3A_520 = arith.constant 32 : index
          %get3A_521 = tpu.vector_load %arg13[%get3A_519, %get3A_520] {strides = array<i32>} : memref<128x128xf32, #tpu.memory_space<vmem>>, vector<1x16xf32>,
          %get3A_522 = vector.shape_cast %get3A_521 : vector<1x16xf32> to vector<16xf32>
          %mul3A_523 = arith.mulf %get3A_522, %gather3A_494 : vector<16xf32>
          %swap3A_524 = arith.index_cast %add3A_498 : i32 to index
          %swap3A_525 = arith.constant 32 : index
          %swap3A_526 = tpu.vector_load %arg13[%swap3A_524, %swap3A_525] {strides = array<i32>} : memref<128x128xf32, #tpu.memory_space<vmem>>, vector<1x16xf32>,
          %swap3A_527 = vector.shape_cast %swap3A_526 : vector<1x16xf32> to vector<16xf32>
          %swap3A_528 = vector.shape_cast %mul3A_523 : vector<16xf32> to vector<1x16xf32>
          tpu.vector_store %arg13[%swap3A_524, %swap3A_525], %swap3A_528 {strides = array<i32>} : memref<128x128xf32, #tpu.memory_space<vmem>>, vector<1x16xf32>,
          %get3A_529 = arith.index_cast %add3A_498 : i32 to index
          %get3A_530 = arith.constant 48 : index
          %get3A_531 = tpu.vector_load %arg13[%get3A_529, %get3A_530] {strides = array<i32>} : memref<128x128xf32, #tpu.memory_space<vmem>>, vector<1x16xf32>,
          %get3A_532 = vector.shape_cast %get3A_531 : vector<1x16xf32> to vector<16xf32>
          %mul3A_533 = arith.mulf %get3A_532, %gather3A_494 : vector<16xf32>
          %swap3A_534 = arith.index_cast %add3A_498 : i32 to index
          %swap3A_535 = arith.constant 48 : index
          %swap3A_536 = tpu.vector_load %arg13[%swap3A_534, %swap3A_535] {strides = array<i32>} : memref<128x128xf32, #tpu.memory_space<vmem>>, vector<1x16xf32>,
          %swap3A_537 = vector.shape_cast %swap3A_536 : vector<1x16xf32> to vector<16xf32>
          %swap3A_538 = vector.shape_cast %mul3A_533 : vector<16xf32> to vector<1x16xf32>
          tpu.vector_store %arg13[%swap3A_534, %swap3A_535], %swap3A_538 {strides = array<i32>} : memref<128x128xf32, #tpu.memory_space<vmem>>, vector<1x16xf32>,
          %get3A_539 = arith.index_cast %add3A_498 : i32 to index
          %get3A_540 = arith.constant 64 : index
          %get3A_541 = tpu.vector_load %arg13[%get3A_539, %get3A_540] {strides = array<i32>} : memref<128x128xf32, #tpu.memory_space<vmem>>, vector<1x16xf32>,
          %get3A_542 = vector.shape_cast %get3A_541 : vector<1x16xf32> to vector<16xf32>
          %mul3A_543 = arith.mulf %get3A_542, %gather3A_494 : vector<16xf32>
          %swap3A_544 = arith.index_cast %add3A_498 : i32 to index
          %swap3A_545 = arith.constant 64 : index
          %swap3A_546 = tpu.vector_load %arg13[%swap3A_544, %swap3A_545] {strides = array<i32>} : memref<128x128xf32, #tpu.memory_space<vmem>>, vector<1x16xf32>,
          %swap3A_547 = vector.shape_cast %swap3A_546 : vector<1x16xf32> to vector<16xf32>
          %swap3A_548 = vector.shape_cast %mul3A_543 : vector<16xf32> to vector<1x16xf32>
          tpu.vector_store %arg13[%swap3A_544, %swap3A_545], %swap3A_548 {strides = array<i32>} : memref<128x128xf32, #tpu.memory_space<vmem>>, vector<1x16xf32>,
          %get3A_549 = arith.index_cast %add3A_498 : i32 to index
          %get3A_550 = arith.constant 80 : index
          %get3A_551 = tpu.vector_load %arg13[%get3A_549, %get3A_550] {strides = array<i32>} : memref<128x128xf32, #tpu.memory_space<vmem>>, vector<1x16xf32>,
          %get3A_552 = vector.shape_cast %get3A_551 : vector<1x16xf32> to vector<16xf32>
          %mul3A_553 = arith.mulf %get3A_552, %gather3A_494 : vector<16xf32>
          %swap3A_554 = arith.index_cast %add3A_498 : i32 to index
          %swap3A_555 = arith.constant 80 : index
          %swap3A_556 = tpu.vector_load %arg13[%swap3A_554, %swap3A_555] {strides = array<i32>} : memref<128x128xf32, #tpu.memory_space<vmem>>, vector<1x16xf32>,
          %swap3A_557 = vector.shape_cast %swap3A_556 : vector<1x16xf32> to vector<16xf32>
          %swap3A_558 = vector.shape_cast %mul3A_553 : vector<16xf32> to vector<1x16xf32>
          tpu.vector_store %arg13[%swap3A_554, %swap3A_555], %swap3A_558 {strides = array<i32>} : memref<128x128xf32, #tpu.memory_space<vmem>>, vector<1x16xf32>,
          %get3A_559 = arith.index_cast %add3A_498 : i32 to index
          %get3A_560 = arith.constant 96 : index
          %get3A_561 = tpu.vector_load %arg13[%get3A_559, %get3A_560] {strides = array<i32>} : memref<128x128xf32, #tpu.memory_space<vmem>>, vector<1x16xf32>,
          %get3A_562 = vector.shape_cast %get3A_561 : vector<1x16xf32> to vector<16xf32>
          %mul3A_563 = arith.mulf %get3A_562, %gather3A_494 : vector<16xf32>
          %swap3A_564 = arith.index_cast %add3A_498 : i32 to index
          %swap3A_565 = arith.constant 96 : index
          %swap3A_566 = tpu.vector_load %arg13[%swap3A_564, %swap3A_565] {strides = array<i32>} : memref<128x128xf32, #tpu.memory_space<vmem>>, vector<1x16xf32>,
          %swap3A_567 = vector.shape_cast %swap3A_566 : vector<1x16xf32> to vector<16xf32>
          %swap3A_568 = vector.shape_cast %mul3A_563 : vector<16xf32> to vector<1x16xf32>
          tpu.vector_store %arg13[%swap3A_564, %swap3A_565], %swap3A_568 {strides = array<i32>} : memref<128x128xf32, #tpu.memory_space<vmem>>, vector<1x16xf32>,
          %get3A_569 = arith.index_cast %add3A_498 : i32 to index
          %get3A_570 = arith.constant 112 : index
          %get3A_571 = tpu.vector_load %arg13[%get3A_569, %get3A_570] {strides = array<i32>} : memref<128x128xf32, #tpu.memory_space<vmem>>, vector<1x16xf32>,
          %get3A_572 = vector.shape_cast %get3A_571 : vector<1x16xf32> to vector<16xf32>
          %mul3A_573 = arith.mulf %get3A_572, %gather3A_494 : vector<16xf32>
          %swap3A_574 = arith.index_cast %add3A_498 : i32 to index
          %swap3A_575 = arith.constant 112 : index
          %swap3A_576 = tpu.vector_load %arg13[%swap3A_574, %swap3A_575] {strides = array<i32>} : memref<128x128xf32, #tpu.memory_space<vmem>>, vector<1x16xf32>,
          %swap3A_577 = vector.shape_cast %swap3A_576 : vector<1x16xf32> to vector<16xf32>
          %swap3A_578 = vector.shape_cast %mul3A_573 : vector<16xf32> to vector<1x16xf32>
          tpu.vector_store %arg13[%swap3A_574, %swap3A_575], %swap3A_578 {strides = array<i32>} : memref<128x128xf32, #tpu.memory_space<vmem>>, vector<1x16xf32>,
          %broadcast_in_dim3A_579 = arith.constant 4 : i32
          %broadcast_in_dim3A_580 = vector.broadcast %broadcast_in_dim3A_579 : i32 to vector<16xi32>
          %lt3A_581 = arith.constant 0 : i32
          %lt3A_582 = vector.broadcast %lt3A_581 : i32 to vector<16xi32>
          %lt3A_583 = arith.cmpi slt, %broadcast_in_dim3A_580, %lt3A_582 : vector<16xi32>
          %add3A_584 = arith.constant 16 : i32
          %add3A_585 = vector.broadcast %add3A_584 : i32 to vector<16xi32>
          %add3A_586 = arith.addi %broadcast_in_dim3A_580, %add3A_585 : vector<16xi32>
          %select_n3A_587 = arith.select %lt3A_583, %add3A_586, %broadcast_in_dim3A_580 : vector<16xi1>, vector<16xi32>
          %broadcast_in_dim3A_588 = vector.shape_cast %select_n3A_587 : vector<16xi32> to vector<16x1xi32>
          %gather3A_589 = vector.shape_cast %broadcast_in_dim3A_588 : vector<16x1xi32> to vector<16xi32>
          %gather3A_590 = tpu.dynamic_gather %get3A_197[%gather3A_589] in [0] : vector<16xf32>, vector<16xi32> -> vector<16xf32>
          %mul3A_591 = arith.constant 16 : i32
          %mul3A_592 = arith.muli %scan3A_190, %mul3A_591 : i32
          %add3A_593 = arith.constant 4 : i32
          %add3A_594 = arith.addi %mul3A_592, %add3A_593 : i32
          %get3A_595 = arith.index_cast %add3A_594 : i32 to index
          %get3A_596 = arith.constant 0 : index
          %get3A_597 = tpu.vector_load %arg13[%get3A_595, %get3A_596] {strides = array<i32>} : memref<128x128xf32, #tpu.memory_space<vmem>>, vector<1x16xf32>,
          %get3A_598 = vector.shape_cast %get3A_597 : vector<1x16xf32> to vector<16xf32>
          %mul3A_599 = arith.mulf %get3A_598, %gather3A_590 : vector<16xf32>
          %swap3A_600 = arith.index_cast %add3A_594 : i32 to index
          %swap3A_601 = arith.constant 0 : index
          %swap3A_602 = tpu.vector_load %arg13[%swap3A_600, %swap3A_601] {strides = array<i32>} : memref<128x128xf32, #tpu.memory_space<vmem>>, vector<1x16xf32>,
          %swap3A_603 = vector.shape_cast %swap3A_602 : vector<1x16xf32> to vector<16xf32>
          %swap3A_604 = vector.shape_cast %mul3A_599 : vector<16xf32> to vector<1x16xf32>
          tpu.vector_store %arg13[%swap3A_600, %swap3A_601], %swap3A_604 {strides = array<i32>} : memref<128x128xf32, #tpu.memory_space<vmem>>, vector<1x16xf32>,
          %get3A_605 = arith.index_cast %add3A_594 : i32 to index
          %get3A_606 = arith.constant 16 : index
          %get3A_607 = tpu.vector_load %arg13[%get3A_605, %get3A_606] {strides = array<i32>} : memref<128x128xf32, #tpu.memory_space<vmem>>, vector<1x16xf32>,
          %get3A_608 = vector.shape_cast %get3A_607 : vector<1x16xf32> to vector<16xf32>
          %mul3A_609 = arith.mulf %get3A_608, %gather3A_590 : vector<16xf32>
          %swap3A_610 = arith.index_cast %add3A_594 : i32 to index
          %swap3A_611 = arith.constant 16 : index
          %swap3A_612 = tpu.vector_load %arg13[%swap3A_610, %swap3A_611] {strides = array<i32>} : memref<128x128xf32, #tpu.memory_space<vmem>>, vector<1x16xf32>,
          %swap3A_613 = vector.shape_cast %swap3A_612 : vector<1x16xf32> to vector<16xf32>
          %swap3A_614 = vector.shape_cast %mul3A_609 : vector<16xf32> to vector<1x16xf32>
          tpu.vector_store %arg13[%swap3A_610, %swap3A_611], %swap3A_614 {strides = array<i32>} : memref<128x128xf32, #tpu.memory_space<vmem>>, vector<1x16xf32>,
          %get3A_615 = arith.index_cast %add3A_594 : i32 to index
          %get3A_616 = arith.constant 32 : index
          %get3A_617 = tpu.vector_load %arg13[%get3A_615, %get3A_616] {strides = array<i32>} : memref<128x128xf32, #tpu.memory_space<vmem>>, vector<1x16xf32>,
          %get3A_618 = vector.shape_cast %get3A_617 : vector<1x16xf32> to vector<16xf32>
          %mul3A_619 = arith.mulf %get3A_618, %gather3A_590 : vector<16xf32>
          %swap3A_620 = arith.index_cast %add3A_594 : i32 to index
          %swap3A_621 = arith.constant 32 : index
          %swap3A_622 = tpu.vector_load %arg13[%swap3A_620, %swap3A_621] {strides = array<i32>} : memref<128x128xf32, #tpu.memory_space<vmem>>, vector<1x16xf32>,
          %swap3A_623 = vector.shape_cast %swap3A_622 : vector<1x16xf32> to vector<16xf32>
          %swap3A_624 = vector.shape_cast %mul3A_619 : vector<16xf32> to vector<1x16xf32>
          tpu.vector_store %arg13[%swap3A_620, %swap3A_621], %swap3A_624 {strides = array<i32>} : memref<128x128xf32, #tpu.memory_space<vmem>>, vector<1x16xf32>,
          %get3A_625 = arith.index_cast %add3A_594 : i32 to index
          %get3A_626 = arith.constant 48 : index
          %get3A_627 = tpu.vector_load %arg13[%get3A_625, %get3A_626] {strides = array<i32>} : memref<128x128xf32, #tpu.memory_space<vmem>>, vector<1x16xf32>,
          %get3A_628 = vector.shape_cast %get3A_627 : vector<1x16xf32> to vector<16xf32>
          %mul3A_629 = arith.mulf %get3A_628, %gather3A_590 : vector<16xf32>
          %swap3A_630 = arith.index_cast %add3A_594 : i32 to index
          %swap3A_631 = arith.constant 48 : index
          %swap3A_632 = tpu.vector_load %arg13[%swap3A_630, %swap3A_631] {strides = array<i32>} : memref<128x128xf32, #tpu.memory_space<vmem>>, vector<1x16xf32>,
          %swap3A_633 = vector.shape_cast %swap3A_632 : vector<1x16xf32> to vector<16xf32>
          %swap3A_634 = vector.shape_cast %mul3A_629 : vector<16xf32> to vector<1x16xf32>
          tpu.vector_store %arg13[%swap3A_630, %swap3A_631], %swap3A_634 {strides = array<i32>} : memref<128x128xf32, #tpu.memory_space<vmem>>, vector<1x16xf32>,
          %get3A_635 = arith.index_cast %add3A_594 : i32 to index
          %get3A_636 = arith.constant 64 : index
          %get3A_637 = tpu.vector_load %arg13[%get3A_635, %get3A_636] {strides = array<i32>} : memref<128x128xf32, #tpu.memory_space<vmem>>, vector<1x16xf32>,
          %get3A_638 = vector.shape_cast %get3A_637 : vector<1x16xf32> to vector<16xf32>
          %mul3A_639 = arith.mulf %get3A_638, %gather3A_590 : vector<16xf32>
          %swap3A_640 = arith.index_cast %add3A_594 : i32 to index
          %swap3A_641 = arith.constant 64 : index
          %swap3A_642 = tpu.vector_load %arg13[%swap3A_640, %swap3A_641] {strides = array<i32>} : memref<128x128xf32, #tpu.memory_space<vmem>>, vector<1x16xf32>,
          %swap3A_643 = vector.shape_cast %swap3A_642 : vector<1x16xf32> to vector<16xf32>
          %swap3A_644 = vector.shape_cast %mul3A_639 : vector<16xf32> to vector<1x16xf32>
          tpu.vector_store %arg13[%swap3A_640, %swap3A_641], %swap3A_644 {strides = array<i32>} : memref<128x128xf32, #tpu.memory_space<vmem>>, vector<1x16xf32>,
          %get3A_645 = arith.index_cast %add3A_594 : i32 to index
          %get3A_646 = arith.constant 80 : index
          %get3A_647 = tpu.vector_load %arg13[%get3A_645, %get3A_646] {strides = array<i32>} : memref<128x128xf32, #tpu.memory_space<vmem>>, vector<1x16xf32>,
          %get3A_648 = vector.shape_cast %get3A_647 : vector<1x16xf32> to vector<16xf32>
          %mul3A_649 = arith.mulf %get3A_648, %gather3A_590 : vector<16xf32>
          %swap3A_650 = arith.index_cast %add3A_594 : i32 to index
          %swap3A_651 = arith.constant 80 : index
          %swap3A_652 = tpu.vector_load %arg13[%swap3A_650, %swap3A_651] {strides = array<i32>} : memref<128x128xf32, #tpu.memory_space<vmem>>, vector<1x16xf32>,
          %swap3A_653 = vector.shape_cast %swap3A_652 : vector<1x16xf32> to vector<16xf32>
          %swap3A_654 = vector.shape_cast %mul3A_649 : vector<16xf32> to vector<1x16xf32>
          tpu.vector_store %arg13[%swap3A_650, %swap3A_651], %swap3A_654 {strides = array<i32>} : memref<128x128xf32, #tpu.memory_space<vmem>>, vector<1x16xf32>,
          %get3A_655 = arith.index_cast %add3A_594 : i32 to index
          %get3A_656 = arith.constant 96 : index
          %get3A_657 = tpu.vector_load %arg13[%get3A_655, %get3A_656] {strides = array<i32>} : memref<128x128xf32, #tpu.memory_space<vmem>>, vector<1x16xf32>,
          %get3A_658 = vector.shape_cast %get3A_657 : vector<1x16xf32> to vector<16xf32>
          %mul3A_659 = arith.mulf %get3A_658, %gather3A_590 : vector<16xf32>
          %swap3A_660 = arith.index_cast %add3A_594 : i32 to index
          %swap3A_661 = arith.constant 96 : index
          %swap3A_662 = tpu.vector_load %arg13[%swap3A_660, %swap3A_661] {strides = array<i32>} : memref<128x128xf32, #tpu.memory_space<vmem>>, vector<1x16xf32>,
          %swap3A_663 = vector.shape_cast %swap3A_662 : vector<1x16xf32> to vector<16xf32>
          %swap3A_664 = vector.shape_cast %mul3A_659 : vector<16xf32> to vector<1x16xf32>
          tpu.vector_store %arg13[%swap3A_660, %swap3A_661], %swap3A_664 {strides = array<i32>} : memref<128x128xf32, #tpu.memory_space<vmem>>, vector<1x16xf32>,
          %get3A_665 = arith.index_cast %add3A_594 : i32 to index
          %get3A_666 = arith.constant 112 : index
          %get3A_667 = tpu.vector_load %arg13[%get3A_665, %get3A_666] {strides = array<i32>} : memref<128x128xf32, #tpu.memory_space<vmem>>, vector<1x16xf32>,
          %get3A_668 = vector.shape_cast %get3A_667 : vector<1x16xf32> to vector<16xf32>
          %mul3A_669 = arith.mulf %get3A_668, %gather3A_590 : vector<16xf32>
          %swap3A_670 = arith.index_cast %add3A_594 : i32 to index
          %swap3A_671 = arith.constant 112 : index
          %swap3A_672 = tpu.vector_load %arg13[%swap3A_670, %swap3A_671] {strides = array<i32>} : memref<128x128xf32, #tpu.memory_space<vmem>>, vector<1x16xf32>,
          %swap3A_673 = vector.shape_cast %swap3A_672 : vector<1x16xf32> to vector<16xf32>
          %swap3A_674 = vector.shape_cast %mul3A_669 : vector<16xf32> to vector<1x16xf32>
          tpu.vector_store %arg13[%swap3A_670, %swap3A_671], %swap3A_674 {strides = array<i32>} : memref<128x128xf32, #tpu.memory_space<vmem>>, vector<1x16xf32>,
          %broadcast_in_dim3A_675 = arith.constant 5 : i32
          %broadcast_in_dim3A_676 = vector.broadcast %broadcast_in_dim3A_675 : i32 to vector<16xi32>
          %lt3A_677 = arith.constant 0 : i32
          %lt3A_678 = vector.broadcast %lt3A_677 : i32 to vector<16xi32>
          %lt3A_679 = arith.cmpi slt, %broadcast_in_dim3A_676, %lt3A_678 : vector<16xi32>
          %add3A_680 = arith.constant 16 : i32
          %add3A_681 = vector.broadcast %add3A_680 : i32 to vector<16xi32>
          %add3A_682 = arith.addi %broadcast_in_dim3A_676, %add3A_681 : vector<16xi32>
          %select_n3A_683 = arith.select %lt3A_679, %add3A_682, %broadcast_in_dim3A_676 : vector<16xi1>, vector<16xi32>
          %broadcast_in_dim3A_684 = vector.shape_cast %select_n3A_683 : vector<16xi32> to vector<16x1xi32>
          %gather3A_685 = vector.shape_cast %broadcast_in_dim3A_684 : vector<16x1xi32> to vector<16xi32>
          %gather3A_686 = tpu.dynamic_gather %get3A_197[%gather3A_685] in [0] : vector<16xf32>, vector<16xi32> -> vector<16xf32>
          %mul3A_687 = arith.constant 16 : i32
          %mul3A_688 = arith.muli %scan3A_190, %mul3A_687 : i32
          %add3A_689 = arith.constant 5 : i32
          %add3A_690 = arith.addi %mul3A_688, %add3A_689 : i32
          %get3A_691 = arith.index_cast %add3A_690 : i32 to index
          %get3A_692 = arith.constant 0 : index
          %get3A_693 = tpu.vector_load %arg13[%get3A_691, %get3A_692] {strides = array<i32>} : memref<128x128xf32, #tpu.memory_space<vmem>>, vector<1x16xf32>,
          %get3A_694 = vector.shape_cast %get3A_693 : vector<1x16xf32> to vector<16xf32>
          %mul3A_695 = arith.mulf %get3A_694, %gather3A_686 : vector<16xf32>
          %swap3A_696 = arith.index_cast %add3A_690 : i32 to index
          %swap3A_697 = arith.constant 0 : index
          %swap3A_698 = tpu.vector_load %arg13[%swap3A_696, %swap3A_697] {strides = array<i32>} : memref<128x128xf32, #tpu.memory_space<vmem>>, vector<1x16xf32>,
          %swap3A_699 = vector.shape_cast %swap3A_698 : vector<1x16xf32> to vector<16xf32>
          %swap3A_700 = vector.shape_cast %mul3A_695 : vector<16xf32> to vector<1x16xf32>
          tpu.vector_store %arg13[%swap3A_696, %swap3A_697], %swap3A_700 {strides = array<i32>} : memref<128x128xf32, #tpu.memory_space<vmem>>, vector<1x16xf32>,
          %get3A_701 = arith.index_cast %add3A_690 : i32 to index
          %get3A_702 = arith.constant 16 : index
          %get3A_703 = tpu.vector_load %arg13[%get3A_701, %get3A_702] {strides = array<i32>} : memref<128x128xf32, #tpu.memory_space<vmem>>, vector<1x16xf32>,
          %get3A_704 = vector.shape_cast %get3A_703 : vector<1x16xf32> to vector<16xf32>
          %mul3A_705 = arith.mulf %get3A_704, %gather3A_686 : vector<16xf32>
          %swap3A_706 = arith.index_cast %add3A_690 : i32 to index
          %swap3A_707 = arith.constant 16 : index
          %swap3A_708 = tpu.vector_load %arg13[%swap3A_706, %swap3A_707] {strides = array<i32>} : memref<128x128xf32, #tpu.memory_space<vmem>>, vector<1x16xf32>,
          %swap3A_709 = vector.shape_cast %swap3A_708 : vector<1x16xf32> to vector<16xf32>
          %swap3A_710 = vector.shape_cast %mul3A_705 : vector<16xf32> to vector<1x16xf32>
          tpu.vector_store %arg13[%swap3A_706, %swap3A_707], %swap3A_710 {strides = array<i32>} : memref<128x128xf32, #tpu.memory_space<vmem>>, vector<1x16xf32>,
          %get3A_711 = arith.index_cast %add3A_690 : i32 to index
          %get3A_712 = arith.constant 32 : index
          %get3A_713 = tpu.vector_load %arg13[%get3A_711, %get3A_712] {strides = array<i32>} : memref<128x128xf32, #tpu.memory_space<vmem>>, vector<1x16xf32>,
          %get3A_714 = vector.shape_cast %get3A_713 : vector<1x16xf32> to vector<16xf32>
          %mul3A_715 = arith.mulf %get3A_714, %gather3A_686 : vector<16xf32>
          %swap3A_716 = arith.index_cast %add3A_690 : i32 to index
          %swap3A_717 = arith.constant 32 : index
          %swap3A_718 = tpu.vector_load %arg13[%swap3A_716, %swap3A_717] {strides = array<i32>} : memref<128x128xf32, #tpu.memory_space<vmem>>, vector<1x16xf32>,
          %swap3A_719 = vector.shape_cast %swap3A_718 : vector<1x16xf32> to vector<16xf32>
          %swap3A_720 = vector.shape_cast %mul3A_715 : vector<16xf32> to vector<1x16xf32>
          tpu.vector_store %arg13[%swap3A_716, %swap3A_717], %swap3A_720 {strides = array<i32>} : memref<128x128xf32, #tpu.memory_space<vmem>>, vector<1x16xf32>,
          %get3A_721 = arith.index_cast %add3A_690 : i32 to index
          %get3A_722 = arith.constant 48 : index
          %get3A_723 = tpu.vector_load %arg13[%get3A_721, %get3A_722] {strides = array<i32>} : memref<128x128xf32, #tpu.memory_space<vmem>>, vector<1x16xf32>,
          %get3A_724 = vector.shape_cast %get3A_723 : vector<1x16xf32> to vector<16xf32>
          %mul3A_725 = arith.mulf %get3A_724, %gather3A_686 : vector<16xf32>
          %swap3A_726 = arith.index_cast %add3A_690 : i32 to index
          %swap3A_727 = arith.constant 48 : index
          %swap3A_728 = tpu.vector_load %arg13[%swap3A_726, %swap3A_727] {strides = array<i32>} : memref<128x128xf32, #tpu.memory_space<vmem>>, vector<1x16xf32>,
          %swap3A_729 = vector.shape_cast %swap3A_728 : vector<1x16xf32> to vector<16xf32>
          %swap3A_730 = vector.shape_cast %mul3A_725 : vector<16xf32> to vector<1x16xf32>
          tpu.vector_store %arg13[%swap3A_726, %swap3A_727], %swap3A_730 {strides = array<i32>} : memref<128x128xf32, #tpu.memory_space<vmem>>, vector<1x16xf32>,
          %get3A_731 = arith.index_cast %add3A_690 : i32 to index
          %get3A_732 = arith.constant 64 : index
          %get3A_733 = tpu.vector_load %arg13[%get3A_731, %get3A_732] {strides = array<i32>} : memref<128x128xf32, #tpu.memory_space<vmem>>, vector<1x16xf32>,
          %get3A_734 = vector.shape_cast %get3A_733 : vector<1x16xf32> to vector<16xf32>
          %mul3A_735 = arith.mulf %get3A_734, %gather3A_686 : vector<16xf32>
          %swap3A_736 = arith.index_cast %add3A_690 : i32 to index
          %swap3A_737 = arith.constant 64 : index
          %swap3A_738 = tpu.vector_load %arg13[%swap3A_736, %swap3A_737] {strides = array<i32>} : memref<128x128xf32, #tpu.memory_space<vmem>>, vector<1x16xf32>,
          %swap3A_739 = vector.shape_cast %swap3A_738 : vector<1x16xf32> to vector<16xf32>
          %swap3A_740 = vector.shape_cast %mul3A_735 : vector<16xf32> to vector<1x16xf32>
          tpu.vector_store %arg13[%swap3A_736, %swap3A_737], %swap3A_740 {strides = array<i32>} : memref<128x128xf32, #tpu.memory_space<vmem>>, vector<1x16xf32>,
          %get3A_741 = arith.index_cast %add3A_690 : i32 to index
          %get3A_742 = arith.constant 80 : index
          %get3A_743 = tpu.vector_load %arg13[%get3A_741, %get3A_742] {strides = array<i32>} : memref<128x128xf32, #tpu.memory_space<vmem>>, vector<1x16xf32>,
          %get3A_744 = vector.shape_cast %get3A_743 : vector<1x16xf32> to vector<16xf32>
          %mul3A_745 = arith.mulf %get3A_744, %gather3A_686 : vector<16xf32>
          %swap3A_746 = arith.index_cast %add3A_690 : i32 to index
          %swap3A_747 = arith.constant 80 : index
          %swap3A_748 = tpu.vector_load %arg13[%swap3A_746, %swap3A_747] {strides = array<i32>} : memref<128x128xf32, #tpu.memory_space<vmem>>, vector<1x16xf32>,
          %swap3A_749 = vector.shape_cast %swap3A_748 : vector<1x16xf32> to vector<16xf32>
          %swap3A_750 = vector.shape_cast %mul3A_745 : vector<16xf32> to vector<1x16xf32>
          tpu.vector_store %arg13[%swap3A_746, %swap3A_747], %swap3A_750 {strides = array<i32>} : memref<128x128xf32, #tpu.memory_space<vmem>>, vector<1x16xf32>,
          %get3A_751 = arith.index_cast %add3A_690 : i32 to index
          %get3A_752 = arith.constant 96 : index
          %get3A_753 = tpu.vector_load %arg13[%get3A_751, %get3A_752] {strides = array<i32>} : memref<128x128xf32, #tpu.memory_space<vmem>>, vector<1x16xf32>,
          %get3A_754 = vector.shape_cast %get3A_753 : vector<1x16xf32> to vector<16xf32>
          %mul3A_755 = arith.mulf %get3A_754, %gather3A_686 : vector<16xf32>
          %swap3A_756 = arith.index_cast %add3A_690 : i32 to index
          %swap3A_757 = arith.constant 96 : index
          %swap3A_758 = tpu.vector_load %arg13[%swap3A_756, %swap3A_757] {strides = array<i32>} : memref<128x128xf32, #tpu.memory_space<vmem>>, vector<1x16xf32>,
          %swap3A_759 = vector.shape_cast %swap3A_758 : vector<1x16xf32> to vector<16xf32>
          %swap3A_760 = vector.shape_cast %mul3A_755 : vector<16xf32> to vector<1x16xf32>
          tpu.vector_store %arg13[%swap3A_756, %swap3A_757], %swap3A_760 {strides = array<i32>} : memref<128x128xf32, #tpu.memory_space<vmem>>, vector<1x16xf32>,
          %get3A_761 = arith.index_cast %add3A_690 : i32 to index
          %get3A_762 = arith.constant 112 : index
          %get3A_763 = tpu.vector_load %arg13[%get3A_761, %get3A_762] {strides = array<i32>} : memref<128x128xf32, #tpu.memory_space<vmem>>, vector<1x16xf32>,
          %get3A_764 = vector.shape_cast %get3A_763 : vector<1x16xf32> to vector<16xf32>
          %mul3A_765 = arith.mulf %get3A_764, %gather3A_686 : vector<16xf32>
          %swap3A_766 = arith.index_cast %add3A_690 : i32 to index
          %swap3A_767 = arith.constant 112 : index
          %swap3A_768 = tpu.vector_load %arg13[%swap3A_766, %swap3A_767] {strides = array<i32>} : memref<128x128xf32, #tpu.memory_space<vmem>>, vector<1x16xf32>,
          %swap3A_769 = vector.shape_cast %swap3A_768 : vector<1x16xf32> to vector<16xf32>
          %swap3A_770 = vector.shape_cast %mul3A_765 : vector<16xf32> to vector<1x16xf32>
          tpu.vector_store %arg13[%swap3A_766, %swap3A_767], %swap3A_770 {strides = array<i32>} : memref<128x128xf32, #tpu.memory_space<vmem>>, vector<1x16xf32>,
          %broadcast_in_dim3A_771 = arith.constant 6 : i32
          %broadcast_in_dim3A_772 = vector.broadcast %broadcast_in_dim3A_771 : i32 to vector<16xi32>
          %lt3A_773 = arith.constant 0 : i32
          %lt3A_774 = vector.broadcast %lt3A_773 : i32 to vector<16xi32>
          %lt3A_775 = arith.cmpi slt, %broadcast_in_dim3A_772, %lt3A_774 : vector<16xi32>
          %add3A_776 = arith.constant 16 : i32
          %add3A_777 = vector.broadcast %add3A_776 : i32 to vector<16xi32>
          %add3A_778 = arith.addi %broadcast_in_dim3A_772, %add3A_777 : vector<16xi32>
          %select_n3A_779 = arith.select %lt3A_775, %add3A_778, %broadcast_in_dim3A_772 : vector<16xi1>, vector<16xi32>
          %broadcast_in_dim3A_780 = vector.shape_cast %select_n3A_779 : vector<16xi32> to vector<16x1xi32>
          %gather3A_781 = vector.shape_cast %broadcast_in_dim3A_780 : vector<16x1xi32> to vector<16xi32>
          %gather3A_782 = tpu.dynamic_gather %get3A_197[%gather3A_781] in [0] : vector<16xf32>, vector<16xi32> -> vector<16xf32>
          %mul3A_783 = arith.constant 16 : i32
          %mul3A_784 = arith.muli %scan3A_190, %mul3A_783 : i32
          %add3A_785 = arith.constant 6 : i32
          %add3A_786 = arith.addi %mul3A_784, %add3A_785 : i32
          %get3A_787 = arith.index_cast %add3A_786 : i32 to index
          %get3A_788 = arith.constant 0 : index
          %get3A_789 = tpu.vector_load %arg13[%get3A_787, %get3A_788] {strides = array<i32>} : memref<128x128xf32, #tpu.memory_space<vmem>>, vector<1x16xf32>,
          %get3A_790 = vector.shape_cast %get3A_789 : vector<1x16xf32> to vector<16xf32>
          %mul3A_791 = arith.mulf %get3A_790, %gather3A_782 : vector<16xf32>
          %swap3A_792 = arith.index_cast %add3A_786 : i32 to index
          %swap3A_793 = arith.constant 0 : index
          %swap3A_794 = tpu.vector_load %arg13[%swap3A_792, %swap3A_793] {strides = array<i32>} : memref<128x128xf32, #tpu.memory_space<vmem>>, vector<1x16xf32>,
          %swap3A_795 = vector.shape_cast %swap3A_794 : vector<1x16xf32> to vector<16xf32>
          %swap3A_796 = vector.shape_cast %mul3A_791 : vector<16xf32> to vector<1x16xf32>
          tpu.vector_store %arg13[%swap3A_792, %swap3A_793], %swap3A_796 {strides = array<i32>} : memref<128x128xf32, #tpu.memory_space<vmem>>, vector<1x16xf32>,
          %get3A_797 = arith.index_cast %add3A_786 : i32 to index
          %get3A_798 = arith.constant 16 : index
          %get3A_799 = tpu.vector_load %arg13[%get3A_797, %get3A_798] {strides = array<i32>} : memref<128x128xf32, #tpu.memory_space<vmem>>, vector<1x16xf32>,
          %get3A_800 = vector.shape_cast %get3A_799 : vector<1x16xf32> to vector<16xf32>
          %mul3A_801 = arith.mulf %get3A_800, %gather3A_782 : vector<16xf32>
          %swap3A_802 = arith.index_cast %add3A_786 : i32 to index
          %swap3A_803 = arith.constant 16 : index
          %swap3A_804 = tpu.vector_load %arg13[%swap3A_802, %swap3A_803] {strides = array<i32>} : memref<128x128xf32, #tpu.memory_space<vmem>>, vector<1x16xf32>,
          %swap3A_805 = vector.shape_cast %swap3A_804 : vector<1x16xf32> to vector<16xf32>
          %swap3A_806 = vector.shape_cast %mul3A_801 : vector<16xf32> to vector<1x16xf32>
          tpu.vector_store %arg13[%swap3A_802, %swap3A_803], %swap3A_806 {strides = array<i32>} : memref<128x128xf32, #tpu.memory_space<vmem>>, vector<1x16xf32>,
          %get3A_807 = arith.index_cast %add3A_786 : i32 to index
          %get3A_808 = arith.constant 32 : index
          %get3A_809 = tpu.vector_load %arg13[%get3A_807, %get3A_808] {strides = array<i32>} : memref<128x128xf32, #tpu.memory_space<vmem>>, vector<1x16xf32>,
          %get3A_810 = vector.shape_cast %get3A_809 : vector<1x16xf32> to vector<16xf32>
          %mul3A_811 = arith.mulf %get3A_810, %gather3A_782 : vector<16xf32>
          %swap3A_812 = arith.index_cast %add3A_786 : i32 to index
          %swap3A_813 = arith.constant 32 : index
          %swap3A_814 = tpu.vector_load %arg13[%swap3A_812, %swap3A_813] {strides = array<i32>} : memref<128x128xf32, #tpu.memory_space<vmem>>, vector<1x16xf32>,
          %swap3A_815 = vector.shape_cast %swap3A_814 : vector<1x16xf32> to vector<16xf32>
          %swap3A_816 = vector.shape_cast %mul3A_811 : vector<16xf32> to vector<1x16xf32>
          tpu.vector_store %arg13[%swap3A_812, %swap3A_813], %swap3A_816 {strides = array<i32>} : memref<128x128xf32, #tpu.memory_space<vmem>>, vector<1x16xf32>,
          %get3A_817 = arith.index_cast %add3A_786 : i32 to index
          %get3A_818 = arith.constant 48 : index
          %get3A_819 = tpu.vector_load %arg13[%get3A_817, %get3A_818] {strides = array<i32>} : memref<128x128xf32, #tpu.memory_space<vmem>>, vector<1x16xf32>,
          %get3A_820 = vector.shape_cast %get3A_819 : vector<1x16xf32> to vector<16xf32>
          %mul3A_821 = arith.mulf %get3A_820, %gather3A_782 : vector<16xf32>
          %swap3A_822 = arith.index_cast %add3A_786 : i32 to index
          %swap3A_823 = arith.constant 48 : index
          %swap3A_824 = tpu.vector_load %arg13[%swap3A_822, %swap3A_823] {strides = array<i32>} : memref<128x128xf32, #tpu.memory_space<vmem>>, vector<1x16xf32>,
          %swap3A_825 = vector.shape_cast %swap3A_824 : vector<1x16xf32> to vector<16xf32>
          %swap3A_826 = vector.shape_cast %mul3A_821 : vector<16xf32> to vector<1x16xf32>
          tpu.vector_store %arg13[%swap3A_822, %swap3A_823], %swap3A_826 {strides = array<i32>} : memref<128x128xf32, #tpu.memory_space<vmem>>, vector<1x16xf32>,
          %get3A_827 = arith.index_cast %add3A_786 : i32 to index
          %get3A_828 = arith.constant 64 : index
          %get3A_829 = tpu.vector_load %arg13[%get3A_827, %get3A_828] {strides = array<i32>} : memref<128x128xf32, #tpu.memory_space<vmem>>, vector<1x16xf32>,
          %get3A_830 = vector.shape_cast %get3A_829 : vector<1x16xf32> to vector<16xf32>
          %mul3A_831 = arith.mulf %get3A_830, %gather3A_782 : vector<16xf32>
          %swap3A_832 = arith.index_cast %add3A_786 : i32 to index
          %swap3A_833 = arith.constant 64 : index
          %swap3A_834 = tpu.vector_load %arg13[%swap3A_832, %swap3A_833] {strides = array<i32>} : memref<128x128xf32, #tpu.memory_space<vmem>>, vector<1x16xf32>,
          %swap3A_835 = vector.shape_cast %swap3A_834 : vector<1x16xf32> to vector<16xf32>
          %swap3A_836 = vector.shape_cast %mul3A_831 : vector<16xf32> to vector<1x16xf32>
          tpu.vector_store %arg13[%swap3A_832, %swap3A_833], %swap3A_836 {strides = array<i32>} : memref<128x128xf32, #tpu.memory_space<vmem>>, vector<1x16xf32>,
          %get3A_837 = arith.index_cast %add3A_786 : i32 to index
          %get3A_838 = arith.constant 80 : index
          %get3A_839 = tpu.vector_load %arg13[%get3A_837, %get3A_838] {strides = array<i32>} : memref<128x128xf32, #tpu.memory_space<vmem>>, vector<1x16xf32>,
          %get3A_840 = vector.shape_cast %get3A_839 : vector<1x16xf32> to vector<16xf32>
          %mul3A_841 = arith.mulf %get3A_840, %gather3A_782 : vector<16xf32>
          %swap3A_842 = arith.index_cast %add3A_786 : i32 to index
          %swap3A_843 = arith.constant 80 : index
          %swap3A_844 = tpu.vector_load %arg13[%swap3A_842, %swap3A_843] {strides = array<i32>} : memref<128x128xf32, #tpu.memory_space<vmem>>, vector<1x16xf32>,
          %swap3A_845 = vector.shape_cast %swap3A_844 : vector<1x16xf32> to vector<16xf32>
          %swap3A_846 = vector.shape_cast %mul3A_841 : vector<16xf32> to vector<1x16xf32>
          tpu.vector_store %arg13[%swap3A_842, %swap3A_843], %swap3A_846 {strides = array<i32>} : memref<128x128xf32, #tpu.memory_space<vmem>>, vector<1x16xf32>,
          %get3A_847 = arith.index_cast %add3A_786 : i32 to index
          %get3A_848 = arith.constant 96 : index
          %get3A_849 = tpu.vector_load %arg13[%get3A_847, %get3A_848] {strides = array<i32>} : memref<128x128xf32, #tpu.memory_space<vmem>>, vector<1x16xf32>,
          %get3A_850 = vector.shape_cast %get3A_849 : vector<1x16xf32> to vector<16xf32>
          %mul3A_851 = arith.mulf %get3A_850, %gather3A_782 : vector<16xf32>
          %swap3A_852 = arith.index_cast %add3A_786 : i32 to index
          %swap3A_853 = arith.constant 96 : index
          %swap3A_854 = tpu.vector_load %arg13[%swap3A_852, %swap3A_853] {strides = array<i32>} : memref<128x128xf32, #tpu.memory_space<vmem>>, vector<1x16xf32>,
          %swap3A_855 = vector.shape_cast %swap3A_854 : vector<1x16xf32> to vector<16xf32>
          %swap3A_856 = vector.shape_cast %mul3A_851 : vector<16xf32> to vector<1x16xf32>
          tpu.vector_store %arg13[%swap3A_852, %swap3A_853], %swap3A_856 {strides = array<i32>} : memref<128x128xf32, #tpu.memory_space<vmem>>, vector<1x16xf32>,
          %get3A_857 = arith.index_cast %add3A_786 : i32 to index
          %get3A_858 = arith.constant 112 : index
          %get3A_859 = tpu.vector_load %arg13[%get3A_857, %get3A_858] {strides = array<i32>} : memref<128x128xf32, #tpu.memory_space<vmem>>, vector<1x16xf32>,
          %get3A_860 = vector.shape_cast %get3A_859 : vector<1x16xf32> to vector<16xf32>
          %mul3A_861 = arith.mulf %get3A_860, %gather3A_782 : vector<16xf32>
          %swap3A_862 = arith.index_cast %add3A_786 : i32 to index
          %swap3A_863 = arith.constant 112 : index
          %swap3A_864 = tpu.vector_load %arg13[%swap3A_862, %swap3A_863] {strides = array<i32>} : memref<128x128xf32, #tpu.memory_space<vmem>>, vector<1x16xf32>,
          %swap3A_865 = vector.shape_cast %swap3A_864 : vector<1x16xf32> to vector<16xf32>
          %swap3A_866 = vector.shape_cast %mul3A_861 : vector<16xf32> to vector<1x16xf32>
          tpu.vector_store %arg13[%swap3A_862, %swap3A_863], %swap3A_866 {strides = array<i32>} : memref<128x128xf32, #tpu.memory_space<vmem>>, vector<1x16xf32>,
          %broadcast_in_dim3A_867 = arith.constant 7 : i32
          %broadcast_in_dim3A_868 = vector.broadcast %broadcast_in_dim3A_867 : i32 to vector<16xi32>
          %lt3A_869 = arith.constant 0 : i32
          %lt3A_870 = vector.broadcast %lt3A_869 : i32 to vector<16xi32>
          %lt3A_871 = arith.cmpi slt, %broadcast_in_dim3A_868, %lt3A_870 : vector<16xi32>
          %add3A_872 = arith.constant 16 : i32
          %add3A_873 = vector.broadcast %add3A_872 : i32 to vector<16xi32>
          %add3A_874 = arith.addi %broadcast_in_dim3A_868, %add3A_873 : vector<16xi32>
          %select_n3A_875 = arith.select %lt3A_871, %add3A_874, %broadcast_in_dim3A_868 : vector<16xi1>, vector<16xi32>
          %broadcast_in_dim3A_876 = vector.shape_cast %select_n3A_875 : vector<16xi32> to vector<16x1xi32>
          %gather3A_877 = vector.shape_cast %broadcast_in_dim3A_876 : vector<16x1xi32> to vector<16xi32>
          %gather3A_878 = tpu.dynamic_gather %get3A_197[%gather3A_877] in [0] : vector<16xf32>, vector<16xi32> -> vector<16xf32>
          %mul3A_879 = arith.constant 16 : i32
          %mul3A_880 = arith.muli %scan3A_190, %mul3A_879 : i32
          %add3A_881 = arith.constant 7 : i32
          %add3A_882 = arith.addi %mul3A_880, %add3A_881 : i32
          %get3A_883 = arith.index_cast %add3A_882 : i32 to index
          %get3A_884 = arith.constant 0 : index
          %get3A_885 = tpu.vector_load %arg13[%get3A_883, %get3A_884] {strides = array<i32>} : memref<128x128xf32, #tpu.memory_space<vmem>>, vector<1x16xf32>,
          %get3A_886 = vector.shape_cast %get3A_885 : vector<1x16xf32> to vector<16xf32>
          %mul3A_887 = arith.mulf %get3A_886, %gather3A_878 : vector<16xf32>
          %swap3A_888 = arith.index_cast %add3A_882 : i32 to index
          %swap3A_889 = arith.constant 0 : index
          %swap3A_890 = tpu.vector_load %arg13[%swap3A_888, %swap3A_889] {strides = array<i32>} : memref<128x128xf32, #tpu.memory_space<vmem>>, vector<1x16xf32>,
          %swap3A_891 = vector.shape_cast %swap3A_890 : vector<1x16xf32> to vector<16xf32>
          %swap3A_892 = vector.shape_cast %mul3A_887 : vector<16xf32> to vector<1x16xf32>
          tpu.vector_store %arg13[%swap3A_888, %swap3A_889], %swap3A_892 {strides = array<i32>} : memref<128x128xf32, #tpu.memory_space<vmem>>, vector<1x16xf32>,
          %get3A_893 = arith.index_cast %add3A_882 : i32 to index
          %get3A_894 = arith.constant 16 : index
          %get3A_895 = tpu.vector_load %arg13[%get3A_893, %get3A_894] {strides = array<i32>} : memref<128x128xf32, #tpu.memory_space<vmem>>, vector<1x16xf32>,
          %get3A_896 = vector.shape_cast %get3A_895 : vector<1x16xf32> to vector<16xf32>
          %mul3A_897 = arith.mulf %get3A_896, %gather3A_878 : vector<16xf32>
          %swap3A_898 = arith.index_cast %add3A_882 : i32 to index
          %swap3A_899 = arith.constant 16 : index
          %swap3A_900 = tpu.vector_load %arg13[%swap3A_898, %swap3A_899] {strides = array<i32>} : memref<128x128xf32, #tpu.memory_space<vmem>>, vector<1x16xf32>,
          %swap3A_901 = vector.shape_cast %swap3A_900 : vector<1x16xf32> to vector<16xf32>
          %swap3A_902 = vector.shape_cast %mul3A_897 : vector<16xf32> to vector<1x16xf32>
          tpu.vector_store %arg13[%swap3A_898, %swap3A_899], %swap3A_902 {strides = array<i32>} : memref<128x128xf32, #tpu.memory_space<vmem>>, vector<1x16xf32>,
          %get3A_903 = arith.index_cast %add3A_882 : i32 to index
          %get3A_904 = arith.constant 32 : index
          %get3A_905 = tpu.vector_load %arg13[%get3A_903, %get3A_904] {strides = array<i32>} : memref<128x128xf32, #tpu.memory_space<vmem>>, vector<1x16xf32>,
          %get3A_906 = vector.shape_cast %get3A_905 : vector<1x16xf32> to vector<16xf32>
          %mul3A_907 = arith.mulf %get3A_906, %gather3A_878 : vector<16xf32>
          %swap3A_908 = arith.index_cast %add3A_882 : i32 to index
          %swap3A_909 = arith.constant 32 : index
          %swap3A_910 = tpu.vector_load %arg13[%swap3A_908, %swap3A_909] {strides = array<i32>} : memref<128x128xf32, #tpu.memory_space<vmem>>, vector<1x16xf32>,
          %swap3A_911 = vector.shape_cast %swap3A_910 : vector<1x16xf32> to vector<16xf32>
          %swap3A_912 = vector.shape_cast %mul3A_907 : vector<16xf32> to vector<1x16xf32>
          tpu.vector_store %arg13[%swap3A_908, %swap3A_909], %swap3A_912 {strides = array<i32>} : memref<128x128xf32, #tpu.memory_space<vmem>>, vector<1x16xf32>,
          %get3A_913 = arith.index_cast %add3A_882 : i32 to index
          %get3A_914 = arith.constant 48 : index
          %get3A_915 = tpu.vector_load %arg13[%get3A_913, %get3A_914] {strides = array<i32>} : memref<128x128xf32, #tpu.memory_space<vmem>>, vector<1x16xf32>,
          %get3A_916 = vector.shape_cast %get3A_915 : vector<1x16xf32> to vector<16xf32>
          %mul3A_917 = arith.mulf %get3A_916, %gather3A_878 : vector<16xf32>
          %swap3A_918 = arith.index_cast %add3A_882 : i32 to index
          %swap3A_919 = arith.constant 48 : index
          %swap3A_920 = tpu.vector_load %arg13[%swap3A_918, %swap3A_919] {strides = array<i32>} : memref<128x128xf32, #tpu.memory_space<vmem>>, vector<1x16xf32>,
          %swap3A_921 = vector.shape_cast %swap3A_920 : vector<1x16xf32> to vector<16xf32>
          %swap3A_922 = vector.shape_cast %mul3A_917 : vector<16xf32> to vector<1x16xf32>
          tpu.vector_store %arg13[%swap3A_918, %swap3A_919], %swap3A_922 {strides = array<i32>} : memref<128x128xf32, #tpu.memory_space<vmem>>, vector<1x16xf32>,
          %get3A_923 = arith.index_cast %add3A_882 : i32 to index
          %get3A_924 = arith.constant 64 : index
          %get3A_925 = tpu.vector_load %arg13[%get3A_923, %get3A_924] {strides = array<i32>} : memref<128x128xf32, #tpu.memory_space<vmem>>, vector<1x16xf32>,
          %get3A_926 = vector.shape_cast %get3A_925 : vector<1x16xf32> to vector<16xf32>
          %mul3A_927 = arith.mulf %get3A_926, %gather3A_878 : vector<16xf32>
          %swap3A_928 = arith.index_cast %add3A_882 : i32 to index
          %swap3A_929 = arith.constant 64 : index
          %swap3A_930 = tpu.vector_load %arg13[%swap3A_928, %swap3A_929] {strides = array<i32>} : memref<128x128xf32, #tpu.memory_space<vmem>>, vector<1x16xf32>,
          %swap3A_931 = vector.shape_cast %swap3A_930 : vector<1x16xf32> to vector<16xf32>
          %swap3A_932 = vector.shape_cast %mul3A_927 : vector<16xf32> to vector<1x16xf32>
          tpu.vector_store %arg13[%swap3A_928, %swap3A_929], %swap3A_932 {strides = array<i32>} : memref<128x128xf32, #tpu.memory_space<vmem>>, vector<1x16xf32>,
          %get3A_933 = arith.index_cast %add3A_882 : i32 to index
          %get3A_934 = arith.constant 80 : index
          %get3A_935 = tpu.vector_load %arg13[%get3A_933, %get3A_934] {strides = array<i32>} : memref<128x128xf32, #tpu.memory_space<vmem>>, vector<1x16xf32>,
          %get3A_936 = vector.shape_cast %get3A_935 : vector<1x16xf32> to vector<16xf32>
          %mul3A_937 = arith.mulf %get3A_936, %gather3A_878 : vector<16xf32>
          %swap3A_938 = arith.index_cast %add3A_882 : i32 to index
          %swap3A_939 = arith.constant 80 : index
          %swap3A_940 = tpu.vector_load %arg13[%swap3A_938, %swap3A_939] {strides = array<i32>} : memref<128x128xf32, #tpu.memory_space<vmem>>, vector<1x16xf32>,
          %swap3A_941 = vector.shape_cast %swap3A_940 : vector<1x16xf32> to vector<16xf32>
          %swap3A_942 = vector.shape_cast %mul3A_937 : vector<16xf32> to vector<1x16xf32>
          tpu.vector_store %arg13[%swap3A_938, %swap3A_939], %swap3A_942 {strides = array<i32>} : memref<128x128xf32, #tpu.memory_space<vmem>>, vector<1x16xf32>,
          %get3A_943 = arith.index_cast %add3A_882 : i32 to index
          %get3A_944 = arith.constant 96 : index
          %get3A_945 = tpu.vector_load %arg13[%get3A_943, %get3A_944] {strides = array<i32>} : memref<128x128xf32, #tpu.memory_space<vmem>>, vector<1x16xf32>,
          %get3A_946 = vector.shape_cast %get3A_945 : vector<1x16xf32> to vector<16xf32>
          %mul3A_947 = arith.mulf %get3A_946, %gather3A_878 : vector<16xf32>
          %swap3A_948 = arith.index_cast %add3A_882 : i32 to index
          %swap3A_949 = arith.constant 96 : index
          %swap3A_950 = tpu.vector_load %arg13[%swap3A_948, %swap3A_949] {strides = array<i32>} : memref<128x128xf32, #tpu.memory_space<vmem>>, vector<1x16xf32>,
          %swap3A_951 = vector.shape_cast %swap3A_950 : vector<1x16xf32> to vector<16xf32>
          %swap3A_952 = vector.shape_cast %mul3A_947 : vector<16xf32> to vector<1x16xf32>
          tpu.vector_store %arg13[%swap3A_948, %swap3A_949], %swap3A_952 {strides = array<i32>} : memref<128x128xf32, #tpu.memory_space<vmem>>, vector<1x16xf32>,
          %get3A_953 = arith.index_cast %add3A_882 : i32 to index
          %get3A_954 = arith.constant 112 : index
          %get3A_955 = tpu.vector_load %arg13[%get3A_953, %get3A_954] {strides = array<i32>} : memref<128x128xf32, #tpu.memory_space<vmem>>, vector<1x16xf32>,
          %get3A_956 = vector.shape_cast %get3A_955 : vector<1x16xf32> to vector<16xf32>
          %mul3A_957 = arith.mulf %get3A_956, %gather3A_878 : vector<16xf32>
          %swap3A_958 = arith.index_cast %add3A_882 : i32 to index
          %swap3A_959 = arith.constant 112 : index
          %swap3A_960 = tpu.vector_load %arg13[%swap3A_958, %swap3A_959] {strides = array<i32>} : memref<128x128xf32, #tpu.memory_space<vmem>>, vector<1x16xf32>,
          %swap3A_961 = vector.shape_cast %swap3A_960 : vector<1x16xf32> to vector<16xf32>
          %swap3A_962 = vector.shape_cast %mul3A_957 : vector<16xf32> to vector<1x16xf32>
          tpu.vector_store %arg13[%swap3A_958, %swap3A_959], %swap3A_962 {strides = array<i32>} : memref<128x128xf32, #tpu.memory_space<vmem>>, vector<1x16xf32>,
          %broadcast_in_dim3A_963 = arith.constant 8 : i32
          %broadcast_in_dim3A_964 = vector.broadcast %broadcast_in_dim3A_963 : i32 to vector<16xi32>
          %lt3A_965 = arith.constant 0 : i32
          %lt3A_966 = vector.broadcast %lt3A_965 : i32 to vector<16xi32>
          %lt3A_967 = arith.cmpi slt, %broadcast_in_dim3A_964, %lt3A_966 : vector<16xi32>
          %add3A_968 = arith.constant 16 : i32
          %add3A_969 = vector.broadcast %add3A_968 : i32 to vector<16xi32>
          %add3A_970 = arith.addi %broadcast_in_dim3A_964, %add3A_969 : vector<16xi32>
          %select_n3A_971 = arith.select %lt3A_967, %add3A_970, %broadcast_in_dim3A_964 : vector<16xi1>, vector<16xi32>
          %broadcast_in_dim3A_972 = vector.shape_cast %select_n3A_971 : vector<16xi32> to vector<16x1xi32>
          %gather3A_973 = vector.shape_cast %broadcast_in_dim3A_972 : vector<16x1xi32> to vector<16xi32>
          %gather3A_974 = tpu.dynamic_gather %get3A_197[%gather3A_973] in [0] : vector<16xf32>, vector<16xi32> -> vector<16xf32>
          %mul3A_975 = arith.constant 16 : i32
          %mul3A_976 = arith.muli %scan3A_190, %mul3A_975 : i32
          %add3A_977 = arith.constant 8 : i32
          %add3A_978 = arith.addi %mul3A_976, %add3A_977 : i32
          %get3A_979 = arith.index_cast %add3A_978 : i32 to index
          %get3A_980 = arith.constant 0 : index
          %get3A_981 = tpu.vector_load %arg13[%get3A_979, %get3A_980] {strides = array<i32>} : memref<128x128xf32, #tpu.memory_space<vmem>>, vector<1x16xf32>,
          %get3A_982 = vector.shape_cast %get3A_981 : vector<1x16xf32> to vector<16xf32>
          %mul3A_983 = arith.mulf %get3A_982, %gather3A_974 : vector<16xf32>
          %swap3A_984 = arith.index_cast %add3A_978 : i32 to index
          %swap3A_985 = arith.constant 0 : index
          %swap3A_986 = tpu.vector_load %arg13[%swap3A_984, %swap3A_985] {strides = array<i32>} : memref<128x128xf32, #tpu.memory_space<vmem>>, vector<1x16xf32>,
          %swap3A_987 = vector.shape_cast %swap3A_986 : vector<1x16xf32> to vector<16xf32>
          %swap3A_988 = vector.shape_cast %mul3A_983 : vector<16xf32> to vector<1x16xf32>
          tpu.vector_store %arg13[%swap3A_984, %swap3A_985], %swap3A_988 {strides = array<i32>} : memref<128x128xf32, #tpu.memory_space<vmem>>, vector<1x16xf32>,
          %get3A_989 = arith.index_cast %add3A_978 : i32 to index
          %get3A_990 = arith.constant 16 : index
          %get3A_991 = tpu.vector_load %arg13[%get3A_989, %get3A_990] {strides = array<i32>} : memref<128x128xf32, #tpu.memory_space<vmem>>, vector<1x16xf32>,
          %get3A_992 = vector.shape_cast %get3A_991 : vector<1x16xf32> to vector<16xf32>
          %mul3A_993 = arith.mulf %get3A_992, %gather3A_974 : vector<16xf32>
          %swap3A_994 = arith.index_cast %add3A_978 : i32 to index
          %swap3A_995 = arith.constant 16 : index
          %swap3A_996 = tpu.vector_load %arg13[%swap3A_994, %swap3A_995] {strides = array<i32>} : memref<128x128xf32, #tpu.memory_space<vmem>>, vector<1x16xf32>,
          %swap3A_997 = vector.shape_cast %swap3A_996 : vector<1x16xf32> to vector<16xf32>
          %swap3A_998 = vector.shape_cast %mul3A_993 : vector<16xf32> to vector<1x16xf32>
          tpu.vector_store %arg13[%swap3A_994, %swap3A_995], %swap3A_998 {strides = array<i32>} : memref<128x128xf32, #tpu.memory_space<vmem>>, vector<1x16xf32>,
          %get3A_999 = arith.index_cast %add3A_978 : i32 to index
          %get3A_1000 = arith.constant 32 : index
          %get3A_1001 = tpu.vector_load %arg13[%get3A_999, %get3A_1000] {strides = array<i32>} : memref<128x128xf32, #tpu.memory_space<vmem>>, vector<1x16xf32>,
          %get3A_1002 = vector.shape_cast %get3A_1001 : vector<1x16xf32> to vector<16xf32>
          %mul3A_1003 = arith.mulf %get3A_1002, %gather3A_974 : vector<16xf32>
          %swap3A_1004 = arith.index_cast %add3A_978 : i32 to index
          %swap3A_1005 = arith.constant 32 : index
          %swap3A_1006 = tpu.vector_load %arg13[%swap3A_1004, %swap3A_1005] {strides = array<i32>} : memref<128x128xf32, #tpu.memory_space<vmem>>, vector<1x16xf32>,
          %swap3A_1007 = vector.shape_cast %swap3A_1006 : vector<1x16xf32> to vector<16xf32>
          %swap3A_1008 = vector.shape_cast %mul3A_1003 : vector<16xf32> to vector<1x16xf32>
          tpu.vector_store %arg13[%swap3A_1004, %swap3A_1005], %swap3A_1008 {strides = array<i32>} : memref<128x128xf32, #tpu.memory_space<vmem>>, vector<1x16xf32>,
          %get3A_1009 = arith.index_cast %add3A_978 : i32 to index
          %get3A_1010 = arith.constant 48 : index
          %get3A_1011 = tpu.vector_load %arg13[%get3A_1009, %get3A_1010] {strides = array<i32>} : memref<128x128xf32, #tpu.memory_space<vmem>>, vector<1x16xf32>,
          %get3A_1012 = vector.shape_cast %get3A_1011 : vector<1x16xf32> to vector<16xf32>
          %mul3A_1013 = arith.mulf %get3A_1012, %gather3A_974 : vector<16xf32>
          %swap3A_1014 = arith.index_cast %add3A_978 : i32 to index
          %swap3A_1015 = arith.constant 48 : index
          %swap3A_1016 = tpu.vector_load %arg13[%swap3A_1014, %swap3A_1015] {strides = array<i32>} : memref<128x128xf32, #tpu.memory_space<vmem>>, vector<1x16xf32>,
          %swap3A_1017 = vector.shape_cast %swap3A_1016 : vector<1x16xf32> to vector<16xf32>
          %swap3A_1018 = vector.shape_cast %mul3A_1013 : vector<16xf32> to vector<1x16xf32>
          tpu.vector_store %arg13[%swap3A_1014, %swap3A_1015], %swap3A_1018 {strides = array<i32>} : memref<128x128xf32, #tpu.memory_space<vmem>>, vector<1x16xf32>,
          %get3A_1019 = arith.index_cast %add3A_978 : i32 to index
          %get3A_1020 = arith.constant 64 : index
          %get3A_1021 = tpu.vector_load %arg13[%get3A_1019, %get3A_1020] {strides = array<i32>} : memref<128x128xf32, #tpu.memory_space<vmem>>, vector<1x16xf32>,
          %get3A_1022 = vector.shape_cast %get3A_1021 : vector<1x16xf32> to vector<16xf32>
          %mul3A_1023 = arith.mulf %get3A_1022, %gather3A_974 : vector<16xf32>
          %swap3A_1024 = arith.index_cast %add3A_978 : i32 to index
          %swap3A_1025 = arith.constant 64 : index
          %swap3A_1026 = tpu.vector_load %arg13[%swap3A_1024, %swap3A_1025] {strides = array<i32>} : memref<128x128xf32, #tpu.memory_space<vmem>>, vector<1x16xf32>,
          %swap3A_1027 = vector.shape_cast %swap3A_1026 : vector<1x16xf32> to vector<16xf32>
          %swap3A_1028 = vector.shape_cast %mul3A_1023 : vector<16xf32> to vector<1x16xf32>
          tpu.vector_store %arg13[%swap3A_1024, %swap3A_1025], %swap3A_1028 {strides = array<i32>} : memref<128x128xf32, #tpu.memory_space<vmem>>, vector<1x16xf32>,
          %get3A_1029 = arith.index_cast %add3A_978 : i32 to index
          %get3A_1030 = arith.constant 80 : index
          %get3A_1031 = tpu.vector_load %arg13[%get3A_1029, %get3A_1030] {strides = array<i32>} : memref<128x128xf32, #tpu.memory_space<vmem>>, vector<1x16xf32>,
          %get3A_1032 = vector.shape_cast %get3A_1031 : vector<1x16xf32> to vector<16xf32>
          %mul3A_1033 = arith.mulf %get3A_1032, %gather3A_974 : vector<16xf32>
          %swap3A_1034 = arith.index_cast %add3A_978 : i32 to index
          %swap3A_1035 = arith.constant 80 : index
          %swap3A_1036 = tpu.vector_load %arg13[%swap3A_1034, %swap3A_1035] {strides = array<i32>} : memref<128x128xf32, #tpu.memory_space<vmem>>, vector<1x16xf32>,
          %swap3A_1037 = vector.shape_cast %swap3A_1036 : vector<1x16xf32> to vector<16xf32>
          %swap3A_1038 = vector.shape_cast %mul3A_1033 : vector<16xf32> to vector<1x16xf32>
          tpu.vector_store %arg13[%swap3A_1034, %swap3A_1035], %swap3A_1038 {strides = array<i32>} : memref<128x128xf32, #tpu.memory_space<vmem>>, vector<1x16xf32>,
          %get3A_1039 = arith.index_cast %add3A_978 : i32 to index
          %get3A_1040 = arith.constant 96 : index
          %get3A_1041 = tpu.vector_load %arg13[%get3A_1039, %get3A_1040] {strides = array<i32>} : memref<128x128xf32, #tpu.memory_space<vmem>>, vector<1x16xf32>,
          %get3A_1042 = vector.shape_cast %get3A_1041 : vector<1x16xf32> to vector<16xf32>
          %mul3A_1043 = arith.mulf %get3A_1042, %gather3A_974 : vector<16xf32>
          %swap3A_1044 = arith.index_cast %add3A_978 : i32 to index
          %swap3A_1045 = arith.constant 96 : index
          %swap3A_1046 = tpu.vector_load %arg13[%swap3A_1044, %swap3A_1045] {strides = array<i32>} : memref<128x128xf32, #tpu.memory_space<vmem>>, vector<1x16xf32>,
          %swap3A_1047 = vector.shape_cast %swap3A_1046 : vector<1x16xf32> to vector<16xf32>
          %swap3A_1048 = vector.shape_cast %mul3A_1043 : vector<16xf32> to vector<1x16xf32>
          tpu.vector_store %arg13[%swap3A_1044, %swap3A_1045], %swap3A_1048 {strides = array<i32>} : memref<128x128xf32, #tpu.memory_space<vmem>>, vector<1x16xf32>,
          %get3A_1049 = arith.index_cast %add3A_978 : i32 to index
          %get3A_1050 = arith.constant 112 : index
          %get3A_1051 = tpu.vector_load %arg13[%get3A_1049, %get3A_1050] {strides = array<i32>} : memref<128x128xf32, #tpu.memory_space<vmem>>, vector<1x16xf32>,
          %get3A_1052 = vector.shape_cast %get3A_1051 : vector<1x16xf32> to vector<16xf32>
          %mul3A_1053 = arith.mulf %get3A_1052, %gather3A_974 : vector<16xf32>
          %swap3A_1054 = arith.index_cast %add3A_978 : i32 to index
          %swap3A_1055 = arith.constant 112 : index
          %swap3A_1056 = tpu.vector_load %arg13[%swap3A_1054, %swap3A_1055] {strides = array<i32>} : memref<128x128xf32, #tpu.memory_space<vmem>>, vector<1x16xf32>,
          %swap3A_1057 = vector.shape_cast %swap3A_1056 : vector<1x16xf32> to vector<16xf32>
          %swap3A_1058 = vector.shape_cast %mul3A_1053 : vector<16xf32> to vector<1x16xf32>
          tpu.vector_store %arg13[%swap3A_1054, %swap3A_1055], %swap3A_1058 {strides = array<i32>} : memref<128x128xf32, #tpu.memory_space<vmem>>, vector<1x16xf32>,
          %broadcast_in_dim3A_1059 = arith.constant 9 : i32
          %broadcast_in_dim3A_1060 = vector.broadcast %broadcast_in_dim3A_1059 : i32 to vector<16xi32>
          %lt3A_1061 = arith.constant 0 : i32
          %lt3A_1062 = vector.broadcast %lt3A_1061 : i32 to vector<16xi32>
          %lt3A_1063 = arith.cmpi slt, %broadcast_in_dim3A_1060, %lt3A_1062 : vector<16xi32>
          %add3A_1064 = arith.constant 16 : i32
          %add3A_1065 = vector.broadcast %add3A_1064 : i32 to vector<16xi32>
          %add3A_1066 = arith.addi %broadcast_in_dim3A_1060, %add3A_1065 : vector<16xi32>
          %select_n3A_1067 = arith.select %lt3A_1063, %add3A_1066, %broadcast_in_dim3A_1060 : vector<16xi1>, vector<16xi32>
          %broadcast_in_dim3A_1068 = vector.shape_cast %select_n3A_1067 : vector<16xi32> to vector<16x1xi32>
          %gather3A_1069 = vector.shape_cast %broadcast_in_dim3A_1068 : vector<16x1xi32> to vector<16xi32>
          %gather3A_1070 = tpu.dynamic_gather %get3A_197[%gather3A_1069] in [0] : vector<16xf32>, vector<16xi32> -> vector<16xf32>
          %mul3A_1071 = arith.constant 16 : i32
          %mul3A_1072 = arith.muli %scan3A_190, %mul3A_1071 : i32
          %add3A_1073 = arith.constant 9 : i32
          %add3A_1074 = arith.addi %mul3A_1072, %add3A_1073 : i32
          %get3A_1075 = arith.index_cast %add3A_1074 : i32 to index
          %get3A_1076 = arith.constant 0 : index
          %get3A_1077 = tpu.vector_load %arg13[%get3A_1075, %get3A_1076] {strides = array<i32>} : memref<128x128xf32, #tpu.memory_space<vmem>>, vector<1x16xf32>,
          %get3A_1078 = vector.shape_cast %get3A_1077 : vector<1x16xf32> to vector<16xf32>
          %mul3A_1079 = arith.mulf %get3A_1078, %gather3A_1070 : vector<16xf32>
          %swap3A_1080 = arith.index_cast %add3A_1074 : i32 to index
          %swap3A_1081 = arith.constant 0 : index
          %swap3A_1082 = tpu.vector_load %arg13[%swap3A_1080, %swap3A_1081] {strides = array<i32>} : memref<128x128xf32, #tpu.memory_space<vmem>>, vector<1x16xf32>,
          %swap3A_1083 = vector.shape_cast %swap3A_1082 : vector<1x16xf32> to vector<16xf32>
          %swap3A_1084 = vector.shape_cast %mul3A_1079 : vector<16xf32> to vector<1x16xf32>
          tpu.vector_store %arg13[%swap3A_1080, %swap3A_1081], %swap3A_1084 {strides = array<i32>} : memref<128x128xf32, #tpu.memory_space<vmem>>, vector<1x16xf32>,
          %get3A_1085 = arith.index_cast %add3A_1074 : i32 to index
          %get3A_1086 = arith.constant 16 : index
          %get3A_1087 = tpu.vector_load %arg13[%get3A_1085, %get3A_1086] {strides = array<i32>} : memref<128x128xf32, #tpu.memory_space<vmem>>, vector<1x16xf32>,
          %get3A_1088 = vector.shape_cast %get3A_1087 : vector<1x16xf32> to vector<16xf32>
          %mul3A_1089 = arith.mulf %get3A_1088, %gather3A_1070 : vector<16xf32>
          %swap3A_1090 = arith.index_cast %add3A_1074 : i32 to index
          %swap3A_1091 = arith.constant 16 : index
          %swap3A_1092 = tpu.vector_load %arg13[%swap3A_1090, %swap3A_1091] {strides = array<i32>} : memref<128x128xf32, #tpu.memory_space<vmem>>, vector<1x16xf32>,
          %swap3A_1093 = vector.shape_cast %swap3A_1092 : vector<1x16xf32> to vector<16xf32>
          %swap3A_1094 = vector.shape_cast %mul3A_1089 : vector<16xf32> to vector<1x16xf32>
          tpu.vector_store %arg13[%swap3A_1090, %swap3A_1091], %swap3A_1094 {strides = array<i32>} : memref<128x128xf32, #tpu.memory_space<vmem>>, vector<1x16xf32>,
          %get3A_1095 = arith.index_cast %add3A_1074 : i32 to index
          %get3A_1096 = arith.constant 32 : index
          %get3A_1097 = tpu.vector_load %arg13[%get3A_1095, %get3A_1096] {strides = array<i32>} : memref<128x128xf32, #tpu.memory_space<vmem>>, vector<1x16xf32>,
          %get3A_1098 = vector.shape_cast %get3A_1097 : vector<1x16xf32> to vector<16xf32>
          %mul3A_1099 = arith.mulf %get3A_1098, %gather3A_1070 : vector<16xf32>
          %swap3A_1100 = arith.index_cast %add3A_1074 : i32 to index
          %swap3A_1101 = arith.constant 32 : index
          %swap3A_1102 = tpu.vector_load %arg13[%swap3A_1100, %swap3A_1101] {strides = array<i32>} : memref<128x128xf32, #tpu.memory_space<vmem>>, vector<1x16xf32>,
          %swap3A_1103 = vector.shape_cast %swap3A_1102 : vector<1x16xf32> to vector<16xf32>
          %swap3A_1104 = vector.shape_cast %mul3A_1099 : vector<16xf32> to vector<1x16xf32>
          tpu.vector_store %arg13[%swap3A_1100, %swap3A_1101], %swap3A_1104 {strides = array<i32>} : memref<128x128xf32, #tpu.memory_space<vmem>>, vector<1x16xf32>,
          %get3A_1105 = arith.index_cast %add3A_1074 : i32 to index
          %get3A_1106 = arith.constant 48 : index
          %get3A_1107 = tpu.vector_load %arg13[%get3A_1105, %get3A_1106] {strides = array<i32>} : memref<128x128xf32, #tpu.memory_space<vmem>>, vector<1x16xf32>,
          %get3A_1108 = vector.shape_cast %get3A_1107 : vector<1x16xf32> to vector<16xf32>
          %mul3A_1109 = arith.mulf %get3A_1108, %gather3A_1070 : vector<16xf32>
          %swap3A_1110 = arith.index_cast %add3A_1074 : i32 to index
          %swap3A_1111 = arith.constant 48 : index
          %swap3A_1112 = tpu.vector_load %arg13[%swap3A_1110, %swap3A_1111] {strides = array<i32>} : memref<128x128xf32, #tpu.memory_space<vmem>>, vector<1x16xf32>,
          %swap3A_1113 = vector.shape_cast %swap3A_1112 : vector<1x16xf32> to vector<16xf32>
          %swap3A_1114 = vector.shape_cast %mul3A_1109 : vector<16xf32> to vector<1x16xf32>
          tpu.vector_store %arg13[%swap3A_1110, %swap3A_1111], %swap3A_1114 {strides = array<i32>} : memref<128x128xf32, #tpu.memory_space<vmem>>, vector<1x16xf32>,
          %get3A_1115 = arith.index_cast %add3A_1074 : i32 to index
          %get3A_1116 = arith.constant 64 : index
          %get3A_1117 = tpu.vector_load %arg13[%get3A_1115, %get3A_1116] {strides = array<i32>} : memref<128x128xf32, #tpu.memory_space<vmem>>, vector<1x16xf32>,
          %get3A_1118 = vector.shape_cast %get3A_1117 : vector<1x16xf32> to vector<16xf32>
          %mul3A_1119 = arith.mulf %get3A_1118, %gather3A_1070 : vector<16xf32>
          %swap3A_1120 = arith.index_cast %add3A_1074 : i32 to index
          %swap3A_1121 = arith.constant 64 : index
          %swap3A_1122 = tpu.vector_load %arg13[%swap3A_1120, %swap3A_1121] {strides = array<i32>} : memref<128x128xf32, #tpu.memory_space<vmem>>, vector<1x16xf32>,
          %swap3A_1123 = vector.shape_cast %swap3A_1122 : vector<1x16xf32> to vector<16xf32>
          %swap3A_1124 = vector.shape_cast %mul3A_1119 : vector<16xf32> to vector<1x16xf32>
          tpu.vector_store %arg13[%swap3A_1120, %swap3A_1121], %swap3A_1124 {strides = array<i32>} : memref<128x128xf32, #tpu.memory_space<vmem>>, vector<1x16xf32>,
          %get3A_1125 = arith.index_cast %add3A_1074 : i32 to index
          %get3A_1126 = arith.constant 80 : index
          %get3A_1127 = tpu.vector_load %arg13[%get3A_1125, %get3A_1126] {strides = array<i32>} : memref<128x128xf32, #tpu.memory_space<vmem>>, vector<1x16xf32>,
          %get3A_1128 = vector.shape_cast %get3A_1127 : vector<1x16xf32> to vector<16xf32>
          %mul3A_1129 = arith.mulf %get3A_1128, %gather3A_1070 : vector<16xf32>
          %swap3A_1130 = arith.index_cast %add3A_1074 : i32 to index
          %swap3A_1131 = arith.constant 80 : index
          %swap3A_1132 = tpu.vector_load %arg13[%swap3A_1130, %swap3A_1131] {strides = array<i32>} : memref<128x128xf32, #tpu.memory_space<vmem>>, vector<1x16xf32>,
          %swap3A_1133 = vector.shape_cast %swap3A_1132 : vector<1x16xf32> to vector<16xf32>
          %swap3A_1134 = vector.shape_cast %mul3A_1129 : vector<16xf32> to vector<1x16xf32>
          tpu.vector_store %arg13[%swap3A_1130, %swap3A_1131], %swap3A_1134 {strides = array<i32>} : memref<128x128xf32, #tpu.memory_space<vmem>>, vector<1x16xf32>,
          %get3A_1135 = arith.index_cast %add3A_1074 : i32 to index
          %get3A_1136 = arith.constant 96 : index
          %get3A_1137 = tpu.vector_load %arg13[%get3A_1135, %get3A_1136] {strides = array<i32>} : memref<128x128xf32, #tpu.memory_space<vmem>>, vector<1x16xf32>,
          %get3A_1138 = vector.shape_cast %get3A_1137 : vector<1x16xf32> to vector<16xf32>
          %mul3A_1139 = arith.mulf %get3A_1138, %gather3A_1070 : vector<16xf32>
          %swap3A_1140 = arith.index_cast %add3A_1074 : i32 to index
          %swap3A_1141 = arith.constant 96 : index
          %swap3A_1142 = tpu.vector_load %arg13[%swap3A_1140, %swap3A_1141] {strides = array<i32>} : memref<128x128xf32, #tpu.memory_space<vmem>>, vector<1x16xf32>,
          %swap3A_1143 = vector.shape_cast %swap3A_1142 : vector<1x16xf32> to vector<16xf32>
          %swap3A_1144 = vector.shape_cast %mul3A_1139 : vector<16xf32> to vector<1x16xf32>
          tpu.vector_store %arg13[%swap3A_1140, %swap3A_1141], %swap3A_1144 {strides = array<i32>} : memref<128x128xf32, #tpu.memory_space<vmem>>, vector<1x16xf32>,
          %get3A_1145 = arith.index_cast %add3A_1074 : i32 to index
          %get3A_1146 = arith.constant 112 : index
          %get3A_1147 = tpu.vector_load %arg13[%get3A_1145, %get3A_1146] {strides = array<i32>} : memref<128x128xf32, #tpu.memory_space<vmem>>, vector<1x16xf32>,
          %get3A_1148 = vector.shape_cast %get3A_1147 : vector<1x16xf32> to vector<16xf32>
          %mul3A_1149 = arith.mulf %get3A_1148, %gather3A_1070 : vector<16xf32>
          %swap3A_1150 = arith.index_cast %add3A_1074 : i32 to index
          %swap3A_1151 = arith.constant 112 : index
          %swap3A_1152 = tpu.vector_load %arg13[%swap3A_1150, %swap3A_1151] {strides = array<i32>} : memref<128x128xf32, #tpu.memory_space<vmem>>, vector<1x16xf32>,
          %swap3A_1153 = vector.shape_cast %swap3A_1152 : vector<1x16xf32> to vector<16xf32>
          %swap3A_1154 = vector.shape_cast %mul3A_1149 : vector<16xf32> to vector<1x16xf32>
          tpu.vector_store %arg13[%swap3A_1150, %swap3A_1151], %swap3A_1154 {strides = array<i32>} : memref<128x128xf32, #tpu.memory_space<vmem>>, vector<1x16xf32>,
          %broadcast_in_dim3A_1155 = arith.constant 10 : i32
          %broadcast_in_dim3A_1156 = vector.broadcast %broadcast_in_dim3A_1155 : i32 to vector<16xi32>
          %lt3A_1157 = arith.constant 0 : i32
          %lt3A_1158 = vector.broadcast %lt3A_1157 : i32 to vector<16xi32>
          %lt3A_1159 = arith.cmpi slt, %broadcast_in_dim3A_1156, %lt3A_1158 : vector<16xi32>
          %add3A_1160 = arith.constant 16 : i32
          %add3A_1161 = vector.broadcast %add3A_1160 : i32 to vector<16xi32>
          %add3A_1162 = arith.addi %broadcast_in_dim3A_1156, %add3A_1161 : vector<16xi32>
          %select_n3A_1163 = arith.select %lt3A_1159, %add3A_1162, %broadcast_in_dim3A_1156 : vector<16xi1>, vector<16xi32>
          %broadcast_in_dim3A_1164 = vector.shape_cast %select_n3A_1163 : vector<16xi32> to vector<16x1xi32>
          %gather3A_1165 = vector.shape_cast %broadcast_in_dim3A_1164 : vector<16x1xi32> to vector<16xi32>
          %gather3A_1166 = tpu.dynamic_gather %get3A_197[%gather3A_1165] in [0] : vector<16xf32>, vector<16xi32> -> vector<16xf32>
          %mul3A_1167 = arith.constant 16 : i32
          %mul3A_1168 = arith.muli %scan3A_190, %mul3A_1167 : i32
          %add3A_1169 = arith.constant 10 : i32
          %add3A_1170 = arith.addi %mul3A_1168, %add3A_1169 : i32
          %get3A_1171 = arith.index_cast %add3A_1170 : i32 to index
          %get3A_1172 = arith.constant 0 : index
          %get3A_1173 = tpu.vector_load %arg13[%get3A_1171, %get3A_1172] {strides = array<i32>} : memref<128x128xf32, #tpu.memory_space<vmem>>, vector<1x16xf32>,
          %get3A_1174 = vector.shape_cast %get3A_1173 : vector<1x16xf32> to vector<16xf32>
          %mul3A_1175 = arith.mulf %get3A_1174, %gather3A_1166 : vector<16xf32>
          %swap3A_1176 = arith.index_cast %add3A_1170 : i32 to index
          %swap3A_1177 = arith.constant 0 : index
          %swap3A_1178 = tpu.vector_load %arg13[%swap3A_1176, %swap3A_1177] {strides = array<i32>} : memref<128x128xf32, #tpu.memory_space<vmem>>, vector<1x16xf32>,
          %swap3A_1179 = vector.shape_cast %swap3A_1178 : vector<1x16xf32> to vector<16xf32>
          %swap3A_1180 = vector.shape_cast %mul3A_1175 : vector<16xf32> to vector<1x16xf32>
          tpu.vector_store %arg13[%swap3A_1176, %swap3A_1177], %swap3A_1180 {strides = array<i32>} : memref<128x128xf32, #tpu.memory_space<vmem>>, vector<1x16xf32>,
          %get3A_1181 = arith.index_cast %add3A_1170 : i32 to index
          %get3A_1182 = arith.constant 16 : index
          %get3A_1183 = tpu.vector_load %arg13[%get3A_1181, %get3A_1182] {strides = array<i32>} : memref<128x128xf32, #tpu.memory_space<vmem>>, vector<1x16xf32>,
          %get3A_1184 = vector.shape_cast %get3A_1183 : vector<1x16xf32> to vector<16xf32>
          %mul3A_1185 = arith.mulf %get3A_1184, %gather3A_1166 : vector<16xf32>
          %swap3A_1186 = arith.index_cast %add3A_1170 : i32 to index
          %swap3A_1187 = arith.constant 16 : index
          %swap3A_1188 = tpu.vector_load %arg13[%swap3A_1186, %swap3A_1187] {strides = array<i32>} : memref<128x128xf32, #tpu.memory_space<vmem>>, vector<1x16xf32>,
          %swap3A_1189 = vector.shape_cast %swap3A_1188 : vector<1x16xf32> to vector<16xf32>
          %swap3A_1190 = vector.shape_cast %mul3A_1185 : vector<16xf32> to vector<1x16xf32>
          tpu.vector_store %arg13[%swap3A_1186, %swap3A_1187], %swap3A_1190 {strides = array<i32>} : memref<128x128xf32, #tpu.memory_space<vmem>>, vector<1x16xf32>,
          %get3A_1191 = arith.index_cast %add3A_1170 : i32 to index
          %get3A_1192 = arith.constant 32 : index
          %get3A_1193 = tpu.vector_load %arg13[%get3A_1191, %get3A_1192] {strides = array<i32>} : memref<128x128xf32, #tpu.memory_space<vmem>>, vector<1x16xf32>,
          %get3A_1194 = vector.shape_cast %get3A_1193 : vector<1x16xf32> to vector<16xf32>
          %mul3A_1195 = arith.mulf %get3A_1194, %gather3A_1166 : vector<16xf32>
          %swap3A_1196 = arith.index_cast %add3A_1170 : i32 to index
          %swap3A_1197 = arith.constant 32 : index
          %swap3A_1198 = tpu.vector_load %arg13[%swap3A_1196, %swap3A_1197] {strides = array<i32>} : memref<128x128xf32, #tpu.memory_space<vmem>>, vector<1x16xf32>,
          %swap3A_1199 = vector.shape_cast %swap3A_1198 : vector<1x16xf32> to vector<16xf32>
          %swap3A_1200 = vector.shape_cast %mul3A_1195 : vector<16xf32> to vector<1x16xf32>
          tpu.vector_store %arg13[%swap3A_1196, %swap3A_1197], %swap3A_1200 {strides = array<i32>} : memref<128x128xf32, #tpu.memory_space<vmem>>, vector<1x16xf32>,
          %get3A_1201 = arith.index_cast %add3A_1170 : i32 to index
          %get3A_1202 = arith.constant 48 : index
          %get3A_1203 = tpu.vector_load %arg13[%get3A_1201, %get3A_1202] {strides = array<i32>} : memref<128x128xf32, #tpu.memory_space<vmem>>, vector<1x16xf32>,
          %get3A_1204 = vector.shape_cast %get3A_1203 : vector<1x16xf32> to vector<16xf32>
          %mul3A_1205 = arith.mulf %get3A_1204, %gather3A_1166 : vector<16xf32>
          %swap3A_1206 = arith.index_cast %add3A_1170 : i32 to index
          %swap3A_1207 = arith.constant 48 : index
          %swap3A_1208 = tpu.vector_load %arg13[%swap3A_1206, %swap3A_1207] {strides = array<i32>} : memref<128x128xf32, #tpu.memory_space<vmem>>, vector<1x16xf32>,
          %swap3A_1209 = vector.shape_cast %swap3A_1208 : vector<1x16xf32> to vector<16xf32>
          %swap3A_1210 = vector.shape_cast %mul3A_1205 : vector<16xf32> to vector<1x16xf32>
          tpu.vector_store %arg13[%swap3A_1206, %swap3A_1207], %swap3A_1210 {strides = array<i32>} : memref<128x128xf32, #tpu.memory_space<vmem>>, vector<1x16xf32>,
          %get3A_1211 = arith.index_cast %add3A_1170 : i32 to index
          %get3A_1212 = arith.constant 64 : index
          %get3A_1213 = tpu.vector_load %arg13[%get3A_1211, %get3A_1212] {strides = array<i32>} : memref<128x128xf32, #tpu.memory_space<vmem>>, vector<1x16xf32>,
          %get3A_1214 = vector.shape_cast %get3A_1213 : vector<1x16xf32> to vector<16xf32>
          %mul3A_1215 = arith.mulf %get3A_1214, %gather3A_1166 : vector<16xf32>
          %swap3A_1216 = arith.index_cast %add3A_1170 : i32 to index
          %swap3A_1217 = arith.constant 64 : index
          %swap3A_1218 = tpu.vector_load %arg13[%swap3A_1216, %swap3A_1217] {strides = array<i32>} : memref<128x128xf32, #tpu.memory_space<vmem>>, vector<1x16xf32>,
          %swap3A_1219 = vector.shape_cast %swap3A_1218 : vector<1x16xf32> to vector<16xf32>
          %swap3A_1220 = vector.shape_cast %mul3A_1215 : vector<16xf32> to vector<1x16xf32>
          tpu.vector_store %arg13[%swap3A_1216, %swap3A_1217], %swap3A_1220 {strides = array<i32>} : memref<128x128xf32, #tpu.memory_space<vmem>>, vector<1x16xf32>,
          %get3A_1221 = arith.index_cast %add3A_1170 : i32 to index
          %get3A_1222 = arith.constant 80 : index
          %get3A_1223 = tpu.vector_load %arg13[%get3A_1221, %get3A_1222] {strides = array<i32>} : memref<128x128xf32, #tpu.memory_space<vmem>>, vector<1x16xf32>,
          %get3A_1224 = vector.shape_cast %get3A_1223 : vector<1x16xf32> to vector<16xf32>
          %mul3A_1225 = arith.mulf %get3A_1224, %gather3A_1166 : vector<16xf32>
          %swap3A_1226 = arith.index_cast %add3A_1170 : i32 to index
          %swap3A_1227 = arith.constant 80 : index
          %swap3A_1228 = tpu.vector_load %arg13[%swap3A_1226, %swap3A_1227] {strides = array<i32>} : memref<128x128xf32, #tpu.memory_space<vmem>>, vector<1x16xf32>,
          %swap3A_1229 = vector.shape_cast %swap3A_1228 : vector<1x16xf32> to vector<16xf32>
          %swap3A_1230 = vector.shape_cast %mul3A_1225 : vector<16xf32> to vector<1x16xf32>
          tpu.vector_store %arg13[%swap3A_1226, %swap3A_1227], %swap3A_1230 {strides = array<i32>} : memref<128x128xf32, #tpu.memory_space<vmem>>, vector<1x16xf32>,
          %get3A_1231 = arith.index_cast %add3A_1170 : i32 to index
          %get3A_1232 = arith.constant 96 : index
          %get3A_1233 = tpu.vector_load %arg13[%get3A_1231, %get3A_1232] {strides = array<i32>} : memref<128x128xf32, #tpu.memory_space<vmem>>, vector<1x16xf32>,
          %get3A_1234 = vector.shape_cast %get3A_1233 : vector<1x16xf32> to vector<16xf32>
          %mul3A_1235 = arith.mulf %get3A_1234, %gather3A_1166 : vector<16xf32>
          %swap3A_1236 = arith.index_cast %add3A_1170 : i32 to index
          %swap3A_1237 = arith.constant 96 : index
          %swap3A_1238 = tpu.vector_load %arg13[%swap3A_1236, %swap3A_1237] {strides = array<i32>} : memref<128x128xf32, #tpu.memory_space<vmem>>, vector<1x16xf32>,
          %swap3A_1239 = vector.shape_cast %swap3A_1238 : vector<1x16xf32> to vector<16xf32>
          %swap3A_1240 = vector.shape_cast %mul3A_1235 : vector<16xf32> to vector<1x16xf32>
          tpu.vector_store %arg13[%swap3A_1236, %swap3A_1237], %swap3A_1240 {strides = array<i32>} : memref<128x128xf32, #tpu.memory_space<vmem>>, vector<1x16xf32>,
          %get3A_1241 = arith.index_cast %add3A_1170 : i32 to index
          %get3A_1242 = arith.constant 112 : index
          %get3A_1243 = tpu.vector_load %arg13[%get3A_1241, %get3A_1242] {strides = array<i32>} : memref<128x128xf32, #tpu.memory_space<vmem>>, vector<1x16xf32>,
          %get3A_1244 = vector.shape_cast %get3A_1243 : vector<1x16xf32> to vector<16xf32>
          %mul3A_1245 = arith.mulf %get3A_1244, %gather3A_1166 : vector<16xf32>
          %swap3A_1246 = arith.index_cast %add3A_1170 : i32 to index
          %swap3A_1247 = arith.constant 112 : index
          %swap3A_1248 = tpu.vector_load %arg13[%swap3A_1246, %swap3A_1247] {strides = array<i32>} : memref<128x128xf32, #tpu.memory_space<vmem>>, vector<1x16xf32>,
          %swap3A_1249 = vector.shape_cast %swap3A_1248 : vector<1x16xf32> to vector<16xf32>
          %swap3A_1250 = vector.shape_cast %mul3A_1245 : vector<16xf32> to vector<1x16xf32>
          tpu.vector_store %arg13[%swap3A_1246, %swap3A_1247], %swap3A_1250 {strides = array<i32>} : memref<128x128xf32, #tpu.memory_space<vmem>>, vector<1x16xf32>,
          %broadcast_in_dim3A_1251 = arith.constant 11 : i32
          %broadcast_in_dim3A_1252 = vector.broadcast %broadcast_in_dim3A_1251 : i32 to vector<16xi32>
          %lt3A_1253 = arith.constant 0 : i32
          %lt3A_1254 = vector.broadcast %lt3A_1253 : i32 to vector<16xi32>
          %lt3A_1255 = arith.cmpi slt, %broadcast_in_dim3A_1252, %lt3A_1254 : vector<16xi32>
          %add3A_1256 = arith.constant 16 : i32
          %add3A_1257 = vector.broadcast %add3A_1256 : i32 to vector<16xi32>
          %add3A_1258 = arith.addi %broadcast_in_dim3A_1252, %add3A_1257 : vector<16xi32>
          %select_n3A_1259 = arith.select %lt3A_1255, %add3A_1258, %broadcast_in_dim3A_1252 : vector<16xi1>, vector<16xi32>
          %broadcast_in_dim3A_1260 = vector.shape_cast %select_n3A_1259 : vector<16xi32> to vector<16x1xi32>
          %gather3A_1261 = vector.shape_cast %broadcast_in_dim3A_1260 : vector<16x1xi32> to vector<16xi32>
          %gather3A_1262 = tpu.dynamic_gather %get3A_197[%gather3A_1261] in [0] : vector<16xf32>, vector<16xi32> -> vector<16xf32>
          %mul3A_1263 = arith.constant 16 : i32
          %mul3A_1264 = arith.muli %scan3A_190, %mul3A_1263 : i32
          %add3A_1265 = arith.constant 11 : i32
          %add3A_1266 = arith.addi %mul3A_1264, %add3A_1265 : i32
          %get3A_1267 = arith.index_cast %add3A_1266 : i32 to index
          %get3A_1268 = arith.constant 0 : index
          %get3A_1269 = tpu.vector_load %arg13[%get3A_1267, %get3A_1268] {strides = array<i32>} : memref<128x128xf32, #tpu.memory_space<vmem>>, vector<1x16xf32>,
          %get3A_1270 = vector.shape_cast %get3A_1269 : vector<1x16xf32> to vector<16xf32>
          %mul3A_1271 = arith.mulf %get3A_1270, %gather3A_1262 : vector<16xf32>
          %swap3A_1272 = arith.index_cast %add3A_1266 : i32 to index
          %swap3A_1273 = arith.constant 0 : index
          %swap3A_1274 = tpu.vector_load %arg13[%swap3A_1272, %swap3A_1273] {strides = array<i32>} : memref<128x128xf32, #tpu.memory_space<vmem>>, vector<1x16xf32>,
          %swap3A_1275 = vector.shape_cast %swap3A_1274 : vector<1x16xf32> to vector<16xf32>
          %swap3A_1276 = vector.shape_cast %mul3A_1271 : vector<16xf32> to vector<1x16xf32>
          tpu.vector_store %arg13[%swap3A_1272, %swap3A_1273], %swap3A_1276 {strides = array<i32>} : memref<128x128xf32, #tpu.memory_space<vmem>>, vector<1x16xf32>,
          %get3A_1277 = arith.index_cast %add3A_1266 : i32 to index
          %get3A_1278 = arith.constant 16 : index
          %get3A_1279 = tpu.vector_load %arg13[%get3A_1277, %get3A_1278] {strides = array<i32>} : memref<128x128xf32, #tpu.memory_space<vmem>>, vector<1x16xf32>,
          %get3A_1280 = vector.shape_cast %get3A_1279 : vector<1x16xf32> to vector<16xf32>
          %mul3A_1281 = arith.mulf %get3A_1280, %gather3A_1262 : vector<16xf32>
          %swap3A_1282 = arith.index_cast %add3A_1266 : i32 to index
          %swap3A_1283 = arith.constant 16 : index
          %swap3A_1284 = tpu.vector_load %arg13[%swap3A_1282, %swap3A_1283] {strides = array<i32>} : memref<128x128xf32, #tpu.memory_space<vmem>>, vector<1x16xf32>,
          %swap3A_1285 = vector.shape_cast %swap3A_1284 : vector<1x16xf32> to vector<16xf32>
          %swap3A_1286 = vector.shape_cast %mul3A_1281 : vector<16xf32> to vector<1x16xf32>
          tpu.vector_store %arg13[%swap3A_1282, %swap3A_1283], %swap3A_1286 {strides = array<i32>} : memref<128x128xf32, #tpu.memory_space<vmem>>, vector<1x16xf32>,
          %get3A_1287 = arith.index_cast %add3A_1266 : i32 to index
          %get3A_1288 = arith.constant 32 : index
          %get3A_1289 = tpu.vector_load %arg13[%get3A_1287, %get3A_1288] {strides = array<i32>} : memref<128x128xf32, #tpu.memory_space<vmem>>, vector<1x16xf32>,
          %get3A_1290 = vector.shape_cast %get3A_1289 : vector<1x16xf32> to vector<16xf32>
          %mul3A_1291 = arith.mulf %get3A_1290, %gather3A_1262 : vector<16xf32>
          %swap3A_1292 = arith.index_cast %add3A_1266 : i32 to index
          %swap3A_1293 = arith.constant 32 : index
          %swap3A_1294 = tpu.vector_load %arg13[%swap3A_1292, %swap3A_1293] {strides = array<i32>} : memref<128x128xf32, #tpu.memory_space<vmem>>, vector<1x16xf32>,
          %swap3A_1295 = vector.shape_cast %swap3A_1294 : vector<1x16xf32> to vector<16xf32>
          %swap3A_1296 = vector.shape_cast %mul3A_1291 : vector<16xf32> to vector<1x16xf32>
          tpu.vector_store %arg13[%swap3A_1292, %swap3A_1293], %swap3A_1296 {strides = array<i32>} : memref<128x128xf32, #tpu.memory_space<vmem>>, vector<1x16xf32>,
          %get3A_1297 = arith.index_cast %add3A_1266 : i32 to index
          %get3A_1298 = arith.constant 48 : index
          %get3A_1299 = tpu.vector_load %arg13[%get3A_1297, %get3A_1298] {strides = array<i32>} : memref<128x128xf32, #tpu.memory_space<vmem>>, vector<1x16xf32>,
          %get3A_1300 = vector.shape_cast %get3A_1299 : vector<1x16xf32> to vector<16xf32>
          %mul3A_1301 = arith.mulf %get3A_1300, %gather3A_1262 : vector<16xf32>
          %swap3A_1302 = arith.index_cast %add3A_1266 : i32 to index
          %swap3A_1303 = arith.constant 48 : index
          %swap3A_1304 = tpu.vector_load %arg13[%swap3A_1302, %swap3A_1303] {strides = array<i32>} : memref<128x128xf32, #tpu.memory_space<vmem>>, vector<1x16xf32>,
          %swap3A_1305 = vector.shape_cast %swap3A_1304 : vector<1x16xf32> to vector<16xf32>
          %swap3A_1306 = vector.shape_cast %mul3A_1301 : vector<16xf32> to vector<1x16xf32>
          tpu.vector_store %arg13[%swap3A_1302, %swap3A_1303], %swap3A_1306 {strides = array<i32>} : memref<128x128xf32, #tpu.memory_space<vmem>>, vector<1x16xf32>,
          %get3A_1307 = arith.index_cast %add3A_1266 : i32 to index
          %get3A_1308 = arith.constant 64 : index
          %get3A_1309 = tpu.vector_load %arg13[%get3A_1307, %get3A_1308] {strides = array<i32>} : memref<128x128xf32, #tpu.memory_space<vmem>>, vector<1x16xf32>,
          %get3A_1310 = vector.shape_cast %get3A_1309 : vector<1x16xf32> to vector<16xf32>
          %mul3A_1311 = arith.mulf %get3A_1310, %gather3A_1262 : vector<16xf32>
          %swap3A_1312 = arith.index_cast %add3A_1266 : i32 to index
          %swap3A_1313 = arith.constant 64 : index
          %swap3A_1314 = tpu.vector_load %arg13[%swap3A_1312, %swap3A_1313] {strides = array<i32>} : memref<128x128xf32, #tpu.memory_space<vmem>>, vector<1x16xf32>,
          %swap3A_1315 = vector.shape_cast %swap3A_1314 : vector<1x16xf32> to vector<16xf32>
          %swap3A_1316 = vector.shape_cast %mul3A_1311 : vector<16xf32> to vector<1x16xf32>
          tpu.vector_store %arg13[%swap3A_1312, %swap3A_1313], %swap3A_1316 {strides = array<i32>} : memref<128x128xf32, #tpu.memory_space<vmem>>, vector<1x16xf32>,
          %get3A_1317 = arith.index_cast %add3A_1266 : i32 to index
          %get3A_1318 = arith.constant 80 : index
          %get3A_1319 = tpu.vector_load %arg13[%get3A_1317, %get3A_1318] {strides = array<i32>} : memref<128x128xf32, #tpu.memory_space<vmem>>, vector<1x16xf32>,
          %get3A_1320 = vector.shape_cast %get3A_1319 : vector<1x16xf32> to vector<16xf32>
          %mul3A_1321 = arith.mulf %get3A_1320, %gather3A_1262 : vector<16xf32>
          %swap3A_1322 = arith.index_cast %add3A_1266 : i32 to index
          %swap3A_1323 = arith.constant 80 : index
          %swap3A_1324 = tpu.vector_load %arg13[%swap3A_1322, %swap3A_1323] {strides = array<i32>} : memref<128x128xf32, #tpu.memory_space<vmem>>, vector<1x16xf32>,
          %swap3A_1325 = vector.shape_cast %swap3A_1324 : vector<1x16xf32> to vector<16xf32>
          %swap3A_1326 = vector.shape_cast %mul3A_1321 : vector<16xf32> to vector<1x16xf32>
          tpu.vector_store %arg13[%swap3A_1322, %swap3A_1323], %swap3A_1326 {strides = array<i32>} : memref<128x128xf32, #tpu.memory_space<vmem>>, vector<1x16xf32>,
          %get3A_1327 = arith.index_cast %add3A_1266 : i32 to index
          %get3A_1328 = arith.constant 96 : index
          %get3A_1329 = tpu.vector_load %arg13[%get3A_1327, %get3A_1328] {strides = array<i32>} : memref<128x128xf32, #tpu.memory_space<vmem>>, vector<1x16xf32>,
          %get3A_1330 = vector.shape_cast %get3A_1329 : vector<1x16xf32> to vector<16xf32>
          %mul3A_1331 = arith.mulf %get3A_1330, %gather3A_1262 : vector<16xf32>
          %swap3A_1332 = arith.index_cast %add3A_1266 : i32 to index
          %swap3A_1333 = arith.constant 96 : index
          %swap3A_1334 = tpu.vector_load %arg13[%swap3A_1332, %swap3A_1333] {strides = array<i32>} : memref<128x128xf32, #tpu.memory_space<vmem>>, vector<1x16xf32>,
          %swap3A_1335 = vector.shape_cast %swap3A_1334 : vector<1x16xf32> to vector<16xf32>
          %swap3A_1336 = vector.shape_cast %mul3A_1331 : vector<16xf32> to vector<1x16xf32>
          tpu.vector_store %arg13[%swap3A_1332, %swap3A_1333], %swap3A_1336 {strides = array<i32>} : memref<128x128xf32, #tpu.memory_space<vmem>>, vector<1x16xf32>,
          %get3A_1337 = arith.index_cast %add3A_1266 : i32 to index
          %get3A_1338 = arith.constant 112 : index
          %get3A_1339 = tpu.vector_load %arg13[%get3A_1337, %get3A_1338] {strides = array<i32>} : memref<128x128xf32, #tpu.memory_space<vmem>>, vector<1x16xf32>,
          %get3A_1340 = vector.shape_cast %get3A_1339 : vector<1x16xf32> to vector<16xf32>
          %mul3A_1341 = arith.mulf %get3A_1340, %gather3A_1262 : vector<16xf32>
          %swap3A_1342 = arith.index_cast %add3A_1266 : i32 to index
          %swap3A_1343 = arith.constant 112 : index
          %swap3A_1344 = tpu.vector_load %arg13[%swap3A_1342, %swap3A_1343] {strides = array<i32>} : memref<128x128xf32, #tpu.memory_space<vmem>>, vector<1x16xf32>,
          %swap3A_1345 = vector.shape_cast %swap3A_1344 : vector<1x16xf32> to vector<16xf32>
          %swap3A_1346 = vector.shape_cast %mul3A_1341 : vector<16xf32> to vector<1x16xf32>
          tpu.vector_store %arg13[%swap3A_1342, %swap3A_1343], %swap3A_1346 {strides = array<i32>} : memref<128x128xf32, #tpu.memory_space<vmem>>, vector<1x16xf32>,
          %broadcast_in_dim3A_1347 = arith.constant 12 : i32
          %broadcast_in_dim3A_1348 = vector.broadcast %broadcast_in_dim3A_1347 : i32 to vector<16xi32>
          %lt3A_1349 = arith.constant 0 : i32
          %lt3A_1350 = vector.broadcast %lt3A_1349 : i32 to vector<16xi32>
          %lt3A_1351 = arith.cmpi slt, %broadcast_in_dim3A_1348, %lt3A_1350 : vector<16xi32>
          %add3A_1352 = arith.constant 16 : i32
          %add3A_1353 = vector.broadcast %add3A_1352 : i32 to vector<16xi32>
          %add3A_1354 = arith.addi %broadcast_in_dim3A_1348, %add3A_1353 : vector<16xi32>
          %select_n3A_1355 = arith.select %lt3A_1351, %add3A_1354, %broadcast_in_dim3A_1348 : vector<16xi1>, vector<16xi32>
          %broadcast_in_dim3A_1356 = vector.shape_cast %select_n3A_1355 : vector<16xi32> to vector<16x1xi32>
          %gather3A_1357 = vector.shape_cast %broadcast_in_dim3A_1356 : vector<16x1xi32> to vector<16xi32>
          %gather3A_1358 = tpu.dynamic_gather %get3A_197[%gather3A_1357] in [0] : vector<16xf32>, vector<16xi32> -> vector<16xf32>
          %mul3A_1359 = arith.constant 16 : i32
          %mul3A_1360 = arith.muli %scan3A_190, %mul3A_1359 : i32
          %add3A_1361 = arith.constant 12 : i32
          %add3A_1362 = arith.addi %mul3A_1360, %add3A_1361 : i32
          %get3A_1363 = arith.index_cast %add3A_1362 : i32 to index
          %get3A_1364 = arith.constant 0 : index
          %get3A_1365 = tpu.vector_load %arg13[%get3A_1363, %get3A_1364] {strides = array<i32>} : memref<128x128xf32, #tpu.memory_space<vmem>>, vector<1x16xf32>,
          %get3A_1366 = vector.shape_cast %get3A_1365 : vector<1x16xf32> to vector<16xf32>
          %mul3A_1367 = arith.mulf %get3A_1366, %gather3A_1358 : vector<16xf32>
          %swap3A_1368 = arith.index_cast %add3A_1362 : i32 to index
          %swap3A_1369 = arith.constant 0 : index
          %swap3A_1370 = tpu.vector_load %arg13[%swap3A_1368, %swap3A_1369] {strides = array<i32>} : memref<128x128xf32, #tpu.memory_space<vmem>>, vector<1x16xf32>,
          %swap3A_1371 = vector.shape_cast %swap3A_1370 : vector<1x16xf32> to vector<16xf32>
          %swap3A_1372 = vector.shape_cast %mul3A_1367 : vector<16xf32> to vector<1x16xf32>
          tpu.vector_store %arg13[%swap3A_1368, %swap3A_1369], %swap3A_1372 {strides = array<i32>} : memref<128x128xf32, #tpu.memory_space<vmem>>, vector<1x16xf32>,
          %get3A_1373 = arith.index_cast %add3A_1362 : i32 to index
          %get3A_1374 = arith.constant 16 : index
          %get3A_1375 = tpu.vector_load %arg13[%get3A_1373, %get3A_1374] {strides = array<i32>} : memref<128x128xf32, #tpu.memory_space<vmem>>, vector<1x16xf32>,
          %get3A_1376 = vector.shape_cast %get3A_1375 : vector<1x16xf32> to vector<16xf32>
          %mul3A_1377 = arith.mulf %get3A_1376, %gather3A_1358 : vector<16xf32>
          %swap3A_1378 = arith.index_cast %add3A_1362 : i32 to index
          %swap3A_1379 = arith.constant 16 : index
          %swap3A_1380 = tpu.vector_load %arg13[%swap3A_1378, %swap3A_1379] {strides = array<i32>} : memref<128x128xf32, #tpu.memory_space<vmem>>, vector<1x16xf32>,
          %swap3A_1381 = vector.shape_cast %swap3A_1380 : vector<1x16xf32> to vector<16xf32>
          %swap3A_1382 = vector.shape_cast %mul3A_1377 : vector<16xf32> to vector<1x16xf32>
          tpu.vector_store %arg13[%swap3A_1378, %swap3A_1379], %swap3A_1382 {strides = array<i32>} : memref<128x128xf32, #tpu.memory_space<vmem>>, vector<1x16xf32>,
          %get3A_1383 = arith.index_cast %add3A_1362 : i32 to index
          %get3A_1384 = arith.constant 32 : index
          %get3A_1385 = tpu.vector_load %arg13[%get3A_1383, %get3A_1384] {strides = array<i32>} : memref<128x128xf32, #tpu.memory_space<vmem>>, vector<1x16xf32>,
          %get3A_1386 = vector.shape_cast %get3A_1385 : vector<1x16xf32> to vector<16xf32>
          %mul3A_1387 = arith.mulf %get3A_1386, %gather3A_1358 : vector<16xf32>
          %swap3A_1388 = arith.index_cast %add3A_1362 : i32 to index
          %swap3A_1389 = arith.constant 32 : index
          %swap3A_1390 = tpu.vector_load %arg13[%swap3A_1388, %swap3A_1389] {strides = array<i32>} : memref<128x128xf32, #tpu.memory_space<vmem>>, vector<1x16xf32>,
          %swap3A_1391 = vector.shape_cast %swap3A_1390 : vector<1x16xf32> to vector<16xf32>
          %swap3A_1392 = vector.shape_cast %mul3A_1387 : vector<16xf32> to vector<1x16xf32>
          tpu.vector_store %arg13[%swap3A_1388, %swap3A_1389], %swap3A_1392 {strides = array<i32>} : memref<128x128xf32, #tpu.memory_space<vmem>>, vector<1x16xf32>,
          %get3A_1393 = arith.index_cast %add3A_1362 : i32 to index
          %get3A_1394 = arith.constant 48 : index
          %get3A_1395 = tpu.vector_load %arg13[%get3A_1393, %get3A_1394] {strides = array<i32>} : memref<128x128xf32, #tpu.memory_space<vmem>>, vector<1x16xf32>,
          %get3A_1396 = vector.shape_cast %get3A_1395 : vector<1x16xf32> to vector<16xf32>
          %mul3A_1397 = arith.mulf %get3A_1396, %gather3A_1358 : vector<16xf32>
          %swap3A_1398 = arith.index_cast %add3A_1362 : i32 to index
          %swap3A_1399 = arith.constant 48 : index
          %swap3A_1400 = tpu.vector_load %arg13[%swap3A_1398, %swap3A_1399] {strides = array<i32>} : memref<128x128xf32, #tpu.memory_space<vmem>>, vector<1x16xf32>,
          %swap3A_1401 = vector.shape_cast %swap3A_1400 : vector<1x16xf32> to vector<16xf32>
          %swap3A_1402 = vector.shape_cast %mul3A_1397 : vector<16xf32> to vector<1x16xf32>
          tpu.vector_store %arg13[%swap3A_1398, %swap3A_1399], %swap3A_1402 {strides = array<i32>} : memref<128x128xf32, #tpu.memory_space<vmem>>, vector<1x16xf32>,
          %get3A_1403 = arith.index_cast %add3A_1362 : i32 to index
          %get3A_1404 = arith.constant 64 : index
          %get3A_1405 = tpu.vector_load %arg13[%get3A_1403, %get3A_1404] {strides = array<i32>} : memref<128x128xf32, #tpu.memory_space<vmem>>, vector<1x16xf32>,
          %get3A_1406 = vector.shape_cast %get3A_1405 : vector<1x16xf32> to vector<16xf32>
          %mul3A_1407 = arith.mulf %get3A_1406, %gather3A_1358 : vector<16xf32>
          %swap3A_1408 = arith.index_cast %add3A_1362 : i32 to index
          %swap3A_1409 = arith.constant 64 : index
          %swap3A_1410 = tpu.vector_load %arg13[%swap3A_1408, %swap3A_1409] {strides = array<i32>} : memref<128x128xf32, #tpu.memory_space<vmem>>, vector<1x16xf32>,
          %swap3A_1411 = vector.shape_cast %swap3A_1410 : vector<1x16xf32> to vector<16xf32>
          %swap3A_1412 = vector.shape_cast %mul3A_1407 : vector<16xf32> to vector<1x16xf32>
          tpu.vector_store %arg13[%swap3A_1408, %swap3A_1409], %swap3A_1412 {strides = array<i32>} : memref<128x128xf32, #tpu.memory_space<vmem>>, vector<1x16xf32>,
          %get3A_1413 = arith.index_cast %add3A_1362 : i32 to index
          %get3A_1414 = arith.constant 80 : index
          %get3A_1415 = tpu.vector_load %arg13[%get3A_1413, %get3A_1414] {strides = array<i32>} : memref<128x128xf32, #tpu.memory_space<vmem>>, vector<1x16xf32>,
          %get3A_1416 = vector.shape_cast %get3A_1415 : vector<1x16xf32> to vector<16xf32>
          %mul3A_1417 = arith.mulf %get3A_1416, %gather3A_1358 : vector<16xf32>
          %swap3A_1418 = arith.index_cast %add3A_1362 : i32 to index
          %swap3A_1419 = arith.constant 80 : index
          %swap3A_1420 = tpu.vector_load %arg13[%swap3A_1418, %swap3A_1419] {strides = array<i32>} : memref<128x128xf32, #tpu.memory_space<vmem>>, vector<1x16xf32>,
          %swap3A_1421 = vector.shape_cast %swap3A_1420 : vector<1x16xf32> to vector<16xf32>
          %swap3A_1422 = vector.shape_cast %mul3A_1417 : vector<16xf32> to vector<1x16xf32>
          tpu.vector_store %arg13[%swap3A_1418, %swap3A_1419], %swap3A_1422 {strides = array<i32>} : memref<128x128xf32, #tpu.memory_space<vmem>>, vector<1x16xf32>,
          %get3A_1423 = arith.index_cast %add3A_1362 : i32 to index
          %get3A_1424 = arith.constant 96 : index
          %get3A_1425 = tpu.vector_load %arg13[%get3A_1423, %get3A_1424] {strides = array<i32>} : memref<128x128xf32, #tpu.memory_space<vmem>>, vector<1x16xf32>,
          %get3A_1426 = vector.shape_cast %get3A_1425 : vector<1x16xf32> to vector<16xf32>
          %mul3A_1427 = arith.mulf %get3A_1426, %gather3A_1358 : vector<16xf32>
          %swap3A_1428 = arith.index_cast %add3A_1362 : i32 to index
          %swap3A_1429 = arith.constant 96 : index
          %swap3A_1430 = tpu.vector_load %arg13[%swap3A_1428, %swap3A_1429] {strides = array<i32>} : memref<128x128xf32, #tpu.memory_space<vmem>>, vector<1x16xf32>,
          %swap3A_1431 = vector.shape_cast %swap3A_1430 : vector<1x16xf32> to vector<16xf32>
          %swap3A_1432 = vector.shape_cast %mul3A_1427 : vector<16xf32> to vector<1x16xf32>
          tpu.vector_store %arg13[%swap3A_1428, %swap3A_1429], %swap3A_1432 {strides = array<i32>} : memref<128x128xf32, #tpu.memory_space<vmem>>, vector<1x16xf32>,
          %get3A_1433 = arith.index_cast %add3A_1362 : i32 to index
          %get3A_1434 = arith.constant 112 : index
          %get3A_1435 = tpu.vector_load %arg13[%get3A_1433, %get3A_1434] {strides = array<i32>} : memref<128x128xf32, #tpu.memory_space<vmem>>, vector<1x16xf32>,
          %get3A_1436 = vector.shape_cast %get3A_1435 : vector<1x16xf32> to vector<16xf32>
          %mul3A_1437 = arith.mulf %get3A_1436, %gather3A_1358 : vector<16xf32>
          %swap3A_1438 = arith.index_cast %add3A_1362 : i32 to index
          %swap3A_1439 = arith.constant 112 : index
          %swap3A_1440 = tpu.vector_load %arg13[%swap3A_1438, %swap3A_1439] {strides = array<i32>} : memref<128x128xf32, #tpu.memory_space<vmem>>, vector<1x16xf32>,
          %swap3A_1441 = vector.shape_cast %swap3A_1440 : vector<1x16xf32> to vector<16xf32>
          %swap3A_1442 = vector.shape_cast %mul3A_1437 : vector<16xf32> to vector<1x16xf32>
          tpu.vector_store %arg13[%swap3A_1438, %swap3A_1439], %swap3A_1442 {strides = array<i32>} : memref<128x128xf32, #tpu.memory_space<vmem>>, vector<1x16xf32>,
          %broadcast_in_dim3A_1443 = arith.constant 13 : i32
          %broadcast_in_dim3A_1444 = vector.broadcast %broadcast_in_dim3A_1443 : i32 to vector<16xi32>
          %lt3A_1445 = arith.constant 0 : i32
          %lt3A_1446 = vector.broadcast %lt3A_1445 : i32 to vector<16xi32>
          %lt3A_1447 = arith.cmpi slt, %broadcast_in_dim3A_1444, %lt3A_1446 : vector<16xi32>
          %add3A_1448 = arith.constant 16 : i32
          %add3A_1449 = vector.broadcast %add3A_1448 : i32 to vector<16xi32>
          %add3A_1450 = arith.addi %broadcast_in_dim3A_1444, %add3A_1449 : vector<16xi32>
          %select_n3A_1451 = arith.select %lt3A_1447, %add3A_1450, %broadcast_in_dim3A_1444 : vector<16xi1>, vector<16xi32>
          %broadcast_in_dim3A_1452 = vector.shape_cast %select_n3A_1451 : vector<16xi32> to vector<16x1xi32>
          %gather3A_1453 = vector.shape_cast %broadcast_in_dim3A_1452 : vector<16x1xi32> to vector<16xi32>
          %gather3A_1454 = tpu.dynamic_gather %get3A_197[%gather3A_1453] in [0] : vector<16xf32>, vector<16xi32> -> vector<16xf32>
          %mul3A_1455 = arith.constant 16 : i32
          %mul3A_1456 = arith.muli %scan3A_190, %mul3A_1455 : i32
          %add3A_1457 = arith.constant 13 : i32
          %add3A_1458 = arith.addi %mul3A_1456, %add3A_1457 : i32
          %get3A_1459 = arith.index_cast %add3A_1458 : i32 to index
          %get3A_1460 = arith.constant 0 : index
          %get3A_1461 = tpu.vector_load %arg13[%get3A_1459, %get3A_1460] {strides = array<i32>} : memref<128x128xf32, #tpu.memory_space<vmem>>, vector<1x16xf32>,
          %get3A_1462 = vector.shape_cast %get3A_1461 : vector<1x16xf32> to vector<16xf32>
          %mul3A_1463 = arith.mulf %get3A_1462, %gather3A_1454 : vector<16xf32>
          %swap3A_1464 = arith.index_cast %add3A_1458 : i32 to index
          %swap3A_1465 = arith.constant 0 : index
          %swap3A_1466 = tpu.vector_load %arg13[%swap3A_1464, %swap3A_1465] {strides = array<i32>} : memref<128x128xf32, #tpu.memory_space<vmem>>, vector<1x16xf32>,
          %swap3A_1467 = vector.shape_cast %swap3A_1466 : vector<1x16xf32> to vector<16xf32>
          %swap3A_1468 = vector.shape_cast %mul3A_1463 : vector<16xf32> to vector<1x16xf32>
          tpu.vector_store %arg13[%swap3A_1464, %swap3A_1465], %swap3A_1468 {strides = array<i32>} : memref<128x128xf32, #tpu.memory_space<vmem>>, vector<1x16xf32>,
          %get3A_1469 = arith.index_cast %add3A_1458 : i32 to index
          %get3A_1470 = arith.constant 16 : index
          %get3A_1471 = tpu.vector_load %arg13[%get3A_1469, %get3A_1470] {strides = array<i32>} : memref<128x128xf32, #tpu.memory_space<vmem>>, vector<1x16xf32>,
          %get3A_1472 = vector.shape_cast %get3A_1471 : vector<1x16xf32> to vector<16xf32>
          %mul3A_1473 = arith.mulf %get3A_1472, %gather3A_1454 : vector<16xf32>
          %swap3A_1474 = arith.index_cast %add3A_1458 : i32 to index
          %swap3A_1475 = arith.constant 16 : index
          %swap3A_1476 = tpu.vector_load %arg13[%swap3A_1474, %swap3A_1475] {strides = array<i32>} : memref<128x128xf32, #tpu.memory_space<vmem>>, vector<1x16xf32>,
          %swap3A_1477 = vector.shape_cast %swap3A_1476 : vector<1x16xf32> to vector<16xf32>
          %swap3A_1478 = vector.shape_cast %mul3A_1473 : vector<16xf32> to vector<1x16xf32>
          tpu.vector_store %arg13[%swap3A_1474, %swap3A_1475], %swap3A_1478 {strides = array<i32>} : memref<128x128xf32, #tpu.memory_space<vmem>>, vector<1x16xf32>,
          %get3A_1479 = arith.index_cast %add3A_1458 : i32 to index
          %get3A_1480 = arith.constant 32 : index
          %get3A_1481 = tpu.vector_load %arg13[%get3A_1479, %get3A_1480] {strides = array<i32>} : memref<128x128xf32, #tpu.memory_space<vmem>>, vector<1x16xf32>,
          %get3A_1482 = vector.shape_cast %get3A_1481 : vector<1x16xf32> to vector<16xf32>
          %mul3A_1483 = arith.mulf %get3A_1482, %gather3A_1454 : vector<16xf32>
          %swap3A_1484 = arith.index_cast %add3A_1458 : i32 to index
          %swap3A_1485 = arith.constant 32 : index
          %swap3A_1486 = tpu.vector_load %arg13[%swap3A_1484, %swap3A_1485] {strides = array<i32>} : memref<128x128xf32, #tpu.memory_space<vmem>>, vector<1x16xf32>,
          %swap3A_1487 = vector.shape_cast %swap3A_1486 : vector<1x16xf32> to vector<16xf32>
          %swap3A_1488 = vector.shape_cast %mul3A_1483 : vector<16xf32> to vector<1x16xf32>
          tpu.vector_store %arg13[%swap3A_1484, %swap3A_1485], %swap3A_1488 {strides = array<i32>} : memref<128x128xf32, #tpu.memory_space<vmem>>, vector<1x16xf32>,
          %get3A_1489 = arith.index_cast %add3A_1458 : i32 to index
          %get3A_1490 = arith.constant 48 : index
          %get3A_1491 = tpu.vector_load %arg13[%get3A_1489, %get3A_1490] {strides = array<i32>} : memref<128x128xf32, #tpu.memory_space<vmem>>, vector<1x16xf32>,
          %get3A_1492 = vector.shape_cast %get3A_1491 : vector<1x16xf32> to vector<16xf32>
          %mul3A_1493 = arith.mulf %get3A_1492, %gather3A_1454 : vector<16xf32>
          %swap3A_1494 = arith.index_cast %add3A_1458 : i32 to index
          %swap3A_1495 = arith.constant 48 : index
          %swap3A_1496 = tpu.vector_load %arg13[%swap3A_1494, %swap3A_1495] {strides = array<i32>} : memref<128x128xf32, #tpu.memory_space<vmem>>, vector<1x16xf32>,
          %swap3A_1497 = vector.shape_cast %swap3A_1496 : vector<1x16xf32> to vector<16xf32>
          %swap3A_1498 = vector.shape_cast %mul3A_1493 : vector<16xf32> to vector<1x16xf32>
          tpu.vector_store %arg13[%swap3A_1494, %swap3A_1495], %swap3A_1498 {strides = array<i32>} : memref<128x128xf32, #tpu.memory_space<vmem>>, vector<1x16xf32>,
          %get3A_1499 = arith.index_cast %add3A_1458 : i32 to index
          %get3A_1500 = arith.constant 64 : index
          %get3A_1501 = tpu.vector_load %arg13[%get3A_1499, %get3A_1500] {strides = array<i32>} : memref<128x128xf32, #tpu.memory_space<vmem>>, vector<1x16xf32>,
          %get3A_1502 = vector.shape_cast %get3A_1501 : vector<1x16xf32> to vector<16xf32>
          %mul3A_1503 = arith.mulf %get3A_1502, %gather3A_1454 : vector<16xf32>
          %swap3A_1504 = arith.index_cast %add3A_1458 : i32 to index
          %swap3A_1505 = arith.constant 64 : index
          %swap3A_1506 = tpu.vector_load %arg13[%swap3A_1504, %swap3A_1505] {strides = array<i32>} : memref<128x128xf32, #tpu.memory_space<vmem>>, vector<1x16xf32>,
          %swap3A_1507 = vector.shape_cast %swap3A_1506 : vector<1x16xf32> to vector<16xf32>
          %swap3A_1508 = vector.shape_cast %mul3A_1503 : vector<16xf32> to vector<1x16xf32>
          tpu.vector_store %arg13[%swap3A_1504, %swap3A_1505], %swap3A_1508 {strides = array<i32>} : memref<128x128xf32, #tpu.memory_space<vmem>>, vector<1x16xf32>,
          %get3A_1509 = arith.index_cast %add3A_1458 : i32 to index
          %get3A_1510 = arith.constant 80 : index
          %get3A_1511 = tpu.vector_load %arg13[%get3A_1509, %get3A_1510] {strides = array<i32>} : memref<128x128xf32, #tpu.memory_space<vmem>>, vector<1x16xf32>,
          %get3A_1512 = vector.shape_cast %get3A_1511 : vector<1x16xf32> to vector<16xf32>
          %mul3A_1513 = arith.mulf %get3A_1512, %gather3A_1454 : vector<16xf32>
          %swap3A_1514 = arith.index_cast %add3A_1458 : i32 to index
          %swap3A_1515 = arith.constant 80 : index
          %swap3A_1516 = tpu.vector_load %arg13[%swap3A_1514, %swap3A_1515] {strides = array<i32>} : memref<128x128xf32, #tpu.memory_space<vmem>>, vector<1x16xf32>,
          %swap3A_1517 = vector.shape_cast %swap3A_1516 : vector<1x16xf32> to vector<16xf32>
          %swap3A_1518 = vector.shape_cast %mul3A_1513 : vector<16xf32> to vector<1x16xf32>
          tpu.vector_store %arg13[%swap3A_1514, %swap3A_1515], %swap3A_1518 {strides = array<i32>} : memref<128x128xf32, #tpu.memory_space<vmem>>, vector<1x16xf32>,
          %get3A_1519 = arith.index_cast %add3A_1458 : i32 to index
          %get3A_1520 = arith.constant 96 : index
          %get3A_1521 = tpu.vector_load %arg13[%get3A_1519, %get3A_1520] {strides = array<i32>} : memref<128x128xf32, #tpu.memory_space<vmem>>, vector<1x16xf32>,
          %get3A_1522 = vector.shape_cast %get3A_1521 : vector<1x16xf32> to vector<16xf32>
          %mul3A_1523 = arith.mulf %get3A_1522, %gather3A_1454 : vector<16xf32>
          %swap3A_1524 = arith.index_cast %add3A_1458 : i32 to index
          %swap3A_1525 = arith.constant 96 : index
          %swap3A_1526 = tpu.vector_load %arg13[%swap3A_1524, %swap3A_1525] {strides = array<i32>} : memref<128x128xf32, #tpu.memory_space<vmem>>, vector<1x16xf32>,
          %swap3A_1527 = vector.shape_cast %swap3A_1526 : vector<1x16xf32> to vector<16xf32>
          %swap3A_1528 = vector.shape_cast %mul3A_1523 : vector<16xf32> to vector<1x16xf32>
          tpu.vector_store %arg13[%swap3A_1524, %swap3A_1525], %swap3A_1528 {strides = array<i32>} : memref<128x128xf32, #tpu.memory_space<vmem>>, vector<1x16xf32>,
          %get3A_1529 = arith.index_cast %add3A_1458 : i32 to index
          %get3A_1530 = arith.constant 112 : index
          %get3A_1531 = tpu.vector_load %arg13[%get3A_1529, %get3A_1530] {strides = array<i32>} : memref<128x128xf32, #tpu.memory_space<vmem>>, vector<1x16xf32>,
          %get3A_1532 = vector.shape_cast %get3A_1531 : vector<1x16xf32> to vector<16xf32>
          %mul3A_1533 = arith.mulf %get3A_1532, %gather3A_1454 : vector<16xf32>
          %swap3A_1534 = arith.index_cast %add3A_1458 : i32 to index
          %swap3A_1535 = arith.constant 112 : index
          %swap3A_1536 = tpu.vector_load %arg13[%swap3A_1534, %swap3A_1535] {strides = array<i32>} : memref<128x128xf32, #tpu.memory_space<vmem>>, vector<1x16xf32>,
          %swap3A_1537 = vector.shape_cast %swap3A_1536 : vector<1x16xf32> to vector<16xf32>
          %swap3A_1538 = vector.shape_cast %mul3A_1533 : vector<16xf32> to vector<1x16xf32>
          tpu.vector_store %arg13[%swap3A_1534, %swap3A_1535], %swap3A_1538 {strides = array<i32>} : memref<128x128xf32, #tpu.memory_space<vmem>>, vector<1x16xf32>,
          %broadcast_in_dim3A_1539 = arith.constant 14 : i32
          %broadcast_in_dim3A_1540 = vector.broadcast %broadcast_in_dim3A_1539 : i32 to vector<16xi32>
          %lt3A_1541 = arith.constant 0 : i32
          %lt3A_1542 = vector.broadcast %lt3A_1541 : i32 to vector<16xi32>
          %lt3A_1543 = arith.cmpi slt, %broadcast_in_dim3A_1540, %lt3A_1542 : vector<16xi32>
          %add3A_1544 = arith.constant 16 : i32
          %add3A_1545 = vector.broadcast %add3A_1544 : i32 to vector<16xi32>
          %add3A_1546 = arith.addi %broadcast_in_dim3A_1540, %add3A_1545 : vector<16xi32>
          %select_n3A_1547 = arith.select %lt3A_1543, %add3A_1546, %broadcast_in_dim3A_1540 : vector<16xi1>, vector<16xi32>
          %broadcast_in_dim3A_1548 = vector.shape_cast %select_n3A_1547 : vector<16xi32> to vector<16x1xi32>
          %gather3A_1549 = vector.shape_cast %broadcast_in_dim3A_1548 : vector<16x1xi32> to vector<16xi32>
          %gather3A_1550 = tpu.dynamic_gather %get3A_197[%gather3A_1549] in [0] : vector<16xf32>, vector<16xi32> -> vector<16xf32>
          %mul3A_1551 = arith.constant 16 : i32
          %mul3A_1552 = arith.muli %scan3A_190, %mul3A_1551 : i32
          %add3A_1553 = arith.constant 14 : i32
          %add3A_1554 = arith.addi %mul3A_1552, %add3A_1553 : i32
          %get3A_1555 = arith.index_cast %add3A_1554 : i32 to index
          %get3A_1556 = arith.constant 0 : index
          %get3A_1557 = tpu.vector_load %arg13[%get3A_1555, %get3A_1556] {strides = array<i32>} : memref<128x128xf32, #tpu.memory_space<vmem>>, vector<1x16xf32>,
          %get3A_1558 = vector.shape_cast %get3A_1557 : vector<1x16xf32> to vector<16xf32>
          %mul3A_1559 = arith.mulf %get3A_1558, %gather3A_1550 : vector<16xf32>
          %swap3A_1560 = arith.index_cast %add3A_1554 : i32 to index
          %swap3A_1561 = arith.constant 0 : index
          %swap3A_1562 = tpu.vector_load %arg13[%swap3A_1560, %swap3A_1561] {strides = array<i32>} : memref<128x128xf32, #tpu.memory_space<vmem>>, vector<1x16xf32>,
          %swap3A_1563 = vector.shape_cast %swap3A_1562 : vector<1x16xf32> to vector<16xf32>
          %swap3A_1564 = vector.shape_cast %mul3A_1559 : vector<16xf32> to vector<1x16xf32>
          tpu.vector_store %arg13[%swap3A_1560, %swap3A_1561], %swap3A_1564 {strides = array<i32>} : memref<128x128xf32, #tpu.memory_space<vmem>>, vector<1x16xf32>,
          %get3A_1565 = arith.index_cast %add3A_1554 : i32 to index
          %get3A_1566 = arith.constant 16 : index
          %get3A_1567 = tpu.vector_load %arg13[%get3A_1565, %get3A_1566] {strides = array<i32>} : memref<128x128xf32, #tpu.memory_space<vmem>>, vector<1x16xf32>,
          %get3A_1568 = vector.shape_cast %get3A_1567 : vector<1x16xf32> to vector<16xf32>
          %mul3A_1569 = arith.mulf %get3A_1568, %gather3A_1550 : vector<16xf32>
          %swap3A_1570 = arith.index_cast %add3A_1554 : i32 to index
          %swap3A_1571 = arith.constant 16 : index
          %swap3A_1572 = tpu.vector_load %arg13[%swap3A_1570, %swap3A_1571] {strides = array<i32>} : memref<128x128xf32, #tpu.memory_space<vmem>>, vector<1x16xf32>,
          %swap3A_1573 = vector.shape_cast %swap3A_1572 : vector<1x16xf32> to vector<16xf32>
          %swap3A_1574 = vector.shape_cast %mul3A_1569 : vector<16xf32> to vector<1x16xf32>
          tpu.vector_store %arg13[%swap3A_1570, %swap3A_1571], %swap3A_1574 {strides = array<i32>} : memref<128x128xf32, #tpu.memory_space<vmem>>, vector<1x16xf32>,
          %get3A_1575 = arith.index_cast %add3A_1554 : i32 to index
          %get3A_1576 = arith.constant 32 : index
          %get3A_1577 = tpu.vector_load %arg13[%get3A_1575, %get3A_1576] {strides = array<i32>} : memref<128x128xf32, #tpu.memory_space<vmem>>, vector<1x16xf32>,
          %get3A_1578 = vector.shape_cast %get3A_1577 : vector<1x16xf32> to vector<16xf32>
          %mul3A_1579 = arith.mulf %get3A_1578, %gather3A_1550 : vector<16xf32>
          %swap3A_1580 = arith.index_cast %add3A_1554 : i32 to index
          %swap3A_1581 = arith.constant 32 : index
          %swap3A_1582 = tpu.vector_load %arg13[%swap3A_1580, %swap3A_1581] {strides = array<i32>} : memref<128x128xf32, #tpu.memory_space<vmem>>, vector<1x16xf32>,
          %swap3A_1583 = vector.shape_cast %swap3A_1582 : vector<1x16xf32> to vector<16xf32>
          %swap3A_1584 = vector.shape_cast %mul3A_1579 : vector<16xf32> to vector<1x16xf32>
          tpu.vector_store %arg13[%swap3A_1580, %swap3A_1581], %swap3A_1584 {strides = array<i32>} : memref<128x128xf32, #tpu.memory_space<vmem>>, vector<1x16xf32>,
          %get3A_1585 = arith.index_cast %add3A_1554 : i32 to index
          %get3A_1586 = arith.constant 48 : index
          %get3A_1587 = tpu.vector_load %arg13[%get3A_1585, %get3A_1586] {strides = array<i32>} : memref<128x128xf32, #tpu.memory_space<vmem>>, vector<1x16xf32>,
          %get3A_1588 = vector.shape_cast %get3A_1587 : vector<1x16xf32> to vector<16xf32>
          %mul3A_1589 = arith.mulf %get3A_1588, %gather3A_1550 : vector<16xf32>
          %swap3A_1590 = arith.index_cast %add3A_1554 : i32 to index
          %swap3A_1591 = arith.constant 48 : index
          %swap3A_1592 = tpu.vector_load %arg13[%swap3A_1590, %swap3A_1591] {strides = array<i32>} : memref<128x128xf32, #tpu.memory_space<vmem>>, vector<1x16xf32>,
          %swap3A_1593 = vector.shape_cast %swap3A_1592 : vector<1x16xf32> to vector<16xf32>
          %swap3A_1594 = vector.shape_cast %mul3A_1589 : vector<16xf32> to vector<1x16xf32>
          tpu.vector_store %arg13[%swap3A_1590, %swap3A_1591], %swap3A_1594 {strides = array<i32>} : memref<128x128xf32, #tpu.memory_space<vmem>>, vector<1x16xf32>,
          %get3A_1595 = arith.index_cast %add3A_1554 : i32 to index
          %get3A_1596 = arith.constant 64 : index
          %get3A_1597 = tpu.vector_load %arg13[%get3A_1595, %get3A_1596] {strides = array<i32>} : memref<128x128xf32, #tpu.memory_space<vmem>>, vector<1x16xf32>,
          %get3A_1598 = vector.shape_cast %get3A_1597 : vector<1x16xf32> to vector<16xf32>
          %mul3A_1599 = arith.mulf %get3A_1598, %gather3A_1550 : vector<16xf32>
          %swap3A_1600 = arith.index_cast %add3A_1554 : i32 to index
          %swap3A_1601 = arith.constant 64 : index
          %swap3A_1602 = tpu.vector_load %arg13[%swap3A_1600, %swap3A_1601] {strides = array<i32>} : memref<128x128xf32, #tpu.memory_space<vmem>>, vector<1x16xf32>,
          %swap3A_1603 = vector.shape_cast %swap3A_1602 : vector<1x16xf32> to vector<16xf32>
          %swap3A_1604 = vector.shape_cast %mul3A_1599 : vector<16xf32> to vector<1x16xf32>
          tpu.vector_store %arg13[%swap3A_1600, %swap3A_1601], %swap3A_1604 {strides = array<i32>} : memref<128x128xf32, #tpu.memory_space<vmem>>, vector<1x16xf32>,
          %get3A_1605 = arith.index_cast %add3A_1554 : i32 to index
          %get3A_1606 = arith.constant 80 : index
          %get3A_1607 = tpu.vector_load %arg13[%get3A_1605, %get3A_1606] {strides = array<i32>} : memref<128x128xf32, #tpu.memory_space<vmem>>, vector<1x16xf32>,
          %get3A_1608 = vector.shape_cast %get3A_1607 : vector<1x16xf32> to vector<16xf32>
          %mul3A_1609 = arith.mulf %get3A_1608, %gather3A_1550 : vector<16xf32>
          %swap3A_1610 = arith.index_cast %add3A_1554 : i32 to index
          %swap3A_1611 = arith.constant 80 : index
          %swap3A_1612 = tpu.vector_load %arg13[%swap3A_1610, %swap3A_1611] {strides = array<i32>} : memref<128x128xf32, #tpu.memory_space<vmem>>, vector<1x16xf32>,
          %swap3A_1613 = vector.shape_cast %swap3A_1612 : vector<1x16xf32> to vector<16xf32>
          %swap3A_1614 = vector.shape_cast %mul3A_1609 : vector<16xf32> to vector<1x16xf32>
          tpu.vector_store %arg13[%swap3A_1610, %swap3A_1611], %swap3A_1614 {strides = array<i32>} : memref<128x128xf32, #tpu.memory_space<vmem>>, vector<1x16xf32>,
          %get3A_1615 = arith.index_cast %add3A_1554 : i32 to index
          %get3A_1616 = arith.constant 96 : index
          %get3A_1617 = tpu.vector_load %arg13[%get3A_1615, %get3A_1616] {strides = array<i32>} : memref<128x128xf32, #tpu.memory_space<vmem>>, vector<1x16xf32>,
          %get3A_1618 = vector.shape_cast %get3A_1617 : vector<1x16xf32> to vector<16xf32>
          %mul3A_1619 = arith.mulf %get3A_1618, %gather3A_1550 : vector<16xf32>
          %swap3A_1620 = arith.index_cast %add3A_1554 : i32 to index
          %swap3A_1621 = arith.constant 96 : index
          %swap3A_1622 = tpu.vector_load %arg13[%swap3A_1620, %swap3A_1621] {strides = array<i32>} : memref<128x128xf32, #tpu.memory_space<vmem>>, vector<1x16xf32>,
          %swap3A_1623 = vector.shape_cast %swap3A_1622 : vector<1x16xf32> to vector<16xf32>
          %swap3A_1624 = vector.shape_cast %mul3A_1619 : vector<16xf32> to vector<1x16xf32>
          tpu.vector_store %arg13[%swap3A_1620, %swap3A_1621], %swap3A_1624 {strides = array<i32>} : memref<128x128xf32, #tpu.memory_space<vmem>>, vector<1x16xf32>,
          %get3A_1625 = arith.index_cast %add3A_1554 : i32 to index
          %get3A_1626 = arith.constant 112 : index
          %get3A_1627 = tpu.vector_load %arg13[%get3A_1625, %get3A_1626] {strides = array<i32>} : memref<128x128xf32, #tpu.memory_space<vmem>>, vector<1x16xf32>,
          %get3A_1628 = vector.shape_cast %get3A_1627 : vector<1x16xf32> to vector<16xf32>
          %mul3A_1629 = arith.mulf %get3A_1628, %gather3A_1550 : vector<16xf32>
          %swap3A_1630 = arith.index_cast %add3A_1554 : i32 to index
          %swap3A_1631 = arith.constant 112 : index
          %swap3A_1632 = tpu.vector_load %arg13[%swap3A_1630, %swap3A_1631] {strides = array<i32>} : memref<128x128xf32, #tpu.memory_space<vmem>>, vector<1x16xf32>,
          %swap3A_1633 = vector.shape_cast %swap3A_1632 : vector<1x16xf32> to vector<16xf32>
          %swap3A_1634 = vector.shape_cast %mul3A_1629 : vector<16xf32> to vector<1x16xf32>
          tpu.vector_store %arg13[%swap3A_1630, %swap3A_1631], %swap3A_1634 {strides = array<i32>} : memref<128x128xf32, #tpu.memory_space<vmem>>, vector<1x16xf32>,
          %broadcast_in_dim3A_1635 = arith.constant 15 : i32
          %broadcast_in_dim3A_1636 = vector.broadcast %broadcast_in_dim3A_1635 : i32 to vector<16xi32>
          %lt3A_1637 = arith.constant 0 : i32
          %lt3A_1638 = vector.broadcast %lt3A_1637 : i32 to vector<16xi32>
          %lt3A_1639 = arith.cmpi slt, %broadcast_in_dim3A_1636, %lt3A_1638 : vector<16xi32>
          %add3A_1640 = arith.constant 16 : i32
          %add3A_1641 = vector.broadcast %add3A_1640 : i32 to vector<16xi32>
          %add3A_1642 = arith.addi %broadcast_in_dim3A_1636, %add3A_1641 : vector<16xi32>
          %select_n3A_1643 = arith.select %lt3A_1639, %add3A_1642, %broadcast_in_dim3A_1636 : vector<16xi1>, vector<16xi32>
          %broadcast_in_dim3A_1644 = vector.shape_cast %select_n3A_1643 : vector<16xi32> to vector<16x1xi32>
          %gather3A_1645 = vector.shape_cast %broadcast_in_dim3A_1644 : vector<16x1xi32> to vector<16xi32>
          %gather3A_1646 = tpu.dynamic_gather %get3A_197[%gather3A_1645] in [0] : vector<16xf32>, vector<16xi32> -> vector<16xf32>
          %mul3A_1647 = arith.constant 16 : i32
          %mul3A_1648 = arith.muli %scan3A_190, %mul3A_1647 : i32
          %add3A_1649 = arith.constant 15 : i32
          %add3A_1650 = arith.addi %mul3A_1648, %add3A_1649 : i32
          %get3A_1651 = arith.index_cast %add3A_1650 : i32 to index
          %get3A_1652 = arith.constant 0 : index
          %get3A_1653 = tpu.vector_load %arg13[%get3A_1651, %get3A_1652] {strides = array<i32>} : memref<128x128xf32, #tpu.memory_space<vmem>>, vector<1x16xf32>,
          %get3A_1654 = vector.shape_cast %get3A_1653 : vector<1x16xf32> to vector<16xf32>
          %mul3A_1655 = arith.mulf %get3A_1654, %gather3A_1646 : vector<16xf32>
          %swap3A_1656 = arith.index_cast %add3A_1650 : i32 to index
          %swap3A_1657 = arith.constant 0 : index
          %swap3A_1658 = tpu.vector_load %arg13[%swap3A_1656, %swap3A_1657] {strides = array<i32>} : memref<128x128xf32, #tpu.memory_space<vmem>>, vector<1x16xf32>,
          %swap3A_1659 = vector.shape_cast %swap3A_1658 : vector<1x16xf32> to vector<16xf32>
          %swap3A_1660 = vector.shape_cast %mul3A_1655 : vector<16xf32> to vector<1x16xf32>
          tpu.vector_store %arg13[%swap3A_1656, %swap3A_1657], %swap3A_1660 {strides = array<i32>} : memref<128x128xf32, #tpu.memory_space<vmem>>, vector<1x16xf32>,
          %get3A_1661 = arith.index_cast %add3A_1650 : i32 to index
          %get3A_1662 = arith.constant 16 : index
          %get3A_1663 = tpu.vector_load %arg13[%get3A_1661, %get3A_1662] {strides = array<i32>} : memref<128x128xf32, #tpu.memory_space<vmem>>, vector<1x16xf32>,
          %get3A_1664 = vector.shape_cast %get3A_1663 : vector<1x16xf32> to vector<16xf32>
          %mul3A_1665 = arith.mulf %get3A_1664, %gather3A_1646 : vector<16xf32>
          %swap3A_1666 = arith.index_cast %add3A_1650 : i32 to index
          %swap3A_1667 = arith.constant 16 : index
          %swap3A_1668 = tpu.vector_load %arg13[%swap3A_1666, %swap3A_1667] {strides = array<i32>} : memref<128x128xf32, #tpu.memory_space<vmem>>, vector<1x16xf32>,
          %swap3A_1669 = vector.shape_cast %swap3A_1668 : vector<1x16xf32> to vector<16xf32>
          %swap3A_1670 = vector.shape_cast %mul3A_1665 : vector<16xf32> to vector<1x16xf32>
          tpu.vector_store %arg13[%swap3A_1666, %swap3A_1667], %swap3A_1670 {strides = array<i32>} : memref<128x128xf32, #tpu.memory_space<vmem>>, vector<1x16xf32>,
          %get3A_1671 = arith.index_cast %add3A_1650 : i32 to index
          %get3A_1672 = arith.constant 32 : index
          %get3A_1673 = tpu.vector_load %arg13[%get3A_1671, %get3A_1672] {strides = array<i32>} : memref<128x128xf32, #tpu.memory_space<vmem>>, vector<1x16xf32>,
          %get3A_1674 = vector.shape_cast %get3A_1673 : vector<1x16xf32> to vector<16xf32>
          %mul3A_1675 = arith.mulf %get3A_1674, %gather3A_1646 : vector<16xf32>
          %swap3A_1676 = arith.index_cast %add3A_1650 : i32 to index
          %swap3A_1677 = arith.constant 32 : index
          %swap3A_1678 = tpu.vector_load %arg13[%swap3A_1676, %swap3A_1677] {strides = array<i32>} : memref<128x128xf32, #tpu.memory_space<vmem>>, vector<1x16xf32>,
          %swap3A_1679 = vector.shape_cast %swap3A_1678 : vector<1x16xf32> to vector<16xf32>
          %swap3A_1680 = vector.shape_cast %mul3A_1675 : vector<16xf32> to vector<1x16xf32>
          tpu.vector_store %arg13[%swap3A_1676, %swap3A_1677], %swap3A_1680 {strides = array<i32>} : memref<128x128xf32, #tpu.memory_space<vmem>>, vector<1x16xf32>,
          %get3A_1681 = arith.index_cast %add3A_1650 : i32 to index
          %get3A_1682 = arith.constant 48 : index
          %get3A_1683 = tpu.vector_load %arg13[%get3A_1681, %get3A_1682] {strides = array<i32>} : memref<128x128xf32, #tpu.memory_space<vmem>>, vector<1x16xf32>,
          %get3A_1684 = vector.shape_cast %get3A_1683 : vector<1x16xf32> to vector<16xf32>
          %mul3A_1685 = arith.mulf %get3A_1684, %gather3A_1646 : vector<16xf32>
          %swap3A_1686 = arith.index_cast %add3A_1650 : i32 to index
          %swap3A_1687 = arith.constant 48 : index
          %swap3A_1688 = tpu.vector_load %arg13[%swap3A_1686, %swap3A_1687] {strides = array<i32>} : memref<128x128xf32, #tpu.memory_space<vmem>>, vector<1x16xf32>,
          %swap3A_1689 = vector.shape_cast %swap3A_1688 : vector<1x16xf32> to vector<16xf32>
          %swap3A_1690 = vector.shape_cast %mul3A_1685 : vector<16xf32> to vector<1x16xf32>
          tpu.vector_store %arg13[%swap3A_1686, %swap3A_1687], %swap3A_1690 {strides = array<i32>} : memref<128x128xf32, #tpu.memory_space<vmem>>, vector<1x16xf32>,
          %get3A_1691 = arith.index_cast %add3A_1650 : i32 to index
          %get3A_1692 = arith.constant 64 : index
          %get3A_1693 = tpu.vector_load %arg13[%get3A_1691, %get3A_1692] {strides = array<i32>} : memref<128x128xf32, #tpu.memory_space<vmem>>, vector<1x16xf32>,
          %get3A_1694 = vector.shape_cast %get3A_1693 : vector<1x16xf32> to vector<16xf32>
          %mul3A_1695 = arith.mulf %get3A_1694, %gather3A_1646 : vector<16xf32>
          %swap3A_1696 = arith.index_cast %add3A_1650 : i32 to index
          %swap3A_1697 = arith.constant 64 : index
          %swap3A_1698 = tpu.vector_load %arg13[%swap3A_1696, %swap3A_1697] {strides = array<i32>} : memref<128x128xf32, #tpu.memory_space<vmem>>, vector<1x16xf32>,
          %swap3A_1699 = vector.shape_cast %swap3A_1698 : vector<1x16xf32> to vector<16xf32>
          %swap3A_1700 = vector.shape_cast %mul3A_1695 : vector<16xf32> to vector<1x16xf32>
          tpu.vector_store %arg13[%swap3A_1696, %swap3A_1697], %swap3A_1700 {strides = array<i32>} : memref<128x128xf32, #tpu.memory_space<vmem>>, vector<1x16xf32>,
          %get3A_1701 = arith.index_cast %add3A_1650 : i32 to index
          %get3A_1702 = arith.constant 80 : index
          %get3A_1703 = tpu.vector_load %arg13[%get3A_1701, %get3A_1702] {strides = array<i32>} : memref<128x128xf32, #tpu.memory_space<vmem>>, vector<1x16xf32>,
          %get3A_1704 = vector.shape_cast %get3A_1703 : vector<1x16xf32> to vector<16xf32>
          %mul3A_1705 = arith.mulf %get3A_1704, %gather3A_1646 : vector<16xf32>
          %swap3A_1706 = arith.index_cast %add3A_1650 : i32 to index
          %swap3A_1707 = arith.constant 80 : index
          %swap3A_1708 = tpu.vector_load %arg13[%swap3A_1706, %swap3A_1707] {strides = array<i32>} : memref<128x128xf32, #tpu.memory_space<vmem>>, vector<1x16xf32>,
          %swap3A_1709 = vector.shape_cast %swap3A_1708 : vector<1x16xf32> to vector<16xf32>
          %swap3A_1710 = vector.shape_cast %mul3A_1705 : vector<16xf32> to vector<1x16xf32>
          tpu.vector_store %arg13[%swap3A_1706, %swap3A_1707], %swap3A_1710 {strides = array<i32>} : memref<128x128xf32, #tpu.memory_space<vmem>>, vector<1x16xf32>,
          %get3A_1711 = arith.index_cast %add3A_1650 : i32 to index
          %get3A_1712 = arith.constant 96 : index
          %get3A_1713 = tpu.vector_load %arg13[%get3A_1711, %get3A_1712] {strides = array<i32>} : memref<128x128xf32, #tpu.memory_space<vmem>>, vector<1x16xf32>,
          %get3A_1714 = vector.shape_cast %get3A_1713 : vector<1x16xf32> to vector<16xf32>
          %mul3A_1715 = arith.mulf %get3A_1714, %gather3A_1646 : vector<16xf32>
          %swap3A_1716 = arith.index_cast %add3A_1650 : i32 to index
          %swap3A_1717 = arith.constant 96 : index
          %swap3A_1718 = tpu.vector_load %arg13[%swap3A_1716, %swap3A_1717] {strides = array<i32>} : memref<128x128xf32, #tpu.memory_space<vmem>>, vector<1x16xf32>,
          %swap3A_1719 = vector.shape_cast %swap3A_1718 : vector<1x16xf32> to vector<16xf32>
          %swap3A_1720 = vector.shape_cast %mul3A_1715 : vector<16xf32> to vector<1x16xf32>
          tpu.vector_store %arg13[%swap3A_1716, %swap3A_1717], %swap3A_1720 {strides = array<i32>} : memref<128x128xf32, #tpu.memory_space<vmem>>, vector<1x16xf32>,
          %get3A_1721 = arith.index_cast %add3A_1650 : i32 to index
          %get3A_1722 = arith.constant 112 : index
          %get3A_1723 = tpu.vector_load %arg13[%get3A_1721, %get3A_1722] {strides = array<i32>} : memref<128x128xf32, #tpu.memory_space<vmem>>, vector<1x16xf32>,
          %get3A_1724 = vector.shape_cast %get3A_1723 : vector<1x16xf32> to vector<16xf32>
          %mul3A_1725 = arith.mulf %get3A_1724, %gather3A_1646 : vector<16xf32>
          %swap3A_1726 = arith.index_cast %add3A_1650 : i32 to index
          %swap3A_1727 = arith.constant 112 : index
          %swap3A_1728 = tpu.vector_load %arg13[%swap3A_1726, %swap3A_1727] {strides = array<i32>} : memref<128x128xf32, #tpu.memory_space<vmem>>, vector<1x16xf32>,
          %swap3A_1729 = vector.shape_cast %swap3A_1728 : vector<1x16xf32> to vector<16xf32>
          %swap3A_1730 = vector.shape_cast %mul3A_1725 : vector<16xf32> to vector<1x16xf32>
          tpu.vector_store %arg13[%swap3A_1726, %swap3A_1727], %swap3A_1730 {strides = array<i32>} : memref<128x128xf32, #tpu.memory_space<vmem>>, vector<1x16xf32>,
        }
        %scan3A_179 = arith.constant 8 : i32
        %dma_start3A_180 = arith.constant 0 : i32
        %dma_start3A_181 = tpu.memref_slice %arg10[%add3A_147, %dma_start3A_180] : memref<16x128xi32, #tpu.memory_space<vmem>> -> memref<1x128xi32, #tpu.memory_space<vmem>>
        %dma_start3A_182 = tpu.memref_squeeze %dma_start3A_181 : memref<1x128xi32, #tpu.memory_space<vmem>> -> memref<128xi32, #tpu.memory_space<vmem>>
        %dma_start3A_183 = arith.constant 0 : i32
        %dma_start3A_184 = arith.constant 0 : i32
        %dma_start3A_185 = tpu.memref_slice %arg7[%dma_start3A_183, %dma_start3A_184] : memref<10000x128xf32, #tpu.memory_space<vmem_shared>> -> memref<10000x128xf32, #tpu.memory_space<vmem_shared>>
        tpu.enqueue_indirect_dma source(%arg13 : memref<128x128xf32, #tpu.memory_space<vmem>>) target(%dma_start3A_185 : memref<10000x128xf32, #tpu.memory_space<vmem_shared>>) offsets(%dma_start3A_182 : memref<128xi32, #tpu.memory_space<vmem>>) semaphore(%arg17 : memref<!tpu.dma_semaphore, #tpu.memory_space<semaphore_mem>>) {add = true}
        %lt3A = arith.constant 7 : i32
        %lt3A_186 = arith.cmpi slt, %scan3A_141, %lt3A : i32
        %convert_element_type3A_187 = arith.extui %lt3A_186 : i1 to i32
        %cond3A_188 = arith.constant 0 : i32
        %cond3A_189 = arith.cmpi ne, %convert_element_type3A_187, %cond3A_188 : i32
        scf.if %cond3A_189 {
          %dma_wait3A_190 = arith.constant 0 : i32
          %dma_wait3A_191 = arith.constant 0 : i32
          %dma_wait3A_192 = tpu.memref_slice %arg10[%dma_wait3A_190, %dma_wait3A_191] : memref<16x128xi32, #tpu.memory_space<vmem>> -> memref<1x128xi32, #tpu.memory_space<vmem>>
          %dma_wait3A_193 = tpu.memref_squeeze %dma_wait3A_192 : memref<1x128xi32, #tpu.memory_space<vmem>> -> memref<128xi32, #tpu.memory_space<vmem>>
          %dma_wait3A_194 = arith.constant 0 : i32
          %dma_wait3A_195 = arith.constant 0 : i32
          %dma_wait3A_196 = tpu.memref_slice %arg7[%dma_wait3A_194, %dma_wait3A_195] : memref<10000x128xf32, #tpu.memory_space<vmem_shared>> -> memref<10000x128xf32, #tpu.memory_space<vmem_shared>>
          tpu.wait_indirect_dma semaphore(%arg16 : memref<!tpu.dma_semaphore, #tpu.memory_space<semaphore_mem>>) src(%arg12 : memref<128x128xf32, #tpu.memory_space<vmem>>) dst(%dma_wait3A_196 : memref<10000x128xf32, #tpu.memory_space<vmem_shared>>)
          %add3A_197 = arith.constant 2 : i32
          %add3A_198 = arith.addi %mul3A_143, %add3A_197 : i32
          %dma_start3A_199 = arith.constant 0 : i32
          %dma_start3A_200 = tpu.memref_slice %arg9[%add3A_198, %dma_start3A_199] : memref<16x128xi32, #tpu.memory_space<vmem>> -> memref<1x128xi32, #tpu.memory_space<vmem>>
          %dma_start3A_201 = tpu.memref_squeeze %dma_start3A_200 : memref<1x128xi32, #tpu.memory_space<vmem>> -> memref<128xi32, #tpu.memory_space<vmem>>
          %dma_start3A_202 = arith.constant 0 : i32
          %dma_start3A_203 = arith.constant 0 : i32
          %dma_start3A_204 = tpu.memref_slice %arg2[%dma_start3A_202, %dma_start3A_203] : memref<10000x128xf32, #tpu.memory_space<hbm>> -> memref<10000x128xf32, #tpu.memory_space<hbm>>
          tpu.enqueue_indirect_dma source(%dma_start3A_204 : memref<10000x128xf32, #tpu.memory_space<hbm>>) target(%arg12 : memref<128x128xf32, #tpu.memory_space<vmem>>) offsets(%dma_start3A_201 : memref<128xi32, #tpu.memory_space<vmem>>) semaphore(%arg14 : memref<!tpu.dma_semaphore, #tpu.memory_space<semaphore_mem>>)
          %dma_wait3A_205 = arith.constant 0 : i32
          %dma_wait3A_206 = arith.constant 0 : i32
          %dma_wait3A_207 = tpu.memref_slice %arg10[%dma_wait3A_205, %dma_wait3A_206] : memref<16x128xi32, #tpu.memory_space<vmem>> -> memref<1x128xi32, #tpu.memory_space<vmem>>
          %dma_wait3A_208 = tpu.memref_squeeze %dma_wait3A_207 : memref<1x128xi32, #tpu.memory_space<vmem>> -> memref<128xi32, #tpu.memory_space<vmem>>
          %dma_wait3A_209 = arith.constant 0 : i32
          %dma_wait3A_210 = arith.constant 0 : i32
          %dma_wait3A_211 = tpu.memref_slice %arg7[%dma_wait3A_209, %dma_wait3A_210] : memref<10000x128xf32, #tpu.memory_space<vmem_shared>> -> memref<10000x128xf32, #tpu.memory_space<vmem_shared>>
          tpu.wait_indirect_dma semaphore(%arg17 : memref<!tpu.dma_semaphore, #tpu.memory_space<semaphore_mem>>) src(%arg13 : memref<128x128xf32, #tpu.memory_space<vmem>>) dst(%dma_wait3A_211 : memref<10000x128xf32, #tpu.memory_space<vmem_shared>>)
          %add3A_212 = arith.constant 2 : i32
          %add3A_213 = arith.addi %add3A_147, %add3A_212 : i32
          %dma_start3A_214 = arith.constant 0 : i32
          %dma_start3A_215 = tpu.memref_slice %arg9[%add3A_213, %dma_start3A_214] : memref<16x128xi32, #tpu.memory_space<vmem>> -> memref<1x128xi32, #tpu.memory_space<vmem>>
          %dma_start3A_216 = tpu.memref_squeeze %dma_start3A_215 : memref<1x128xi32, #tpu.memory_space<vmem>> -> memref<128xi32, #tpu.memory_space<vmem>>
          %dma_start3A_217 = arith.constant 0 : i32
          %dma_start3A_218 = arith.constant 0 : i32
          %dma_start3A_219 = tpu.memref_slice %arg2[%dma_start3A_217, %dma_start3A_218] : memref<10000x128xf32, #tpu.memory_space<hbm>> -> memref<10000x128xf32, #tpu.memory_space<hbm>>
          tpu.enqueue_indirect_dma source(%dma_start3A_219 : memref<10000x128xf32, #tpu.memory_space<hbm>>) target(%arg13 : memref<128x128xf32, #tpu.memory_space<vmem>>) offsets(%dma_start3A_216 : memref<128xi32, #tpu.memory_space<vmem>>) semaphore(%arg15 : memref<!tpu.dma_semaphore, #tpu.memory_space<semaphore_mem>>)
        } else {
        }
      }
      %scan3A_127 = arith.constant 8 : i32
      %dma_wait3A = arith.constant 0 : i32
      %dma_wait3A_128 = arith.constant 0 : i32
      %dma_wait3A_129 = tpu.memref_slice %arg10[%dma_wait3A, %dma_wait3A_128] : memref<16x128xi32, #tpu.memory_space<vmem>> -> memref<1x128xi32, #tpu.memory_space<vmem>>
      %dma_wait3A_130 = tpu.memref_squeeze %dma_wait3A_129 : memref<1x128xi32, #tpu.memory_space<vmem>> -> memref<128xi32, #tpu.memory_space<vmem>>
      %dma_wait3A_131 = arith.constant 0 : i32
      %dma_wait3A_132 = arith.constant 0 : i32
      %dma_wait3A_133 = tpu.memref_slice %arg7[%dma_wait3A_131, %dma_wait3A_132] : memref<10000x128xf32, #tpu.memory_space<vmem_shared>> -> memref<10000x128xf32, #tpu.memory_space<vmem_shared>>
      tpu.wait_indirect_dma semaphore(%arg16 : memref<!tpu.dma_semaphore, #tpu.memory_space<semaphore_mem>>) src(%arg12 : memref<128x128xf32, #tpu.memory_space<vmem>>) dst(%dma_wait3A_133 : memref<10000x128xf32, #tpu.memory_space<vmem_shared>>)
      %dma_wait3A_134 = arith.constant 0 : i32
      %dma_wait3A_135 = arith.constant 0 : i32
      %dma_wait3A_136 = tpu.memref_slice %arg10[%dma_wait3A_134, %dma_wait3A_135] : memref<16x128xi32, #tpu.memory_space<vmem>> -> memref<1x128xi32, #tpu.memory_space<vmem>>
      %dma_wait3A_137 = tpu.memref_squeeze %dma_wait3A_136 : memref<1x128xi32, #tpu.memory_space<vmem>> -> memref<128xi32, #tpu.memory_space<vmem>>
      %dma_wait3A_138 = arith.constant 0 : i32
      %dma_wait3A_139 = arith.constant 0 : i32
      %dma_wait3A_140 = tpu.memref_slice %arg7[%dma_wait3A_138, %dma_wait3A_139] : memref<10000x128xf32, #tpu.memory_space<vmem_shared>> -> memref<10000x128xf32, #tpu.memory_space<vmem_shared>>
      tpu.wait_indirect_dma semaphore(%arg17 : memref<!tpu.dma_semaphore, #tpu.memory_space<semaphore_mem>>) src(%arg13 : memref<128x128xf32, #tpu.memory_space<vmem>>) dst(%dma_wait3A_140 : memref<10000x128xf32, #tpu.memory_space<vmem_shared>>)
    }
    %scan3A_94 = arith.constant 5 : i32
    %barrier3A_95 = arith.constant 0 : index
    tpu.barrier barrier_id(%barrier3A_95)
    "tpu.region"() ({
      %run_scoped3A = tpu.sem_alloc : memref<!tpu.dma_semaphore, #tpu.memory_space<semaphore_mem>>
      %dma_start3A = arith.constant 0 : i32
      %dma_start3A_101 = tpu.memref_slice %arg6[%arg0, %mul3A_8, %dma_start3A] : memref<2x10000x128xf32, #tpu.memory_space<hbm>> -> memref<1x624x128xf32, #tpu.memory_space<hbm>>
      %dma_start3A_102 = tpu.memref_squeeze %dma_start3A_101 : memref<1x624x128xf32, #tpu.memory_space<hbm>> -> memref<624x128xf32, #tpu.memory_space<hbm>>
      %dma_start3A_103 = arith.constant 0 : i32
      %dma_start3A_104 = tpu.memref_slice %arg7[%mul3A_8, %dma_start3A_103] : memref<10000x128xf32, #tpu.memory_space<vmem_shared>> -> memref<624x128xf32, #tpu.memory_space<vmem_shared>>
      tpu.enqueue_dma source(%dma_start3A_104 : memref<624x128xf32, #tpu.memory_space<vmem_shared>>) target(%dma_start3A_102 : memref<624x128xf32, #tpu.memory_space<hbm>>) target_semaphore(%run_scoped3A : memref<!tpu.dma_semaphore, #tpu.memory_space<semaphore_mem>>)
      %dma_wait3A = arith.constant 0 : i32
      %dma_wait3A_105 = tpu.memref_slice %arg6[%arg0, %mul3A_8, %dma_wait3A] : memref<2x10000x128xf32, #tpu.memory_space<hbm>> -> memref<1x624x128xf32, #tpu.memory_space<hbm>>
      %dma_wait3A_106 = tpu.memref_squeeze %dma_wait3A_105 : memref<1x624x128xf32, #tpu.memory_space<hbm>> -> memref<624x128xf32, #tpu.memory_space<hbm>>
      %dma_wait3A_107 = arith.constant 0 : i32
      %dma_wait3A_108 = tpu.memref_slice %arg7[%mul3A_8, %dma_wait3A_107] : memref<10000x128xf32, #tpu.memory_space<vmem_shared>> -> memref<624x128xf32, #tpu.memory_space<vmem_shared>>
      tpu.wait_dma2 semaphore(%run_scoped3A : memref<!tpu.dma_semaphore, #tpu.memory_space<semaphore_mem>>) src(%dma_wait3A_108 : memref<624x128xf32, #tpu.memory_space<vmem_shared>>) dst(%dma_wait3A_106 : memref<624x128xf32, #tpu.memory_space<hbm>>)
      tpu.yield
    }) : () -> ()
    %eq3A_96 = arith.constant 0 : i32
    %eq3A_97 = arith.cmpi eq, %arg1, %eq3A_96 : i32
    %convert_element_type3A_98 = arith.extui %eq3A_97 : i1 to i32
    %cond3A_99 = arith.constant 0 : i32
    %cond3A_100 = arith.cmpi ne, %convert_element_type3A_98, %cond3A_99 : i32
    scf.if %cond3A_100 {
      "tpu.region"() ({
        %run_scoped3A = tpu.sem_alloc : memref<!tpu.dma_semaphore, #tpu.memory_space<semaphore_mem>>
        %dma_start3A = arith.constant 9984 : i32
        %dma_start3A_101 = arith.constant 0 : i32
        %dma_start3A_102 = tpu.memref_slice %arg6[%arg0, %dma_start3A, %dma_start3A_101] : memref<2x10000x128xf32, #tpu.memory_space<hbm>> -> memref<1x16x128xf32, #tpu.memory_space<hbm>>
        %dma_start3A_103 = tpu.memref_squeeze %dma_start3A_102 : memref<1x16x128xf32, #tpu.memory_space<hbm>> -> memref<16x128xf32, #tpu.memory_space<hbm>>
        %dma_start3A_104 = arith.constant 9984 : i32
        %dma_start3A_105 = arith.constant 0 : i32
        %dma_start3A_106 = tpu.memref_slice %arg7[%dma_start3A_104, %dma_start3A_105] : memref<10000x128xf32, #tpu.memory_space<vmem_shared>> -> memref<16x128xf32, #tpu.memory_space<vmem_shared>>
        tpu.enqueue_dma source(%dma_start3A_106 : memref<16x128xf32, #tpu.memory_space<vmem_shared>>) target(%dma_start3A_103 : memref<16x128xf32, #tpu.memory_space<hbm>>) target_semaphore(%run_scoped3A : memref<!tpu.dma_semaphore, #tpu.memory_space<semaphore_mem>>)
        %dma_wait3A = arith.constant 9984 : i32
        %dma_wait3A_107 = arith.constant 0 : i32
        %dma_wait3A_108 = tpu.memref_slice %arg6[%arg0, %dma_wait3A, %dma_wait3A_107] : memref<2x10000x128xf32, #tpu.memory_space<hbm>> -> memref<1x16x128xf32, #tpu.memory_space<hbm>>
        %dma_wait3A_109 = tpu.memref_squeeze %dma_wait3A_108 : memref<1x16x128xf32, #tpu.memory_space<hbm>> -> memref<16x128xf32, #tpu.memory_space<hbm>>
        %dma_wait3A_110 = arith.constant 9984 : i32
        %dma_wait3A_111 = arith.constant 0 : i32
        %dma_wait3A_112 = tpu.memref_slice %arg7[%dma_wait3A_110, %dma_wait3A_111] : memref<10000x128xf32, #tpu.memory_space<vmem_shared>> -> memref<16x128xf32, #tpu.memory_space<vmem_shared>>
        tpu.wait_dma2 semaphore(%run_scoped3A : memref<!tpu.dma_semaphore, #tpu.memory_space<semaphore_mem>>) src(%dma_wait3A_112 : memref<16x128xf32, #tpu.memory_space<vmem_shared>>) dst(%dma_wait3A_109 : memref<16x128xf32, #tpu.memory_space<hbm>>)
        tpu.yield
      }) : () -> ()
    } else {
    }
    return
  }
}

module attributes {stable_mosaic.version = 14 : i64} {
  func.func @_mm_body(%arg0: i32, %arg1: memref<2x2000x128xf32, #tpu.memory_space<vmem>>, %arg2: memref<128x128xf32, #tpu.memory_space<vmem>>, %arg3: memref<2000x128xf32, #tpu.memory_space<vmem>>) attributes {dimension_semantics = [#tpu.dimension_semantics<arbitrary>], iteration_bounds = array<i64: 5>, scalar_prefetch = 0 : i64, scratch_operands = 0 : i64, tpu.core_type = #tpu.core_type<tc>, window_params = [{transform_indices = @transform_0, window_bounds = array<i64: 2, 2000, 128>}, {pipeline_mode = #tpu.pipeline_mode<synchronous>, transform_indices = @transform_1, window_bounds = array<i64: 128, 128>}, {transform_indices = @transform_2, window_bounds = array<i64: 2000, 128>}]} {
    %get3A = arith.constant 0 : index
    %get3A_0 = arith.constant 0 : index
    %get3A_1 = arith.constant 0 : index
    %get3A_2 = vector.load %arg1[%get3A, %get3A_0, %get3A_1] : memref<2x2000x128xf32, #tpu.memory_space<vmem>>, vector<1x2000x128xf32>
    %get3A_3 = vector.shape_cast %get3A_2 : vector<1x2000x128xf32> to vector<2000x128xf32>
    %get3A_4 = arith.constant 1 : index
    %get3A_5 = arith.constant 0 : index
    %get3A_6 = arith.constant 0 : index
    %get3A_7 = vector.load %arg1[%get3A_4, %get3A_5, %get3A_6] : memref<2x2000x128xf32, #tpu.memory_space<vmem>>, vector<1x2000x128xf32>
    %get3A_8 = vector.shape_cast %get3A_7 : vector<1x2000x128xf32> to vector<2000x128xf32>
    %add3A = arith.addf %get3A_3, %get3A_8 : vector<2000x128xf32>
    %get3A_9 = arith.constant 0 : index
    %get3A_10 = arith.constant 0 : index
    %get3A_11 = vector.load %arg2[%get3A_9, %get3A_10] : memref<128x128xf32, #tpu.memory_space<vmem>>, vector<128x128xf32>
    %dot_general3A = arith.constant dense<0.000000e+00> : vector<2000x128xf32>
    %dot_general3A_12 = tpu.matmul %add3A, %get3A_11, %dot_general3A {dimension_numbers = #tpu.dot_dimension_numbers<[1], [0], [0], [1], [0, 0, 1, 1], [], []>, transpose_lhs_hint = false} : vector<2000x128xf32>, vector<128x128xf32>, vector<2000x128xf32> -> vector<2000x128xf32>
    %swap3A = arith.constant 0 : index
    %swap3A_13 = arith.constant 0 : index
    %swap3A_14 = vector.load %arg3[%swap3A, %swap3A_13] : memref<2000x128xf32, #tpu.memory_space<vmem>>, vector<2000x128xf32>
    tpu.vector_store %arg3[%swap3A, %swap3A_13], %dot_general3A_12 {strides = array<i32>} : memref<2000x128xf32, #tpu.memory_space<vmem>>, vector<2000x128xf32>,
    return
  }
  func.func @transform_0(%arg0: i32) -> (i32, i32, i32) {
    %c0_i32 = arith.constant 0 : i32
    %c0_i32_0 = arith.constant 0 : i32
    %c0_i32_1 = arith.constant 0 : i32
    return %c0_i32, %arg0, %c0_i32_0 : i32, i32, i32
  }
  func.func @transform_1(%arg0: i32) -> (i32, i32) {
    %c0_i32 = arith.constant 0 : i32
    %c0_i32_0 = arith.constant 0 : i32
    %c0_i32_1 = arith.constant 0 : i32
    return %c0_i32, %c0_i32_0 : i32, i32
  }
  func.func @transform_2(%arg0: i32) -> (i32, i32) {
    %c0_i32 = arith.constant 0 : i32
    %c0_i32_0 = arith.constant 0 : i32
    return %arg0, %c0_i32 : i32, i32
  }
}

</mosaic_0001>

<sc_bundles>
// kernel: _impl.4.cloned.1.call-start
scs
__scs_entry_jumppad:
0x0: {  	(pc) =	sbr.rel $0x88, $3  }
0x1: {  	(tag) =	ssettag $0x0;
	lr =	simm.s32 $0x1  }
0x2: {  	[smem:$0x3F9C] =	sst lr;
	_ =	strace $0xD0000000  }
0x3: {  	_ = 	snop  }
0x4: {  	_ = 	snop  }
0x5: {  	_ = 	snop  }
0x6: {  	_ = 	snop  }
0x7: {  	_ = 	snop  }
__scs_overlays_trampoline_lowered:
0x8: {  	[smem:$0x3FAB] =	sst s0  }
0x9: {  	[smem:$0x3FAC] =	sst s1  }
0xa: {  	[smem:$0x3FAD] =	sst s2  }
0xb: {  	[smem:$0x3FAE] =	sst s3  }
0xc: {  	[smem:$0x3FAF] =	sst s4  }
0xd: {  	[smem:$0x3FB0] =	sst s5  }
0xe: {  	[smem:$0x3FB1] =	sst s6  }
0xf: {  	[smem:$0x3FB2] =	sst s7  }
0x10: {  	[smem:$0x3FB3] =	sst s8  }
0x11: {  	[smem:$0x3FB4] =	sst s9;
	s0 =	simm.s32 @!p0 $0x0  }
0x12: {  	s1 =	sld [smem:$0x3F9A];
	s0 =	simm.s32 @p0 $0x1  }
0x13: {  	[smem:$0x3FB5] =	sst s0;
	s0 =	simm.s32 @!p1 $0x0  }
0x14: {  	s2 =	sld [smem:$0x3F99];
	s0 =	simm.s32 @p1 $0x1  }
0x15: {  	[smem:$0x3FB6] =	sst s0;
	s0 =	simm.s32 @!p2 $0x0  }
0x16: {  	s3 =	sld [smem:$0x3FDB];
	s0 =	simm.s32 @p2 $0x1  }
0x17: {  	s4 =	simm.s32 $0x1BF5;
	[smem:$0x3FB8] =	sst s0  }
0x18: {  	s0 =	sld [smem:$0x3F9B];
	_ =	swait.ge [sflag:s4], $0x0  }
0x19: {  	s7 =	sld [smem:$0x3F9C]  }
0x1a: {  	s8 =	sadd.s32 $0xFFFFE003, lr  }
0x1b: {  	s9 =	sadd.s32 $0xFFFFFEF7, lr;
	s5 =	simm.s32 $0xFFFFFFFF;
	p2 =	slt.u32 s8, $0xFFFFF086  }
0x1c: {  	p1 =	slt.u32 s9, $0xF7A;
	s5 =	simm.s32 @!p2 $0x0  }
0x1d: {  	s5 =	simm.s32 @p1 $0x1;
	p0 =	seq.s32 s7, s2  }
0x1e: {  	s7 =	smul.u32 @!p0 $0xF7A, s2;
	p2 =	seq.s32 @!p0 s5, $0x0  }
0x1f: {  	s9 =	smul.u32 $0xF7A, s1;
	s8 =	simm.s32 @!p0 $0x1BF5;
	p2 =	por !p2, p0  }
0x20: {  	[sflag:s8] =	ssyncset.s32 @!p0 $0xFFFFF086;
	s6 =	sadd.s32 @!p0 s3, s7;
	s7 =	simm.s32 @!p0 $0x108  }
0x21: {  	s3 =	sadd.s32 s3, s9;
	s6 =	sadd.s32 @!p0 $0x88, s6;
	s7 =	simm.s32 @p2 $0x1082  }
0x22: {  	[simem:s7], [sflag:s8] =	dma.local @!p0 [hbm:s6], $0xF7A  }
0x23: {  	s9 =	sor.u32 $0xD0000000, s2;
	s6 =	simm.s32 $0x108;
	_ =	swait.ge @!p0 [sflag:s8], $0x0  }
0x24: {  	s3 =	sadd.s32 $0x88, s3;
	s6 =	simm.s32 @!p1 $0x1082;
	[sflag:s4] =	ssyncset.s32 $0xFFFFF086  }
0x25: {  	[simem:s6], [sflag:s4] =	dma.local [hbm:s3], $0xF7A  }
0x26: {  	[smem:$0x3F9C] =	sst s1;
	(tag) =	ssettag s2;
	_ =	strace s9  }
0x27: {  	s1 =	sld [smem:$0x3FAC]  }
0x28: {  	s2 =	sld [smem:$0x3FAD]  }
0x29: {  	s4 =	sld [smem:$0x3FAF]  }
0x2a: {  	p0 =	seq.s32 s5, $0x0;
	s5 =	sld [smem:$0x3FB0]  }
0x2b: {  	s6 =	sld [smem:$0x3FB1]  }
0x2c: {  	s7 =	sld [smem:$0x3FB2]  }
0x2d: {  	s3 =	simm.s32 $0x108;
	s8 =	sld [smem:$0x3FB3]  }
0x2e: {  	s3 =	simm.s32 @!p0 $0x1082;
	s9 =	sld [smem:$0x3FB4]  }
0x2f: {  	lr =	sadd.s32 s0, s3;
	s0 =	sld [smem:$0x3FAB]  }
0x30: {  	s3 =	sld [smem:$0x3FAE]  }
0x31: {  	[smem:$0x3FB7] =	sst s10  }
0x32: {  	s10 =	sld [smem:$0x3FB5];
	_ =	sdelay $0x3  }
0x33: {  	p0 =	seq.s32 s10, $0x1;
	s10 =	sld [smem:$0x3FB7];
	_ =	sdelay $0x3  }
0x34: {  	[smem:$0x3FB7] =	sst s10  }
0x35: {  	s10 =	sld [smem:$0x3FB6];
	_ =	sdelay $0x3  }
0x36: {  	p1 =	seq.s32 s10, $0x1;
	s10 =	sld [smem:$0x3FB7];
	_ =	sdelay $0x3  }
0x37: {  	[smem:$0x3FB7] =	sst s10  }
0x38: {  	s10 =	sld [smem:$0x3FB8]  }
0x39: {  	_ = 	snop;
	(pc) =	sbr.ind lr, $3  }
0x3a: {  	_ = 	snop  }
0x3b: {  	_ = 	snop  }
0x3c: {  	p2 =	seq.s32 s10, $0x1;
	s10 =	sld [smem:$0x3FB7]  }
0x3d: {  	_ =	shalt  }
0x3e: {  	_ =	shalt  }
0x3f: {  	_ =	shalt  }
0x40: {  	_ =	shalt  }
0x41: {  	_ =	shalt  }
0x42: {  	_ =	shalt  }
0x43: {  	_ =	shalt  }
0x44: {  	_ =	shalt  }
0x45: {  	_ =	shalt  }
0x46: {  	_ =	shalt  }
0x47: {  	_ =	shalt  }
0x48: {  	_ =	shalt  }
0x49: {  	_ =	shalt  }
0x4a: {  	_ =	shalt  }
0x4b: {  	_ =	shalt  }
0x4c: {  	_ =	shalt  }
0x4d: {  	_ =	shalt  }
0x4e: {  	_ =	shalt  }
0x4f: {  	_ =	shalt  }
0x50: {  	_ =	shalt  }
0x51: {  	_ =	shalt  }
0x52: {  	_ =	shalt  }
0x53: {  	_ =	shalt  }
0x54: {  	_ =	shalt  }
0x55: {  	_ =	shalt  }
0x56: {  	_ =	shalt  }
0x57: {  	_ =	shalt  }
0x58: {  	_ =	shalt  }
0x59: {  	_ =	shalt  }
0x5a: {  	_ =	shalt  }
0x5b: {  	_ =	shalt  }
0x5c: {  	_ =	shalt  }
0x5d: {  	_ =	shalt  }
0x5e: {  	_ =	shalt  }
0x5f: {  	_ =	shalt  }
0x60: {  	_ =	shalt  }
0x61: {  	_ =	shalt  }
0x62: {  	_ =	shalt  }
0x63: {  	_ =	shalt  }
0x64: {  	_ =	shalt  }
0x65: {  	_ =	shalt  }
0x66: {  	_ =	shalt  }
0x67: {  	_ =	shalt  }
0x68: {  	_ =	shalt  }
0x69: {  	_ =	shalt  }
0x6a: {  	_ =	shalt  }
0x6b: {  	_ =	shalt  }
0x6c: {  	_ =	shalt  }
0x6d: {  	_ =	shalt  }
0x6e: {  	_ =	shalt  }
0x6f: {  	_ =	shalt  }
0x70: {  	_ =	shalt  }
0x71: {  	_ =	shalt  }
0x72: {  	_ =	shalt  }
0x73: {  	_ =	shalt  }
0x74: {  	_ =	shalt  }
0x75: {  	_ =	shalt  }
0x76: {  	_ =	shalt  }
0x77: {  	_ =	shalt  }
0x78: {  	_ =	shalt  }
0x79: {  	_ =	shalt  }
0x7a: {  	_ =	shalt  }
0x7b: {  	_ =	shalt  }
0x7c: {  	_ =	shalt  }
0x7d: {  	_ =	shalt  }
0x7e: {  	_ =	shalt  }
0x7f: {  	_ =	shalt  }
0x80: {  	_ =	shalt  }
0x81: {  	_ =	shalt  }
0x82: {  	_ =	shalt  }
0x83: {  	_ =	shalt  }
0x84: {  	_ =	shalt  }
0x85: {  	_ =	shalt  }
0x86: {  	_ =	shalt  }
0x87: {  	_ =	shalt  }
.Lfunc_end0:
.L_simem_size_0:
called_computation_lowered:
.L_overlay_start_0:
0x88: {  	s2 =	sld [smem:$0x3FD9]  }
0x89: {  	s3 =	sld [smem:$0x3FFE];
	_ =	sdelay $0x1  }
0x8a: {  	s1 =	srdreg.scid  }
0x8b: {  	s0 =	sand.u32 $0x1, s1  }
0x8c: {  	s17 =	sshll.u32 s0, $0xA;
	s2 =	sadd.s32 s3, s2  }
0x8d: {  	s2 =	sadd.s32 s2, s17  }
0x8e: {  	[smem:$0x3FC3] =	sst s2  }
0x8f: {  	_ = 	snop  }
0x90: {  	s2 =	sld [smem:$0x3FC9]  }
0x91: {  	s18 =	sld [smem:$0x3FD0];
	(tm) =	ssettm $0x1  }
0x92: {  	s4 =	sld [smem:$0x3FFB];
	_ =	sdelay $0x3  }
0x93: {  	_ =	strace s4  }
0x94: {  	s4 =	sld [smem:$0x3FFC];
	_ =	sdelay $0x3  }
0x95: {  	_ =	strace s4  }
0x96: {  	s4 =	sld [smem:$0x3FFD];
	_ =	sdelay $0x3  }
0x97: {  	_ =	strace s4  }
0x98: {  	_ =	strace $0x8FFFFFFF  }
0x99: {  	s19 =	sld [smem:$0x3FDB];
	_ =	sdelay $0x1  }
0x9a: {  	s5 =	simm.s32 $_scs_section_size  }
0x9b: {  	s6 =	simm.s32 $_size__tile_overlayer_lowered;
	s7 =	simm.s32 $_tile_overlayer_lowered  }
0x9c: {  	s22 =	simm.s32 $0x1BFF;
	s21 =	sshll.u32 s7, $0x1;
	s4 =	sadd.s32 s5, s19  }
0x9d: {  	s8 =	simm.s32 $0x0;
	s20 =	sshll.u32 s6, $0x1;
	s6 =	sadd.s32 s21, s4  }
0x9e: {  	[timem:s8], [sflag:s22] =	dma.local [hbm:s6], s20  }
0x9f: {  	_ =	swait.ge [sflag:s22], s20  }
0xa0: {  	s5 =	ssub.s32 $0x0, s20;
	[sflag:s22] =	ssyncset.done $0x0  }
0xa1: {  	[sflag:s22] =	ssyncadd.s32 s5;
	_ =	sdelay $0x1  }
0xa2: {  	s23 =	simm.s32 $0x1B8B  }
0xa3: {  	_ =	swait.ge [sflag:s23], $0x1  }
0xa4: {  	[sflag:s23] =	ssyncset.done $0x0  }
0xa5: {  	s25 =	simm.s32 $0x1B8E;
	s24 =	sld [smem:$0x3FFE];
	[sflag:s23] =	ssyncadd.s32 $0xFFFFFFFF  }
0xa6: {  	s26 =	simm.s32 $execute0_lowered;
	[smem:$0x3FD2] =	sst s25  }
0xa7: {  	s6 =	sshll.u32 s26, $0x1;
	_ =	strace $0x80000046;
	[dreg:$0x1] =	wrdreg $0xFFFFFFFF  }
0xa8: {  	s28 =	simm.s32 $_size_execute0_lowered;
	s4 =	sadd.s32 s4, s6;
	[dreg:$0x0] =	wrdreg $0x0  }
0xa9: {  	s6 =	sshll.u32 s28, $0x1;
	[dreg:$0x2] =	wrdreg s4  }
0xaa: {  	[dreg:$0x3] =	wrdreg s6  }
0xab: {  	[dreg:$0x4] =	wrdreg $0xC0  }
0xac: {  	_ =	task [dreg:s8], $0x5FFFF  }
0xad: {  	[dreg:$0x1] =	wrdreg $0xFFFFFFFF  }
0xae: {  	[dreg:$0x0] =	wrdreg $0x60  }
0xaf: {  	[dreg:$0x2] =	wrdreg s2  }
0xb0: {  	[dreg:$0x3] =	wrdreg s24  }
0xb1: {  	[dreg:$0x4] =	wrdreg s18  }
0xb2: {  	[dreg:$0x5] =	wrdreg $0x0  }
0xb3: {  	[dreg:$0x6] =	wrdreg $0x9  }
0xb4: {  	_ =	task.clear_ibuf [dreg:s8], $0x7FFFF;
	_ =	strace $0x90000046  }
0xb5: {  	s29 =	simm.s32 $0x9;
	_ =	strace $0x80000048  }
0xb6: {  	_ =	swait.ge [sflag:s29], $0x1  }
0xb7: {  	[sflag:s29] =	ssyncadd.s32 $0xFFFFFFFF  }
0xb8: {  	_ =	strace $0x90000048  }
0xb9: {  	_ =	sfence  }
0xba: {  	s30 =	sld [smem:$0x0];
	_ =	sdelay $0x2  }
0xbb: {  	s31 =	sshll.u32 s1, $0xD;
	s1 =	sshrl.u32 s1, $0x2  }
0xbc: {  	s3 =	sand.u32 $0x4000, s31;
	s1 =	sadd.s32 s1, s30  }
0xbd: {  	s0 =	sor.u32 s3, s0;
	s1 =	sshll.u32 s1, $0x11  }
0xbe: {  	s0 =	sor.u32 s1, s0  }
0xbf: {  	s0 =	sadd.s32 $0x8F2B, s0  }
0xc0: {  	[sflag:s0] =	ssyncadd.remote.s32 $0x1  }
0xc1: {  	_ =	sfence.sel $0xFFFF  }
0xc2: {  	[dreg:$0x0] =	wrdreg $0xFFFFFFFF;
	(pc) =	sbr.abs _section_cstart, $3  }
0xc3: {  	[dreg:$0x1] =	wrdreg $0xFFFFFFFF  }
0xc4: {  	_ =	task.clear_ibuf [dreg:s8], $0x2FFFF;
	_ =	strace $0x9FFFFFFF  }
0xc5: {  	(tm) =	ssettm $0x7FFFFFFF  }
tec
execute0_lowered:
.L_overlay_start_1:
0x0: {  	(tag) =	ssettag $0x1  }
0x1: {  	s1 =	rddreg [dreg:$0x0];
	s12 =	stileid.u32  }
0x2: {  	s0 =	rddreg [dreg:$0x1];
	s8 =	smul.u32 $0x4E000, s12  }
0x3: {  	s2 =	rddreg [dreg:$0x2]  }
0x4: {  	s3 =	rddreg [dreg:$0x3];
	s8 =	sshrl.u32 s8, $0x2  }
0x5: {  	s4 =	simm.s32 $0x0;
	s5 =	srdreg.scid;
	s8 =	sadd.s32 s8, s3  }
0x6: {  	[smem:$0x7FF] =	sst s4;
	s6 =	sadd.s32 $0xAE00, s0;
	s20 =	sadd.s32 $0x800, s8  }
0x7: {  	_ =	strace $0x80000047;
	s21 =	sadd.s32 $0x1000, s8;
	[dreg:$0x5] =	wrdreg s20  }
0x8: {  	s5 =	sand.u32 $0x1, s5;
	s22 =	sadd.s32 $0x1800, s8;
	[dreg:$0x6] =	wrdreg s21  }
0x9: {  	s7 =	sadd.s32 $0xE00, s0;
	s23 =	sadd.s32 $0x2000, s8;
	[dreg:$0x7] =	wrdreg s22  }
0xa: {  	s0 =	sadd.s32 $0x14E00, s0;
	s13 =	sadd.s32 $0x2800, s8;
	[dreg:$0x8] =	wrdreg s23  }
0xb: {  	s24 =	smul.u32 $0x13800, s12;
	s25 =	sadd.s32 $0x3000, s8;
	[dreg:$0x9] =	wrdreg s13  }
0xc: {  	p0 =	sne.s32 s12, $0x0;
	s26 =	sadd.s32 $0x3800, s8;
	[dreg:$0xa] =	wrdreg s25  }
0xd: {  	s9 =	ssub.s32 $0x2, s5;
	s14 =	sadd.s32 $0x4000, s8;
	[dreg:$0xb] =	wrdreg s26  }
0xe: {  	s11 =	sshll.u32 s5, $0x4;
	s15 =	sadd.s32 $0x4800, s8;
	[dreg:$0xc] =	wrdreg s14  }
0xf: {  	s5 =	smul.u32 $0x138800, s5;
	s16 =	sadd.s32 $0x5000, s8;
	[dreg:$0xd] =	wrdreg s15  }
0x10: {  	s10 =	sshrl.u32 s9, $0x1;
	s17 =	sadd.s32 $0x5800, s8;
	[dreg:$0xe] =	wrdreg s16  }
0x11: {  	s9 =	ssub.s32 s9, s10;
	s18 =	sadd.s32 $0x6000, s8;
	[dreg:$0xf] =	wrdreg s17  }
0x12: {  	s10 =	sor.u32 s12, s11;
	s19 =	sadd.s32 $0x6800, s8;
	[dreg:$0x10] =	wrdreg s18  }
0x13: {  	s11 =	sadd.s32 s24, s5;
	s24 =	sadd.s32 $0x8000, s8;
	[dreg:$0x12] =	wrdreg s19  }
0x14: {  	s11 =	sshrl.u32 s11, $0x3;
	s12 =	sadd.s32 $0xB800, s8;
	[dreg:$0x17] =	wrdreg s24  }
0x15: {  	s11 =	sadd.s32 s0, s11;
	[dreg:$0x1e] =	wrdreg s12  }
0x16: {  	s20 =	smax.u32 s9, $0x1;
	[dreg:$0x11] =	wrdreg s11  }
0x17: {  	s21 =	sadd.s32 $0x7000, s8;
	[dreg:$0x14] =	wrdreg s20  }
0x18: {  	s22 =	sadd.s32 $0x7800, s8;
	[dreg:$0x15] =	wrdreg s21  }
0x19: {  	s25 =	sadd.s32 $0x8800, s8;
	[dreg:$0x16] =	wrdreg s22  }
0x1a: {  	s5 =	sshrl.u32 s5, $0x3;
	s26 =	sadd.s32 $0x9000, s8;
	[dreg:$0x18] =	wrdreg s25  }
0x1b: {  	s0 =	sadd.s32 s0, s5;
	s5 =	sadd.s32 $0x9800, s8;
	[dreg:$0x19] =	wrdreg s26  }
0x1c: {  	s9 =	sadd.s32 $0xA000, s8;
	[dreg:$0x1a] =	wrdreg s5  }
0x1d: {  	s23 =	smul.u32 $0x500, s10;
	s10 =	sadd.s32 $0xA800, s8;
	[dreg:$0x1b] =	wrdreg s9  }
0x1e: {  	s13 =	sadd.s32 $0xC000, s8;
	[dreg:$0x1c] =	wrdreg s10  }
0x1f: {  	s14 =	sadd.s32 $0xC800, s8;
	[dreg:$0x1f] =	wrdreg s13  }
0x20: {  	s15 =	sadd.s32 $0xD000, s8;
	[smem:$0x7F2] =	sst s14  }
0x21: {  	s30 =	simm.s32 $0x13880;
	s16 =	sadd.s32 $0xD800, s8;
	[smem:$0x7F3] =	sst s15  }
0x22: {  	s31 =	simm.s32 $0x5;
	s17 =	sadd.s32 $0xE000, s8;
	[smem:$0x7F4] =	sst s16  }
0x23: {  	s29 =	sadd.s32 $0x138000, s3;
	s18 =	sadd.s32 $0xE800, s8;
	[smem:$0x7F5] =	sst s17  }
0x24: {  	s28 =	sadd.s32 $0x13000, s8;
	s19 =	sadd.s32 $0xF000, s8;
	[smem:$0x7F6] =	sst s18  }
0x25: {  	s24 =	sadd.s32 $0x11000, s8;
	s12 =	simm.s32 $0x14100;
	[smem:$0x7F7] =	sst s19  }
0x26: {  	s0 =	sadd.s32 $0x27000, s0;
	s11 =	sadd.s32 $0xB000, s8;
	[smem:$0x7FB] =	sst s24  }
0x27: {  	s20 =	sadd.s32 $0xF800, s8;
	s21 =	sadd.s32 $0x10000, s8;
	[dreg:$0x13] =	wrdreg s0  }
0x28: {  	s22 =	sadd.s32 $0x10800, s8;
	s25 =	sadd.s32 $0x11800, s8;
	[dreg:$0x1d] =	wrdreg s11  }
0x29: {  	v0 =	vimm.f32 $0.0e+00;
	v1 =	vimm.s32 $0x0;
	s26 =	sadd.s32 $0x12000, s8;
	s5 =	simm.s32 $0x14880;
	[smem:$0x7F8] =	sst s20  }
.Ltmp0:
0x2a: {  	v2 =	vimm.s32 $0x1;
	v3 =	vimm.s32 $0x2;
	v4 =	vimm.s32 $0x3;
	s9 =	simm.s32 $0x15080;
	[smem:$0x7F9] =	sst s21;
	(pc) =	sbr.rel .LBB2_1-.Ltmp0, $4  }
0x2b: {  	v5 =	vimm.s32 $0x4;
	v6 =	vimm.s32 $0x5;
	v7 =	vimm.s32 $0x6;
	s10 =	simm.s32 $0x80;
	s13 =	simm.s32 $0x19880;
	[smem:$0x7FA] =	sst s22  }
0x2c: {  	v8 =	vimm.s32 $0x7;
	v9 =	vimm.s32 $0x8;
	v10 =	vimm.s32 $0x9;
	s14 =	simm.s32 $0x1;
	s15 =	simm.s32 $0x2;
	[smem:$0x7FC] =	sst s25  }
0x2d: {  	v11 =	vimm.s32 $0xA;
	v12 =	vimm.s32 $0xB;
	v13 =	vimm.s32 $0xC;
	s16 =	simm.s32 $0x3;
	s17 =	simm.s32 $0x4;
	[smem:$0x7FD] =	sst s26  }
0x2e: {  	v14 =	vimm.s32 $0xD;
	v15 =	vimm.s32 $0xE;
	v16 =	vimm.s32 $0xF;
	s26 =	sadd.s32 $0x12800, s8;
	s0 =	simm.s32 $0x14080;
	s11 =	simm.s32 $0x15880  }
.LBB2_12:
0x2f: {  	s18 =	stileid.u32  }
0x30: {  	[bflag:$0x0] =	sbarrier.arrive $0xFFFF;
	s18 =	sshll.u32 s18, $0x6  }
0x31: {  	s19 =	sshrl.u32 s8, $0x3;
	s20 =	rddreg [dreg:$0x11];
	s18 =	sor.u32 $0x1C05, s18  }
0x32: {  	[hbm:s20], [sflag:s18] =	dma.local [spmem:s19], $0x2700  }
0x33: {  	_ =	swait.ge [sflag:s31], $0x2700  }
0x34: {  	[sflag:s31] =	ssyncset.done $0x0  }
0x35: {  	s19 =	sshrl.u32 @!p0 s29, $0x3;
	s20 =	rddreg [dreg:$0x13];
	[sflag:s31] =	ssyncadd.s32 $0xFFFFD900  }
0x36: {  	[hbm:s20], [sflag:s18] =	dma.local @!p0 [spmem:s19], $0x100  }
0x37: {  	s18 =	simm.s32 @!p0 $0x5  }
0x38: {  	_ =	swait.ge @!p0 [sflag:s18], $0x100  }
0x39: {  	s4 =	sadd.s32 $0x1, s4;
	s25 =	rddreg [dreg:$0x14]  }
0x3a: {  	p1 =	sne.s32 s4, s25  }
.Ltmp1:
0x3b: {  	_ = 	snop;
	(pc) =	sbr.rel @!p1 .LBB2_13-.Ltmp1, $3  }
0x3c: {  	_ =	sdelay $0x1  }
0x3d: {  	[sflag:s18] =	ssyncset.done @!p0 $0x0  }
0x3e: {  	[sflag:s18] =	ssyncadd.s32 @!p0 $0xFFFFFF00  }
.LBB2_1:
0x3f: {  	s18 =	simm.s32 $0x0;
	s19 =	simm.s32 $0x200  }
.LBB2_2:
0x40: {  	p1 =	sne.s32 s19, $0x1E00;
	[tilespmem:s18+$0x138F0] =	vst v0  }
0x41: {  	[tilespmem:s18+$0x13880] =	vst v0  }
0x42: {  	[tilespmem:s18+$0x13890] =	vst v0  }
.Ltmp2:
0x43: {  	[tilespmem:s18+$0x138A0] =	vst v0;
	(pc) =	sbr.rel @p1 .LBB2_2-.Ltmp2, $4  }
0x44: {  	[tilespmem:s18+$0x138B0] =	vst v0  }
0x45: {  	[tilespmem:s18+$0x138C0] =	vst v0  }
0x46: {  	[tilespmem:s18+$0x138D0] =	vst v0  }
0x47: {  	[tilespmem:s18+$0x138E0] =	vst v0;
	s18 =	sshra.s32 s19, $0x2;
	s19 =	sadd.s32 $0x200, s19  }
0x48: {  	[tilespmem:s18+$0x138F0] =	vst v0  }
0x49: {  	[tilespmem:s18+$0x13880] =	vst v0  }
0x4a: {  	[tilespmem:s18+$0x13890] =	vst v0  }
0x4b: {  	[tilespmem:s18+$0x138A0] =	vst v0  }
0x4c: {  	[tilespmem:s18+$0x138B0] =	vst v0  }
0x4d: {  	[tilespmem:s18+$0x138C0] =	vst v0  }
0x4e: {  	[tilespmem:s18+$0x138D0] =	vst v0  }
0x4f: {  	[tilespmem:s18+$0x138E0] =	vst v0  }
0x50: {  	[spmem:s8] =	stream.linear.scatter [tilespmem:s30], [sflag:$0x5], $0x800, $0x38;
	[tilespmem:$0x1D880] =	vst v63  }
0x51: {  	_ =	swait.ge [sflag:s31], $0x800  }
0x52: {  	[sflag:s31] =	ssyncset.done $0x0  }
0x53: {  	s19 =	rddreg [dreg:$0x5];
	[sflag:s31] =	ssyncadd.s32 $0xFFFFF800  }
0x54: {  	[spmem:s19] =	stream.linear.scatter [tilespmem:s30], [sflag:$0x5], $0x800, $0x38;
	[tilespmem:$0x1D880] =	vst v63  }
0x55: {  	_ =	swait.ge [sflag:s31], $0x800  }
0x56: {  	[sflag:s31] =	ssyncset.done $0x0  }
0x57: {  	s20 =	rddreg [dreg:$0x6];
	[sflag:s31] =	ssyncadd.s32 $0xFFFFF800  }
0x58: {  	[spmem:s20] =	stream.linear.scatter [tilespmem:s30], [sflag:$0x5], $0x800, $0x38;
	[tilespmem:$0x1D880] =	vst v63  }
0x59: {  	_ =	swait.ge [sflag:s31], $0x800  }
0x5a: {  	[sflag:s31] =	ssyncset.done $0x0  }
0x5b: {  	s21 =	rddreg [dreg:$0x7];
	[sflag:s31] =	ssyncadd.s32 $0xFFFFF800  }
0x5c: {  	[spmem:s21] =	stream.linear.scatter [tilespmem:s30], [sflag:$0x5], $0x800, $0x38;
	[tilespmem:$0x1D880] =	vst v63  }
0x5d: {  	_ =	swait.ge [sflag:s31], $0x800  }
0x5e: {  	[sflag:s31] =	ssyncset.done $0x0  }
0x5f: {  	s22 =	rddreg [dreg:$0x8];
	[sflag:s31] =	ssyncadd.s32 $0xFFFFF800  }
0x60: {  	[spmem:s22] =	stream.linear.scatter [tilespmem:s30], [sflag:$0x5], $0x800, $0x38;
	[tilespmem:$0x1D880] =	vst v63  }
0x61: {  	_ =	swait.ge [sflag:s31], $0x800  }
0x62: {  	[sflag:s31] =	ssyncset.done $0x0  }
0x63: {  	s24 =	rddreg [dreg:$0x9];
	[sflag:s31] =	ssyncadd.s32 $0xFFFFF800  }
0x64: {  	[spmem:s24] =	stream.linear.scatter [tilespmem:s30], [sflag:$0x5], $0x800, $0x38;
	[tilespmem:$0x1D880] =	vst v63  }
0x65: {  	_ =	swait.ge [sflag:s31], $0x800  }
0x66: {  	[sflag:s31] =	ssyncset.done $0x0  }
0x67: {  	s25 =	rddreg [dreg:$0xa];
	[sflag:s31] =	ssyncadd.s32 $0xFFFFF800  }
0x68: {  	[spmem:s25] =	stream.linear.scatter [tilespmem:s30], [sflag:$0x5], $0x800, $0x38;
	[tilespmem:$0x1D880] =	vst v63  }
0x69: {  	_ =	swait.ge [sflag:s31], $0x800  }
0x6a: {  	[sflag:s31] =	ssyncset.done $0x0  }
0x6b: {  	s19 =	rddreg [dreg:$0xb];
	[sflag:s31] =	ssyncadd.s32 $0xFFFFF800  }
0x6c: {  	[spmem:s19] =	stream.linear.scatter [tilespmem:s30], [sflag:$0x5], $0x800, $0x38;
	[tilespmem:$0x1D880] =	vst v63  }
0x6d: {  	_ =	swait.ge [sflag:s31], $0x800  }
0x6e: {  	[sflag:s31] =	ssyncset.done $0x0  }
0x6f: {  	s20 =	rddreg [dreg:$0xc];
	[sflag:s31] =	ssyncadd.s32 $0xFFFFF800  }
0x70: {  	[spmem:s20] =	stream.linear.scatter [tilespmem:s30], [sflag:$0x5], $0x800, $0x38;
	[tilespmem:$0x1D880] =	vst v63  }
0x71: {  	_ =	swait.ge [sflag:s31], $0x800  }
0x72: {  	[sflag:s31] =	ssyncset.done $0x0  }
0x73: {  	s21 =	rddreg [dreg:$0xd];
	[sflag:s31] =	ssyncadd.s32 $0xFFFFF800  }
0x74: {  	[spmem:s21] =	stream.linear.scatter [tilespmem:s30], [sflag:$0x5], $0x800, $0x38;
	[tilespmem:$0x1D880] =	vst v63  }
0x75: {  	_ =	swait.ge [sflag:s31], $0x800  }
0x76: {  	[sflag:s31] =	ssyncset.done $0x0  }
0x77: {  	s22 =	rddreg [dreg:$0xe];
	[sflag:s31] =	ssyncadd.s32 $0xFFFFF800  }
0x78: {  	[spmem:s22] =	stream.linear.scatter [tilespmem:s30], [sflag:$0x5], $0x800, $0x38;
	[tilespmem:$0x1D880] =	vst v63  }
0x79: {  	_ =	swait.ge [sflag:s31], $0x800  }
0x7a: {  	[sflag:s31] =	ssyncset.done $0x0  }
0x7b: {  	s24 =	rddreg [dreg:$0xf];
	[sflag:s31] =	ssyncadd.s32 $0xFFFFF800  }
0x7c: {  	[spmem:s24] =	stream.linear.scatter [tilespmem:s30], [sflag:$0x5], $0x800, $0x38;
	[tilespmem:$0x1D880] =	vst v63  }
0x7d: {  	_ =	swait.ge [sflag:s31], $0x800  }
0x7e: {  	[sflag:s31] =	ssyncset.done $0x0  }
0x7f: {  	s25 =	rddreg [dreg:$0x10];
	[sflag:s31] =	ssyncadd.s32 $0xFFFFF800  }
0x80: {  	[spmem:s25] =	stream.linear.scatter [tilespmem:s30], [sflag:$0x5], $0x800, $0x38;
	[tilespmem:$0x1D880] =	vst v63  }
0x81: {  	_ =	swait.ge [sflag:s31], $0x800  }
0x82: {  	[sflag:s31] =	ssyncset.done $0x0  }
0x83: {  	s19 =	rddreg [dreg:$0x12];
	[sflag:s31] =	ssyncadd.s32 $0xFFFFF800  }
0x84: {  	[spmem:s19] =	stream.linear.scatter [tilespmem:s30], [sflag:$0x5], $0x800, $0x38;
	[tilespmem:$0x1D880] =	vst v63  }
0x85: {  	_ =	swait.ge [sflag:s31], $0x800  }
0x86: {  	[sflag:s31] =	ssyncset.done $0x0  }
0x87: {  	s20 =	rddreg [dreg:$0x15];
	[sflag:s31] =	ssyncadd.s32 $0xFFFFF800  }
0x88: {  	[spmem:s20] =	stream.linear.scatter [tilespmem:s30], [sflag:$0x5], $0x800, $0x38;
	[tilespmem:$0x1D880] =	vst v63  }
0x89: {  	_ =	swait.ge [sflag:s31], $0x800  }
0x8a: {  	[sflag:s31] =	ssyncset.done $0x0  }
0x8b: {  	s21 =	rddreg [dreg:$0x16];
	[sflag:s31] =	ssyncadd.s32 $0xFFFFF800  }
0x8c: {  	[spmem:s21] =	stream.linear.scatter [tilespmem:s30], [sflag:$0x5], $0x800, $0x38;
	[tilespmem:$0x1D880] =	vst v63  }
0x8d: {  	_ =	swait.ge [sflag:s31], $0x800  }
0x8e: {  	[sflag:s31] =	ssyncset.done $0x0  }
0x8f: {  	s22 =	rddreg [dreg:$0x17];
	[sflag:s31] =	ssyncadd.s32 $0xFFFFF800  }
0x90: {  	[spmem:s22] =	stream.linear.scatter [tilespmem:s30], [sflag:$0x5], $0x800, $0x38;
	[tilespmem:$0x1D880] =	vst v63  }
0x91: {  	_ =	swait.ge [sflag:s31], $0x800  }
0x92: {  	[sflag:s31] =	ssyncset.done $0x0  }
0x93: {  	s24 =	rddreg [dreg:$0x18];
	[sflag:s31] =	ssyncadd.s32 $0xFFFFF800  }
0x94: {  	[spmem:s24] =	stream.linear.scatter [tilespmem:s30], [sflag:$0x5], $0x800, $0x38;
	[tilespmem:$0x1D880] =	vst v63  }
0x95: {  	_ =	swait.ge [sflag:s31], $0x800  }
0x96: {  	[sflag:s31] =	ssyncset.done $0x0  }
0x97: {  	s25 =	rddreg [dreg:$0x19];
	[sflag:s31] =	ssyncadd.s32 $0xFFFFF800  }
0x98: {  	[spmem:s25] =	stream.linear.scatter [tilespmem:s30], [sflag:$0x5], $0x800, $0x38;
	[tilespmem:$0x1D880] =	vst v63  }
0x99: {  	_ =	swait.ge [sflag:s31], $0x800  }
0x9a: {  	[sflag:s31] =	ssyncset.done $0x0  }
0x9b: {  	s19 =	rddreg [dreg:$0x1a];
	[sflag:s31] =	ssyncadd.s32 $0xFFFFF800  }
0x9c: {  	[spmem:s19] =	stream.linear.scatter [tilespmem:s30], [sflag:$0x5], $0x800, $0x38;
	[tilespmem:$0x1D880] =	vst v63  }
0x9d: {  	_ =	swait.ge [sflag:s31], $0x800  }
0x9e: {  	[sflag:s31] =	ssyncset.done $0x0  }
0x9f: {  	s20 =	rddreg [dreg:$0x1b];
	[sflag:s31] =	ssyncadd.s32 $0xFFFFF800  }
0xa0: {  	[spmem:s20] =	stream.linear.scatter [tilespmem:s30], [sflag:$0x5], $0x800, $0x38;
	[tilespmem:$0x1D880] =	vst v63  }
0xa1: {  	_ =	swait.ge [sflag:s31], $0x800  }
0xa2: {  	[sflag:s31] =	ssyncset.done $0x0  }
0xa3: {  	s21 =	rddreg [dreg:$0x1c];
	[sflag:s31] =	ssyncadd.s32 $0xFFFFF800  }
0xa4: {  	[spmem:s21] =	stream.linear.scatter [tilespmem:s30], [sflag:$0x5], $0x800, $0x38;
	[tilespmem:$0x1D880] =	vst v63  }
0xa5: {  	_ =	swait.ge [sflag:s31], $0x800  }
0xa6: {  	[sflag:s31] =	ssyncset.done $0x0  }
0xa7: {  	s22 =	rddreg [dreg:$0x1d];
	[sflag:s31] =	ssyncadd.s32 $0xFFFFF800  }
0xa8: {  	[spmem:s22] =	stream.linear.scatter [tilespmem:s30], [sflag:$0x5], $0x800, $0x38;
	[tilespmem:$0x1D880] =	vst v63  }
0xa9: {  	_ =	swait.ge [sflag:s31], $0x800  }
0xaa: {  	[sflag:s31] =	ssyncset.done $0x0  }
0xab: {  	s24 =	rddreg [dreg:$0x1e];
	[sflag:s31] =	ssyncadd.s32 $0xFFFFF800  }
0xac: {  	[spmem:s24] =	stream.linear.scatter [tilespmem:s30], [sflag:$0x5], $0x800, $0x38;
	[tilespmem:$0x1D880] =	vst v63  }
0xad: {  	_ =	swait.ge [sflag:s31], $0x800  }
0xae: {  	[sflag:s31] =	ssyncset.done $0x0  }
0xaf: {  	s25 =	rddreg [dreg:$0x1f];
	[sflag:s31] =	ssyncadd.s32 $0xFFFFF800  }
0xb0: {  	[spmem:s25] =	stream.linear.scatter [tilespmem:s30], [sflag:$0x5], $0x800, $0x38;
	[tilespmem:$0x1D880] =	vst v63  }
0xb1: {  	_ =	swait.ge [sflag:s31], $0x800  }
0xb2: {  	s19 =	sld [smem:$0x7F2]  }
0xb3: {  	[sflag:s31] =	ssyncset.done $0x0  }
0xb4: {  	[sflag:s31] =	ssyncadd.s32 $0xFFFFF800  }
0xb5: {  	[spmem:s19] =	stream.linear.scatter [tilespmem:s30], [sflag:$0x5], $0x800, $0x38;
	[tilespmem:$0x1D880] =	vst v63  }
0xb6: {  	_ =	swait.ge [sflag:s31], $0x800  }
0xb7: {  	s20 =	sld [smem:$0x7F3]  }
0xb8: {  	[sflag:s31] =	ssyncset.done $0x0  }
0xb9: {  	[sflag:s31] =	ssyncadd.s32 $0xFFFFF800  }
0xba: {  	[spmem:s20] =	stream.linear.scatter [tilespmem:s30], [sflag:$0x5], $0x800, $0x38;
	[tilespmem:$0x1D880] =	vst v63  }
0xbb: {  	_ =	swait.ge [sflag:s31], $0x800  }
0xbc: {  	s21 =	sld [smem:$0x7F4]  }
0xbd: {  	[sflag:s31] =	ssyncset.done $0x0  }
0xbe: {  	[sflag:s31] =	ssyncadd.s32 $0xFFFFF800  }
0xbf: {  	[spmem:s21] =	stream.linear.scatter [tilespmem:s30], [sflag:$0x5], $0x800, $0x38;
	[tilespmem:$0x1D880] =	vst v63  }
0xc0: {  	_ =	swait.ge [sflag:s31], $0x800  }
0xc1: {  	s22 =	sld [smem:$0x7F5]  }
0xc2: {  	[sflag:s31] =	ssyncset.done $0x0  }
0xc3: {  	[sflag:s31] =	ssyncadd.s32 $0xFFFFF800  }
0xc4: {  	[spmem:s22] =	stream.linear.scatter [tilespmem:s30], [sflag:$0x5], $0x800, $0x38;
	[tilespmem:$0x1D880] =	vst v63  }
0xc5: {  	_ =	swait.ge [sflag:s31], $0x800  }
0xc6: {  	s24 =	sld [smem:$0x7F6]  }
0xc7: {  	[sflag:s31] =	ssyncset.done $0x0  }
0xc8: {  	[sflag:s31] =	ssyncadd.s32 $0xFFFFF800  }
0xc9: {  	[spmem:s24] =	stream.linear.scatter [tilespmem:s30], [sflag:$0x5], $0x800, $0x38;
	[tilespmem:$0x1D880] =	vst v63  }
0xca: {  	_ =	swait.ge [sflag:s31], $0x800  }
0xcb: {  	s25 =	sld [smem:$0x7F7]  }
0xcc: {  	[sflag:s31] =	ssyncset.done $0x0  }
0xcd: {  	[sflag:s31] =	ssyncadd.s32 $0xFFFFF800  }
0xce: {  	[spmem:s25] =	stream.linear.scatter [tilespmem:s30], [sflag:$0x5], $0x800, $0x38;
	[tilespmem:$0x1D880] =	vst v63  }
0xcf: {  	_ =	swait.ge [sflag:s31], $0x800  }
0xd0: {  	s19 =	sld [smem:$0x7F8]  }
0xd1: {  	[sflag:s31] =	ssyncset.done $0x0  }
0xd2: {  	[sflag:s31] =	ssyncadd.s32 $0xFFFFF800  }
0xd3: {  	[spmem:s19] =	stream.linear.scatter [tilespmem:s30], [sflag:$0x5], $0x800, $0x38;
	[tilespmem:$0x1D880] =	vst v63  }
0xd4: {  	_ =	swait.ge [sflag:s31], $0x800  }
0xd5: {  	s20 =	sld [smem:$0x7F9]  }
0xd6: {  	[sflag:s31] =	ssyncset.done $0x0  }
0xd7: {  	[sflag:s31] =	ssyncadd.s32 $0xFFFFF800  }
0xd8: {  	[spmem:s20] =	stream.linear.scatter [tilespmem:s30], [sflag:$0x5], $0x800, $0x38;
	[tilespmem:$0x1D880] =	vst v63  }
0xd9: {  	_ =	swait.ge [sflag:s31], $0x800  }
0xda: {  	s21 =	sld [smem:$0x7FA]  }
0xdb: {  	[sflag:s31] =	ssyncset.done $0x0  }
0xdc: {  	[sflag:s31] =	ssyncadd.s32 $0xFFFFF800  }
0xdd: {  	[spmem:s21] =	stream.linear.scatter [tilespmem:s30], [sflag:$0x5], $0x800, $0x38;
	[tilespmem:$0x1D880] =	vst v63  }
0xde: {  	_ =	swait.ge [sflag:s31], $0x800  }
0xdf: {  	s22 =	sld [smem:$0x7FB]  }
0xe0: {  	[sflag:s31] =	ssyncset.done $0x0  }
0xe1: {  	[sflag:s31] =	ssyncadd.s32 $0xFFFFF800  }
0xe2: {  	[spmem:s22] =	stream.linear.scatter [tilespmem:s30], [sflag:$0x5], $0x800, $0x38;
	[tilespmem:$0x1D880] =	vst v63  }
0xe3: {  	_ =	swait.ge [sflag:s31], $0x800  }
0xe4: {  	s24 =	sld [smem:$0x7FC]  }
0xe5: {  	[sflag:s31] =	ssyncset.done $0x0  }
0xe6: {  	[sflag:s31] =	ssyncadd.s32 $0xFFFFF800  }
0xe7: {  	[spmem:s24] =	stream.linear.scatter [tilespmem:s30], [sflag:$0x5], $0x800, $0x38;
	[tilespmem:$0x1D880] =	vst v63  }
0xe8: {  	_ =	swait.ge [sflag:s31], $0x800  }
0xe9: {  	s25 =	sld [smem:$0x7FD]  }
0xea: {  	[sflag:s31] =	ssyncset.done $0x0  }
0xeb: {  	[sflag:s31] =	ssyncadd.s32 $0xFFFFF800  }
0xec: {  	[spmem:s25] =	stream.linear.scatter [tilespmem:s30], [sflag:$0x5], $0x800, $0x38;
	[tilespmem:$0x1D880] =	vst v63  }
0xed: {  	_ =	swait.ge [sflag:s31], $0x800  }
0xee: {  	[sflag:s31] =	ssyncset.done $0x0  }
0xef: {  	[sflag:s31] =	ssyncadd.s32 $0xFFFFF800  }
0xf0: {  	[spmem:s26] =	stream.linear.scatter [tilespmem:s30], [sflag:$0x5], $0x800, $0x38;
	[tilespmem:$0x1D880] =	vst v63  }
0xf1: {  	_ =	swait.ge [sflag:s31], $0x800  }
0xf2: {  	[sflag:s31] =	ssyncset.done $0x0  }
0xf3: {  	[sflag:s31] =	ssyncadd.s32 $0xFFFFF800  }
0xf4: {  	[spmem:s28] =	stream.linear.scatter [tilespmem:s30], [sflag:$0x5], $0x800, $0x38;
	[tilespmem:$0x1D880] =	vst v63  }
0xf5: {  	_ =	swait.ge [sflag:s31], $0x800  }
0xf6: {  	[sflag:s31] =	ssyncset.done $0x0  }
0xf7: {  	s18 =	simm.s32 @!p0 $0x13880;
	[sflag:s31] =	ssyncadd.s32 $0xFFFFF800  }
0xf8: {  	[spmem:s29] =	stream.linear.scatter @!p0 [tilespmem:s18], [sflag:$0x5], $0x800, $0x38;
	[tilespmem:$0x1D880] =	vst v63  }
0xf9: {  	s18 =	simm.s32 @!p0 $0x5  }
.Ltmp3:
0xfa: {  	_ =	swait.ge @!p0 [sflag:s18], $0x800;
	(pc) =	sbr.rel .LBB2_4-.Ltmp3, $4  }
0xfb: {  	[sflag:s18] =	ssyncset.done @!p0 $0x0  }
0xfc: {  	[sflag:s18] =	ssyncadd.s32 @!p0 $0xFFFFF800  }
0xfd: {  	[bflag:$0x0] =	sbarrier.arrive $0xFFFF  }
0xfe: {  	s19 =	simm.s32 $0x0;
	s18 =	simm.s32 $0x0  }
.LBB2_11:
0xff: {  	s19 =	sadd.s32 $0x1, s19  }
0x100: {  	p1 =	sne.s32 s19, $0x5  }
.Ltmp4:
0x101: {  	_ = 	snop;
	(pc) =	sbr.rel @!p1 .LBB2_12-.Ltmp4, $4  }
0x102: {  	_ = 	snop  }
0x103: {  	_ =	swait.ge [sflag:s17], $0x4000  }
0x104: {  	[sflag:s17] =	ssyncset.done $0x0  }
0x105: {  	[sflag:s17] =	ssyncadd.s32 $0xFFFFC000  }
.LBB2_4:
0x106: {  	s20 =	sshll.u32 s19, $0x8  }
0x107: {  	s20 =	sadd.s32 s23, s20  }
0x108: {  	s21 =	sadd.s32 s6, s20  }
0x109: {  	[tilespmem:s0], [sflag:$0x5] =	stream.linear.gather [hbm4b:s21+s18], $0x800, $0x38;
	[tilespmem:$0x1D880] =	vst v63  }
0x10a: {  	_ =	swait.ge [sflag:s31], $0x800  }
0x10b: {  	[sflag:s31] =	ssyncset.done $0x0  }
0x10c: {  	s25 =	sadd.s32 s2, s20;
	[sflag:s31] =	ssyncadd.s32 $0xFFFFF800  }
0x10d: {  	[tilespmem:s5], [sflag:$0x5] =	stream.linear.gather [hbm4b:s25+s18], $0x800, $0x38;
	[tilespmem:$0x1D880] =	vst v63  }
0x10e: {  	_ =	swait.ge [sflag:s31], $0x800  }
0x10f: {  	[sflag:s31] =	ssyncset.done $0x0  }
0x110: {  	s20 =	sadd.s32 s7, s20;
	[sflag:s31] =	ssyncadd.s32 $0xFFFFF800  }
0x111: {  	[tilespmem:s9], [sflag:$0x5] =	stream.linear.gather [hbm4b:s20+s18], $0x800, $0x38;
	[tilespmem:$0x1D880] =	vst v63  }
0x112: {  	_ =	swait.ge [sflag:s31], $0x800  }
0x113: {  	[sflag:s31] =	ssyncset.done $0x0  }
0x114: {  	[sflag:s31] =	ssyncadd.s32 $0xFFFFF800  }
0x115: {  	[tilespmem:s11], [sflag:$0x1] =	stream.indirect.gather [hbm4b:s1+s10], $0x80, s0, s10, $0xb8;
	[tilespmem:$0x1D880] =	vst v63  }
0x116: {  	s20 =	simm.s32 $0x0  }
0x117: {  	[tilespmem:s13], [sflag:$0x2] =	stream.indirect.gather [hbm4b:s1+s10], $0x80, s12, s10, $0xb8;
	[tilespmem:$0x1D880] =	vst v63  }
.LBB2_5:
0x118: {  	s22 =	sshll.u32 s20, $0xA  }
0x119: {  	s21 =	sshrl.u32 s22, $0x2  }
0x11a: {  	s25 =	sadd.s32 $0x15080, s21  }
0x11b: {  	_ =	swait.ge [sflag:s14], $0x4000;
	v17 =	vmov s25  }
0x11c: {  	[sflag:s14] =	ssyncset.done $0x0  }
0x11d: {  	s24 =	simm.s32 $0x0;
	[sflag:s14] =	ssyncadd.s32 $0xFFFFC000  }
.LBB2_6:
0x11e: {  	s25 =	sshll.u32 s24, $0x4  }
0x11f: {  	s25 =	sand.u32 $0x3FFFFFF0, s25  }
0x120: {  	v18 =	vld.idx.msk [tilespmem:v17+s25+$0x0 ss:$0x1], $0xffff;
	s25 =	sshll.u32 s24, $0xB  }
0x121: {  	s25 =	sand.u32 $0x3FFFF800, s25  }
0x122: {  	v19 =	vld [tilespmem:s25+$0x15880]  }
0x123: {  	v20 =	vld [tilespmem:s25+$0x15890]  }
0x124: {  	v21 =	vld [tilespmem:s25+$0x158A0]  }
0x125: {  	v23 =	vld [tilespmem:s25+$0x158B0];
	v22 =	vperm.xlane v18, v1  }
0x126: {  	v24 =	vld [tilespmem:s25+$0x158C0]  }
0x127: {  	v25 =	vld [tilespmem:s25+$0x158D0];
	v19 =	vmul.f32 v19, v22  }
0x128: {  	v26 =	vld [tilespmem:s25+$0x158E0];
	v20 =	vmul.f32 v20, v22  }
0x129: {  	v43 =	vld [tilespmem:s25+$0x158F0];
	[tilespmem:s25+$0x15880] =	vst v19;
	v19 =	vmul.f32 v21, v22  }
0x12a: {  	v45 =	vld [tilespmem:s25+$0x15900];
	v44 =	vmul.f32 v23, v22;
	[tilespmem:s25+$0x15890] =	vst v20  }
0x12b: {  	v46 =	vld [tilespmem:s25+$0x15910];
	[tilespmem:s25+$0x158A0] =	vst v19;
	v19 =	vmul.f32 v24, v22  }
0x12c: {  	v48 =	vld [tilespmem:s25+$0x15920];
	v47 =	vmul.f32 v25, v22;
	[tilespmem:s25+$0x158B0] =	vst v44  }
0x12d: {  	v27 =	vld [tilespmem:s25+$0x15930];
	v49 =	vperm.xlane v18, v2;
	[tilespmem:s25+$0x158C0] =	vst v19;
	v19 =	vmul.f32 v26, v22  }
0x12e: {  	v51 =	vld [tilespmem:s25+$0x15940];
	v50 =	vmul.f32 v43, v22;
	[tilespmem:s25+$0x158D0] =	vst v47  }
0x12f: {  	v52 =	vld [tilespmem:s25+$0x15950];
	[tilespmem:s25+$0x158E0] =	vst v19;
	v19 =	vmul.f32 v45, v49  }
0x130: {  	v54 =	vld [tilespmem:s25+$0x15960];
	v53 =	vmul.f32 v46, v49;
	[tilespmem:s25+$0x158F0] =	vst v50  }
0x131: {  	v55 =	vld [tilespmem:s25+$0x15970];
	[tilespmem:s25+$0x15900] =	vst v19;
	v19 =	vmul.f32 v48, v49  }
0x132: {  	v57 =	vld [tilespmem:s25+$0x15980];
	v56 =	vmul.f32 v27, v49;
	[tilespmem:s25+$0x15910] =	vst v53  }
0x133: {  	v58 =	vld [tilespmem:s25+$0x15990];
	[tilespmem:s25+$0x15920] =	vst v19;
	v19 =	vmul.f32 v51, v49  }
0x134: {  	v60 =	vld [tilespmem:s25+$0x159A0];
	v59 =	vmul.f32 v52, v49;
	[tilespmem:s25+$0x15930] =	vst v56  }
0x135: {  	v62 =	vld [tilespmem:s25+$0x159B0];
	v61 =	vperm.xlane v18, v3;
	[tilespmem:s25+$0x15940] =	vst v19;
	v19 =	vmul.f32 v54, v49  }
0x136: {  	v28 =	vld [tilespmem:s25+$0x159C0];
	v63 =	vmul.f32 v55, v49;
	[tilespmem:s25+$0x15950] =	vst v59  }
0x137: {  	v29 =	vld [tilespmem:s25+$0x159D0];
	[tilespmem:s25+$0x15960] =	vst v19;
	v19 =	vmul.f32 v57, v61  }
0x138: {  	v31 =	vld [tilespmem:s25+$0x159E0];
	v30 =	vmul.f32 v58, v61;
	[tilespmem:s25+$0x15970] =	vst v63  }
0x139: {  	v32 =	vld [tilespmem:s25+$0x159F0];
	[tilespmem:s25+$0x15980] =	vst v19;
	v19 =	vmul.f32 v60, v61  }
0x13a: {  	v34 =	vld [tilespmem:s25+$0x15A00];
	v33 =	vmul.f32 v62, v61;
	[tilespmem:s25+$0x15990] =	vst v30  }
0x13b: {  	v35 =	vld [tilespmem:s25+$0x15A10];
	[tilespmem:s25+$0x159A0] =	vst v19;
	v19 =	vmul.f32 v28, v61  }
0x13c: {  	v37 =	vld [tilespmem:s25+$0x15A20];
	v36 =	vmul.f32 v29, v61;
	[tilespmem:s25+$0x159B0] =	vst v33  }
0x13d: {  	v39 =	vld [tilespmem:s25+$0x15A30];
	v38 =	vperm.xlane v18, v4;
	[tilespmem:s25+$0x159C0] =	vst v19;
	v19 =	vmul.f32 v31, v61  }
0x13e: {  	v41 =	vld [tilespmem:s25+$0x15A40];
	v40 =	vmul.f32 v32, v61;
	[tilespmem:s25+$0x159D0] =	vst v36  }
0x13f: {  	v45 =	vld [tilespmem:s25+$0x15A70];
	[tilespmem:s25+$0x159E0] =	vst v19;
	v19 =	vmul.f32 v34, v38  }
0x140: {  	v43 =	vmul.f32 v35, v38;
	[tilespmem:s25+$0x159F0] =	vst v40;
	v44 =	vld [tilespmem:s25+$0x15A60]  }
0x141: {  	v42 =	vld [tilespmem:s25+$0x15A50];
	[tilespmem:s25+$0x15A00] =	vst v19;
	v19 =	vmul.f32 v37, v38  }
0x142: {  	v46 =	vmul.f32 v39, v38;
	[tilespmem:s25+$0x15A10] =	vst v43;
	v47 =	vld [tilespmem:s25+$0x15A80]  }
0x143: {  	v52 =	vld [tilespmem:s25+$0x15AB0];
	[tilespmem:s25+$0x15A20] =	vst v19;
	v19 =	vmul.f32 v41, v38  }
0x144: {  	[tilespmem:s25+$0x15A30] =	vst v46;
	v50 =	vld [tilespmem:s25+$0x15AA0];
	v53 =	vmul.f32 v45, v38  }
0x145: {  	v55 =	vld [tilespmem:s25+$0x15AD0];
	v51 =	vperm.xlane v18, v5;
	[tilespmem:s25+$0x15A40] =	vst v19;
	v19 =	vmul.f32 v44, v38  }
0x146: {  	v49 =	vmul.f32 v42, v38;
	v54 =	vld [tilespmem:s25+$0x15AC0];
	[tilespmem:s25+$0x15A70] =	vst v53  }
0x147: {  	v58 =	vld [tilespmem:s25+$0x15AF0];
	[tilespmem:s25+$0x15A60] =	vst v19;
	v19 =	vmul.f32 v47, v51  }
0x148: {  	v59 =	vmul.f32 v52, v51;
	[tilespmem:s25+$0x15A50] =	vst v49;
	v57 =	vld [tilespmem:s25+$0x15AE0]  }
0x149: {  	v48 =	vld [tilespmem:s25+$0x15A90];
	[tilespmem:s25+$0x15A80] =	vst v19;
	v19 =	vmul.f32 v50, v51  }
0x14a: {  	v62 =	vmul.f32 v55, v51;
	[tilespmem:s25+$0x15AB0] =	vst v59;
	v60 =	vld [tilespmem:s25+$0x15B00]  }
0x14b: {  	v40 =	vld [tilespmem:s25+$0x15B90];
	[tilespmem:s25+$0x15AA0] =	vst v19;
	v19 =	vmul.f32 v54, v51  }
0x14c: {  	v63 =	vld [tilespmem:s25+$0x15B20];
	v32 =	vmul.f32 v58, v51;
	[tilespmem:s25+$0x15AD0] =	vst v62  }
0x14d: {  	v30 =	vperm.xlane v18, v6;
	v61 =	vld [tilespmem:s25+$0x15B10];
	[tilespmem:s25+$0x15AC0] =	vst v19;
	v19 =	vmul.f32 v57, v51  }
0x14e: {  	v33 =	vld [tilespmem:s25+$0x15B40];
	v43 =	vperm.xlane v18, v7;
	v56 =	vmul.f32 v48, v51;
	[tilespmem:s25+$0x15AF0] =	vst v32  }
0x14f: {  	v53 =	vld [tilespmem:s25+$0x15C10];
	[tilespmem:s25+$0x15AE0] =	vst v19;
	v19 =	vmul.f32 v60, v30  }
0x150: {  	v36 =	vld [tilespmem:s25+$0x15B60];
	v48 =	vmul.f32 v40, v43;
	[tilespmem:s25+$0x15A90] =	vst v56  }
0x151: {  	v31 =	vld [tilespmem:s25+$0x15B30];
	[tilespmem:s25+$0x15B00] =	vst v19;
	v19 =	vmul.f32 v63, v30  }
0x152: {  	v39 =	vld [tilespmem:s25+$0x15B80];
	[tilespmem:s25+$0x15B90] =	vst v48;
	v56 =	vperm.xlane v18, v8;
	v35 =	vmul.f32 v61, v30  }
0x153: {  	v34 =	vld [tilespmem:s25+$0x15B50];
	[tilespmem:s25+$0x15B20] =	vst v19;
	v19 =	vmul.f32 v33, v30  }
0x154: {  	v42 =	vld [tilespmem:s25+$0x15BA0];
	v61 =	vmul.f32 v53, v56;
	[tilespmem:s25+$0x15B10] =	vst v35  }
0x155: {  	v37 =	vld [tilespmem:s25+$0x15B70];
	[tilespmem:s25+$0x15B40] =	vst v19;
	v19 =	vmul.f32 v36, v30  }
0x156: {  	v46 =	vld [tilespmem:s25+$0x15BC0];
	[tilespmem:s25+$0x15C10] =	vst v61;
	v38 =	vmul.f32 v31, v30  }
0x157: {  	v47 =	vld [tilespmem:s25+$0x15BD0];
	[tilespmem:s25+$0x15B60] =	vst v19;
	v19 =	vmul.f32 v39, v43  }
0x158: {  	v49 =	vld [tilespmem:s25+$0x15BE0];
	v41 =	vmul.f32 v34, v30;
	[tilespmem:s25+$0x15B30] =	vst v38  }
0x159: {  	v38 =	vld [tilespmem:s25+$0x15CD0];
	[tilespmem:s25+$0x15B80] =	vst v19;
	v19 =	vmul.f32 v42, v43  }
0x15a: {  	v52 =	vld [tilespmem:s25+$0x15C00];
	[tilespmem:s25+$0x15B50] =	vst v41;
	v45 =	vmul.f32 v37, v30  }
0x15b: {  	v44 =	vld [tilespmem:s25+$0x15BB0];
	[tilespmem:s25+$0x15BA0] =	vst v19;
	v19 =	vmul.f32 v46, v43  }
0x15c: {  	v55 =	vld [tilespmem:s25+$0x15C20];
	v34 =	vperm.xlane v18, v9;
	[tilespmem:s25+$0x15B70] =	vst v45;
	v54 =	vmul.f32 v47, v43  }
0x15d: {  	v50 =	vld [tilespmem:s25+$0x15BF0];
	[tilespmem:s25+$0x15BC0] =	vst v19;
	v19 =	vmul.f32 v49, v43  }
0x15e: {  	v59 =	vld [tilespmem:s25+$0x15C40];
	v45 =	vmul.f32 v38, v34;
	[tilespmem:s25+$0x15BD0] =	vst v54  }
0x15f: {  	v57 =	vld [tilespmem:s25+$0x15C30];
	[tilespmem:s25+$0x15BE0] =	vst v19;
	v19 =	vmul.f32 v52, v56  }
0x160: {  	v62 =	vld [tilespmem:s25+$0x15C60];
	v51 =	vmul.f32 v44, v43;
	[tilespmem:s25+$0x15CD0] =	vst v45  }
0x161: {  	v60 =	vld [tilespmem:s25+$0x15C50];
	[tilespmem:s25+$0x15C00] =	vst v19;
	v19 =	vmul.f32 v55, v56  }
0x162: {  	v58 =	vmul.f32 v50, v43;
	[tilespmem:s25+$0x15BB0] =	vst v51;
	v30 =	vld [tilespmem:s25+$0x15C80]  }
0x163: {  	v51 =	vld [tilespmem:s25+$0x15D50];
	[tilespmem:s25+$0x15C20] =	vst v19;
	v19 =	vmul.f32 v59, v56  }
0x164: {  	[tilespmem:s25+$0x15BF0] =	vst v58;
	v29 =	vmul.f32 v57, v56;
	v33 =	vld [tilespmem:s25+$0x15CA0]  }
0x165: {  	v63 =	vld [tilespmem:s25+$0x15C70];
	[tilespmem:s25+$0x15C40] =	vst v19;
	v19 =	vmul.f32 v62, v56  }
0x166: {  	v37 =	vld [tilespmem:s25+$0x15CC0];
	v47 =	vperm.xlane v18, v10;
	[tilespmem:s25+$0x15C30] =	vst v29;
	v32 =	vmul.f32 v60, v56  }
0x167: {  	v61 =	vld [tilespmem:s25+$0x15DB0];
	[tilespmem:s25+$0x15C60] =	vst v19;
	v19 =	vmul.f32 v30, v34  }
0x168: {  	v40 =	vld [tilespmem:s25+$0x15CE0];
	v58 =	vmul.f32 v51, v47;
	[tilespmem:s25+$0x15C50] =	vst v32  }
0x169: {  	v31 =	vld [tilespmem:s25+$0x15C90];
	[tilespmem:s25+$0x15C80] =	vst v19;
	v19 =	vmul.f32 v33, v34  }
0x16a: {  	v60 =	vperm.xlane v18, v11;
	v36 =	vmul.f32 v63, v56;
	[tilespmem:s25+$0x15D50] =	vst v58;
	v43 =	vld [tilespmem:s25+$0x15D00]  }
0x16b: {  	v57 =	vld [tilespmem:s25+$0x15D90];
	[tilespmem:s25+$0x15CA0] =	vst v19;
	v19 =	vmul.f32 v37, v34  }
0x16c: {  	v32 =	vmul.f32 v61, v60;
	[tilespmem:s25+$0x15C70] =	vst v36;
	v46 =	vld [tilespmem:s25+$0x15D20]  }
0x16d: {  	v35 =	vld [tilespmem:s25+$0x15CB0];
	[tilespmem:s25+$0x15CC0] =	vst v19;
	v19 =	vmul.f32 v40, v34  }
0x16e: {  	v50 =	vld [tilespmem:s25+$0x15D40];
	v39 =	vmul.f32 v31, v34;
	[tilespmem:s25+$0x15DB0] =	vst v32  }
0x16f: {  	v28 =	vld [tilespmem:s25+$0x15DD0];
	[tilespmem:s25+$0x15CE0] =	vst v19;
	v19 =	vmul.f32 v43, v47  }
0x170: {  	v53 =	vld [tilespmem:s25+$0x15D60];
	v29 =	vmul.f32 v57, v60;
	[tilespmem:s25+$0x15C90] =	vst v39  }
0x171: {  	v31 =	vld [tilespmem:s25+$0x15DF0];
	[tilespmem:s25+$0x15D00] =	vst v19;
	v19 =	vmul.f32 v46, v47  }
0x172: {  	v42 =	vmul.f32 v35, v34;
	[tilespmem:s25+$0x15D90] =	vst v29;
	v56 =	vld [tilespmem:s25+$0x15D80]  }
0x173: {  	v41 =	vld [tilespmem:s25+$0x15CF0];
	[tilespmem:s25+$0x15D20] =	vst v19;
	v19 =	vmul.f32 v50, v47  }
0x174: {  	v35 =	vmul.f32 v28, v60;
	[tilespmem:s25+$0x15CB0] =	vst v42;
	v59 =	vld [tilespmem:s25+$0x15DA0]  }
0x175: {  	v44 =	vld [tilespmem:s25+$0x15D10];
	[tilespmem:s25+$0x15D40] =	vst v19;
	v19 =	vmul.f32 v53, v47  }
0x176: {  	v63 =	vld [tilespmem:s25+$0x15DC0];
	[tilespmem:s25+$0x15DD0] =	vst v35;
	v39 =	vmul.f32 v31, v60  }
0x177: {  	v48 =	vld [tilespmem:s25+$0x15D30];
	[tilespmem:s25+$0x15D60] =	vst v19;
	v19 =	vmul.f32 v56, v60  }
0x178: {  	v49 =	vmul.f32 v41, v34;
	[tilespmem:s25+$0x15DF0] =	vst v39;
	v30 =	vld [tilespmem:s25+$0x15DE0]  }
0x179: {  	v54 =	vld [tilespmem:s25+$0x15D70];
	[tilespmem:s25+$0x15D80] =	vst v19;
	v19 =	vmul.f32 v59, v60  }
0x17a: {  	[tilespmem:s25+$0x15CF0] =	vst v49;
	v52 =	vmul.f32 v44, v47;
	v33 =	vld [tilespmem:s25+$0x15E00]  }
0x17b: {  	v38 =	vld [tilespmem:s25+$0x15E30];
	[tilespmem:s25+$0x15DA0] =	vst v19;
	v19 =	vmul.f32 v63, v60  }
0x17c: {  	v36 =	vld [tilespmem:s25+$0x15E20];
	[tilespmem:s25+$0x15D10] =	vst v52;
	v55 =	vmul.f32 v48, v47  }
0x17d: {  	v41 =	vld [tilespmem:s25+$0x15E50];
	v37 =	vperm.xlane v18, v12;
	[tilespmem:s25+$0x15DC0] =	vst v19;
	v19 =	vmul.f32 v30, v60  }
0x17e: {  	[tilespmem:s25+$0x15D30] =	vst v55;
	v62 =	vmul.f32 v54, v47;
	v40 =	vld [tilespmem:s25+$0x15E40]  }
0x17f: {  	v44 =	vld [tilespmem:s25+$0x15E70];
	[tilespmem:s25+$0x15DE0] =	vst v19;
	v19 =	vmul.f32 v33, v37  }
0x180: {  	[tilespmem:s25+$0x15D70] =	vst v62;
	v45 =	vmul.f32 v38, v37;
	v43 =	vld [tilespmem:s25+$0x15E60]  }
0x181: {  	v34 =	vld [tilespmem:s25+$0x15E10];
	[tilespmem:s25+$0x15E00] =	vst v19;
	v19 =	vmul.f32 v36, v37  }
0x182: {  	v48 =	vmul.f32 v41, v37;
	[tilespmem:s25+$0x15E30] =	vst v45;
	v46 =	vld [tilespmem:s25+$0x15E80]  }
0x183: {  	v51 =	vld [tilespmem:s25+$0x15EB0];
	[tilespmem:s25+$0x15E20] =	vst v19;
	v19 =	vmul.f32 v40, v37  }
0x184: {  	v49 =	vld [tilespmem:s25+$0x15EA0];
	v52 =	vmul.f32 v44, v37;
	[tilespmem:s25+$0x15E50] =	vst v48  }
0x185: {  	v54 =	vld [tilespmem:s25+$0x15ED0];
	v50 =	vperm.xlane v18, v13;
	[tilespmem:s25+$0x15E40] =	vst v19;
	v19 =	vmul.f32 v43, v37  }
0x186: {  	[tilespmem:s25+$0x15E70] =	vst v52;
	v42 =	vmul.f32 v34, v37;
	v53 =	vld [tilespmem:s25+$0x15EC0]  }
0x187: {  	v57 =	vld [tilespmem:s25+$0x15EF0];
	[tilespmem:s25+$0x15E60] =	vst v19;
	v19 =	vmul.f32 v46, v50  }
0x188: {  	[tilespmem:s25+$0x15E10] =	vst v42;
	v58 =	vmul.f32 v51, v50;
	v56 =	vld [tilespmem:s25+$0x15EE0]  }
0x189: {  	v47 =	vld [tilespmem:s25+$0x15E90];
	[tilespmem:s25+$0x15E80] =	vst v19;
	v19 =	vmul.f32 v49, v50  }
0x18a: {  	v61 =	vmul.f32 v54, v50;
	[tilespmem:s25+$0x15EB0] =	vst v58;
	v59 =	vld [tilespmem:s25+$0x15F00]  }
0x18b: {  	v39 =	vld [tilespmem:s25+$0x15F90];
	[tilespmem:s25+$0x15EA0] =	vst v19;
	v19 =	vmul.f32 v53, v50  }
0x18c: {  	v62 =	vld [tilespmem:s25+$0x15F20];
	v31 =	vmul.f32 v57, v50;
	[tilespmem:s25+$0x15ED0] =	vst v61  }
0x18d: {  	v63 =	vperm.xlane v18, v14;
	v60 =	vld [tilespmem:s25+$0x15F10];
	[tilespmem:s25+$0x15EC0] =	vst v19;
	v19 =	vmul.f32 v56, v50  }
0x18e: {  	v32 =	vld [tilespmem:s25+$0x15F40];
	v42 =	vperm.xlane v18, v15;
	[tilespmem:s25+$0x15EF0] =	vst v31;
	v55 =	vmul.f32 v47, v50  }
0x18f: {  	v33 =	vld [tilespmem:s25+$0x15F50];
	[tilespmem:s25+$0x15EE0] =	vst v19;
	v19 =	vmul.f32 v59, v63  }
0x190: {  	v35 =	vld [tilespmem:s25+$0x15F60];
	v47 =	vmul.f32 v39, v42;
	[tilespmem:s25+$0x15E90] =	vst v55  }
0x191: {  	v30 =	vld [tilespmem:s25+$0x15F30];
	[tilespmem:s25+$0x15F00] =	vst v19;
	v19 =	vmul.f32 v62, v63  }
0x192: {  	v38 =	vld [tilespmem:s25+$0x15F80];
	[tilespmem:s25+$0x15F90] =	vst v47;
	v34 =	vmul.f32 v60, v63  }
0x193: {  	v36 =	vld [tilespmem:s25+$0x15F70];
	[tilespmem:s25+$0x15F20] =	vst v19;
	v19 =	vmul.f32 v32, v63  }
0x194: {  	v41 =	vld [tilespmem:s25+$0x15FA0];
	[tilespmem:s25+$0x15F10] =	vst v34;
	v40 =	vmul.f32 v33, v63  }
0x195: {  	v46 =	vld [tilespmem:s25+$0x15FD0];
	[tilespmem:s25+$0x15F40] =	vst v19;
	v19 =	vmul.f32 v35, v63  }
0x196: {  	v45 =	vld [tilespmem:s25+$0x15FC0];
	v37 =	vmul.f32 v30, v63;
	[tilespmem:s25+$0x15F50] =	vst v40  }
0x197: {  	v43 =	vld [tilespmem:s25+$0x15FB0];
	[tilespmem:s25+$0x15F60] =	vst v19;
	v19 =	vmul.f32 v38, v42  }
0x198: {  	v48 =	vld [tilespmem:s25+$0x15FE0];
	v44 =	vmul.f32 v36, v63;
	[tilespmem:s25+$0x15F30] =	vst v37  }
0x199: {  	v49 =	vld [tilespmem:s25+$0x15FF0];
	[tilespmem:s25+$0x15F80] =	vst v19;
	v19 =	vmul.f32 v41, v42  }
0x19a: {  	v51 =	vld [tilespmem:s25+$0x16000];
	[tilespmem:s25+$0x15F70] =	vst v44;
	v53 =	vmul.f32 v46, v42  }
0x19b: {  	v52 =	vld [tilespmem:s25+$0x16010];
	[tilespmem:s25+$0x15FA0] =	vst v19;
	v19 =	vmul.f32 v45, v42  }
0x19c: {  	v54 =	vld [tilespmem:s25+$0x16020];
	v50 =	vmul.f32 v43, v42;
	[tilespmem:s25+$0x15FD0] =	vst v53  }
0x19d: {  	v18 =	vperm.xlane v18, v16;
	v55 =	vld [tilespmem:s25+$0x16030];
	[tilespmem:s25+$0x15FC0] =	vst v19;
	v19 =	vmul.f32 v48, v42  }
0x19e: {  	v57 =	vld [tilespmem:s25+$0x16040];
	v56 =	vmul.f32 v49, v42;
	[tilespmem:s25+$0x15FB0] =	vst v50  }
0x19f: {  	v58 =	vld [tilespmem:s25+$0x16050];
	[tilespmem:s25+$0x15FE0] =	vst v19;
	v19 =	vmul.f32 v51, v18  }
0x1a0: {  	v60 =	vld [tilespmem:s25+$0x16060];
	v59 =	vmul.f32 v52, v18;
	[tilespmem:s25+$0x15FF0] =	vst v56  }
0x1a1: {  	v61 =	vld [tilespmem:s25+$0x16070];
	[tilespmem:s25+$0x16000] =	vst v19;
	v19 =	vmul.f32 v54, v18  }
0x1a2: {  	[tilespmem:s25+$0x16010] =	vst v59;
	v62 =	vmul.f32 v55, v18  }
0x1a3: {  	p1 =	sne.s32 s24, $0x7;
	[tilespmem:s25+$0x16020] =	vst v19;
	v19 =	vmul.f32 v57, v18  }
.Ltmp5:
0x1a4: {  	[tilespmem:s25+$0x16030] =	vst v62;
	v63 =	vmul.f32 v58, v18;
	(pc) =	sbr.rel @p1 .LBB2_6-.Ltmp5, $4  }
0x1a5: {  	[tilespmem:s25+$0x16040] =	vst v19;
	v19 =	vmul.f32 v60, v18  }
0x1a6: {  	[tilespmem:s25+$0x16050] =	vst v63;
	v18 =	vmul.f32 v61, v18  }
0x1a7: {  	[tilespmem:s25+$0x16060] =	vst v19  }
0x1a8: {  	s24 =	sadd.s32 $0x1, s24;
	[tilespmem:s25+$0x16070] =	vst v18  }
0x1a9: {  	s22 =	sor.u32 $0x200, s22;
	s24 =	sadd.s32 $0x14880, s21  }
0x1aa: {  	[spmem:s3] =	stream.indirect.scatter.add.f32 [tilespmem:s11], [sflag:$0x3], $0x80, s24, s10, $0xb8;
	[tilespmem:$0x1D880] =	vst v63  }
0x1ab: {  	s22 =	sshrl.u32 s22, $0x2  }
0x1ac: {  	s25 =	sadd.s32 $0x15080, s22  }
0x1ad: {  	_ =	swait.ge [sflag:s15], $0x4000;
	v17 =	vmov s25  }
0x1ae: {  	[sflag:s15] =	ssyncset.done $0x0  }
0x1af: {  	s24 =	simm.s32 $0x0;
	[sflag:s15] =	ssyncadd.s32 $0xFFFFC000  }
.LBB2_8:
0x1b0: {  	s25 =	sshll.u32 s24, $0x4  }
0x1b1: {  	s25 =	sand.u32 $0x3FFFFFF0, s25  }
0x1b2: {  	v18 =	vld.idx.msk [tilespmem:v17+s25+$0x0 ss:$0x1], $0xffff;
	s25 =	sshll.u32 s24, $0xB  }
0x1b3: {  	s25 =	sand.u32 $0x3FFFF800, s25  }
0x1b4: {  	v19 =	vld [tilespmem:s25+$0x19880]  }
0x1b5: {  	v20 =	vld [tilespmem:s25+$0x19890]  }
0x1b6: {  	v21 =	vld [tilespmem:s25+$0x198A0]  }
0x1b7: {  	v23 =	vld [tilespmem:s25+$0x198B0];
	v22 =	vperm.xlane v18, v1  }
0x1b8: {  	v24 =	vld [tilespmem:s25+$0x198C0]  }
0x1b9: {  	v25 =	vld [tilespmem:s25+$0x198D0];
	v19 =	vmul.f32 v19, v22  }
0x1ba: {  	v26 =	vld [tilespmem:s25+$0x198E0];
	v20 =	vmul.f32 v20, v22  }
0x1bb: {  	v43 =	vld [tilespmem:s25+$0x198F0];
	[tilespmem:s25+$0x19880] =	vst v19;
	v19 =	vmul.f32 v21, v22  }
0x1bc: {  	v45 =	vld [tilespmem:s25+$0x19900];
	v44 =	vmul.f32 v23, v22;
	[tilespmem:s25+$0x19890] =	vst v20  }
0x1bd: {  	v46 =	vld [tilespmem:s25+$0x19910];
	[tilespmem:s25+$0x198A0] =	vst v19;
	v19 =	vmul.f32 v24, v22  }
0x1be: {  	v48 =	vld [tilespmem:s25+$0x19920];
	v47 =	vmul.f32 v25, v22;
	[tilespmem:s25+$0x198B0] =	vst v44  }
0x1bf: {  	v27 =	vld [tilespmem:s25+$0x19930];
	v49 =	vperm.xlane v18, v2;
	[tilespmem:s25+$0x198C0] =	vst v19;
	v19 =	vmul.f32 v26, v22  }
0x1c0: {  	v51 =	vld [tilespmem:s25+$0x19940];
	v50 =	vmul.f32 v43, v22;
	[tilespmem:s25+$0x198D0] =	vst v47  }
0x1c1: {  	v52 =	vld [tilespmem:s25+$0x19950];
	[tilespmem:s25+$0x198E0] =	vst v19;
	v19 =	vmul.f32 v45, v49  }
0x1c2: {  	v54 =	vld [tilespmem:s25+$0x19960];
	v53 =	vmul.f32 v46, v49;
	[tilespmem:s25+$0x198F0] =	vst v50  }
0x1c3: {  	v55 =	vld [tilespmem:s25+$0x19970];
	[tilespmem:s25+$0x19900] =	vst v19;
	v19 =	vmul.f32 v48, v49  }
0x1c4: {  	v57 =	vld [tilespmem:s25+$0x19980];
	v56 =	vmul.f32 v27, v49;
	[tilespmem:s25+$0x19910] =	vst v53  }
0x1c5: {  	v58 =	vld [tilespmem:s25+$0x19990];
	[tilespmem:s25+$0x19920] =	vst v19;
	v19 =	vmul.f32 v51, v49  }
0x1c6: {  	v60 =	vld [tilespmem:s25+$0x199A0];
	v59 =	vmul.f32 v52, v49;
	[tilespmem:s25+$0x19930] =	vst v56  }
0x1c7: {  	v62 =	vld [tilespmem:s25+$0x199B0];
	v61 =	vperm.xlane v18, v3;
	[tilespmem:s25+$0x19940] =	vst v19;
	v19 =	vmul.f32 v54, v49  }
0x1c8: {  	v28 =	vld [tilespmem:s25+$0x199C0];
	v63 =	vmul.f32 v55, v49;
	[tilespmem:s25+$0x19950] =	vst v59  }
0x1c9: {  	v29 =	vld [tilespmem:s25+$0x199D0];
	[tilespmem:s25+$0x19960] =	vst v19;
	v19 =	vmul.f32 v57, v61  }
0x1ca: {  	v31 =	vld [tilespmem:s25+$0x199E0];
	v30 =	vmul.f32 v58, v61;
	[tilespmem:s25+$0x19970] =	vst v63  }
0x1cb: {  	v32 =	vld [tilespmem:s25+$0x199F0];
	[tilespmem:s25+$0x19980] =	vst v19;
	v19 =	vmul.f32 v60, v61  }
0x1cc: {  	v34 =	vld [tilespmem:s25+$0x19A00];
	v33 =	vmul.f32 v62, v61;
	[tilespmem:s25+$0x19990] =	vst v30  }
0x1cd: {  	v35 =	vld [tilespmem:s25+$0x19A10];
	[tilespmem:s25+$0x199A0] =	vst v19;
	v19 =	vmul.f32 v28, v61  }
0x1ce: {  	v37 =	vld [tilespmem:s25+$0x19A20];
	v36 =	vmul.f32 v29, v61;
	[tilespmem:s25+$0x199B0] =	vst v33  }
0x1cf: {  	v39 =	vld [tilespmem:s25+$0x19A30];
	v38 =	vperm.xlane v18, v4;
	[tilespmem:s25+$0x199C0] =	vst v19;
	v19 =	vmul.f32 v31, v61  }
0x1d0: {  	v41 =	vld [tilespmem:s25+$0x19A40];
	v40 =	vmul.f32 v32, v61;
	[tilespmem:s25+$0x199D0] =	vst v36  }
0x1d1: {  	v45 =	vld [tilespmem:s25+$0x19A70];
	[tilespmem:s25+$0x199E0] =	vst v19;
	v19 =	vmul.f32 v34, v38  }
0x1d2: {  	v43 =	vmul.f32 v35, v38;
	[tilespmem:s25+$0x199F0] =	vst v40;
	v44 =	vld [tilespmem:s25+$0x19A60]  }
0x1d3: {  	v42 =	vld [tilespmem:s25+$0x19A50];
	[tilespmem:s25+$0x19A00] =	vst v19;
	v19 =	vmul.f32 v37, v38  }
0x1d4: {  	v46 =	vmul.f32 v39, v38;
	[tilespmem:s25+$0x19A10] =	vst v43;
	v47 =	vld [tilespmem:s25+$0x19A80]  }
0x1d5: {  	v52 =	vld [tilespmem:s25+$0x19AB0];
	[tilespmem:s25+$0x19A20] =	vst v19;
	v19 =	vmul.f32 v41, v38  }
0x1d6: {  	[tilespmem:s25+$0x19A30] =	vst v46;
	v50 =	vld [tilespmem:s25+$0x19AA0];
	v53 =	vmul.f32 v45, v38  }
0x1d7: {  	v55 =	vld [tilespmem:s25+$0x19AD0];
	v51 =	vperm.xlane v18, v5;
	[tilespmem:s25+$0x19A40] =	vst v19;
	v19 =	vmul.f32 v44, v38  }
0x1d8: {  	v49 =	vmul.f32 v42, v38;
	v54 =	vld [tilespmem:s25+$0x19AC0];
	[tilespmem:s25+$0x19A70] =	vst v53  }
0x1d9: {  	v58 =	vld [tilespmem:s25+$0x19AF0];
	[tilespmem:s25+$0x19A60] =	vst v19;
	v19 =	vmul.f32 v47, v51  }
0x1da: {  	v59 =	vmul.f32 v52, v51;
	[tilespmem:s25+$0x19A50] =	vst v49;
	v57 =	vld [tilespmem:s25+$0x19AE0]  }
0x1db: {  	v48 =	vld [tilespmem:s25+$0x19A90];
	[tilespmem:s25+$0x19A80] =	vst v19;
	v19 =	vmul.f32 v50, v51  }
0x1dc: {  	v62 =	vmul.f32 v55, v51;
	[tilespmem:s25+$0x19AB0] =	vst v59;
	v60 =	vld [tilespmem:s25+$0x19B00]  }
0x1dd: {  	v40 =	vld [tilespmem:s25+$0x19B90];
	[tilespmem:s25+$0x19AA0] =	vst v19;
	v19 =	vmul.f32 v54, v51  }
0x1de: {  	v63 =	vld [tilespmem:s25+$0x19B20];
	v32 =	vmul.f32 v58, v51;
	[tilespmem:s25+$0x19AD0] =	vst v62  }
0x1df: {  	v30 =	vperm.xlane v18, v6;
	v61 =	vld [tilespmem:s25+$0x19B10];
	[tilespmem:s25+$0x19AC0] =	vst v19;
	v19 =	vmul.f32 v57, v51  }
0x1e0: {  	v33 =	vld [tilespmem:s25+$0x19B40];
	v43 =	vperm.xlane v18, v7;
	v56 =	vmul.f32 v48, v51;
	[tilespmem:s25+$0x19AF0] =	vst v32  }
0x1e1: {  	v53 =	vld [tilespmem:s25+$0x19C10];
	[tilespmem:s25+$0x19AE0] =	vst v19;
	v19 =	vmul.f32 v60, v30  }
0x1e2: {  	v36 =	vld [tilespmem:s25+$0x19B60];
	v48 =	vmul.f32 v40, v43;
	[tilespmem:s25+$0x19A90] =	vst v56  }
0x1e3: {  	v31 =	vld [tilespmem:s25+$0x19B30];
	[tilespmem:s25+$0x19B00] =	vst v19;
	v19 =	vmul.f32 v63, v30  }
0x1e4: {  	v39 =	vld [tilespmem:s25+$0x19B80];
	[tilespmem:s25+$0x19B90] =	vst v48;
	v56 =	vperm.xlane v18, v8;
	v35 =	vmul.f32 v61, v30  }
0x1e5: {  	v34 =	vld [tilespmem:s25+$0x19B50];
	[tilespmem:s25+$0x19B20] =	vst v19;
	v19 =	vmul.f32 v33, v30  }
0x1e6: {  	v42 =	vld [tilespmem:s25+$0x19BA0];
	v61 =	vmul.f32 v53, v56;
	[tilespmem:s25+$0x19B10] =	vst v35  }
0x1e7: {  	v37 =	vld [tilespmem:s25+$0x19B70];
	[tilespmem:s25+$0x19B40] =	vst v19;
	v19 =	vmul.f32 v36, v30  }
0x1e8: {  	v46 =	vld [tilespmem:s25+$0x19BC0];
	[tilespmem:s25+$0x19C10] =	vst v61;
	v38 =	vmul.f32 v31, v30  }
0x1e9: {  	v47 =	vld [tilespmem:s25+$0x19BD0];
	[tilespmem:s25+$0x19B60] =	vst v19;
	v19 =	vmul.f32 v39, v43  }
0x1ea: {  	v49 =	vld [tilespmem:s25+$0x19BE0];
	v41 =	vmul.f32 v34, v30;
	[tilespmem:s25+$0x19B30] =	vst v38  }
0x1eb: {  	v38 =	vld [tilespmem:s25+$0x19CD0];
	[tilespmem:s25+$0x19B80] =	vst v19;
	v19 =	vmul.f32 v42, v43  }
0x1ec: {  	v52 =	vld [tilespmem:s25+$0x19C00];
	[tilespmem:s25+$0x19B50] =	vst v41;
	v45 =	vmul.f32 v37, v30  }
0x1ed: {  	v44 =	vld [tilespmem:s25+$0x19BB0];
	[tilespmem:s25+$0x19BA0] =	vst v19;
	v19 =	vmul.f32 v46, v43  }
0x1ee: {  	v55 =	vld [tilespmem:s25+$0x19C20];
	v34 =	vperm.xlane v18, v9;
	[tilespmem:s25+$0x19B70] =	vst v45;
	v54 =	vmul.f32 v47, v43  }
0x1ef: {  	v50 =	vld [tilespmem:s25+$0x19BF0];
	[tilespmem:s25+$0x19BC0] =	vst v19;
	v19 =	vmul.f32 v49, v43  }
0x1f0: {  	v59 =	vld [tilespmem:s25+$0x19C40];
	v45 =	vmul.f32 v38, v34;
	[tilespmem:s25+$0x19BD0] =	vst v54  }
0x1f1: {  	v57 =	vld [tilespmem:s25+$0x19C30];
	[tilespmem:s25+$0x19BE0] =	vst v19;
	v19 =	vmul.f32 v52, v56  }
0x1f2: {  	v62 =	vld [tilespmem:s25+$0x19C60];
	v51 =	vmul.f32 v44, v43;
	[tilespmem:s25+$0x19CD0] =	vst v45  }
0x1f3: {  	v60 =	vld [tilespmem:s25+$0x19C50];
	[tilespmem:s25+$0x19C00] =	vst v19;
	v19 =	vmul.f32 v55, v56  }
0x1f4: {  	v58 =	vmul.f32 v50, v43;
	[tilespmem:s25+$0x19BB0] =	vst v51;
	v30 =	vld [tilespmem:s25+$0x19C80]  }
0x1f5: {  	v51 =	vld [tilespmem:s25+$0x19D50];
	[tilespmem:s25+$0x19C20] =	vst v19;
	v19 =	vmul.f32 v59, v56  }
0x1f6: {  	[tilespmem:s25+$0x19BF0] =	vst v58;
	v29 =	vmul.f32 v57, v56;
	v33 =	vld [tilespmem:s25+$0x19CA0]  }
0x1f7: {  	v63 =	vld [tilespmem:s25+$0x19C70];
	[tilespmem:s25+$0x19C40] =	vst v19;
	v19 =	vmul.f32 v62, v56  }
0x1f8: {  	v37 =	vld [tilespmem:s25+$0x19CC0];
	v47 =	vperm.xlane v18, v10;
	[tilespmem:s25+$0x19C30] =	vst v29;
	v32 =	vmul.f32 v60, v56  }
0x1f9: {  	v61 =	vld [tilespmem:s25+$0x19DB0];
	[tilespmem:s25+$0x19C60] =	vst v19;
	v19 =	vmul.f32 v30, v34  }
0x1fa: {  	v40 =	vld [tilespmem:s25+$0x19CE0];
	v58 =	vmul.f32 v51, v47;
	[tilespmem:s25+$0x19C50] =	vst v32  }
0x1fb: {  	v31 =	vld [tilespmem:s25+$0x19C90];
	[tilespmem:s25+$0x19C80] =	vst v19;
	v19 =	vmul.f32 v33, v34  }
0x1fc: {  	v60 =	vperm.xlane v18, v11;
	v36 =	vmul.f32 v63, v56;
	[tilespmem:s25+$0x19D50] =	vst v58;
	v43 =	vld [tilespmem:s25+$0x19D00]  }
0x1fd: {  	v57 =	vld [tilespmem:s25+$0x19D90];
	[tilespmem:s25+$0x19CA0] =	vst v19;
	v19 =	vmul.f32 v37, v34  }
0x1fe: {  	v32 =	vmul.f32 v61, v60;
	[tilespmem:s25+$0x19C70] =	vst v36;
	v46 =	vld [tilespmem:s25+$0x19D20]  }
0x1ff: {  	v35 =	vld [tilespmem:s25+$0x19CB0];
	[tilespmem:s25+$0x19CC0] =	vst v19;
	v19 =	vmul.f32 v40, v34  }
0x200: {  	v50 =	vld [tilespmem:s25+$0x19D40];
	v39 =	vmul.f32 v31, v34;
	[tilespmem:s25+$0x19DB0] =	vst v32  }
0x201: {  	v28 =	vld [tilespmem:s25+$0x19DD0];
	[tilespmem:s25+$0x19CE0] =	vst v19;
	v19 =	vmul.f32 v43, v47  }
0x202: {  	v53 =	vld [tilespmem:s25+$0x19D60];
	v29 =	vmul.f32 v57, v60;
	[tilespmem:s25+$0x19C90] =	vst v39  }
0x203: {  	v31 =	vld [tilespmem:s25+$0x19DF0];
	[tilespmem:s25+$0x19D00] =	vst v19;
	v19 =	vmul.f32 v46, v47  }
0x204: {  	v42 =	vmul.f32 v35, v34;
	[tilespmem:s25+$0x19D90] =	vst v29;
	v56 =	vld [tilespmem:s25+$0x19D80]  }
0x205: {  	v41 =	vld [tilespmem:s25+$0x19CF0];
	[tilespmem:s25+$0x19D20] =	vst v19;
	v19 =	vmul.f32 v50, v47  }
0x206: {  	v35 =	vmul.f32 v28, v60;
	[tilespmem:s25+$0x19CB0] =	vst v42;
	v59 =	vld [tilespmem:s25+$0x19DA0]  }
0x207: {  	v44 =	vld [tilespmem:s25+$0x19D10];
	[tilespmem:s25+$0x19D40] =	vst v19;
	v19 =	vmul.f32 v53, v47  }
0x208: {  	v63 =	vld [tilespmem:s25+$0x19DC0];
	[tilespmem:s25+$0x19DD0] =	vst v35;
	v39 =	vmul.f32 v31, v60  }
0x209: {  	v48 =	vld [tilespmem:s25+$0x19D30];
	[tilespmem:s25+$0x19D60] =	vst v19;
	v19 =	vmul.f32 v56, v60  }
0x20a: {  	v49 =	vmul.f32 v41, v34;
	[tilespmem:s25+$0x19DF0] =	vst v39;
	v30 =	vld [tilespmem:s25+$0x19DE0]  }
0x20b: {  	v54 =	vld [tilespmem:s25+$0x19D70];
	[tilespmem:s25+$0x19D80] =	vst v19;
	v19 =	vmul.f32 v59, v60  }
0x20c: {  	[tilespmem:s25+$0x19CF0] =	vst v49;
	v52 =	vmul.f32 v44, v47;
	v33 =	vld [tilespmem:s25+$0x19E00]  }
0x20d: {  	v38 =	vld [tilespmem:s25+$0x19E30];
	[tilespmem:s25+$0x19DA0] =	vst v19;
	v19 =	vmul.f32 v63, v60  }
0x20e: {  	v36 =	vld [tilespmem:s25+$0x19E20];
	[tilespmem:s25+$0x19D10] =	vst v52;
	v55 =	vmul.f32 v48, v47  }
0x20f: {  	v41 =	vld [tilespmem:s25+$0x19E50];
	v37 =	vperm.xlane v18, v12;
	[tilespmem:s25+$0x19DC0] =	vst v19;
	v19 =	vmul.f32 v30, v60  }
0x210: {  	[tilespmem:s25+$0x19D30] =	vst v55;
	v62 =	vmul.f32 v54, v47;
	v40 =	vld [tilespmem:s25+$0x19E40]  }
0x211: {  	v44 =	vld [tilespmem:s25+$0x19E70];
	[tilespmem:s25+$0x19DE0] =	vst v19;
	v19 =	vmul.f32 v33, v37  }
0x212: {  	[tilespmem:s25+$0x19D70] =	vst v62;
	v45 =	vmul.f32 v38, v37;
	v43 =	vld [tilespmem:s25+$0x19E60]  }
0x213: {  	v34 =	vld [tilespmem:s25+$0x19E10];
	[tilespmem:s25+$0x19E00] =	vst v19;
	v19 =	vmul.f32 v36, v37  }
0x214: {  	v48 =	vmul.f32 v41, v37;
	[tilespmem:s25+$0x19E30] =	vst v45;
	v46 =	vld [tilespmem:s25+$0x19E80]  }
0x215: {  	v51 =	vld [tilespmem:s25+$0x19EB0];
	[tilespmem:s25+$0x19E20] =	vst v19;
	v19 =	vmul.f32 v40, v37  }
0x216: {  	v49 =	vld [tilespmem:s25+$0x19EA0];
	v52 =	vmul.f32 v44, v37;
	[tilespmem:s25+$0x19E50] =	vst v48  }
0x217: {  	v54 =	vld [tilespmem:s25+$0x19ED0];
	v50 =	vperm.xlane v18, v13;
	[tilespmem:s25+$0x19E40] =	vst v19;
	v19 =	vmul.f32 v43, v37  }
0x218: {  	[tilespmem:s25+$0x19E70] =	vst v52;
	v42 =	vmul.f32 v34, v37;
	v53 =	vld [tilespmem:s25+$0x19EC0]  }
0x219: {  	v57 =	vld [tilespmem:s25+$0x19EF0];
	[tilespmem:s25+$0x19E60] =	vst v19;
	v19 =	vmul.f32 v46, v50  }
0x21a: {  	[tilespmem:s25+$0x19E10] =	vst v42;
	v58 =	vmul.f32 v51, v50;
	v56 =	vld [tilespmem:s25+$0x19EE0]  }
0x21b: {  	v47 =	vld [tilespmem:s25+$0x19E90];
	[tilespmem:s25+$0x19E80] =	vst v19;
	v19 =	vmul.f32 v49, v50  }
0x21c: {  	v61 =	vmul.f32 v54, v50;
	[tilespmem:s25+$0x19EB0] =	vst v58;
	v59 =	vld [tilespmem:s25+$0x19F00]  }
0x21d: {  	v39 =	vld [tilespmem:s25+$0x19F90];
	[tilespmem:s25+$0x19EA0] =	vst v19;
	v19 =	vmul.f32 v53, v50  }
0x21e: {  	v62 =	vld [tilespmem:s25+$0x19F20];
	v31 =	vmul.f32 v57, v50;
	[tilespmem:s25+$0x19ED0] =	vst v61  }
0x21f: {  	v63 =	vperm.xlane v18, v14;
	v60 =	vld [tilespmem:s25+$0x19F10];
	[tilespmem:s25+$0x19EC0] =	vst v19;
	v19 =	vmul.f32 v56, v50  }
0x220: {  	v32 =	vld [tilespmem:s25+$0x19F40];
	v42 =	vperm.xlane v18, v15;
	[tilespmem:s25+$0x19EF0] =	vst v31;
	v55 =	vmul.f32 v47, v50  }
0x221: {  	v33 =	vld [tilespmem:s25+$0x19F50];
	[tilespmem:s25+$0x19EE0] =	vst v19;
	v19 =	vmul.f32 v59, v63  }
0x222: {  	v35 =	vld [tilespmem:s25+$0x19F60];
	v47 =	vmul.f32 v39, v42;
	[tilespmem:s25+$0x19E90] =	vst v55  }
0x223: {  	v30 =	vld [tilespmem:s25+$0x19F30];
	[tilespmem:s25+$0x19F00] =	vst v19;
	v19 =	vmul.f32 v62, v63  }
0x224: {  	v38 =	vld [tilespmem:s25+$0x19F80];
	[tilespmem:s25+$0x19F90] =	vst v47;
	v34 =	vmul.f32 v60, v63  }
0x225: {  	v36 =	vld [tilespmem:s25+$0x19F70];
	[tilespmem:s25+$0x19F20] =	vst v19;
	v19 =	vmul.f32 v32, v63  }
0x226: {  	v41 =	vld [tilespmem:s25+$0x19FA0];
	[tilespmem:s25+$0x19F10] =	vst v34;
	v40 =	vmul.f32 v33, v63  }
0x227: {  	v46 =	vld [tilespmem:s25+$0x19FD0];
	[tilespmem:s25+$0x19F40] =	vst v19;
	v19 =	vmul.f32 v35, v63  }
0x228: {  	v45 =	vld [tilespmem:s25+$0x19FC0];
	v37 =	vmul.f32 v30, v63;
	[tilespmem:s25+$0x19F50] =	vst v40  }
0x229: {  	v43 =	vld [tilespmem:s25+$0x19FB0];
	[tilespmem:s25+$0x19F60] =	vst v19;
	v19 =	vmul.f32 v38, v42  }
0x22a: {  	v48 =	vld [tilespmem:s25+$0x19FE0];
	v44 =	vmul.f32 v36, v63;
	[tilespmem:s25+$0x19F30] =	vst v37  }
0x22b: {  	v49 =	vld [tilespmem:s25+$0x19FF0];
	[tilespmem:s25+$0x19F80] =	vst v19;
	v19 =	vmul.f32 v41, v42  }
0x22c: {  	v51 =	vld [tilespmem:s25+$0x1A000];
	[tilespmem:s25+$0x19F70] =	vst v44;
	v53 =	vmul.f32 v46, v42  }
0x22d: {  	v52 =	vld [tilespmem:s25+$0x1A010];
	[tilespmem:s25+$0x19FA0] =	vst v19;
	v19 =	vmul.f32 v45, v42  }
0x22e: {  	v54 =	vld [tilespmem:s25+$0x1A020];
	v50 =	vmul.f32 v43, v42;
	[tilespmem:s25+$0x19FD0] =	vst v53  }
0x22f: {  	v18 =	vperm.xlane v18, v16;
	v55 =	vld [tilespmem:s25+$0x1A030];
	[tilespmem:s25+$0x19FC0] =	vst v19;
	v19 =	vmul.f32 v48, v42  }
0x230: {  	v57 =	vld [tilespmem:s25+$0x1A040];
	v56 =	vmul.f32 v49, v42;
	[tilespmem:s25+$0x19FB0] =	vst v50  }
0x231: {  	v58 =	vld [tilespmem:s25+$0x1A050];
	[tilespmem:s25+$0x19FE0] =	vst v19;
	v19 =	vmul.f32 v51, v18  }
0x232: {  	v60 =	vld [tilespmem:s25+$0x1A060];
	v59 =	vmul.f32 v52, v18;
	[tilespmem:s25+$0x19FF0] =	vst v56  }
0x233: {  	v61 =	vld [tilespmem:s25+$0x1A070];
	[tilespmem:s25+$0x1A000] =	vst v19;
	v19 =	vmul.f32 v54, v18  }
0x234: {  	[tilespmem:s25+$0x1A010] =	vst v59;
	v62 =	vmul.f32 v55, v18  }
0x235: {  	p1 =	sne.s32 s24, $0x7;
	[tilespmem:s25+$0x1A020] =	vst v19;
	v19 =	vmul.f32 v57, v18  }
.Ltmp6:
0x236: {  	[tilespmem:s25+$0x1A030] =	vst v62;
	v63 =	vmul.f32 v58, v18;
	(pc) =	sbr.rel @p1 .LBB2_8-.Ltmp6, $4  }
0x237: {  	[tilespmem:s25+$0x1A040] =	vst v19;
	v19 =	vmul.f32 v60, v18  }
0x238: {  	[tilespmem:s25+$0x1A050] =	vst v63;
	v18 =	vmul.f32 v61, v18  }
0x239: {  	[tilespmem:s25+$0x1A060] =	vst v19  }
0x23a: {  	s24 =	sadd.s32 $0x1, s24;
	[tilespmem:s25+$0x1A070] =	vst v18  }
0x23b: {  	p1 =	seq.s32 s20, $0x7  }
.Ltmp7:
0x23c: {  	s22 =	sadd.s32 $0x14880, s22;
	(pc) =	sbr.rel @p1 .LBB2_11-.Ltmp7, $4  }
0x23d: {  	[spmem:s3] =	stream.indirect.scatter.add.f32 [tilespmem:s13], [sflag:$0x4], $0x80, s22, s10, $0xb8;
	[tilespmem:$0x1D880] =	vst v63  }
0x23e: {  	_ =	swait.ge [sflag:s16], $0x4000  }
0x23f: {  	[sflag:s16] =	ssyncset.done $0x0  }
0x240: {  	[sflag:s16] =	ssyncadd.s32 $0xFFFFC000  }
0x241: {  	s22 =	sadd.s32 $0x14180, s21  }
0x242: {  	[tilespmem:s11], [sflag:$0x1] =	stream.indirect.gather [hbm4b:s1+s10], $0x80, s22, s10, $0xb8;
	[tilespmem:$0x1D880] =	vst v63  }
.Ltmp8:
0x243: {  	_ = 	snop;
	(pc) =	sbr.rel .LBB2_5-.Ltmp8, $4  }
0x244: {  	_ =	swait.ge [sflag:s17], $0x4000  }
0x245: {  	[sflag:s17] =	ssyncset.done $0x0  }
0x246: {  	s25 =	sadd.s32 $0x14200, s21;
	s20 =	sadd.s32 $0x1, s20;
	[sflag:s17] =	ssyncadd.s32 $0xFFFFC000  }
0x247: {  	[tilespmem:s13], [sflag:$0x2] =	stream.indirect.gather [hbm4b:s1+s10], $0x80, s25, s10, $0xb8;
	[tilespmem:$0x1D880] =	vst v63  }
.LBB2_13:
0x248: {  	_ =	sfence.sel $0x180000  }
0x249: {  	[bflag:$0x0] =	sbarrier.arrive $0xFFFF  }
0x24a: {  	_ =	strace $0x90000047  }
0x24b: {  	[bflag:$0x2] =	sbarrier.arrive $0xFFFF  }
0x24c: {  	s0 =	rddreg [dreg:$0x4]  }
0x24d: {  	s0 =	sadd.s32 @!p0 $0x100000, s0  }
0x24e: {  	[sflag:s0] =	ssyncadd.tile.s32 @!p0 $0x1;
	_ =	shalt  }
.Lfunc_end2:
_tile_overlayer_lowered:
.L_overlay_start_2:
0x24f: {  	(tag) =	ssettag $0x2  }
0x250: {  	s0 =	rddreg [dreg:$0x0];
	s2 =	stileid.u32  }
0x251: {  	s1 =	rddreg [dreg:$0x1];
	p0 =	sne.s32 s2, $0x0  }
0x252: {  	s3 =	rddreg [dreg:$0x2];
	[bflag:$0x3] =	sbarrier.arrive $0xFFFF;
	s2 =	simm.s32 @!p0 $0x1C05  }
0x253: {  	[timem:s3], [sflag:s2] =	dma.local @!p0 [hbm:s0], s1  }
0x254: {  	s0 =	simm.s32 @!p0 $0x5  }
0x255: {  	_ =	swait.ge @!p0 [sflag:s0], s1  }
0x256: {  	s1 =	ssub.s32 @!p0 $0x0, s1;
	[sflag:s0] =	ssyncset.done @!p0 $0x0  }
0x257: {  	[sflag:s0] =	ssyncadd.s32 @!p0 s1  }
0x258: {  	[bflag:$0x3] =	sbarrier.arrive $0xFFFF  }
0x259: {  	_ =	shalt  }

</sc_bundles>
